<compile_context>
chip_gen: v7x
topology: tpu7x:2x2x1
jax: 0.10.2.dev20260603
libtpu: 0.0.44.dev20260713+nightly
codegen_flags: <defaults>
</compile_context>

<pallas_src>
import functools

import jax
import jax.numpy as jnp
from jax import lax
from jax.experimental import pallas as pl
from jax.experimental.pallas import tpu as pltpu
from jax.experimental.pallas import tpu_sc as plsc

EPS = 1e-5
DH = 512
GPAD = 128
PW = DH + 128

_f32 = jnp.float32


def _dot(a, b):
    return jnp.dot(a, b, preferred_element_type=_f32)


def _dott(a, b):
    return jax.lax.dot_general(a, b, (((0,), (0,)), ((), ())),
                               preferred_element_type=_f32)


def _sigmoid(y):
    return 1.0 / (1.0 + jnp.exp(-y))


def _afn_ab(s, musum, count, gam, bet, rm, rv):
    mu = musum * (1.0 / count)
    cov = s * (1.0 / count) - _dott(mu, mu)
    eye = (jax.lax.broadcasted_iota(jnp.int32, (DH, DH), 0)
           == jax.lax.broadcasted_iota(jnp.int32, (DH, DH), 1)).astype(_f32)
    d = cov * eye
    dr = jnp.sum(d, axis=1, keepdims=True)
    dc = jnp.sum(d, axis=0, keepdims=True)
    corr = jnp.clip(cov * jax.lax.rsqrt(dr * dc), -1.0, 1.0)
    mcol = jnp.sum(jnp.abs(corr), axis=0, keepdims=True) * (1.0 / DH)
    mx = jnp.max(mcol)
    w = jnp.exp(mcol - mx)
    w = w * (1.0 / jnp.sum(w))
    a = w * gam * jax.lax.rsqrt(rv + EPS)
    b = bet - rm * a
    return a, b



_SC_MESH = dict(core_axis_name="c", subcore_axis_name="s")


def _make_gather(n, e, dh, pw):
    nw = 32
    epw = e // nw
    ch = 40
    nch = epw // ch
    assert nch % 2 == 1

    mesh = plsc.VectorSubcoreMesh(**_SC_MESH)

    @functools.partial(
        pl.kernel, mesh=mesh,
        out_type=jax.ShapeDtypeStruct((e, pw), _f32),
        scratch_types=[pltpu.VMEM((nch, ch), jnp.int32),
                       pltpu.VMEM((nch, ch), jnp.int32),
                       pltpu.VMEM((ch, pw), _f32),
                       pltpu.VMEM((ch, dh), _f32),
                       pltpu.VMEM((ch, pw), _f32),
                       pltpu.VMEM((ch, dh), _f32),
                       pltpu.SemaphoreType.DMA,
                       pltpu.SemaphoreType.DMA,
                       pltpu.SemaphoreType.DMA,
                       pltpu.SemaphoreType.DMA],
    )
    def gather(p_hbm, q_hbm, src_hbm, dst_hbm, u_hbm,
               idx_s, idx_d, bufp0, bufq0, bufp1, bufq1, sp0, sq0, sp1, sq1):
        wid = lax.axis_index("s") * 2 + lax.axis_index("c")
        pltpu.sync_copy(src_hbm.at[wid], idx_s)
        pltpu.sync_copy(dst_hbm.at[wid], idx_d)

        def start(j, bp, bq, sp, sq):
            pltpu.async_copy(p_hbm.at[idx_s.at[j]], bp, sp)
            pltpu.async_copy(q_hbm.at[idx_d.at[j]], bq, sq)

        def proc(j, bp, bq, sp, sq):
            pltpu.make_async_copy(p_hbm.at[idx_s.at[j]], bp, sp).wait()
            pltpu.make_async_copy(q_hbm.at[idx_d.at[j]], bq, sq).wait()

            def row(r, c2):
                for l in range(dh // 16):
                    sl = pl.ds(l * 16, 16)
                    bp[r, sl] = bp[r, sl] + bq[r, sl]
                return c2

            lax.fori_loop(0, ch, row, 0, unroll=False)
            base = pl.multiple_of(wid * epw + j * ch, 8)
            pltpu.sync_copy(bp, u_hbm.at[pl.ds(base, ch)])

        start(0, bufp0, bufq0, sp0, sq0)

        def body(j, carry):
            @pl.when(j % 2 == 0)
            def _():
                start(j + 1, bufp1, bufq1, sp1, sq1)
                proc(j, bufp0, bufq0, sp0, sq0)

            @pl.when(j % 2 == 1)
            def _():
                start(j + 1, bufp0, bufq0, sp0, sq0)
                proc(j, bufp1, bufq1, sp1, sq1)

            return carry

        lax.fori_loop(0, nch - 1, body, 0, unroll=False)
        proc(nch - 1, bufp0, bufq0, sp0, sq0)

    return gather


def _make_scatter(n, e, u):
    hc = u // 2
    ch = 128
    nchunks = e // ch
    base_tc = nchunks // 16
    extra = nchunks - base_tc * 16
    npt = 624

    mesh = plsc.VectorSubcoreMesh(**_SC_MESH)

    assert base_tc % 2 == 0

    @functools.partial(
        pl.kernel, mesh=mesh,
        out_type=jax.ShapeDtypeStruct((n, u), _f32),
        scratch_types=[pltpu.VMEM((1, ch), jnp.int32),
                       pltpu.VMEM((ch, hc), _f32),
                       pltpu.VMEM((1, ch), jnp.int32),
                       pltpu.VMEM((ch, hc), _f32),
                       pltpu.SemaphoreType.DMA,
                       pltpu.SemaphoreType.DMA,
                       pltpu.SemaphoreType.DMA,
                       pltpu.SemaphoreType.DMA,
                       pltpu.VMEM_SHARED((n, hc), _f32)],
    )
    def scatter(eo_hbm, dst_hbm, zero_hbm, msg_hbm,
                idx0, eb0, idx1, eb1, si0, se0, si1, se1, acc):
        c0 = pl.multiple_of(lax.axis_index("c") * hc, hc)
        t = lax.axis_index("s")
        r0 = pl.multiple_of(t * npt, 8)
        tail = n - 16 * npt
        pltpu.sync_copy(zero_hbm.at[pl.ds(0, npt)], acc.at[pl.ds(r0, npt)])

        @pl.when(t == 0)
        def _():
            pltpu.sync_copy(zero_hbm.at[pl.ds(0, tail)],
                            acc.at[pl.ds(16 * npt, tail)])

        plsc.subcore_barrier()

        def start(k, bi, be, si, se):
            cid = t + k * 16
            e0 = pl.multiple_of(cid * ch, 8)
            pltpu.async_copy(dst_hbm.at[cid], bi, si)
            pltpu.async_copy(eo_hbm.at[pl.ds(e0, ch), pl.ds(c0, hc)], be, se)

        def proc(k, bi, be, si, se):
            cid = t + k * 16
            e0 = pl.multiple_of(cid * ch, 8)
            pltpu.make_async_copy(dst_hbm.at[cid], bi, si).wait()
            pltpu.make_async_copy(
                eo_hbm.at[pl.ds(e0, ch), pl.ds(c0, hc)], be, se).wait()
            pltpu.sync_copy(be, acc.at[bi.at[0]], add=True)

        start(0, idx0, eb0, si0, se0)

        def body(k, carry):
            @pl.when(k % 2 == 0)
            def _():
                start(k + 1, idx1, eb1, si1, se1)
                proc(k, idx0, eb0, si0, se0)

            @pl.when(k % 2 == 1)
            def _():
                start(k + 1, idx0, eb0, si0, se0)
                proc(k, idx1, eb1, si1, se1)

            return carry

        lax.fori_loop(0, base_tc - 1, body, 0, unroll=False)
        proc(base_tc - 1, idx1, eb1, si1, se1)

        @pl.when(t < extra)
        def _():
            start(base_tc, idx0, eb0, si0, se0)
            proc(base_tc, idx0, eb0, si0, se0)

        plsc.subcore_barrier()
        pltpu.sync_copy(acc.at[pl.ds(r0, npt)],
                        msg_hbm.at[pl.ds(r0, npt), pl.ds(c0, hc)])

        @pl.when(t == 0)
        def _():
            pltpu.sync_copy(acc.at[pl.ds(16 * npt, tail)],
                            msg_hbm.at[pl.ds(16 * npt, tail), pl.ds(c0, hc)])

    return scatter



def _const_body(glob_ref, wde_ref, b1e_ref, wv2_ref, wo2_ref, bvf_ref, bo_ref,
                wbn_ref, wcn_ref, wdn_ref, b1n_ref,
                gge_ref, k2_ref, ggn_ref):
    glob = glob_ref[...]
    gge_ref[...] = _dot(glob, wde_ref[...]) + b1e_ref[...]
    m = _dot(wv2_ref[...], wo2_ref[...])
    k2_ref[...] = _dot(m, wbn_ref[...]) + wcn_ref[...]
    cvec = _dot(bvf_ref[...], wo2_ref[...]) + bo_ref[...]
    ggn_ref[...] = (_dot(glob, wdn_ref[...]) + b1n_ref[...]
                    + _dot(cvec, wbn_ref[...]))


def _pq_body(node_ref, gidx_ref, gge_ref, wa_ref, wb_ref, p_ref, q_ref):
    node = node_ref[...]
    g = gidx_ref[...]
    oh = (g == jax.lax.broadcasted_iota(jnp.int32, (1, 64), 1)).astype(_f32)
    p_ref[:, 0:DH] = _dot(node, wa_ref[...]) + _dot(oh, gge_ref[...])
    p_ref[:, DH:PW] = jnp.broadcast_to(g.astype(_f32), (g.shape[0], PW - DH))
    q_ref[...] = _dot(node, wb_ref[...])


def _pass1e_body(u_ref, eft_ref, wc_ref, h_ref, st_ref):
    i = pl.program_id(0)
    h = u_ref[...] + _dot(eft_ref[...].astype(jnp.bfloat16), wc_ref[...])
    hb = h.astype(jnp.bfloat16)
    h_ref[...] = hb

    @pl.when(i == 0)
    def _():
        st_ref[...] = jnp.zeros_like(st_ref)

    st_ref[0:DH, :] += _dott(hb, hb)
    st_ref[DH:DH + 1, :] += jnp.sum(h, axis=0, keepdims=True)


def _pass1n_body(node_ref, msg_ref, gidx_ref, k1_ref, k2_ref, ggn_ref,
                 h_ref, st_ref):
    i = pl.program_id(0)
    g = gidx_ref[...]
    oh = (g == jax.lax.broadcasted_iota(jnp.int32, (1, 64), 1)).astype(_f32)
    h = (_dot(node_ref[...], k1_ref[...]) + _dot(msg_ref[...], k2_ref[...])
         + _dot(oh, ggn_ref[...]))
    h_ref[...] = h

    @pl.when(i == 0)
    def _():
        st_ref[...] = jnp.zeros_like(st_ref)

    st_ref[0:DH, :] += _dott(h, h)
    st_ref[DH:DH + 1, :] += jnp.sum(h, axis=0, keepdims=True)


def _w_body(st_ref, gam_ref, bet_ref, rm_ref, rv_ref, ab_ref, *, count):
    a, b = _afn_ab(st_ref[0:DH, :], st_ref[DH:DH + 1, :], count,
                   gam_ref[...], bet_ref[...], rm_ref[...], rv_ref[...])
    ab_ref[0:1, :] = a
    ab_ref[1:2, :] = b


def _pass2e_body(h_ref, g_ref, ab_ref, w2_ref, b2_ref,
                 eo_ref, seg_ref, cnt_ref):
    i = pl.program_id(0)
    y = h_ref[...].astype(_f32) * ab_ref[0:1, :] + ab_ref[1:2, :]
    y = y * _sigmoid(y)
    eo = _dot(y.astype(jnp.bfloat16), w2_ref[...]) + b2_ref[...]
    eo_ref[...] = eo
    gf = g_ref[:, 0:1]
    iot = jax.lax.broadcasted_iota(jnp.int32, (1, GPAD), 1).astype(_f32)
    ohf = (gf == iot).astype(_f32)

    @pl.when(i == 0)
    def _():
        seg_ref[...] = jnp.zeros_like(seg_ref)
        cnt_ref[...] = jnp.zeros_like(cnt_ref)

    seg_ref[...] += _dott(ohf, eo)
    cnt_ref[0:1, :] += jnp.sum(ohf, axis=0, keepdims=True)


def _pass2n_body(h_ref, gidx_ref, ab_ref, w2_ref, b2_ref,
                 no_ref, seg_ref, cnt_ref):
    i = pl.program_id(0)
    y = h_ref[...] * ab_ref[0:1, :] + ab_ref[1:2, :]
    y = y * _sigmoid(y)
    no = _dot(y, w2_ref[...]) + b2_ref[...]
    no_ref[...] = no
    g = gidx_ref[...]
    oh = (g == jax.lax.broadcasted_iota(jnp.int32, (1, GPAD), 1)).astype(_f32)

    @pl.when(i == 0)
    def _():
        seg_ref[...] = jnp.zeros_like(seg_ref)
        cnt_ref[...] = jnp.zeros_like(cnt_ref)

    seg_ref[...] += _dott(oh, no)
    cnt_ref[0:1, :] += jnp.sum(oh, axis=0, keepdims=True)


def _glob_body(glb_ref, segn_ref, cntn_ref, sege_ref, cnte_ref,
               wg0_ref, wg1_ref, wg2_ref, b1g_ref,
               gam_ref, bet_ref, rm_ref, rv_ref, w2g_ref, b2g_ref,
               out_ref, *, gcount):
    g = glb_ref.shape[0]
    eye = (jax.lax.broadcasted_iota(jnp.int32, (g, GPAD), 0)
           == jax.lax.broadcasted_iota(jnp.int32, (g, GPAD), 1)).astype(_f32)
    nrec = 1.0 / jnp.maximum(cntn_ref[0:1, :], 1.0)
    erec = 1.0 / jnp.maximum(cnte_ref[0:1, :], 1.0)
    nmean = _dot(eye * nrec, segn_ref[...])
    emean = _dot(eye * erec, sege_ref[...])
    hg = (_dot(glb_ref[...], wg0_ref[...]) + _dot(nmean, wg1_ref[...])
          + _dot(emean, wg2_ref[...]) + b1g_ref[...])
    s = _dott(hg, hg)
    musum = jnp.sum(hg, axis=0, keepdims=True)
    a, b = _afn_ab(s, musum, gcount, gam_ref[...], bet_ref[...],
                   rm_ref[...], rv_ref[...])
    y = hg * a + b
    y = y * _sigmoid(y)
    out_ref[...] = _dot(y, w2g_ref[...]) + b2g_ref[...]



def _full(shape):
    return pl.BlockSpec(shape, lambda i: (0,) * len(shape))


def _afn2d(afn):
    return (afn['gamma'].reshape(1, DH), afn['beta'].reshape(1, DH),
            afn['rmean'].reshape(1, DH), afn['rvar'].reshape(1, DH))


def kernel(node_features, edge_features, edge_indices, graph_indices,
           global_features, params):
    N, U = node_features.shape
    E = edge_features.shape[0]
    G = global_features.shape[0]
    pe, pn, pg, pa = (params['edge_net'], params['node_net'],
                      params['global_net'], params['attn'])
    w1e, w1n, w1g = pe['W1'], pn['W1'], pg['W1']
    gidx2 = graph_indices.reshape(N, 1)

    gge, k2, ggn = pl.pallas_call(
        _const_body,
        out_shape=[jax.ShapeDtypeStruct((G, DH), _f32),
                   jax.ShapeDtypeStruct((U, DH), _f32),
                   jax.ShapeDtypeStruct((G, DH), _f32)],
    )(global_features, w1e[3 * U:4 * U], pe['b1'].reshape(1, DH),
      pa['Wv'].reshape(U, U), pa['Wo'].reshape(U, U),
      pa['bv'].reshape(1, U), pa['bo'].reshape(1, U),
      w1n[U:2 * U], w1n[2 * U:3 * U], w1n[3 * U:4 * U],
      pn['b1'].reshape(1, DH))

    BN = 2000
    nb_n = N // BN
    P, Q = pl.pallas_call(
        _pq_body,
        grid=(nb_n,),
        in_specs=[pl.BlockSpec((BN, U), lambda i: (i, 0)),
                  pl.BlockSpec((BN, 1), lambda i: (i, 0)),
                  _full((G, DH)), _full((U, DH)), _full((U, DH))],
        out_specs=[pl.BlockSpec((BN, PW), lambda i: (i, 0)),
                   pl.BlockSpec((BN, DH), lambda i: (i, 0))],
        out_shape=[jax.ShapeDtypeStruct((N, PW), _f32),
                   jax.ShapeDtypeStruct((N, DH), _f32)],
    )(node_features, gidx2, gge, w1e[0:U], w1e[U:2 * U])

    src3 = edge_indices[0].reshape(32, E // (32 * 40), 40)
    dst3 = edge_indices[1].reshape(32, E // (32 * 40), 40)
    u = _make_gather(N, E, DH, PW)(P, Q, src3, dst3)

    BE = 2000
    nb_e = E // BE
    h_e, st_e = pl.pallas_call(
        _pass1e_body,
        grid=(nb_e,),
        in_specs=[pl.BlockSpec((BE, DH), lambda i: (i, 0)),
                  pl.BlockSpec((BE, U), lambda i: (i, 0)),
                  _full((U, DH))],
        out_specs=[pl.BlockSpec((BE, DH), lambda i: (i, 0)),
                   _full((DH + 1, DH))],
        out_shape=[jax.ShapeDtypeStruct((E, DH), jnp.bfloat16),
                   jax.ShapeDtypeStruct((DH + 1, DH), _f32)],
    )(u, edge_features, w1e[2 * U:3 * U].astype(jnp.bfloat16))

    ab_e = pl.pallas_call(
        functools.partial(_w_body, count=float(E)),
        out_shape=jax.ShapeDtypeStruct((2, DH), _f32),
    )(st_e, *_afn2d(pe['afn']))

    edge_out, segE, cntE = pl.pallas_call(
        _pass2e_body,
        grid=(nb_e,),
        in_specs=[pl.BlockSpec((BE, DH), lambda i: (i, 0)),
                  pl.BlockSpec((BE, 128), lambda i: (i, DH // 128)),
                  _full((2, DH)), _full((DH, U)), _full((1, U))],
        out_specs=[pl.BlockSpec((BE, U), lambda i: (i, 0)),
                   _full((GPAD, U)), _full((8, GPAD))],
        out_shape=[jax.ShapeDtypeStruct((E, U), _f32),
                   jax.ShapeDtypeStruct((GPAD, U), _f32),
                   jax.ShapeDtypeStruct((8, GPAD), _f32)],
    )(h_e, u, ab_e, pe['W2'].astype(jnp.bfloat16), pe['b2'].reshape(1, U))

    dst3_s = edge_indices[1].reshape(E // 128, 1, 128)
    zeros_h = jnp.zeros((624, U // 2), _f32)
    messages = _make_scatter(N, E, U)(edge_out, dst3_s, zeros_h)

    h_n, st_n = pl.pallas_call(
        _pass1n_body,
        grid=(nb_n,),
        in_specs=[pl.BlockSpec((BN, U), lambda i: (i, 0)),
                  pl.BlockSpec((BN, U), lambda i: (i, 0)),
                  pl.BlockSpec((BN, 1), lambda i: (i, 0)),
                  _full((U, DH)), _full((U, DH)), _full((G, DH))],
        out_specs=[pl.BlockSpec((BN, DH), lambda i: (i, 0)),
                   _full((DH + 1, DH))],
        out_shape=[jax.ShapeDtypeStruct((N, DH), _f32),
                   jax.ShapeDtypeStruct((DH + 1, DH), _f32)],
    )(node_features, messages, gidx2, w1n[0:U], k2, ggn)

    ab_n = pl.pallas_call(
        functools.partial(_w_body, count=float(N)),
        out_shape=jax.ShapeDtypeStruct((2, DH), _f32),
    )(st_n, *_afn2d(pn['afn']))

    node_out, segN, cntN = pl.pallas_call(
        _pass2n_body,
        grid=(nb_n,),
        in_specs=[pl.BlockSpec((BN, DH), lambda i: (i, 0)),
                  pl.BlockSpec((BN, 1), lambda i: (i, 0)),
                  _full((2, DH)), _full((DH, U)), _full((1, U))],
        out_specs=[pl.BlockSpec((BN, U), lambda i: (i, 0)),
                   _full((GPAD, U)), _full((8, GPAD))],
        out_shape=[jax.ShapeDtypeStruct((N, U), _f32),
                   jax.ShapeDtypeStruct((GPAD, U), _f32),
                   jax.ShapeDtypeStruct((8, GPAD), _f32)],
    )(h_n, gidx2, ab_n, pn['W2'], pn['b2'].reshape(1, U))

    global_out = pl.pallas_call(
        functools.partial(_glob_body, gcount=float(G)),
        out_shape=jax.ShapeDtypeStruct((G, U), _f32),
    )(global_features, segN, cntN, segE, cntE,
      w1g[0:U], w1g[U:2 * U], w1g[2 * U:3 * U], pg['b1'].reshape(1, DH),
      *_afn2d(pg['afn']), pg['W2'], pg['b2'].reshape(1, U))

    return (node_out, edge_out, global_out)

# --- scband reference (transcript-rebuilt; emitter-appended) ---
"""Pipeline reference for scband-hierarchical-message-block-47974784696403 (READ-ONLY COPY).

The authoritative reference and input builder live on the scoring server;
editing this copy changes nothing except your own understanding.
"""

import jax, jax.numpy as jnp
import numpy as np

UNITS = 256
GROUPS = 8
HEADS = 4
KD = UNITS // HEADS
EPS = 1e-5


def _afn(x, p):
    # AdaptiveFeatureNorm in inference mode (running stats)
    B, U = x.shape
    C = U // GROUPS
    xg = x.reshape(B, GROUPS, C)
    xg = (xg - p['rmean'][None]) / jnp.sqrt(p['rvar'][None] + EPS)
    # tf.correlation interpreted as feature-feature correlation matrix
    corr = jnp.abs(jnp.corrcoef(x, rowvar=False))  # [U, U]
    w = jax.nn.softmax(jnp.mean(corr, axis=1))     # [U]
    xg = xg * w.reshape(GROUPS, C)[None]
    return xg.reshape(B, U) * p['gamma'] + p['beta']


def _mlp(x, p):
    h = x @ p['W1'] + p['b1']
    h = _afn(h, p['afn'])
    h = h * jax.nn.sigmoid(h)  # swish; dropout_rate=0 -> identity
    return h @ p['W2'] + p['b2']


def _mha(qx, kx, vx, p):
    # Keras MHA applied to rank-2 tensors -> per-node sequence of length 1
    q = jnp.einsum('nd,dhk->nhk', qx, p['Wq']) + p['bq']
    k = jnp.einsum('nd,dhk->nhk', kx, p['Wk']) + p['bk']
    v = jnp.einsum('nd,dhk->nhk', vx, p['Wv']) + p['bv']
    s = jnp.sum(q * k, axis=-1, keepdims=True) / jnp.sqrt(float(KD))
    a = jax.nn.softmax(s, axis=-1)
    ctx = a * v
    return jnp.einsum('nhk,hkd->nd', ctx, p['Wo']) + p['bo']


def _seg_mean(data, ids, num):
    s = jax.ops.segment_sum(data, ids, num_segments=num)
    c = jax.ops.segment_sum(jnp.ones((data.shape[0],), data.dtype), ids, num_segments=num)
    return s / jnp.maximum(c, 1.0)[:, None]


def _mlp_params(key, din, u):
    k1, k2 = jax.random.split(key)
    afn = {'gamma': jnp.ones((2 * u,), jnp.float32),
           'beta': jnp.zeros((2 * u,), jnp.float32),
           'rmean': jnp.zeros((GROUPS, 2 * u // GROUPS), jnp.float32),
           'rvar': jnp.ones((GROUPS, 2 * u // GROUPS), jnp.float32)}
    return {'W1': 0.02 * jax.random.normal(k1, (din, 2 * u), jnp.float32),
            'b1': jnp.zeros((2 * u,), jnp.float32),
            'W2': 0.02 * jax.random.normal(k2, (2 * u, u), jnp.float32),
            'b2': jnp.zeros((u,), jnp.float32),
            'afn': afn}


def _attn_params(key):
    ks = jax.random.split(key, 4)
    return {'Wq': 0.02 * jax.random.normal(ks[0], (UNITS, HEADS, KD), jnp.float32),
            'bq': jnp.zeros((HEADS, KD), jnp.float32),
            'Wk': 0.02 * jax.random.normal(ks[1], (UNITS, HEADS, KD), jnp.float32),
            'bk': jnp.zeros((HEADS, KD), jnp.float32),
            'Wv': 0.02 * jax.random.normal(ks[2], (UNITS, HEADS, KD), jnp.float32),
            'bv': jnp.zeros((HEADS, KD), jnp.float32),
            'Wo': 0.02 * jax.random.normal(ks[3], (HEADS, KD, UNITS), jnp.float32),
            'bo': jnp.zeros((UNITS,), jnp.float32)}


def setup_inputs(seed: int = 0):
    key = jax.random.key(seed)
    ks = jax.random.split(key, 9)
    N, E, G = 10000, 160000, 64
    node = jax.random.normal(ks[0], (N, UNITS), jnp.float32)
    edge = jax.random.normal(ks[1], (E, UNITS), jnp.float32)
    glob = jax.random.normal(ks[2], (G, UNITS), jnp.float32)
    eidx = jax.random.randint(ks[3], (2, E), 0, N, jnp.int32)
    gidx = jnp.sort(jax.random.randint(ks[4], (N,), 0, G, jnp.int32))
    params = {'edge_net': _mlp_params(ks[5], 4 * UNITS, UNITS),
              'node_net': _mlp_params(ks[6], 4 * UNITS, UNITS),
              'global_net': _mlp_params(ks[7], 3 * UNITS, UNITS),
              'attn': _attn_params(ks[8])}
    return {'node_features': node, 'edge_features': edge, 'edge_indices': eidx,
            'graph_indices': gidx, 'global_features': glob, 'params': params}


def reference(node_features, edge_features, edge_indices, graph_indices, global_features, params):
    N = node_features.shape[0]
    G = global_features.shape[0]
    # update_edges
    src = jnp.take(node_features, edge_indices[0], axis=0)
    dst = jnp.take(node_features, edge_indices[1], axis=0)
    eg = jnp.take(global_features, jnp.take(graph_indices, edge_indices[0]), axis=0)
    edge_out = _mlp(jnp.concatenate([src, dst, edge_features, eg], axis=-1), params['edge_net'])
    # update_nodes
    messages = jnp.zeros((N, UNITS), edge_out.dtype).at[edge_indices[1]].add(edge_out)
    attn_out = _mha(node_features, messages, messages, params['attn'])
    ng = jnp.take(global_features, graph_indices, axis=0)
    node_out = _mlp(jnp.concatenate([node_features, attn_out, messages, ng], axis=-1), params['node_net'])
    # update_global
    node_mean = _seg_mean(node_out, graph_indices, G)
    edge_mean = _seg_mean(edge_out, jnp.take(graph_indices, edge_indices[0]), G)
    global_out = _mlp(jnp.concatenate([global_features, node_mean, edge_mean], axis=-1), params['global_net'])
    return (node_out, edge_out, global_out)

if __name__ == "__main__":
    import jax
    _d = setup_inputs()
    print(jax.jit(kernel)(*tuple(_d.values())))

</pallas_src>

<mosaic_0001>
#map = affine_map<(d0, d1) -> (0, 0)>
#map1 = affine_map<(d0, d1) -> (0, 0, 0)>
module attributes {stable_mosaic.version = 14 : i64} {
  func.func @scatter(%arg0: i32, %arg1: i32, %arg2: memref<160000x256xf32, #tpu.memory_space<hbm>>, %arg3: memref<1250x1x128xi32, #tpu.memory_space<hbm>>, %arg4: memref<624x128xf32, #tpu.memory_space<hbm>>, %arg5: memref<10000x256xf32, #tpu.memory_space<hbm>>, %arg6: memref<1x128xi32, #tpu.memory_space<vmem>>, %arg7: memref<128x128xf32, #tpu.memory_space<vmem>>, %arg8: memref<1x128xi32, #tpu.memory_space<vmem>>, %arg9: memref<128x128xf32, #tpu.memory_space<vmem>>, %arg10: memref<!tpu.dma_semaphore, #tpu.memory_space<semaphore_mem>>, %arg11: memref<!tpu.dma_semaphore, #tpu.memory_space<semaphore_mem>>, %arg12: memref<!tpu.dma_semaphore, #tpu.memory_space<semaphore_mem>>, %arg13: memref<!tpu.dma_semaphore, #tpu.memory_space<semaphore_mem>>, %arg14: memref<10000x128xf32, #tpu.memory_space<vmem_shared>>) attributes {dimension_semantics = [#tpu.dimension_semantics<core_parallel>, #tpu.dimension_semantics<subcore_parallel>], iteration_bounds = array<i64: 2, 16>, scalar_prefetch = 0 : i64, scratch_operands = 9 : i64, tpu.core_type = #tpu.core_type<sc_vector_subcore>, window_params = [{transform_indices = #map}, {transform_indices = #map1}, {transform_indices = #map}, {transform_indices = #map}]} {
    %mul3A = arith.constant 128 : i32
    %mul3A_0 = arith.muli %arg0, %mul3A : i32
    %multiple_of3A = tpu.assume_multiple %mul3A_0, 128 : i32
    %mul3A_1 = arith.constant 624 : i32
    %mul3A_2 = arith.muli %arg1, %mul3A_1 : i32
    %multiple_of3A_3 = tpu.assume_multiple %mul3A_2, 8 : i32
    "tpu.region"() ({
      %run_scoped3A_48 = tpu.sem_alloc : memref<!tpu.dma_semaphore, #tpu.memory_space<semaphore_mem>>
      %dma_start3A_49 = arith.constant 0 : i32
      %dma_start3A_50 = tpu.memref_slice %arg14[%multiple_of3A_3, %dma_start3A_49] : memref<10000x128xf32, #tpu.memory_space<vmem_shared>> -> memref<624x128xf32, #tpu.memory_space<vmem_shared>>
      %dma_start3A_51 = arith.constant 0 : i32
      %dma_start3A_52 = arith.constant 0 : i32
      %dma_start3A_53 = tpu.memref_slice %arg4[%dma_start3A_51, %dma_start3A_52] : memref<624x128xf32, #tpu.memory_space<hbm>> -> memref<624x128xf32, #tpu.memory_space<hbm>>
      tpu.enqueue_dma source(%dma_start3A_53 : memref<624x128xf32, #tpu.memory_space<hbm>>) target(%dma_start3A_50 : memref<624x128xf32, #tpu.memory_space<vmem_shared>>) target_semaphore(%run_scoped3A_48 : memref<!tpu.dma_semaphore, #tpu.memory_space<semaphore_mem>>)
      %dma_wait3A_54 = arith.constant 0 : i32
      %dma_wait3A_55 = tpu.memref_slice %arg14[%multiple_of3A_3, %dma_wait3A_54] : memref<10000x128xf32, #tpu.memory_space<vmem_shared>> -> memref<624x128xf32, #tpu.memory_space<vmem_shared>>
      %dma_wait3A_56 = arith.constant 0 : i32
      %dma_wait3A_57 = arith.constant 0 : i32
      %dma_wait3A_58 = tpu.memref_slice %arg4[%dma_wait3A_56, %dma_wait3A_57] : memref<624x128xf32, #tpu.memory_space<hbm>> -> memref<624x128xf32, #tpu.memory_space<hbm>>
      tpu.wait_dma2 semaphore(%run_scoped3A_48 : memref<!tpu.dma_semaphore, #tpu.memory_space<semaphore_mem>>) src(%dma_wait3A_58 : memref<624x128xf32, #tpu.memory_space<hbm>>) dst(%dma_wait3A_55 : memref<624x128xf32, #tpu.memory_space<vmem_shared>>)
      tpu.yield
    }) : () -> ()
    %eq3A = arith.constant 0 : i32
    %eq3A_4 = arith.cmpi eq, %arg1, %eq3A : i32
    %convert_element_type3A = arith.extui %eq3A_4 : i1 to i32
    %cond3A = arith.constant 0 : i32
    %cond3A_5 = arith.cmpi ne, %convert_element_type3A, %cond3A : i32
    scf.if %cond3A_5 {
      "tpu.region"() ({
        %run_scoped3A_48 = tpu.sem_alloc : memref<!tpu.dma_semaphore, #tpu.memory_space<semaphore_mem>>
        %dma_start3A_49 = arith.constant 9984 : i32
        %dma_start3A_50 = arith.constant 0 : i32
        %dma_start3A_51 = tpu.memref_slice %arg14[%dma_start3A_49, %dma_start3A_50] : memref<10000x128xf32, #tpu.memory_space<vmem_shared>> -> memref<16x128xf32, #tpu.memory_space<vmem_shared>>
        %dma_start3A_52 = arith.constant 0 : i32
        %dma_start3A_53 = arith.constant 0 : i32
        %dma_start3A_54 = tpu.memref_slice %arg4[%dma_start3A_52, %dma_start3A_53] : memref<624x128xf32, #tpu.memory_space<hbm>> -> memref<16x128xf32, #tpu.memory_space<hbm>>
        tpu.enqueue_dma source(%dma_start3A_54 : memref<16x128xf32, #tpu.memory_space<hbm>>) target(%dma_start3A_51 : memref<16x128xf32, #tpu.memory_space<vmem_shared>>) target_semaphore(%run_scoped3A_48 : memref<!tpu.dma_semaphore, #tpu.memory_space<semaphore_mem>>)
        %dma_wait3A_55 = arith.constant 9984 : i32
        %dma_wait3A_56 = arith.constant 0 : i32
        %dma_wait3A_57 = tpu.memref_slice %arg14[%dma_wait3A_55, %dma_wait3A_56] : memref<10000x128xf32, #tpu.memory_space<vmem_shared>> -> memref<16x128xf32, #tpu.memory_space<vmem_shared>>
        %dma_wait3A_58 = arith.constant 0 : i32
        %dma_wait3A_59 = arith.constant 0 : i32
        %dma_wait3A_60 = tpu.memref_slice %arg4[%dma_wait3A_58, %dma_wait3A_59] : memref<624x128xf32, #tpu.memory_space<hbm>> -> memref<16x128xf32, #tpu.memory_space<hbm>>
        tpu.wait_dma2 semaphore(%run_scoped3A_48 : memref<!tpu.dma_semaphore, #tpu.memory_space<semaphore_mem>>) src(%dma_wait3A_60 : memref<16x128xf32, #tpu.memory_space<hbm>>) dst(%dma_wait3A_57 : memref<16x128xf32, #tpu.memory_space<vmem_shared>>)
        tpu.yield
      }) : () -> ()
    } else {
    }
    %barrier3A = arith.constant 0 : index
    tpu.barrier barrier_id(%barrier3A)
    %add3A = arith.constant 0 : i32
    %add3A_6 = arith.addi %arg1, %add3A : i32
    %mul3A_7 = arith.constant 128 : i32
    %mul3A_8 = arith.muli %add3A_6, %mul3A_7 : i32
    %multiple_of3A_9 = tpu.assume_multiple %mul3A_8, 8 : i32
    %dma_start3A = arith.constant 0 : i32
    %dma_start3A_10 = arith.constant 0 : i32
    %dma_start3A_11 = tpu.memref_slice %arg3[%add3A_6, %dma_start3A, %dma_start3A_10] : memref<1250x1x128xi32, #tpu.memory_space<hbm>> -> memref<1x1x128xi32, #tpu.memory_space<hbm>>
    %dma_start3A_12 = tpu.memref_squeeze %dma_start3A_11 : memref<1x1x128xi32, #tpu.memory_space<hbm>> -> memref<1x128xi32, #tpu.memory_space<hbm>>
    %dma_start3A_13 = arith.constant 0 : i32
    %dma_start3A_14 = arith.constant 0 : i32
    %dma_start3A_15 = tpu.memref_slice %arg3[%add3A_6, %dma_start3A_13, %dma_start3A_14] : memref<1250x1x128xi32, #tpu.memory_space<hbm>> -> memref<1x1x128xi32, #tpu.memory_space<hbm>>
    %dma_start3A_16 = tpu.memref_squeeze %dma_start3A_15 : memref<1x1x128xi32, #tpu.memory_space<hbm>> -> memref<1x128xi32, #tpu.memory_space<hbm>>
    tpu.enqueue_dma source(%dma_start3A_16 : memref<1x128xi32, #tpu.memory_space<hbm>>) target(%arg6 : memref<1x128xi32, #tpu.memory_space<vmem>>) target_semaphore(%arg10 : memref<!tpu.dma_semaphore, #tpu.memory_space<semaphore_mem>>)
    %dma_start3A_17 = tpu.memref_slice %arg2[%multiple_of3A_9, %multiple_of3A] : memref<160000x256xf32, #tpu.memory_space<hbm>> -> memref<128x128xf32, #tpu.memory_space<hbm>>
    %dma_start3A_18 = tpu.memref_slice %arg2[%multiple_of3A_9, %multiple_of3A] : memref<160000x256xf32, #tpu.memory_space<hbm>> -> memref<128x128xf32, #tpu.memory_space<hbm>>
    tpu.enqueue_dma source(%dma_start3A_18 : memref<128x128xf32, #tpu.memory_space<hbm>>) target(%arg7 : memref<128x128xf32, #tpu.memory_space<vmem>>) target_semaphore(%arg11 : memref<!tpu.dma_semaphore, #tpu.memory_space<semaphore_mem>>)
    %scan3A = arith.constant 0 : i32
    %scan3A_19 = arith.constant 0 : i32
    %scan3A_20 = arith.constant 77 : i32
    %scan3A_21 = arith.addi %scan3A_19, %scan3A_20 : i32
    %scan3A_22 = arith.constant 1 : i32
    scf.for %scan3A_48 = %scan3A_19 to %scan3A_21 step %scan3A_22  : i32 {
      %jit3A = arith.constant 2 : i32
      %eq3A_49 = arith.constant 0 : i32
      %eq3A_50 = arith.cmpi eq, %jit3A, %eq3A_49 : i32
      %jit3A_51 = arith.constant 1 : i32
      %select_n3A = arith.select %eq3A_50, %jit3A_51, %jit3A : i32
      %rem3A = arith.remsi %scan3A_48, %select_n3A : i32
      %ne3A = arith.constant 0 : i32
      %ne3A_52 = arith.cmpi ne, %rem3A, %ne3A : i32
      %lt3A_53 = arith.constant 0 : i32
      %lt3A_54 = arith.cmpi slt, %rem3A, %lt3A_53 : i32
      %lt3A_55 = arith.constant 0 : i32
      %lt3A_56 = arith.cmpi slt, %select_n3A, %lt3A_55 : i32
      %ne3A_57 = arith.xori %lt3A_54, %lt3A_56 : i1
      %and3A = arith.andi %ne3A_57, %ne3A_52 : i1
      %add3A_58 = arith.addi %rem3A, %select_n3A : i32
      %select_n3A_59 = arith.select %and3A, %add3A_58, %rem3A : i32
      %eq3A_60 = arith.constant 0 : i32
      %eq3A_61 = arith.cmpi eq, %select_n3A_59, %eq3A_60 : i32
      %convert_element_type3A_62 = arith.extui %eq3A_61 : i1 to i32
      %cond3A_63 = arith.constant 0 : i32
      %cond3A_64 = arith.cmpi ne, %convert_element_type3A_62, %cond3A_63 : i32
      scf.if %cond3A_64 {
        %add3A_86 = arith.constant 1 : i32
        %add3A_87 = arith.addi %scan3A_48, %add3A_86 : i32
        %mul3A_88 = arith.constant 16 : i32
        %mul3A_89 = arith.muli %add3A_87, %mul3A_88 : i32
        %add3A_90 = arith.addi %arg1, %mul3A_89 : i32
        %mul3A_91 = arith.constant 128 : i32
        %mul3A_92 = arith.muli %add3A_90, %mul3A_91 : i32
        %multiple_of3A_93 = tpu.assume_multiple %mul3A_92, 8 : i32
        %dma_start3A_94 = arith.constant 0 : i32
        %dma_start3A_95 = arith.constant 0 : i32
        %dma_start3A_96 = tpu.memref_slice %arg3[%add3A_90, %dma_start3A_94, %dma_start3A_95] : memref<1250x1x128xi32, #tpu.memory_space<hbm>> -> memref<1x1x128xi32, #tpu.memory_space<hbm>>
        %dma_start3A_97 = tpu.memref_squeeze %dma_start3A_96 : memref<1x1x128xi32, #tpu.memory_space<hbm>> -> memref<1x128xi32, #tpu.memory_space<hbm>>
        %dma_start3A_98 = arith.constant 0 : i32
        %dma_start3A_99 = arith.constant 0 : i32
        %dma_start3A_100 = tpu.memref_slice %arg3[%add3A_90, %dma_start3A_98, %dma_start3A_99] : memref<1250x1x128xi32, #tpu.memory_space<hbm>> -> memref<1x1x128xi32, #tpu.memory_space<hbm>>
        %dma_start3A_101 = tpu.memref_squeeze %dma_start3A_100 : memref<1x1x128xi32, #tpu.memory_space<hbm>> -> memref<1x128xi32, #tpu.memory_space<hbm>>
        tpu.enqueue_dma source(%dma_start3A_101 : memref<1x128xi32, #tpu.memory_space<hbm>>) target(%arg8 : memref<1x128xi32, #tpu.memory_space<vmem>>) target_semaphore(%arg12 : memref<!tpu.dma_semaphore, #tpu.memory_space<semaphore_mem>>)
        %dma_start3A_102 = tpu.memref_slice %arg2[%multiple_of3A_93, %multiple_of3A] : memref<160000x256xf32, #tpu.memory_space<hbm>> -> memref<128x128xf32, #tpu.memory_space<hbm>>
        %dma_start3A_103 = tpu.memref_slice %arg2[%multiple_of3A_93, %multiple_of3A] : memref<160000x256xf32, #tpu.memory_space<hbm>> -> memref<128x128xf32, #tpu.memory_space<hbm>>
        tpu.enqueue_dma source(%dma_start3A_103 : memref<128x128xf32, #tpu.memory_space<hbm>>) target(%arg9 : memref<128x128xf32, #tpu.memory_space<vmem>>) target_semaphore(%arg13 : memref<!tpu.dma_semaphore, #tpu.memory_space<semaphore_mem>>)
        %mul3A_104 = arith.constant 16 : i32
        %mul3A_105 = arith.muli %scan3A_48, %mul3A_104 : i32
        %add3A_106 = arith.addi %arg1, %mul3A_105 : i32
        %mul3A_107 = arith.constant 128 : i32
        %mul3A_108 = arith.muli %add3A_106, %mul3A_107 : i32
        %multiple_of3A_109 = tpu.assume_multiple %mul3A_108, 8 : i32
        %dma_wait3A_110 = arith.constant 0 : i32
        %dma_wait3A_111 = arith.constant 0 : i32
        %dma_wait3A_112 = tpu.memref_slice %arg3[%add3A_106, %dma_wait3A_110, %dma_wait3A_111] : memref<1250x1x128xi32, #tpu.memory_space<hbm>> -> memref<1x1x128xi32, #tpu.memory_space<hbm>>
        %dma_wait3A_113 = tpu.memref_squeeze %dma_wait3A_112 : memref<1x1x128xi32, #tpu.memory_space<hbm>> -> memref<1x128xi32, #tpu.memory_space<hbm>>
        %dma_wait3A_114 = arith.constant 0 : i32
        %dma_wait3A_115 = arith.constant 0 : i32
        %dma_wait3A_116 = tpu.memref_slice %arg3[%add3A_106, %dma_wait3A_114, %dma_wait3A_115] : memref<1250x1x128xi32, #tpu.memory_space<hbm>> -> memref<1x1x128xi32, #tpu.memory_space<hbm>>
        %dma_wait3A_117 = tpu.memref_squeeze %dma_wait3A_116 : memref<1x1x128xi32, #tpu.memory_space<hbm>> -> memref<1x128xi32, #tpu.memory_space<hbm>>
        tpu.wait_dma2 semaphore(%arg10 : memref<!tpu.dma_semaphore, #tpu.memory_space<semaphore_mem>>) src(%dma_wait3A_117 : memref<1x128xi32, #tpu.memory_space<hbm>>) dst(%arg6 : memref<1x128xi32, #tpu.memory_space<vmem>>)
        %dma_wait3A_118 = tpu.memref_slice %arg2[%multiple_of3A_109, %multiple_of3A] : memref<160000x256xf32, #tpu.memory_space<hbm>> -> memref<128x128xf32, #tpu.memory_space<hbm>>
        %dma_wait3A_119 = tpu.memref_slice %arg2[%multiple_of3A_109, %multiple_of3A] : memref<160000x256xf32, #tpu.memory_space<hbm>> -> memref<128x128xf32, #tpu.memory_space<hbm>>
        tpu.wait_dma2 semaphore(%arg11 : memref<!tpu.dma_semaphore, #tpu.memory_space<semaphore_mem>>) src(%dma_wait3A_119 : memref<128x128xf32, #tpu.memory_space<hbm>>) dst(%arg7 : memref<128x128xf32, #tpu.memory_space<vmem>>)
        %run_scoped3A_120 = arith.constant 0 : i32
        "tpu.region"() ({
          %run_scoped3A_121 = tpu.sem_alloc : memref<!tpu.dma_semaphore, #tpu.memory_space<semaphore_mem>>
          %dma_start3A_122 = arith.constant 0 : i32
          %dma_start3A_123 = tpu.memref_slice %arg6[%run_scoped3A_120, %dma_start3A_122] : memref<1x128xi32, #tpu.memory_space<vmem>> -> memref<1x128xi32, #tpu.memory_space<vmem>>
          %dma_start3A_124 = tpu.memref_squeeze %dma_start3A_123 : memref<1x128xi32, #tpu.memory_space<vmem>> -> memref<128xi32, #tpu.memory_space<vmem>>
          %dma_start3A_125 = arith.constant 0 : i32
          %dma_start3A_126 = arith.constant 0 : i32
          %dma_start3A_127 = tpu.memref_slice %arg14[%dma_start3A_125, %dma_start3A_126] : memref<10000x128xf32, #tpu.memory_space<vmem_shared>> -> memref<10000x128xf32, #tpu.memory_space<vmem_shared>>
          tpu.enqueue_indirect_dma source(%arg7 : memref<128x128xf32, #tpu.memory_space<vmem>>) target(%dma_start3A_127 : memref<10000x128xf32, #tpu.memory_space<vmem_shared>>) offsets(%dma_start3A_124 : memref<128xi32, #tpu.memory_space<vmem>>) semaphore(%run_scoped3A_121 : memref<!tpu.dma_semaphore, #tpu.memory_space<semaphore_mem>>) {add = true}
          %dma_wait3A_128 = arith.constant 0 : i32
          %dma_wait3A_129 = tpu.memref_slice %arg6[%run_scoped3A_120, %dma_wait3A_128] : memref<1x128xi32, #tpu.memory_space<vmem>> -> memref<1x128xi32, #tpu.memory_space<vmem>>
          %dma_wait3A_130 = tpu.memref_squeeze %dma_wait3A_129 : memref<1x128xi32, #tpu.memory_space<vmem>> -> memref<128xi32, #tpu.memory_space<vmem>>
          %dma_wait3A_131 = arith.constant 0 : i32
          %dma_wait3A_132 = arith.constant 0 : i32
          %dma_wait3A_133 = tpu.memref_slice %arg14[%dma_wait3A_131, %dma_wait3A_132] : memref<10000x128xf32, #tpu.memory_space<vmem_shared>> -> memref<10000x128xf32, #tpu.memory_space<vmem_shared>>
          tpu.wait_indirect_dma semaphore(%run_scoped3A_121 : memref<!tpu.dma_semaphore, #tpu.memory_space<semaphore_mem>>) src(%arg7 : memref<128x128xf32, #tpu.memory_space<vmem>>) dst(%dma_wait3A_133 : memref<10000x128xf32, #tpu.memory_space<vmem_shared>>)
          tpu.yield
        }) : () -> ()
      } else {
      }
      %jit3A_65 = arith.constant 2 : i32
      %eq3A_66 = arith.constant 0 : i32
      %eq3A_67 = arith.cmpi eq, %jit3A_65, %eq3A_66 : i32
      %jit3A_68 = arith.constant 1 : i32
      %select_n3A_69 = arith.select %eq3A_67, %jit3A_68, %jit3A_65 : i32
      %rem3A_70 = arith.remsi %scan3A_48, %select_n3A_69 : i32
      %ne3A_71 = arith.constant 0 : i32
      %ne3A_72 = arith.cmpi ne, %rem3A_70, %ne3A_71 : i32
      %lt3A_73 = arith.constant 0 : i32
      %lt3A_74 = arith.cmpi slt, %rem3A_70, %lt3A_73 : i32
      %lt3A_75 = arith.constant 0 : i32
      %lt3A_76 = arith.cmpi slt, %select_n3A_69, %lt3A_75 : i32
      %ne3A_77 = arith.xori %lt3A_74, %lt3A_76 : i1
      %and3A_78 = arith.andi %ne3A_77, %ne3A_72 : i1
      %add3A_79 = arith.addi %rem3A_70, %select_n3A_69 : i32
      %select_n3A_80 = arith.select %and3A_78, %add3A_79, %rem3A_70 : i32
      %eq3A_81 = arith.constant 1 : i32
      %eq3A_82 = arith.cmpi eq, %select_n3A_80, %eq3A_81 : i32
      %convert_element_type3A_83 = arith.extui %eq3A_82 : i1 to i32
      %cond3A_84 = arith.constant 0 : i32
      %cond3A_85 = arith.cmpi ne, %convert_element_type3A_83, %cond3A_84 : i32
      scf.if %cond3A_85 {
        %add3A_86 = arith.constant 1 : i32
        %add3A_87 = arith.addi %scan3A_48, %add3A_86 : i32
        %mul3A_88 = arith.constant 16 : i32
        %mul3A_89 = arith.muli %add3A_87, %mul3A_88 : i32
        %add3A_90 = arith.addi %arg1, %mul3A_89 : i32
        %mul3A_91 = arith.constant 128 : i32
        %mul3A_92 = arith.muli %add3A_90, %mul3A_91 : i32
        %multiple_of3A_93 = tpu.assume_multiple %mul3A_92, 8 : i32
        %dma_start3A_94 = arith.constant 0 : i32
        %dma_start3A_95 = arith.constant 0 : i32
        %dma_start3A_96 = tpu.memref_slice %arg3[%add3A_90, %dma_start3A_94, %dma_start3A_95] : memref<1250x1x128xi32, #tpu.memory_space<hbm>> -> memref<1x1x128xi32, #tpu.memory_space<hbm>>
        %dma_start3A_97 = tpu.memref_squeeze %dma_start3A_96 : memref<1x1x128xi32, #tpu.memory_space<hbm>> -> memref<1x128xi32, #tpu.memory_space<hbm>>
        %dma_start3A_98 = arith.constant 0 : i32
        %dma_start3A_99 = arith.constant 0 : i32
        %dma_start3A_100 = tpu.memref_slice %arg3[%add3A_90, %dma_start3A_98, %dma_start3A_99] : memref<1250x1x128xi32, #tpu.memory_space<hbm>> -> memref<1x1x128xi32, #tpu.memory_space<hbm>>
        %dma_start3A_101 = tpu.memref_squeeze %dma_start3A_100 : memref<1x1x128xi32, #tpu.memory_space<hbm>> -> memref<1x128xi32, #tpu.memory_space<hbm>>
        tpu.enqueue_dma source(%dma_start3A_101 : memref<1x128xi32, #tpu.memory_space<hbm>>) target(%arg6 : memref<1x128xi32, #tpu.memory_space<vmem>>) target_semaphore(%arg10 : memref<!tpu.dma_semaphore, #tpu.memory_space<semaphore_mem>>)
        %dma_start3A_102 = tpu.memref_slice %arg2[%multiple_of3A_93, %multiple_of3A] : memref<160000x256xf32, #tpu.memory_space<hbm>> -> memref<128x128xf32, #tpu.memory_space<hbm>>
        %dma_start3A_103 = tpu.memref_slice %arg2[%multiple_of3A_93, %multiple_of3A] : memref<160000x256xf32, #tpu.memory_space<hbm>> -> memref<128x128xf32, #tpu.memory_space<hbm>>
        tpu.enqueue_dma source(%dma_start3A_103 : memref<128x128xf32, #tpu.memory_space<hbm>>) target(%arg7 : memref<128x128xf32, #tpu.memory_space<vmem>>) target_semaphore(%arg11 : memref<!tpu.dma_semaphore, #tpu.memory_space<semaphore_mem>>)
        %mul3A_104 = arith.constant 16 : i32
        %mul3A_105 = arith.muli %scan3A_48, %mul3A_104 : i32
        %add3A_106 = arith.addi %arg1, %mul3A_105 : i32
        %mul3A_107 = arith.constant 128 : i32
        %mul3A_108 = arith.muli %add3A_106, %mul3A_107 : i32
        %multiple_of3A_109 = tpu.assume_multiple %mul3A_108, 8 : i32
        %dma_wait3A_110 = arith.constant 0 : i32
        %dma_wait3A_111 = arith.constant 0 : i32
        %dma_wait3A_112 = tpu.memref_slice %arg3[%add3A_106, %dma_wait3A_110, %dma_wait3A_111] : memref<1250x1x128xi32, #tpu.memory_space<hbm>> -> memref<1x1x128xi32, #tpu.memory_space<hbm>>
        %dma_wait3A_113 = tpu.memref_squeeze %dma_wait3A_112 : memref<1x1x128xi32, #tpu.memory_space<hbm>> -> memref<1x128xi32, #tpu.memory_space<hbm>>
        %dma_wait3A_114 = arith.constant 0 : i32
        %dma_wait3A_115 = arith.constant 0 : i32
        %dma_wait3A_116 = tpu.memref_slice %arg3[%add3A_106, %dma_wait3A_114, %dma_wait3A_115] : memref<1250x1x128xi32, #tpu.memory_space<hbm>> -> memref<1x1x128xi32, #tpu.memory_space<hbm>>
        %dma_wait3A_117 = tpu.memref_squeeze %dma_wait3A_116 : memref<1x1x128xi32, #tpu.memory_space<hbm>> -> memref<1x128xi32, #tpu.memory_space<hbm>>
        tpu.wait_dma2 semaphore(%arg12 : memref<!tpu.dma_semaphore, #tpu.memory_space<semaphore_mem>>) src(%dma_wait3A_117 : memref<1x128xi32, #tpu.memory_space<hbm>>) dst(%arg8 : memref<1x128xi32, #tpu.memory_space<vmem>>)
        %dma_wait3A_118 = tpu.memref_slice %arg2[%multiple_of3A_109, %multiple_of3A] : memref<160000x256xf32, #tpu.memory_space<hbm>> -> memref<128x128xf32, #tpu.memory_space<hbm>>
        %dma_wait3A_119 = tpu.memref_slice %arg2[%multiple_of3A_109, %multiple_of3A] : memref<160000x256xf32, #tpu.memory_space<hbm>> -> memref<128x128xf32, #tpu.memory_space<hbm>>
        tpu.wait_dma2 semaphore(%arg13 : memref<!tpu.dma_semaphore, #tpu.memory_space<semaphore_mem>>) src(%dma_wait3A_119 : memref<128x128xf32, #tpu.memory_space<hbm>>) dst(%arg9 : memref<128x128xf32, #tpu.memory_space<vmem>>)
        %run_scoped3A_120 = arith.constant 0 : i32
        "tpu.region"() ({
          %run_scoped3A_121 = tpu.sem_alloc : memref<!tpu.dma_semaphore, #tpu.memory_space<semaphore_mem>>
          %dma_start3A_122 = arith.constant 0 : i32
          %dma_start3A_123 = tpu.memref_slice %arg8[%run_scoped3A_120, %dma_start3A_122] : memref<1x128xi32, #tpu.memory_space<vmem>> -> memref<1x128xi32, #tpu.memory_space<vmem>>
          %dma_start3A_124 = tpu.memref_squeeze %dma_start3A_123 : memref<1x128xi32, #tpu.memory_space<vmem>> -> memref<128xi32, #tpu.memory_space<vmem>>
          %dma_start3A_125 = arith.constant 0 : i32
          %dma_start3A_126 = arith.constant 0 : i32
          %dma_start3A_127 = tpu.memref_slice %arg14[%dma_start3A_125, %dma_start3A_126] : memref<10000x128xf32, #tpu.memory_space<vmem_shared>> -> memref<10000x128xf32, #tpu.memory_space<vmem_shared>>
          tpu.enqueue_indirect_dma source(%arg9 : memref<128x128xf32, #tpu.memory_space<vmem>>) target(%dma_start3A_127 : memref<10000x128xf32, #tpu.memory_space<vmem_shared>>) offsets(%dma_start3A_124 : memref<128xi32, #tpu.memory_space<vmem>>) semaphore(%run_scoped3A_121 : memref<!tpu.dma_semaphore, #tpu.memory_space<semaphore_mem>>) {add = true}
          %dma_wait3A_128 = arith.constant 0 : i32
          %dma_wait3A_129 = tpu.memref_slice %arg8[%run_scoped3A_120, %dma_wait3A_128] : memref<1x128xi32, #tpu.memory_space<vmem>> -> memref<1x128xi32, #tpu.memory_space<vmem>>
          %dma_wait3A_130 = tpu.memref_squeeze %dma_wait3A_129 : memref<1x128xi32, #tpu.memory_space<vmem>> -> memref<128xi32, #tpu.memory_space<vmem>>
          %dma_wait3A_131 = arith.constant 0 : i32
          %dma_wait3A_132 = arith.constant 0 : i32
          %dma_wait3A_133 = tpu.memref_slice %arg14[%dma_wait3A_131, %dma_wait3A_132] : memref<10000x128xf32, #tpu.memory_space<vmem_shared>> -> memref<10000x128xf32, #tpu.memory_space<vmem_shared>>
          tpu.wait_indirect_dma semaphore(%run_scoped3A_121 : memref<!tpu.dma_semaphore, #tpu.memory_space<semaphore_mem>>) src(%arg9 : memref<128x128xf32, #tpu.memory_space<vmem>>) dst(%dma_wait3A_133 : memref<10000x128xf32, #tpu.memory_space<vmem_shared>>)
          tpu.yield
        }) : () -> ()
      } else {
      }
    }
    %scan3A_23 = arith.constant 77 : i32
    %add3A_24 = arith.constant 1232 : i32
    %add3A_25 = arith.addi %arg1, %add3A_24 : i32
    %mul3A_26 = arith.constant 128 : i32
    %mul3A_27 = arith.muli %add3A_25, %mul3A_26 : i32
    %multiple_of3A_28 = tpu.assume_multiple %mul3A_27, 8 : i32
    %dma_wait3A = arith.constant 0 : i32
    %dma_wait3A_29 = arith.constant 0 : i32
    %dma_wait3A_30 = tpu.memref_slice %arg3[%add3A_25, %dma_wait3A, %dma_wait3A_29] : memref<1250x1x128xi32, #tpu.memory_space<hbm>> -> memref<1x1x128xi32, #tpu.memory_space<hbm>>
    %dma_wait3A_31 = tpu.memref_squeeze %dma_wait3A_30 : memref<1x1x128xi32, #tpu.memory_space<hbm>> -> memref<1x128xi32, #tpu.memory_space<hbm>>
    %dma_wait3A_32 = arith.constant 0 : i32
    %dma_wait3A_33 = arith.constant 0 : i32
    %dma_wait3A_34 = tpu.memref_slice %arg3[%add3A_25, %dma_wait3A_32, %dma_wait3A_33] : memref<1250x1x128xi32, #tpu.memory_space<hbm>> -> memref<1x1x128xi32, #tpu.memory_space<hbm>>
    %dma_wait3A_35 = tpu.memref_squeeze %dma_wait3A_34 : memref<1x1x128xi32, #tpu.memory_space<hbm>> -> memref<1x128xi32, #tpu.memory_space<hbm>>
    tpu.wait_dma2 semaphore(%arg12 : memref<!tpu.dma_semaphore, #tpu.memory_space<semaphore_mem>>) src(%dma_wait3A_35 : memref<1x128xi32, #tpu.memory_space<hbm>>) dst(%arg8 : memref<1x128xi32, #tpu.memory_space<vmem>>)
    %dma_wait3A_36 = tpu.memref_slice %arg2[%multiple_of3A_28, %multiple_of3A] : memref<160000x256xf32, #tpu.memory_space<hbm>> -> memref<128x128xf32, #tpu.memory_space<hbm>>
    %dma_wait3A_37 = tpu.memref_slice %arg2[%multiple_of3A_28, %multiple_of3A] : memref<160000x256xf32, #tpu.memory_space<hbm>> -> memref<128x128xf32, #tpu.memory_space<hbm>>
    tpu.wait_dma2 semaphore(%arg13 : memref<!tpu.dma_semaphore, #tpu.memory_space<semaphore_mem>>) src(%dma_wait3A_37 : memref<128x128xf32, #tpu.memory_space<hbm>>) dst(%arg9 : memref<128x128xf32, #tpu.memory_space<vmem>>)
    %run_scoped3A = arith.constant 0 : i32
    "tpu.region"() ({
      %run_scoped3A_48 = tpu.sem_alloc : memref<!tpu.dma_semaphore, #tpu.memory_space<semaphore_mem>>
      %dma_start3A_49 = arith.constant 0 : i32
      %dma_start3A_50 = tpu.memref_slice %arg8[%run_scoped3A, %dma_start3A_49] : memref<1x128xi32, #tpu.memory_space<vmem>> -> memref<1x128xi32, #tpu.memory_space<vmem>>
      %dma_start3A_51 = tpu.memref_squeeze %dma_start3A_50 : memref<1x128xi32, #tpu.memory_space<vmem>> -> memref<128xi32, #tpu.memory_space<vmem>>
      %dma_start3A_52 = arith.constant 0 : i32
      %dma_start3A_53 = arith.constant 0 : i32
      %dma_start3A_54 = tpu.memref_slice %arg14[%dma_start3A_52, %dma_start3A_53] : memref<10000x128xf32, #tpu.memory_space<vmem_shared>> -> memref<10000x128xf32, #tpu.memory_space<vmem_shared>>
      tpu.enqueue_indirect_dma source(%arg9 : memref<128x128xf32, #tpu.memory_space<vmem>>) target(%dma_start3A_54 : memref<10000x128xf32, #tpu.memory_space<vmem_shared>>) offsets(%dma_start3A_51 : memref<128xi32, #tpu.memory_space<vmem>>) semaphore(%run_scoped3A_48 : memref<!tpu.dma_semaphore, #tpu.memory_space<semaphore_mem>>) {add = true}
      %dma_wait3A_55 = arith.constant 0 : i32
      %dma_wait3A_56 = tpu.memref_slice %arg8[%run_scoped3A, %dma_wait3A_55] : memref<1x128xi32, #tpu.memory_space<vmem>> -> memref<1x128xi32, #tpu.memory_space<vmem>>
      %dma_wait3A_57 = tpu.memref_squeeze %dma_wait3A_56 : memref<1x128xi32, #tpu.memory_space<vmem>> -> memref<128xi32, #tpu.memory_space<vmem>>
      %dma_wait3A_58 = arith.constant 0 : i32
      %dma_wait3A_59 = arith.constant 0 : i32
      %dma_wait3A_60 = tpu.memref_slice %arg14[%dma_wait3A_58, %dma_wait3A_59] : memref<10000x128xf32, #tpu.memory_space<vmem_shared>> -> memref<10000x128xf32, #tpu.memory_space<vmem_shared>>
      tpu.wait_indirect_dma semaphore(%run_scoped3A_48 : memref<!tpu.dma_semaphore, #tpu.memory_space<semaphore_mem>>) src(%arg9 : memref<128x128xf32, #tpu.memory_space<vmem>>) dst(%dma_wait3A_60 : memref<10000x128xf32, #tpu.memory_space<vmem_shared>>)
      tpu.yield
    }) : () -> ()
    %lt3A = arith.constant 2 : i32
    %lt3A_38 = arith.cmpi slt, %arg1, %lt3A : i32
    %convert_element_type3A_39 = arith.extui %lt3A_38 : i1 to i32
    %cond3A_40 = arith.constant 0 : i32
    %cond3A_41 = arith.cmpi ne, %convert_element_type3A_39, %cond3A_40 : i32
    scf.if %cond3A_41 {
      %add3A_48 = arith.constant 1248 : i32
      %add3A_49 = arith.addi %arg1, %add3A_48 : i32
      %mul3A_50 = arith.constant 128 : i32
      %mul3A_51 = arith.muli %add3A_49, %mul3A_50 : i32
      %multiple_of3A_52 = tpu.assume_multiple %mul3A_51, 8 : i32
      %dma_start3A_53 = arith.constant 0 : i32
      %dma_start3A_54 = arith.constant 0 : i32
      %dma_start3A_55 = tpu.memref_slice %arg3[%add3A_49, %dma_start3A_53, %dma_start3A_54] : memref<1250x1x128xi32, #tpu.memory_space<hbm>> -> memref<1x1x128xi32, #tpu.memory_space<hbm>>
      %dma_start3A_56 = tpu.memref_squeeze %dma_start3A_55 : memref<1x1x128xi32, #tpu.memory_space<hbm>> -> memref<1x128xi32, #tpu.memory_space<hbm>>
      %dma_start3A_57 = arith.constant 0 : i32
      %dma_start3A_58 = arith.constant 0 : i32
      %dma_start3A_59 = tpu.memref_slice %arg3[%add3A_49, %dma_start3A_57, %dma_start3A_58] : memref<1250x1x128xi32, #tpu.memory_space<hbm>> -> memref<1x1x128xi32, #tpu.memory_space<hbm>>
      %dma_start3A_60 = tpu.memref_squeeze %dma_start3A_59 : memref<1x1x128xi32, #tpu.memory_space<hbm>> -> memref<1x128xi32, #tpu.memory_space<hbm>>
      tpu.enqueue_dma source(%dma_start3A_60 : memref<1x128xi32, #tpu.memory_space<hbm>>) target(%arg6 : memref<1x128xi32, #tpu.memory_space<vmem>>) target_semaphore(%arg10 : memref<!tpu.dma_semaphore, #tpu.memory_space<semaphore_mem>>)
      %dma_start3A_61 = tpu.memref_slice %arg2[%multiple_of3A_52, %multiple_of3A] : memref<160000x256xf32, #tpu.memory_space<hbm>> -> memref<128x128xf32, #tpu.memory_space<hbm>>
      %dma_start3A_62 = tpu.memref_slice %arg2[%multiple_of3A_52, %multiple_of3A] : memref<160000x256xf32, #tpu.memory_space<hbm>> -> memref<128x128xf32, #tpu.memory_space<hbm>>
      tpu.enqueue_dma source(%dma_start3A_62 : memref<128x128xf32, #tpu.memory_space<hbm>>) target(%arg7 : memref<128x128xf32, #tpu.memory_space<vmem>>) target_semaphore(%arg11 : memref<!tpu.dma_semaphore, #tpu.memory_space<semaphore_mem>>)
      %add3A_63 = arith.constant 1248 : i32
      %add3A_64 = arith.addi %arg1, %add3A_63 : i32
      %mul3A_65 = arith.constant 128 : i32
      %mul3A_66 = arith.muli %add3A_64, %mul3A_65 : i32
      %multiple_of3A_67 = tpu.assume_multiple %mul3A_66, 8 : i32
      %dma_wait3A_68 = arith.constant 0 : i32
      %dma_wait3A_69 = arith.constant 0 : i32
      %dma_wait3A_70 = tpu.memref_slice %arg3[%add3A_64, %dma_wait3A_68, %dma_wait3A_69] : memref<1250x1x128xi32, #tpu.memory_space<hbm>> -> memref<1x1x128xi32, #tpu.memory_space<hbm>>
      %dma_wait3A_71 = tpu.memref_squeeze %dma_wait3A_70 : memref<1x1x128xi32, #tpu.memory_space<hbm>> -> memref<1x128xi32, #tpu.memory_space<hbm>>
      %dma_wait3A_72 = arith.constant 0 : i32
      %dma_wait3A_73 = arith.constant 0 : i32
      %dma_wait3A_74 = tpu.memref_slice %arg3[%add3A_64, %dma_wait3A_72, %dma_wait3A_73] : memref<1250x1x128xi32, #tpu.memory_space<hbm>> -> memref<1x1x128xi32, #tpu.memory_space<hbm>>
      %dma_wait3A_75 = tpu.memref_squeeze %dma_wait3A_74 : memref<1x1x128xi32, #tpu.memory_space<hbm>> -> memref<1x128xi32, #tpu.memory_space<hbm>>
      tpu.wait_dma2 semaphore(%arg10 : memref<!tpu.dma_semaphore, #tpu.memory_space<semaphore_mem>>) src(%dma_wait3A_75 : memref<1x128xi32, #tpu.memory_space<hbm>>) dst(%arg6 : memref<1x128xi32, #tpu.memory_space<vmem>>)
      %dma_wait3A_76 = tpu.memref_slice %arg2[%multiple_of3A_67, %multiple_of3A] : memref<160000x256xf32, #tpu.memory_space<hbm>> -> memref<128x128xf32, #tpu.memory_space<hbm>>
      %dma_wait3A_77 = tpu.memref_slice %arg2[%multiple_of3A_67, %multiple_of3A] : memref<160000x256xf32, #tpu.memory_space<hbm>> -> memref<128x128xf32, #tpu.memory_space<hbm>>
      tpu.wait_dma2 semaphore(%arg11 : memref<!tpu.dma_semaphore, #tpu.memory_space<semaphore_mem>>) src(%dma_wait3A_77 : memref<128x128xf32, #tpu.memory_space<hbm>>) dst(%arg7 : memref<128x128xf32, #tpu.memory_space<vmem>>)
      %run_scoped3A_78 = arith.constant 0 : i32
      "tpu.region"() ({
        %run_scoped3A_79 = tpu.sem_alloc : memref<!tpu.dma_semaphore, #tpu.memory_space<semaphore_mem>>
        %dma_start3A_80 = arith.constant 0 : i32
        %dma_start3A_81 = tpu.memref_slice %arg6[%run_scoped3A_78, %dma_start3A_80] : memref<1x128xi32, #tpu.memory_space<vmem>> -> memref<1x128xi32, #tpu.memory_space<vmem>>
        %dma_start3A_82 = tpu.memref_squeeze %dma_start3A_81 : memref<1x128xi32, #tpu.memory_space<vmem>> -> memref<128xi32, #tpu.memory_space<vmem>>
        %dma_start3A_83 = arith.constant 0 : i32
        %dma_start3A_84 = arith.constant 0 : i32
        %dma_start3A_85 = tpu.memref_slice %arg14[%dma_start3A_83, %dma_start3A_84] : memref<10000x128xf32, #tpu.memory_space<vmem_shared>> -> memref<10000x128xf32, #tpu.memory_space<vmem_shared>>
        tpu.enqueue_indirect_dma source(%arg7 : memref<128x128xf32, #tpu.memory_space<vmem>>) target(%dma_start3A_85 : memref<10000x128xf32, #tpu.memory_space<vmem_shared>>) offsets(%dma_start3A_82 : memref<128xi32, #tpu.memory_space<vmem>>) semaphore(%run_scoped3A_79 : memref<!tpu.dma_semaphore, #tpu.memory_space<semaphore_mem>>) {add = true}
        %dma_wait3A_86 = arith.constant 0 : i32
        %dma_wait3A_87 = tpu.memref_slice %arg6[%run_scoped3A_78, %dma_wait3A_86] : memref<1x128xi32, #tpu.memory_space<vmem>> -> memref<1x128xi32, #tpu.memory_space<vmem>>
        %dma_wait3A_88 = tpu.memref_squeeze %dma_wait3A_87 : memref<1x128xi32, #tpu.memory_space<vmem>> -> memref<128xi32, #tpu.memory_space<vmem>>
        %dma_wait3A_89 = arith.constant 0 : i32
        %dma_wait3A_90 = arith.constant 0 : i32
        %dma_wait3A_91 = tpu.memref_slice %arg14[%dma_wait3A_89, %dma_wait3A_90] : memref<10000x128xf32, #tpu.memory_space<vmem_shared>> -> memref<10000x128xf32, #tpu.memory_space<vmem_shared>>
        tpu.wait_indirect_dma semaphore(%run_scoped3A_79 : memref<!tpu.dma_semaphore, #tpu.memory_space<semaphore_mem>>) src(%arg7 : memref<128x128xf32, #tpu.memory_space<vmem>>) dst(%dma_wait3A_91 : memref<10000x128xf32, #tpu.memory_space<vmem_shared>>)
        tpu.yield
      }) : () -> ()
    } else {
    }
    %barrier3A_42 = arith.constant 0 : index
    tpu.barrier barrier_id(%barrier3A_42)
    "tpu.region"() ({
      %run_scoped3A_48 = tpu.sem_alloc : memref<!tpu.dma_semaphore, #tpu.memory_space<semaphore_mem>>
      %dma_start3A_49 = tpu.memref_slice %arg5[%multiple_of3A_3, %multiple_of3A] : memref<10000x256xf32, #tpu.memory_space<hbm>> -> memref<624x128xf32, #tpu.memory_space<hbm>>
      %dma_start3A_50 = arith.constant 0 : i32
      %dma_start3A_51 = tpu.memref_slice %arg14[%multiple_of3A_3, %dma_start3A_50] : memref<10000x128xf32, #tpu.memory_space<vmem_shared>> -> memref<624x128xf32, #tpu.memory_space<vmem_shared>>
      tpu.enqueue_dma source(%dma_start3A_51 : memref<624x128xf32, #tpu.memory_space<vmem_shared>>) target(%dma_start3A_49 : memref<624x128xf32, #tpu.memory_space<hbm>>) target_semaphore(%run_scoped3A_48 : memref<!tpu.dma_semaphore, #tpu.memory_space<semaphore_mem>>)
      %dma_wait3A_52 = tpu.memref_slice %arg5[%multiple_of3A_3, %multiple_of3A] : memref<10000x256xf32, #tpu.memory_space<hbm>> -> memref<624x128xf32, #tpu.memory_space<hbm>>
      %dma_wait3A_53 = arith.constant 0 : i32
      %dma_wait3A_54 = tpu.memref_slice %arg14[%multiple_of3A_3, %dma_wait3A_53] : memref<10000x128xf32, #tpu.memory_space<vmem_shared>> -> memref<624x128xf32, #tpu.memory_space<vmem_shared>>
      tpu.wait_dma2 semaphore(%run_scoped3A_48 : memref<!tpu.dma_semaphore, #tpu.memory_space<semaphore_mem>>) src(%dma_wait3A_54 : memref<624x128xf32, #tpu.memory_space<vmem_shared>>) dst(%dma_wait3A_52 : memref<624x128xf32, #tpu.memory_space<hbm>>)
      tpu.yield
    }) : () -> ()
    %eq3A_43 = arith.constant 0 : i32
    %eq3A_44 = arith.cmpi eq, %arg1, %eq3A_43 : i32
    %convert_element_type3A_45 = arith.extui %eq3A_44 : i1 to i32
    %cond3A_46 = arith.constant 0 : i32
    %cond3A_47 = arith.cmpi ne, %convert_element_type3A_45, %cond3A_46 : i32
    scf.if %cond3A_47 {
      "tpu.region"() ({
        %run_scoped3A_48 = tpu.sem_alloc : memref<!tpu.dma_semaphore, #tpu.memory_space<semaphore_mem>>
        %dma_start3A_49 = arith.constant 9984 : i32
        %dma_start3A_50 = tpu.memref_slice %arg5[%dma_start3A_49, %multiple_of3A] : memref<10000x256xf32, #tpu.memory_space<hbm>> -> memref<16x128xf32, #tpu.memory_space<hbm>>
        %dma_start3A_51 = arith.constant 9984 : i32
        %dma_start3A_52 = arith.constant 0 : i32
        %dma_start3A_53 = tpu.memref_slice %arg14[%dma_start3A_51, %dma_start3A_52] : memref<10000x128xf32, #tpu.memory_space<vmem_shared>> -> memref<16x128xf32, #tpu.memory_space<vmem_shared>>
        tpu.enqueue_dma source(%dma_start3A_53 : memref<16x128xf32, #tpu.memory_space<vmem_shared>>) target(%dma_start3A_50 : memref<16x128xf32, #tpu.memory_space<hbm>>) target_semaphore(%run_scoped3A_48 : memref<!tpu.dma_semaphore, #tpu.memory_space<semaphore_mem>>)
        %dma_wait3A_54 = arith.constant 9984 : i32
        %dma_wait3A_55 = tpu.memref_slice %arg5[%dma_wait3A_54, %multiple_of3A] : memref<10000x256xf32, #tpu.memory_space<hbm>> -> memref<16x128xf32, #tpu.memory_space<hbm>>
        %dma_wait3A_56 = arith.constant 9984 : i32
        %dma_wait3A_57 = arith.constant 0 : i32
        %dma_wait3A_58 = tpu.memref_slice %arg14[%dma_wait3A_56, %dma_wait3A_57] : memref<10000x128xf32, #tpu.memory_space<vmem_shared>> -> memref<16x128xf32, #tpu.memory_space<vmem_shared>>
        tpu.wait_dma2 semaphore(%run_scoped3A_48 : memref<!tpu.dma_semaphore, #tpu.memory_space<semaphore_mem>>) src(%dma_wait3A_58 : memref<16x128xf32, #tpu.memory_space<vmem_shared>>) dst(%dma_wait3A_55 : memref<16x128xf32, #tpu.memory_space<hbm>>)
        tpu.yield
      }) : () -> ()
    } else {
    }
    return
  }
}

#map = affine_map<(d0, d1) -> (0, 0)>
#map1 = affine_map<(d0, d1) -> (0, 0, 0)>
module attributes {stable_mosaic.version = 14 : i64} {
  func.func @gather(%arg0: i32, %arg1: i32, %arg2: memref<10000x640xf32, #tpu.memory_space<hbm>>, %arg3: memref<10000x512xf32, #tpu.memory_space<hbm>>, %arg4: memref<32x125x40xi32, #tpu.memory_space<hbm>>, %arg5: memref<32x125x40xi32, #tpu.memory_space<hbm>>, %arg6: memref<160000x640xf32, #tpu.memory_space<hbm>>, %arg7: memref<125x40xi32, #tpu.memory_space<vmem>>, %arg8: memref<125x40xi32, #tpu.memory_space<vmem>>, %arg9: memref<40x640xf32, #tpu.memory_space<vmem>>, %arg10: memref<40x512xf32, #tpu.memory_space<vmem>>, %arg11: memref<40x640xf32, #tpu.memory_space<vmem>>, %arg12: memref<40x512xf32, #tpu.memory_space<vmem>>, %arg13: memref<!tpu.dma_semaphore, #tpu.memory_space<semaphore_mem>>, %arg14: memref<!tpu.dma_semaphore, #tpu.memory_space<semaphore_mem>>, %arg15: memref<!tpu.dma_semaphore, #tpu.memory_space<semaphore_mem>>, %arg16: memref<!tpu.dma_semaphore, #tpu.memory_space<semaphore_mem>>) attributes {dimension_semantics = [#tpu.dimension_semantics<core_parallel>, #tpu.dimension_semantics<subcore_parallel>], iteration_bounds = array<i64: 2, 16>, scalar_prefetch = 0 : i64, scratch_operands = 10 : i64, tpu.core_type = #tpu.core_type<sc_vector_subcore>, window_params = [{transform_indices = #map}, {transform_indices = #map}, {transform_indices = #map1}, {transform_indices = #map1}, {transform_indices = #map}]} {
    %mul3A = arith.constant 2 : i32
    %mul3A_0 = arith.muli %arg1, %mul3A : i32
    %add3A = arith.addi %mul3A_0, %arg0 : i32
    "tpu.region"() ({
      %run_scoped3A = tpu.sem_alloc : memref<!tpu.dma_semaphore, #tpu.memory_space<semaphore_mem>>
      %dma_start3A_42 = arith.constant 0 : i32
      %dma_start3A_43 = arith.constant 0 : i32
      %dma_start3A_44 = tpu.memref_slice %arg4[%add3A, %dma_start3A_42, %dma_start3A_43] : memref<32x125x40xi32, #tpu.memory_space<hbm>> -> memref<1x125x40xi32, #tpu.memory_space<hbm>>
      %dma_start3A_45 = tpu.memref_squeeze %dma_start3A_44 : memref<1x125x40xi32, #tpu.memory_space<hbm>> -> memref<125x40xi32, #tpu.memory_space<hbm>>
      %dma_start3A_46 = arith.constant 0 : i32
      %dma_start3A_47 = arith.constant 0 : i32
      %dma_start3A_48 = tpu.memref_slice %arg4[%add3A, %dma_start3A_46, %dma_start3A_47] : memref<32x125x40xi32, #tpu.memory_space<hbm>> -> memref<1x125x40xi32, #tpu.memory_space<hbm>>
      %dma_start3A_49 = tpu.memref_squeeze %dma_start3A_48 : memref<1x125x40xi32, #tpu.memory_space<hbm>> -> memref<125x40xi32, #tpu.memory_space<hbm>>
      tpu.enqueue_dma source(%dma_start3A_49 : memref<125x40xi32, #tpu.memory_space<hbm>>) target(%arg7 : memref<125x40xi32, #tpu.memory_space<vmem>>) target_semaphore(%run_scoped3A : memref<!tpu.dma_semaphore, #tpu.memory_space<semaphore_mem>>)
      %dma_wait3A_50 = arith.constant 0 : i32
      %dma_wait3A_51 = arith.constant 0 : i32
      %dma_wait3A_52 = tpu.memref_slice %arg4[%add3A, %dma_wait3A_50, %dma_wait3A_51] : memref<32x125x40xi32, #tpu.memory_space<hbm>> -> memref<1x125x40xi32, #tpu.memory_space<hbm>>
      %dma_wait3A_53 = tpu.memref_squeeze %dma_wait3A_52 : memref<1x125x40xi32, #tpu.memory_space<hbm>> -> memref<125x40xi32, #tpu.memory_space<hbm>>
      %dma_wait3A_54 = arith.constant 0 : i32
      %dma_wait3A_55 = arith.constant 0 : i32
      %dma_wait3A_56 = tpu.memref_slice %arg4[%add3A, %dma_wait3A_54, %dma_wait3A_55] : memref<32x125x40xi32, #tpu.memory_space<hbm>> -> memref<1x125x40xi32, #tpu.memory_space<hbm>>
      %dma_wait3A_57 = tpu.memref_squeeze %dma_wait3A_56 : memref<1x125x40xi32, #tpu.memory_space<hbm>> -> memref<125x40xi32, #tpu.memory_space<hbm>>
      tpu.wait_dma2 semaphore(%run_scoped3A : memref<!tpu.dma_semaphore, #tpu.memory_space<semaphore_mem>>) src(%dma_wait3A_57 : memref<125x40xi32, #tpu.memory_space<hbm>>) dst(%arg7 : memref<125x40xi32, #tpu.memory_space<vmem>>)
      tpu.yield
    }) : () -> ()
    "tpu.region"() ({
      %run_scoped3A = tpu.sem_alloc : memref<!tpu.dma_semaphore, #tpu.memory_space<semaphore_mem>>
      %dma_start3A_42 = arith.constant 0 : i32
      %dma_start3A_43 = arith.constant 0 : i32
      %dma_start3A_44 = tpu.memref_slice %arg5[%add3A, %dma_start3A_42, %dma_start3A_43] : memref<32x125x40xi32, #tpu.memory_space<hbm>> -> memref<1x125x40xi32, #tpu.memory_space<hbm>>
      %dma_start3A_45 = tpu.memref_squeeze %dma_start3A_44 : memref<1x125x40xi32, #tpu.memory_space<hbm>> -> memref<125x40xi32, #tpu.memory_space<hbm>>
      %dma_start3A_46 = arith.constant 0 : i32
      %dma_start3A_47 = arith.constant 0 : i32
      %dma_start3A_48 = tpu.memref_slice %arg5[%add3A, %dma_start3A_46, %dma_start3A_47] : memref<32x125x40xi32, #tpu.memory_space<hbm>> -> memref<1x125x40xi32, #tpu.memory_space<hbm>>
      %dma_start3A_49 = tpu.memref_squeeze %dma_start3A_48 : memref<1x125x40xi32, #tpu.memory_space<hbm>> -> memref<125x40xi32, #tpu.memory_space<hbm>>
      tpu.enqueue_dma source(%dma_start3A_49 : memref<125x40xi32, #tpu.memory_space<hbm>>) target(%arg8 : memref<125x40xi32, #tpu.memory_space<vmem>>) target_semaphore(%run_scoped3A : memref<!tpu.dma_semaphore, #tpu.memory_space<semaphore_mem>>)
      %dma_wait3A_50 = arith.constant 0 : i32
      %dma_wait3A_51 = arith.constant 0 : i32
      %dma_wait3A_52 = tpu.memref_slice %arg5[%add3A, %dma_wait3A_50, %dma_wait3A_51] : memref<32x125x40xi32, #tpu.memory_space<hbm>> -> memref<1x125x40xi32, #tpu.memory_space<hbm>>
      %dma_wait3A_53 = tpu.memref_squeeze %dma_wait3A_52 : memref<1x125x40xi32, #tpu.memory_space<hbm>> -> memref<125x40xi32, #tpu.memory_space<hbm>>
      %dma_wait3A_54 = arith.constant 0 : i32
      %dma_wait3A_55 = arith.constant 0 : i32
      %dma_wait3A_56 = tpu.memref_slice %arg5[%add3A, %dma_wait3A_54, %dma_wait3A_55] : memref<32x125x40xi32, #tpu.memory_space<hbm>> -> memref<1x125x40xi32, #tpu.memory_space<hbm>>
      %dma_wait3A_57 = tpu.memref_squeeze %dma_wait3A_56 : memref<1x125x40xi32, #tpu.memory_space<hbm>> -> memref<125x40xi32, #tpu.memory_space<hbm>>
      tpu.wait_dma2 semaphore(%run_scoped3A : memref<!tpu.dma_semaphore, #tpu.memory_space<semaphore_mem>>) src(%dma_wait3A_57 : memref<125x40xi32, #tpu.memory_space<hbm>>) dst(%arg8 : memref<125x40xi32, #tpu.memory_space<vmem>>)
      tpu.yield
    }) : () -> ()
    %dma_start3A = arith.constant 0 : i32
    %dma_start3A_1 = arith.constant 0 : i32
    %dma_start3A_2 = tpu.memref_slice %arg7[%dma_start3A, %dma_start3A_1] : memref<125x40xi32, #tpu.memory_space<vmem>> -> memref<1x40xi32, #tpu.memory_space<vmem>>
    %dma_start3A_3 = tpu.memref_squeeze %dma_start3A_2 : memref<1x40xi32, #tpu.memory_space<vmem>> -> memref<40xi32, #tpu.memory_space<vmem>>
    %dma_start3A_4 = arith.constant 0 : i32
    %dma_start3A_5 = arith.constant 0 : i32
    %dma_start3A_6 = tpu.memref_slice %arg2[%dma_start3A_4, %dma_start3A_5] : memref<10000x640xf32, #tpu.memory_space<hbm>> -> memref<10000x640xf32, #tpu.memory_space<hbm>>
    tpu.enqueue_indirect_dma source(%dma_start3A_6 : memref<10000x640xf32, #tpu.memory_space<hbm>>) target(%arg9 : memref<40x640xf32, #tpu.memory_space<vmem>>) offsets(%dma_start3A_3 : memref<40xi32, #tpu.memory_space<vmem>>) semaphore(%arg13 : memref<!tpu.dma_semaphore, #tpu.memory_space<semaphore_mem>>)
    %dma_start3A_7 = arith.constant 0 : i32
    %dma_start3A_8 = arith.constant 0 : i32
    %dma_start3A_9 = tpu.memref_slice %arg8[%dma_start3A_7, %dma_start3A_8] : memref<125x40xi32, #tpu.memory_space<vmem>> -> memref<1x40xi32, #tpu.memory_space<vmem>>
    %dma_start3A_10 = tpu.memref_squeeze %dma_start3A_9 : memref<1x40xi32, #tpu.memory_space<vmem>> -> memref<40xi32, #tpu.memory_space<vmem>>
    %dma_start3A_11 = arith.constant 0 : i32
    %dma_start3A_12 = arith.constant 0 : i32
    %dma_start3A_13 = tpu.memref_slice %arg3[%dma_start3A_11, %dma_start3A_12] : memref<10000x512xf32, #tpu.memory_space<hbm>> -> memref<10000x512xf32, #tpu.memory_space<hbm>>
    tpu.enqueue_indirect_dma source(%dma_start3A_13 : memref<10000x512xf32, #tpu.memory_space<hbm>>) target(%arg10 : memref<40x512xf32, #tpu.memory_space<vmem>>) offsets(%dma_start3A_10 : memref<40xi32, #tpu.memory_space<vmem>>) semaphore(%arg14 : memref<!tpu.dma_semaphore, #tpu.memory_space<semaphore_mem>>)
    %scan3A = arith.constant 0 : i32
    %scan3A_14 = arith.constant 0 : i32
    %scan3A_15 = arith.constant 124 : i32
    %scan3A_16 = arith.addi %scan3A_14, %scan3A_15 : i32
    %scan3A_17 = arith.constant 1 : i32
    scf.for %scan3A_42 = %scan3A_14 to %scan3A_16 step %scan3A_17  : i32 {
      %jit3A = arith.constant 2 : i32
      %eq3A = arith.constant 0 : i32
      %eq3A_43 = arith.cmpi eq, %jit3A, %eq3A : i32
      %jit3A_44 = arith.constant 1 : i32
      %select_n3A = arith.select %eq3A_43, %jit3A_44, %jit3A : i32
      %rem3A = arith.remsi %scan3A_42, %select_n3A : i32
      %ne3A = arith.constant 0 : i32
      %ne3A_45 = arith.cmpi ne, %rem3A, %ne3A : i32
      %lt3A = arith.constant 0 : i32
      %lt3A_46 = arith.cmpi slt, %rem3A, %lt3A : i32
      %lt3A_47 = arith.constant 0 : i32
      %lt3A_48 = arith.cmpi slt, %select_n3A, %lt3A_47 : i32
      %ne3A_49 = arith.xori %lt3A_46, %lt3A_48 : i1
      %and3A = arith.andi %ne3A_49, %ne3A_45 : i1
      %add3A_50 = arith.addi %rem3A, %select_n3A : i32
      %select_n3A_51 = arith.select %and3A, %add3A_50, %rem3A : i32
      %eq3A_52 = arith.constant 0 : i32
      %eq3A_53 = arith.cmpi eq, %select_n3A_51, %eq3A_52 : i32
      %convert_element_type3A = arith.extui %eq3A_53 : i1 to i32
      %cond3A = arith.constant 0 : i32
      %cond3A_54 = arith.cmpi ne, %convert_element_type3A, %cond3A : i32
      scf.if %cond3A_54 {
        %add3A_76 = arith.constant 1 : i32
        %add3A_77 = arith.addi %scan3A_42, %add3A_76 : i32
        %dma_start3A_78 = arith.constant 0 : i32
        %dma_start3A_79 = tpu.memref_slice %arg7[%add3A_77, %dma_start3A_78] : memref<125x40xi32, #tpu.memory_space<vmem>> -> memref<1x40xi32, #tpu.memory_space<vmem>>
        %dma_start3A_80 = tpu.memref_squeeze %dma_start3A_79 : memref<1x40xi32, #tpu.memory_space<vmem>> -> memref<40xi32, #tpu.memory_space<vmem>>
        %dma_start3A_81 = arith.constant 0 : i32
        %dma_start3A_82 = arith.constant 0 : i32
        %dma_start3A_83 = tpu.memref_slice %arg2[%dma_start3A_81, %dma_start3A_82] : memref<10000x640xf32, #tpu.memory_space<hbm>> -> memref<10000x640xf32, #tpu.memory_space<hbm>>
        tpu.enqueue_indirect_dma source(%dma_start3A_83 : memref<10000x640xf32, #tpu.memory_space<hbm>>) target(%arg11 : memref<40x640xf32, #tpu.memory_space<vmem>>) offsets(%dma_start3A_80 : memref<40xi32, #tpu.memory_space<vmem>>) semaphore(%arg15 : memref<!tpu.dma_semaphore, #tpu.memory_space<semaphore_mem>>)
        %dma_start3A_84 = arith.constant 0 : i32
        %dma_start3A_85 = tpu.memref_slice %arg8[%add3A_77, %dma_start3A_84] : memref<125x40xi32, #tpu.memory_space<vmem>> -> memref<1x40xi32, #tpu.memory_space<vmem>>
        %dma_start3A_86 = tpu.memref_squeeze %dma_start3A_85 : memref<1x40xi32, #tpu.memory_space<vmem>> -> memref<40xi32, #tpu.memory_space<vmem>>
        %dma_start3A_87 = arith.constant 0 : i32
        %dma_start3A_88 = arith.constant 0 : i32
        %dma_start3A_89 = tpu.memref_slice %arg3[%dma_start3A_87, %dma_start3A_88] : memref<10000x512xf32, #tpu.memory_space<hbm>> -> memref<10000x512xf32, #tpu.memory_space<hbm>>
        tpu.enqueue_indirect_dma source(%dma_start3A_89 : memref<10000x512xf32, #tpu.memory_space<hbm>>) target(%arg12 : memref<40x512xf32, #tpu.memory_space<vmem>>) offsets(%dma_start3A_86 : memref<40xi32, #tpu.memory_space<vmem>>) semaphore(%arg16 : memref<!tpu.dma_semaphore, #tpu.memory_space<semaphore_mem>>)
        %dma_wait3A_90 = arith.constant 0 : i32
        %dma_wait3A_91 = tpu.memref_slice %arg7[%scan3A_42, %dma_wait3A_90] : memref<125x40xi32, #tpu.memory_space<vmem>> -> memref<1x40xi32, #tpu.memory_space<vmem>>
        %dma_wait3A_92 = tpu.memref_squeeze %dma_wait3A_91 : memref<1x40xi32, #tpu.memory_space<vmem>> -> memref<40xi32, #tpu.memory_space<vmem>>
        %dma_wait3A_93 = arith.constant 0 : i32
        %dma_wait3A_94 = arith.constant 0 : i32
        %dma_wait3A_95 = tpu.memref_slice %arg2[%dma_wait3A_93, %dma_wait3A_94] : memref<10000x640xf32, #tpu.memory_space<hbm>> -> memref<10000x640xf32, #tpu.memory_space<hbm>>
        tpu.wait_indirect_dma semaphore(%arg13 : memref<!tpu.dma_semaphore, #tpu.memory_space<semaphore_mem>>) src(%dma_wait3A_95 : memref<10000x640xf32, #tpu.memory_space<hbm>>) dst(%arg9 : memref<40x640xf32, #tpu.memory_space<vmem>>)
        %dma_wait3A_96 = arith.constant 0 : i32
        %dma_wait3A_97 = tpu.memref_slice %arg8[%scan3A_42, %dma_wait3A_96] : memref<125x40xi32, #tpu.memory_space<vmem>> -> memref<1x40xi32, #tpu.memory_space<vmem>>
        %dma_wait3A_98 = tpu.memref_squeeze %dma_wait3A_97 : memref<1x40xi32, #tpu.memory_space<vmem>> -> memref<40xi32, #tpu.memory_space<vmem>>
        %dma_wait3A_99 = arith.constant 0 : i32
        %dma_wait3A_100 = arith.constant 0 : i32
        %dma_wait3A_101 = tpu.memref_slice %arg3[%dma_wait3A_99, %dma_wait3A_100] : memref<10000x512xf32, #tpu.memory_space<hbm>> -> memref<10000x512xf32, #tpu.memory_space<hbm>>
        tpu.wait_indirect_dma semaphore(%arg14 : memref<!tpu.dma_semaphore, #tpu.memory_space<semaphore_mem>>) src(%dma_wait3A_101 : memref<10000x512xf32, #tpu.memory_space<hbm>>) dst(%arg10 : memref<40x512xf32, #tpu.memory_space<vmem>>)
        %scan3A_102 = arith.constant 0 : i32
        %scan3A_103 = arith.constant 0 : i32
        %scan3A_104 = arith.constant 40 : i32
        %scan3A_105 = arith.addi %scan3A_103, %scan3A_104 : i32
        %scan3A_106 = arith.constant 1 : i32
        scf.for %scan3A_114 = %scan3A_103 to %scan3A_105 step %scan3A_106  : i32 {
          %get3A = arith.index_cast %scan3A_114 : i32 to index
          %get3A_115 = arith.constant 0 : index
          %get3A_116 = tpu.vector_load %arg9[%get3A, %get3A_115] {strides = array<i32>} : memref<40x640xf32, #tpu.memory_space<vmem>>, vector<1x16xf32>,
          %get3A_117 = vector.shape_cast %get3A_116 : vector<1x16xf32> to vector<16xf32>
          %get3A_118 = arith.index_cast %scan3A_114 : i32 to index
          %get3A_119 = arith.constant 0 : index
          %get3A_120 = tpu.vector_load %arg10[%get3A_118, %get3A_119] {strides = array<i32>} : memref<40x512xf32, #tpu.memory_space<vmem>>, vector<1x16xf32>,
          %get3A_121 = vector.shape_cast %get3A_120 : vector<1x16xf32> to vector<16xf32>
          %add3A_122 = arith.addf %get3A_117, %get3A_121 : vector<16xf32>
          %swap3A = arith.index_cast %scan3A_114 : i32 to index
          %swap3A_123 = arith.constant 0 : index
          %swap3A_124 = tpu.vector_load %arg9[%swap3A, %swap3A_123] {strides = array<i32>} : memref<40x640xf32, #tpu.memory_space<vmem>>, vector<1x16xf32>,
          %swap3A_125 = vector.shape_cast %swap3A_124 : vector<1x16xf32> to vector<16xf32>
          %swap3A_126 = vector.shape_cast %add3A_122 : vector<16xf32> to vector<1x16xf32>
          tpu.vector_store %arg9[%swap3A, %swap3A_123], %swap3A_126 {strides = array<i32>} : memref<40x640xf32, #tpu.memory_space<vmem>>, vector<1x16xf32>,
          %get3A_127 = arith.index_cast %scan3A_114 : i32 to index
          %get3A_128 = arith.constant 16 : index
          %get3A_129 = tpu.vector_load %arg9[%get3A_127, %get3A_128] {strides = array<i32>} : memref<40x640xf32, #tpu.memory_space<vmem>>, vector<1x16xf32>,
          %get3A_130 = vector.shape_cast %get3A_129 : vector<1x16xf32> to vector<16xf32>
          %get3A_131 = arith.index_cast %scan3A_114 : i32 to index
          %get3A_132 = arith.constant 16 : index
          %get3A_133 = tpu.vector_load %arg10[%get3A_131, %get3A_132] {strides = array<i32>} : memref<40x512xf32, #tpu.memory_space<vmem>>, vector<1x16xf32>,
          %get3A_134 = vector.shape_cast %get3A_133 : vector<1x16xf32> to vector<16xf32>
          %add3A_135 = arith.addf %get3A_130, %get3A_134 : vector<16xf32>
          %swap3A_136 = arith.index_cast %scan3A_114 : i32 to index
          %swap3A_137 = arith.constant 16 : index
          %swap3A_138 = tpu.vector_load %arg9[%swap3A_136, %swap3A_137] {strides = array<i32>} : memref<40x640xf32, #tpu.memory_space<vmem>>, vector<1x16xf32>,
          %swap3A_139 = vector.shape_cast %swap3A_138 : vector<1x16xf32> to vector<16xf32>
          %swap3A_140 = vector.shape_cast %add3A_135 : vector<16xf32> to vector<1x16xf32>
          tpu.vector_store %arg9[%swap3A_136, %swap3A_137], %swap3A_140 {strides = array<i32>} : memref<40x640xf32, #tpu.memory_space<vmem>>, vector<1x16xf32>,
          %get3A_141 = arith.index_cast %scan3A_114 : i32 to index
          %get3A_142 = arith.constant 32 : index
          %get3A_143 = tpu.vector_load %arg9[%get3A_141, %get3A_142] {strides = array<i32>} : memref<40x640xf32, #tpu.memory_space<vmem>>, vector<1x16xf32>,
          %get3A_144 = vector.shape_cast %get3A_143 : vector<1x16xf32> to vector<16xf32>
          %get3A_145 = arith.index_cast %scan3A_114 : i32 to index
          %get3A_146 = arith.constant 32 : index
          %get3A_147 = tpu.vector_load %arg10[%get3A_145, %get3A_146] {strides = array<i32>} : memref<40x512xf32, #tpu.memory_space<vmem>>, vector<1x16xf32>,
          %get3A_148 = vector.shape_cast %get3A_147 : vector<1x16xf32> to vector<16xf32>
          %add3A_149 = arith.addf %get3A_144, %get3A_148 : vector<16xf32>
          %swap3A_150 = arith.index_cast %scan3A_114 : i32 to index
          %swap3A_151 = arith.constant 32 : index
          %swap3A_152 = tpu.vector_load %arg9[%swap3A_150, %swap3A_151] {strides = array<i32>} : memref<40x640xf32, #tpu.memory_space<vmem>>, vector<1x16xf32>,
          %swap3A_153 = vector.shape_cast %swap3A_152 : vector<1x16xf32> to vector<16xf32>
          %swap3A_154 = vector.shape_cast %add3A_149 : vector<16xf32> to vector<1x16xf32>
          tpu.vector_store %arg9[%swap3A_150, %swap3A_151], %swap3A_154 {strides = array<i32>} : memref<40x640xf32, #tpu.memory_space<vmem>>, vector<1x16xf32>,
          %get3A_155 = arith.index_cast %scan3A_114 : i32 to index
          %get3A_156 = arith.constant 48 : index
          %get3A_157 = tpu.vector_load %arg9[%get3A_155, %get3A_156] {strides = array<i32>} : memref<40x640xf32, #tpu.memory_space<vmem>>, vector<1x16xf32>,
          %get3A_158 = vector.shape_cast %get3A_157 : vector<1x16xf32> to vector<16xf32>
          %get3A_159 = arith.index_cast %scan3A_114 : i32 to index
          %get3A_160 = arith.constant 48 : index
          %get3A_161 = tpu.vector_load %arg10[%get3A_159, %get3A_160] {strides = array<i32>} : memref<40x512xf32, #tpu.memory_space<vmem>>, vector<1x16xf32>,
          %get3A_162 = vector.shape_cast %get3A_161 : vector<1x16xf32> to vector<16xf32>
          %add3A_163 = arith.addf %get3A_158, %get3A_162 : vector<16xf32>
          %swap3A_164 = arith.index_cast %scan3A_114 : i32 to index
          %swap3A_165 = arith.constant 48 : index
          %swap3A_166 = tpu.vector_load %arg9[%swap3A_164, %swap3A_165] {strides = array<i32>} : memref<40x640xf32, #tpu.memory_space<vmem>>, vector<1x16xf32>,
          %swap3A_167 = vector.shape_cast %swap3A_166 : vector<1x16xf32> to vector<16xf32>
          %swap3A_168 = vector.shape_cast %add3A_163 : vector<16xf32> to vector<1x16xf32>
          tpu.vector_store %arg9[%swap3A_164, %swap3A_165], %swap3A_168 {strides = array<i32>} : memref<40x640xf32, #tpu.memory_space<vmem>>, vector<1x16xf32>,
          %get3A_169 = arith.index_cast %scan3A_114 : i32 to index
          %get3A_170 = arith.constant 64 : index
          %get3A_171 = tpu.vector_load %arg9[%get3A_169, %get3A_170] {strides = array<i32>} : memref<40x640xf32, #tpu.memory_space<vmem>>, vector<1x16xf32>,
          %get3A_172 = vector.shape_cast %get3A_171 : vector<1x16xf32> to vector<16xf32>
          %get3A_173 = arith.index_cast %scan3A_114 : i32 to index
          %get3A_174 = arith.constant 64 : index
          %get3A_175 = tpu.vector_load %arg10[%get3A_173, %get3A_174] {strides = array<i32>} : memref<40x512xf32, #tpu.memory_space<vmem>>, vector<1x16xf32>,
          %get3A_176 = vector.shape_cast %get3A_175 : vector<1x16xf32> to vector<16xf32>
          %add3A_177 = arith.addf %get3A_172, %get3A_176 : vector<16xf32>
          %swap3A_178 = arith.index_cast %scan3A_114 : i32 to index
          %swap3A_179 = arith.constant 64 : index
          %swap3A_180 = tpu.vector_load %arg9[%swap3A_178, %swap3A_179] {strides = array<i32>} : memref<40x640xf32, #tpu.memory_space<vmem>>, vector<1x16xf32>,
          %swap3A_181 = vector.shape_cast %swap3A_180 : vector<1x16xf32> to vector<16xf32>
          %swap3A_182 = vector.shape_cast %add3A_177 : vector<16xf32> to vector<1x16xf32>
          tpu.vector_store %arg9[%swap3A_178, %swap3A_179], %swap3A_182 {strides = array<i32>} : memref<40x640xf32, #tpu.memory_space<vmem>>, vector<1x16xf32>,
          %get3A_183 = arith.index_cast %scan3A_114 : i32 to index
          %get3A_184 = arith.constant 80 : index
          %get3A_185 = tpu.vector_load %arg9[%get3A_183, %get3A_184] {strides = array<i32>} : memref<40x640xf32, #tpu.memory_space<vmem>>, vector<1x16xf32>,
          %get3A_186 = vector.shape_cast %get3A_185 : vector<1x16xf32> to vector<16xf32>
          %get3A_187 = arith.index_cast %scan3A_114 : i32 to index
          %get3A_188 = arith.constant 80 : index
          %get3A_189 = tpu.vector_load %arg10[%get3A_187, %get3A_188] {strides = array<i32>} : memref<40x512xf32, #tpu.memory_space<vmem>>, vector<1x16xf32>,
          %get3A_190 = vector.shape_cast %get3A_189 : vector<1x16xf32> to vector<16xf32>
          %add3A_191 = arith.addf %get3A_186, %get3A_190 : vector<16xf32>
          %swap3A_192 = arith.index_cast %scan3A_114 : i32 to index
          %swap3A_193 = arith.constant 80 : index
          %swap3A_194 = tpu.vector_load %arg9[%swap3A_192, %swap3A_193] {strides = array<i32>} : memref<40x640xf32, #tpu.memory_space<vmem>>, vector<1x16xf32>,
          %swap3A_195 = vector.shape_cast %swap3A_194 : vector<1x16xf32> to vector<16xf32>
          %swap3A_196 = vector.shape_cast %add3A_191 : vector<16xf32> to vector<1x16xf32>
          tpu.vector_store %arg9[%swap3A_192, %swap3A_193], %swap3A_196 {strides = array<i32>} : memref<40x640xf32, #tpu.memory_space<vmem>>, vector<1x16xf32>,
          %get3A_197 = arith.index_cast %scan3A_114 : i32 to index
          %get3A_198 = arith.constant 96 : index
          %get3A_199 = tpu.vector_load %arg9[%get3A_197, %get3A_198] {strides = array<i32>} : memref<40x640xf32, #tpu.memory_space<vmem>>, vector<1x16xf32>,
          %get3A_200 = vector.shape_cast %get3A_199 : vector<1x16xf32> to vector<16xf32>
          %get3A_201 = arith.index_cast %scan3A_114 : i32 to index
          %get3A_202 = arith.constant 96 : index
          %get3A_203 = tpu.vector_load %arg10[%get3A_201, %get3A_202] {strides = array<i32>} : memref<40x512xf32, #tpu.memory_space<vmem>>, vector<1x16xf32>,
          %get3A_204 = vector.shape_cast %get3A_203 : vector<1x16xf32> to vector<16xf32>
          %add3A_205 = arith.addf %get3A_200, %get3A_204 : vector<16xf32>
          %swap3A_206 = arith.index_cast %scan3A_114 : i32 to index
          %swap3A_207 = arith.constant 96 : index
          %swap3A_208 = tpu.vector_load %arg9[%swap3A_206, %swap3A_207] {strides = array<i32>} : memref<40x640xf32, #tpu.memory_space<vmem>>, vector<1x16xf32>,
          %swap3A_209 = vector.shape_cast %swap3A_208 : vector<1x16xf32> to vector<16xf32>
          %swap3A_210 = vector.shape_cast %add3A_205 : vector<16xf32> to vector<1x16xf32>
          tpu.vector_store %arg9[%swap3A_206, %swap3A_207], %swap3A_210 {strides = array<i32>} : memref<40x640xf32, #tpu.memory_space<vmem>>, vector<1x16xf32>,
          %get3A_211 = arith.index_cast %scan3A_114 : i32 to index
          %get3A_212 = arith.constant 112 : index
          %get3A_213 = tpu.vector_load %arg9[%get3A_211, %get3A_212] {strides = array<i32>} : memref<40x640xf32, #tpu.memory_space<vmem>>, vector<1x16xf32>,
          %get3A_214 = vector.shape_cast %get3A_213 : vector<1x16xf32> to vector<16xf32>
          %get3A_215 = arith.index_cast %scan3A_114 : i32 to index
          %get3A_216 = arith.constant 112 : index
          %get3A_217 = tpu.vector_load %arg10[%get3A_215, %get3A_216] {strides = array<i32>} : memref<40x512xf32, #tpu.memory_space<vmem>>, vector<1x16xf32>,
          %get3A_218 = vector.shape_cast %get3A_217 : vector<1x16xf32> to vector<16xf32>
          %add3A_219 = arith.addf %get3A_214, %get3A_218 : vector<16xf32>
          %swap3A_220 = arith.index_cast %scan3A_114 : i32 to index
          %swap3A_221 = arith.constant 112 : index
          %swap3A_222 = tpu.vector_load %arg9[%swap3A_220, %swap3A_221] {strides = array<i32>} : memref<40x640xf32, #tpu.memory_space<vmem>>, vector<1x16xf32>,
          %swap3A_223 = vector.shape_cast %swap3A_222 : vector<1x16xf32> to vector<16xf32>
          %swap3A_224 = vector.shape_cast %add3A_219 : vector<16xf32> to vector<1x16xf32>
          tpu.vector_store %arg9[%swap3A_220, %swap3A_221], %swap3A_224 {strides = array<i32>} : memref<40x640xf32, #tpu.memory_space<vmem>>, vector<1x16xf32>,
          %get3A_225 = arith.index_cast %scan3A_114 : i32 to index
          %get3A_226 = arith.constant 128 : index
          %get3A_227 = tpu.vector_load %arg9[%get3A_225, %get3A_226] {strides = array<i32>} : memref<40x640xf32, #tpu.memory_space<vmem>>, vector<1x16xf32>,
          %get3A_228 = vector.shape_cast %get3A_227 : vector<1x16xf32> to vector<16xf32>
          %get3A_229 = arith.index_cast %scan3A_114 : i32 to index
          %get3A_230 = arith.constant 128 : index
          %get3A_231 = tpu.vector_load %arg10[%get3A_229, %get3A_230] {strides = array<i32>} : memref<40x512xf32, #tpu.memory_space<vmem>>, vector<1x16xf32>,
          %get3A_232 = vector.shape_cast %get3A_231 : vector<1x16xf32> to vector<16xf32>
          %add3A_233 = arith.addf %get3A_228, %get3A_232 : vector<16xf32>
          %swap3A_234 = arith.index_cast %scan3A_114 : i32 to index
          %swap3A_235 = arith.constant 128 : index
          %swap3A_236 = tpu.vector_load %arg9[%swap3A_234, %swap3A_235] {strides = array<i32>} : memref<40x640xf32, #tpu.memory_space<vmem>>, vector<1x16xf32>,
          %swap3A_237 = vector.shape_cast %swap3A_236 : vector<1x16xf32> to vector<16xf32>
          %swap3A_238 = vector.shape_cast %add3A_233 : vector<16xf32> to vector<1x16xf32>
          tpu.vector_store %arg9[%swap3A_234, %swap3A_235], %swap3A_238 {strides = array<i32>} : memref<40x640xf32, #tpu.memory_space<vmem>>, vector<1x16xf32>,
          %get3A_239 = arith.index_cast %scan3A_114 : i32 to index
          %get3A_240 = arith.constant 144 : index
          %get3A_241 = tpu.vector_load %arg9[%get3A_239, %get3A_240] {strides = array<i32>} : memref<40x640xf32, #tpu.memory_space<vmem>>, vector<1x16xf32>,
          %get3A_242 = vector.shape_cast %get3A_241 : vector<1x16xf32> to vector<16xf32>
          %get3A_243 = arith.index_cast %scan3A_114 : i32 to index
          %get3A_244 = arith.constant 144 : index
          %get3A_245 = tpu.vector_load %arg10[%get3A_243, %get3A_244] {strides = array<i32>} : memref<40x512xf32, #tpu.memory_space<vmem>>, vector<1x16xf32>,
          %get3A_246 = vector.shape_cast %get3A_245 : vector<1x16xf32> to vector<16xf32>
          %add3A_247 = arith.addf %get3A_242, %get3A_246 : vector<16xf32>
          %swap3A_248 = arith.index_cast %scan3A_114 : i32 to index
          %swap3A_249 = arith.constant 144 : index
          %swap3A_250 = tpu.vector_load %arg9[%swap3A_248, %swap3A_249] {strides = array<i32>} : memref<40x640xf32, #tpu.memory_space<vmem>>, vector<1x16xf32>,
          %swap3A_251 = vector.shape_cast %swap3A_250 : vector<1x16xf32> to vector<16xf32>
          %swap3A_252 = vector.shape_cast %add3A_247 : vector<16xf32> to vector<1x16xf32>
          tpu.vector_store %arg9[%swap3A_248, %swap3A_249], %swap3A_252 {strides = array<i32>} : memref<40x640xf32, #tpu.memory_space<vmem>>, vector<1x16xf32>,
          %get3A_253 = arith.index_cast %scan3A_114 : i32 to index
          %get3A_254 = arith.constant 160 : index
          %get3A_255 = tpu.vector_load %arg9[%get3A_253, %get3A_254] {strides = array<i32>} : memref<40x640xf32, #tpu.memory_space<vmem>>, vector<1x16xf32>,
          %get3A_256 = vector.shape_cast %get3A_255 : vector<1x16xf32> to vector<16xf32>
          %get3A_257 = arith.index_cast %scan3A_114 : i32 to index
          %get3A_258 = arith.constant 160 : index
          %get3A_259 = tpu.vector_load %arg10[%get3A_257, %get3A_258] {strides = array<i32>} : memref<40x512xf32, #tpu.memory_space<vmem>>, vector<1x16xf32>,
          %get3A_260 = vector.shape_cast %get3A_259 : vector<1x16xf32> to vector<16xf32>
          %add3A_261 = arith.addf %get3A_256, %get3A_260 : vector<16xf32>
          %swap3A_262 = arith.index_cast %scan3A_114 : i32 to index
          %swap3A_263 = arith.constant 160 : index
          %swap3A_264 = tpu.vector_load %arg9[%swap3A_262, %swap3A_263] {strides = array<i32>} : memref<40x640xf32, #tpu.memory_space<vmem>>, vector<1x16xf32>,
          %swap3A_265 = vector.shape_cast %swap3A_264 : vector<1x16xf32> to vector<16xf32>
          %swap3A_266 = vector.shape_cast %add3A_261 : vector<16xf32> to vector<1x16xf32>
          tpu.vector_store %arg9[%swap3A_262, %swap3A_263], %swap3A_266 {strides = array<i32>} : memref<40x640xf32, #tpu.memory_space<vmem>>, vector<1x16xf32>,
          %get3A_267 = arith.index_cast %scan3A_114 : i32 to index
          %get3A_268 = arith.constant 176 : index
          %get3A_269 = tpu.vector_load %arg9[%get3A_267, %get3A_268] {strides = array<i32>} : memref<40x640xf32, #tpu.memory_space<vmem>>, vector<1x16xf32>,
          %get3A_270 = vector.shape_cast %get3A_269 : vector<1x16xf32> to vector<16xf32>
          %get3A_271 = arith.index_cast %scan3A_114 : i32 to index
          %get3A_272 = arith.constant 176 : index
          %get3A_273 = tpu.vector_load %arg10[%get3A_271, %get3A_272] {strides = array<i32>} : memref<40x512xf32, #tpu.memory_space<vmem>>, vector<1x16xf32>,
          %get3A_274 = vector.shape_cast %get3A_273 : vector<1x16xf32> to vector<16xf32>
          %add3A_275 = arith.addf %get3A_270, %get3A_274 : vector<16xf32>
          %swap3A_276 = arith.index_cast %scan3A_114 : i32 to index
          %swap3A_277 = arith.constant 176 : index
          %swap3A_278 = tpu.vector_load %arg9[%swap3A_276, %swap3A_277] {strides = array<i32>} : memref<40x640xf32, #tpu.memory_space<vmem>>, vector<1x16xf32>,
          %swap3A_279 = vector.shape_cast %swap3A_278 : vector<1x16xf32> to vector<16xf32>
          %swap3A_280 = vector.shape_cast %add3A_275 : vector<16xf32> to vector<1x16xf32>
          tpu.vector_store %arg9[%swap3A_276, %swap3A_277], %swap3A_280 {strides = array<i32>} : memref<40x640xf32, #tpu.memory_space<vmem>>, vector<1x16xf32>,
          %get3A_281 = arith.index_cast %scan3A_114 : i32 to index
          %get3A_282 = arith.constant 192 : index
          %get3A_283 = tpu.vector_load %arg9[%get3A_281, %get3A_282] {strides = array<i32>} : memref<40x640xf32, #tpu.memory_space<vmem>>, vector<1x16xf32>,
          %get3A_284 = vector.shape_cast %get3A_283 : vector<1x16xf32> to vector<16xf32>
          %get3A_285 = arith.index_cast %scan3A_114 : i32 to index
          %get3A_286 = arith.constant 192 : index
          %get3A_287 = tpu.vector_load %arg10[%get3A_285, %get3A_286] {strides = array<i32>} : memref<40x512xf32, #tpu.memory_space<vmem>>, vector<1x16xf32>,
          %get3A_288 = vector.shape_cast %get3A_287 : vector<1x16xf32> to vector<16xf32>
          %add3A_289 = arith.addf %get3A_284, %get3A_288 : vector<16xf32>
          %swap3A_290 = arith.index_cast %scan3A_114 : i32 to index
          %swap3A_291 = arith.constant 192 : index
          %swap3A_292 = tpu.vector_load %arg9[%swap3A_290, %swap3A_291] {strides = array<i32>} : memref<40x640xf32, #tpu.memory_space<vmem>>, vector<1x16xf32>,
          %swap3A_293 = vector.shape_cast %swap3A_292 : vector<1x16xf32> to vector<16xf32>
          %swap3A_294 = vector.shape_cast %add3A_289 : vector<16xf32> to vector<1x16xf32>
          tpu.vector_store %arg9[%swap3A_290, %swap3A_291], %swap3A_294 {strides = array<i32>} : memref<40x640xf32, #tpu.memory_space<vmem>>, vector<1x16xf32>,
          %get3A_295 = arith.index_cast %scan3A_114 : i32 to index
          %get3A_296 = arith.constant 208 : index
          %get3A_297 = tpu.vector_load %arg9[%get3A_295, %get3A_296] {strides = array<i32>} : memref<40x640xf32, #tpu.memory_space<vmem>>, vector<1x16xf32>,
          %get3A_298 = vector.shape_cast %get3A_297 : vector<1x16xf32> to vector<16xf32>
          %get3A_299 = arith.index_cast %scan3A_114 : i32 to index
          %get3A_300 = arith.constant 208 : index
          %get3A_301 = tpu.vector_load %arg10[%get3A_299, %get3A_300] {strides = array<i32>} : memref<40x512xf32, #tpu.memory_space<vmem>>, vector<1x16xf32>,
          %get3A_302 = vector.shape_cast %get3A_301 : vector<1x16xf32> to vector<16xf32>
          %add3A_303 = arith.addf %get3A_298, %get3A_302 : vector<16xf32>
          %swap3A_304 = arith.index_cast %scan3A_114 : i32 to index
          %swap3A_305 = arith.constant 208 : index
          %swap3A_306 = tpu.vector_load %arg9[%swap3A_304, %swap3A_305] {strides = array<i32>} : memref<40x640xf32, #tpu.memory_space<vmem>>, vector<1x16xf32>,
          %swap3A_307 = vector.shape_cast %swap3A_306 : vector<1x16xf32> to vector<16xf32>
          %swap3A_308 = vector.shape_cast %add3A_303 : vector<16xf32> to vector<1x16xf32>
          tpu.vector_store %arg9[%swap3A_304, %swap3A_305], %swap3A_308 {strides = array<i32>} : memref<40x640xf32, #tpu.memory_space<vmem>>, vector<1x16xf32>,
          %get3A_309 = arith.index_cast %scan3A_114 : i32 to index
          %get3A_310 = arith.constant 224 : index
          %get3A_311 = tpu.vector_load %arg9[%get3A_309, %get3A_310] {strides = array<i32>} : memref<40x640xf32, #tpu.memory_space<vmem>>, vector<1x16xf32>,
          %get3A_312 = vector.shape_cast %get3A_311 : vector<1x16xf32> to vector<16xf32>
          %get3A_313 = arith.index_cast %scan3A_114 : i32 to index
          %get3A_314 = arith.constant 224 : index
          %get3A_315 = tpu.vector_load %arg10[%get3A_313, %get3A_314] {strides = array<i32>} : memref<40x512xf32, #tpu.memory_space<vmem>>, vector<1x16xf32>,
          %get3A_316 = vector.shape_cast %get3A_315 : vector<1x16xf32> to vector<16xf32>
          %add3A_317 = arith.addf %get3A_312, %get3A_316 : vector<16xf32>
          %swap3A_318 = arith.index_cast %scan3A_114 : i32 to index
          %swap3A_319 = arith.constant 224 : index
          %swap3A_320 = tpu.vector_load %arg9[%swap3A_318, %swap3A_319] {strides = array<i32>} : memref<40x640xf32, #tpu.memory_space<vmem>>, vector<1x16xf32>,
          %swap3A_321 = vector.shape_cast %swap3A_320 : vector<1x16xf32> to vector<16xf32>
          %swap3A_322 = vector.shape_cast %add3A_317 : vector<16xf32> to vector<1x16xf32>
          tpu.vector_store %arg9[%swap3A_318, %swap3A_319], %swap3A_322 {strides = array<i32>} : memref<40x640xf32, #tpu.memory_space<vmem>>, vector<1x16xf32>,
          %get3A_323 = arith.index_cast %scan3A_114 : i32 to index
          %get3A_324 = arith.constant 240 : index
          %get3A_325 = tpu.vector_load %arg9[%get3A_323, %get3A_324] {strides = array<i32>} : memref<40x640xf32, #tpu.memory_space<vmem>>, vector<1x16xf32>,
          %get3A_326 = vector.shape_cast %get3A_325 : vector<1x16xf32> to vector<16xf32>
          %get3A_327 = arith.index_cast %scan3A_114 : i32 to index
          %get3A_328 = arith.constant 240 : index
          %get3A_329 = tpu.vector_load %arg10[%get3A_327, %get3A_328] {strides = array<i32>} : memref<40x512xf32, #tpu.memory_space<vmem>>, vector<1x16xf32>,
          %get3A_330 = vector.shape_cast %get3A_329 : vector<1x16xf32> to vector<16xf32>
          %add3A_331 = arith.addf %get3A_326, %get3A_330 : vector<16xf32>
          %swap3A_332 = arith.index_cast %scan3A_114 : i32 to index
          %swap3A_333 = arith.constant 240 : index
          %swap3A_334 = tpu.vector_load %arg9[%swap3A_332, %swap3A_333] {strides = array<i32>} : memref<40x640xf32, #tpu.memory_space<vmem>>, vector<1x16xf32>,
          %swap3A_335 = vector.shape_cast %swap3A_334 : vector<1x16xf32> to vector<16xf32>
          %swap3A_336 = vector.shape_cast %add3A_331 : vector<16xf32> to vector<1x16xf32>
          tpu.vector_store %arg9[%swap3A_332, %swap3A_333], %swap3A_336 {strides = array<i32>} : memref<40x640xf32, #tpu.memory_space<vmem>>, vector<1x16xf32>,
          %get3A_337 = arith.index_cast %scan3A_114 : i32 to index
          %get3A_338 = arith.constant 256 : index
          %get3A_339 = tpu.vector_load %arg9[%get3A_337, %get3A_338] {strides = array<i32>} : memref<40x640xf32, #tpu.memory_space<vmem>>, vector<1x16xf32>,
          %get3A_340 = vector.shape_cast %get3A_339 : vector<1x16xf32> to vector<16xf32>
          %get3A_341 = arith.index_cast %scan3A_114 : i32 to index
          %get3A_342 = arith.constant 256 : index
          %get3A_343 = tpu.vector_load %arg10[%get3A_341, %get3A_342] {strides = array<i32>} : memref<40x512xf32, #tpu.memory_space<vmem>>, vector<1x16xf32>,
          %get3A_344 = vector.shape_cast %get3A_343 : vector<1x16xf32> to vector<16xf32>
          %add3A_345 = arith.addf %get3A_340, %get3A_344 : vector<16xf32>
          %swap3A_346 = arith.index_cast %scan3A_114 : i32 to index
          %swap3A_347 = arith.constant 256 : index
          %swap3A_348 = tpu.vector_load %arg9[%swap3A_346, %swap3A_347] {strides = array<i32>} : memref<40x640xf32, #tpu.memory_space<vmem>>, vector<1x16xf32>,
          %swap3A_349 = vector.shape_cast %swap3A_348 : vector<1x16xf32> to vector<16xf32>
          %swap3A_350 = vector.shape_cast %add3A_345 : vector<16xf32> to vector<1x16xf32>
          tpu.vector_store %arg9[%swap3A_346, %swap3A_347], %swap3A_350 {strides = array<i32>} : memref<40x640xf32, #tpu.memory_space<vmem>>, vector<1x16xf32>,
          %get3A_351 = arith.index_cast %scan3A_114 : i32 to index
          %get3A_352 = arith.constant 272 : index
          %get3A_353 = tpu.vector_load %arg9[%get3A_351, %get3A_352] {strides = array<i32>} : memref<40x640xf32, #tpu.memory_space<vmem>>, vector<1x16xf32>,
          %get3A_354 = vector.shape_cast %get3A_353 : vector<1x16xf32> to vector<16xf32>
          %get3A_355 = arith.index_cast %scan3A_114 : i32 to index
          %get3A_356 = arith.constant 272 : index
          %get3A_357 = tpu.vector_load %arg10[%get3A_355, %get3A_356] {strides = array<i32>} : memref<40x512xf32, #tpu.memory_space<vmem>>, vector<1x16xf32>,
          %get3A_358 = vector.shape_cast %get3A_357 : vector<1x16xf32> to vector<16xf32>
          %add3A_359 = arith.addf %get3A_354, %get3A_358 : vector<16xf32>
          %swap3A_360 = arith.index_cast %scan3A_114 : i32 to index
          %swap3A_361 = arith.constant 272 : index
          %swap3A_362 = tpu.vector_load %arg9[%swap3A_360, %swap3A_361] {strides = array<i32>} : memref<40x640xf32, #tpu.memory_space<vmem>>, vector<1x16xf32>,
          %swap3A_363 = vector.shape_cast %swap3A_362 : vector<1x16xf32> to vector<16xf32>
          %swap3A_364 = vector.shape_cast %add3A_359 : vector<16xf32> to vector<1x16xf32>
          tpu.vector_store %arg9[%swap3A_360, %swap3A_361], %swap3A_364 {strides = array<i32>} : memref<40x640xf32, #tpu.memory_space<vmem>>, vector<1x16xf32>,
          %get3A_365 = arith.index_cast %scan3A_114 : i32 to index
          %get3A_366 = arith.constant 288 : index
          %get3A_367 = tpu.vector_load %arg9[%get3A_365, %get3A_366] {strides = array<i32>} : memref<40x640xf32, #tpu.memory_space<vmem>>, vector<1x16xf32>,
          %get3A_368 = vector.shape_cast %get3A_367 : vector<1x16xf32> to vector<16xf32>
          %get3A_369 = arith.index_cast %scan3A_114 : i32 to index
          %get3A_370 = arith.constant 288 : index
          %get3A_371 = tpu.vector_load %arg10[%get3A_369, %get3A_370] {strides = array<i32>} : memref<40x512xf32, #tpu.memory_space<vmem>>, vector<1x16xf32>,
          %get3A_372 = vector.shape_cast %get3A_371 : vector<1x16xf32> to vector<16xf32>
          %add3A_373 = arith.addf %get3A_368, %get3A_372 : vector<16xf32>
          %swap3A_374 = arith.index_cast %scan3A_114 : i32 to index
          %swap3A_375 = arith.constant 288 : index
          %swap3A_376 = tpu.vector_load %arg9[%swap3A_374, %swap3A_375] {strides = array<i32>} : memref<40x640xf32, #tpu.memory_space<vmem>>, vector<1x16xf32>,
          %swap3A_377 = vector.shape_cast %swap3A_376 : vector<1x16xf32> to vector<16xf32>
          %swap3A_378 = vector.shape_cast %add3A_373 : vector<16xf32> to vector<1x16xf32>
          tpu.vector_store %arg9[%swap3A_374, %swap3A_375], %swap3A_378 {strides = array<i32>} : memref<40x640xf32, #tpu.memory_space<vmem>>, vector<1x16xf32>,
          %get3A_379 = arith.index_cast %scan3A_114 : i32 to index
          %get3A_380 = arith.constant 304 : index
          %get3A_381 = tpu.vector_load %arg9[%get3A_379, %get3A_380] {strides = array<i32>} : memref<40x640xf32, #tpu.memory_space<vmem>>, vector<1x16xf32>,
          %get3A_382 = vector.shape_cast %get3A_381 : vector<1x16xf32> to vector<16xf32>
          %get3A_383 = arith.index_cast %scan3A_114 : i32 to index
          %get3A_384 = arith.constant 304 : index
          %get3A_385 = tpu.vector_load %arg10[%get3A_383, %get3A_384] {strides = array<i32>} : memref<40x512xf32, #tpu.memory_space<vmem>>, vector<1x16xf32>,
          %get3A_386 = vector.shape_cast %get3A_385 : vector<1x16xf32> to vector<16xf32>
          %add3A_387 = arith.addf %get3A_382, %get3A_386 : vector<16xf32>
          %swap3A_388 = arith.index_cast %scan3A_114 : i32 to index
          %swap3A_389 = arith.constant 304 : index
          %swap3A_390 = tpu.vector_load %arg9[%swap3A_388, %swap3A_389] {strides = array<i32>} : memref<40x640xf32, #tpu.memory_space<vmem>>, vector<1x16xf32>,
          %swap3A_391 = vector.shape_cast %swap3A_390 : vector<1x16xf32> to vector<16xf32>
          %swap3A_392 = vector.shape_cast %add3A_387 : vector<16xf32> to vector<1x16xf32>
          tpu.vector_store %arg9[%swap3A_388, %swap3A_389], %swap3A_392 {strides = array<i32>} : memref<40x640xf32, #tpu.memory_space<vmem>>, vector<1x16xf32>,
          %get3A_393 = arith.index_cast %scan3A_114 : i32 to index
          %get3A_394 = arith.constant 320 : index
          %get3A_395 = tpu.vector_load %arg9[%get3A_393, %get3A_394] {strides = array<i32>} : memref<40x640xf32, #tpu.memory_space<vmem>>, vector<1x16xf32>,
          %get3A_396 = vector.shape_cast %get3A_395 : vector<1x16xf32> to vector<16xf32>
          %get3A_397 = arith.index_cast %scan3A_114 : i32 to index
          %get3A_398 = arith.constant 320 : index
          %get3A_399 = tpu.vector_load %arg10[%get3A_397, %get3A_398] {strides = array<i32>} : memref<40x512xf32, #tpu.memory_space<vmem>>, vector<1x16xf32>,
          %get3A_400 = vector.shape_cast %get3A_399 : vector<1x16xf32> to vector<16xf32>
          %add3A_401 = arith.addf %get3A_396, %get3A_400 : vector<16xf32>
          %swap3A_402 = arith.index_cast %scan3A_114 : i32 to index
          %swap3A_403 = arith.constant 320 : index
          %swap3A_404 = tpu.vector_load %arg9[%swap3A_402, %swap3A_403] {strides = array<i32>} : memref<40x640xf32, #tpu.memory_space<vmem>>, vector<1x16xf32>,
          %swap3A_405 = vector.shape_cast %swap3A_404 : vector<1x16xf32> to vector<16xf32>
          %swap3A_406 = vector.shape_cast %add3A_401 : vector<16xf32> to vector<1x16xf32>
          tpu.vector_store %arg9[%swap3A_402, %swap3A_403], %swap3A_406 {strides = array<i32>} : memref<40x640xf32, #tpu.memory_space<vmem>>, vector<1x16xf32>,
          %get3A_407 = arith.index_cast %scan3A_114 : i32 to index
          %get3A_408 = arith.constant 336 : index
          %get3A_409 = tpu.vector_load %arg9[%get3A_407, %get3A_408] {strides = array<i32>} : memref<40x640xf32, #tpu.memory_space<vmem>>, vector<1x16xf32>,
          %get3A_410 = vector.shape_cast %get3A_409 : vector<1x16xf32> to vector<16xf32>
          %get3A_411 = arith.index_cast %scan3A_114 : i32 to index
          %get3A_412 = arith.constant 336 : index
          %get3A_413 = tpu.vector_load %arg10[%get3A_411, %get3A_412] {strides = array<i32>} : memref<40x512xf32, #tpu.memory_space<vmem>>, vector<1x16xf32>,
          %get3A_414 = vector.shape_cast %get3A_413 : vector<1x16xf32> to vector<16xf32>
          %add3A_415 = arith.addf %get3A_410, %get3A_414 : vector<16xf32>
          %swap3A_416 = arith.index_cast %scan3A_114 : i32 to index
          %swap3A_417 = arith.constant 336 : index
          %swap3A_418 = tpu.vector_load %arg9[%swap3A_416, %swap3A_417] {strides = array<i32>} : memref<40x640xf32, #tpu.memory_space<vmem>>, vector<1x16xf32>,
          %swap3A_419 = vector.shape_cast %swap3A_418 : vector<1x16xf32> to vector<16xf32>
          %swap3A_420 = vector.shape_cast %add3A_415 : vector<16xf32> to vector<1x16xf32>
          tpu.vector_store %arg9[%swap3A_416, %swap3A_417], %swap3A_420 {strides = array<i32>} : memref<40x640xf32, #tpu.memory_space<vmem>>, vector<1x16xf32>,
          %get3A_421 = arith.index_cast %scan3A_114 : i32 to index
          %get3A_422 = arith.constant 352 : index
          %get3A_423 = tpu.vector_load %arg9[%get3A_421, %get3A_422] {strides = array<i32>} : memref<40x640xf32, #tpu.memory_space<vmem>>, vector<1x16xf32>,
          %get3A_424 = vector.shape_cast %get3A_423 : vector<1x16xf32> to vector<16xf32>
          %get3A_425 = arith.index_cast %scan3A_114 : i32 to index
          %get3A_426 = arith.constant 352 : index
          %get3A_427 = tpu.vector_load %arg10[%get3A_425, %get3A_426] {strides = array<i32>} : memref<40x512xf32, #tpu.memory_space<vmem>>, vector<1x16xf32>,
          %get3A_428 = vector.shape_cast %get3A_427 : vector<1x16xf32> to vector<16xf32>
          %add3A_429 = arith.addf %get3A_424, %get3A_428 : vector<16xf32>
          %swap3A_430 = arith.index_cast %scan3A_114 : i32 to index
          %swap3A_431 = arith.constant 352 : index
          %swap3A_432 = tpu.vector_load %arg9[%swap3A_430, %swap3A_431] {strides = array<i32>} : memref<40x640xf32, #tpu.memory_space<vmem>>, vector<1x16xf32>,
          %swap3A_433 = vector.shape_cast %swap3A_432 : vector<1x16xf32> to vector<16xf32>
          %swap3A_434 = vector.shape_cast %add3A_429 : vector<16xf32> to vector<1x16xf32>
          tpu.vector_store %arg9[%swap3A_430, %swap3A_431], %swap3A_434 {strides = array<i32>} : memref<40x640xf32, #tpu.memory_space<vmem>>, vector<1x16xf32>,
          %get3A_435 = arith.index_cast %scan3A_114 : i32 to index
          %get3A_436 = arith.constant 368 : index
          %get3A_437 = tpu.vector_load %arg9[%get3A_435, %get3A_436] {strides = array<i32>} : memref<40x640xf32, #tpu.memory_space<vmem>>, vector<1x16xf32>,
          %get3A_438 = vector.shape_cast %get3A_437 : vector<1x16xf32> to vector<16xf32>
          %get3A_439 = arith.index_cast %scan3A_114 : i32 to index
          %get3A_440 = arith.constant 368 : index
          %get3A_441 = tpu.vector_load %arg10[%get3A_439, %get3A_440] {strides = array<i32>} : memref<40x512xf32, #tpu.memory_space<vmem>>, vector<1x16xf32>,
          %get3A_442 = vector.shape_cast %get3A_441 : vector<1x16xf32> to vector<16xf32>
          %add3A_443 = arith.addf %get3A_438, %get3A_442 : vector<16xf32>
          %swap3A_444 = arith.index_cast %scan3A_114 : i32 to index
          %swap3A_445 = arith.constant 368 : index
          %swap3A_446 = tpu.vector_load %arg9[%swap3A_444, %swap3A_445] {strides = array<i32>} : memref<40x640xf32, #tpu.memory_space<vmem>>, vector<1x16xf32>,
          %swap3A_447 = vector.shape_cast %swap3A_446 : vector<1x16xf32> to vector<16xf32>
          %swap3A_448 = vector.shape_cast %add3A_443 : vector<16xf32> to vector<1x16xf32>
          tpu.vector_store %arg9[%swap3A_444, %swap3A_445], %swap3A_448 {strides = array<i32>} : memref<40x640xf32, #tpu.memory_space<vmem>>, vector<1x16xf32>,
          %get3A_449 = arith.index_cast %scan3A_114 : i32 to index
          %get3A_450 = arith.constant 384 : index
          %get3A_451 = tpu.vector_load %arg9[%get3A_449, %get3A_450] {strides = array<i32>} : memref<40x640xf32, #tpu.memory_space<vmem>>, vector<1x16xf32>,
          %get3A_452 = vector.shape_cast %get3A_451 : vector<1x16xf32> to vector<16xf32>
          %get3A_453 = arith.index_cast %scan3A_114 : i32 to index
          %get3A_454 = arith.constant 384 : index
          %get3A_455 = tpu.vector_load %arg10[%get3A_453, %get3A_454] {strides = array<i32>} : memref<40x512xf32, #tpu.memory_space<vmem>>, vector<1x16xf32>,
          %get3A_456 = vector.shape_cast %get3A_455 : vector<1x16xf32> to vector<16xf32>
          %add3A_457 = arith.addf %get3A_452, %get3A_456 : vector<16xf32>
          %swap3A_458 = arith.index_cast %scan3A_114 : i32 to index
          %swap3A_459 = arith.constant 384 : index
          %swap3A_460 = tpu.vector_load %arg9[%swap3A_458, %swap3A_459] {strides = array<i32>} : memref<40x640xf32, #tpu.memory_space<vmem>>, vector<1x16xf32>,
          %swap3A_461 = vector.shape_cast %swap3A_460 : vector<1x16xf32> to vector<16xf32>
          %swap3A_462 = vector.shape_cast %add3A_457 : vector<16xf32> to vector<1x16xf32>
          tpu.vector_store %arg9[%swap3A_458, %swap3A_459], %swap3A_462 {strides = array<i32>} : memref<40x640xf32, #tpu.memory_space<vmem>>, vector<1x16xf32>,
          %get3A_463 = arith.index_cast %scan3A_114 : i32 to index
          %get3A_464 = arith.constant 400 : index
          %get3A_465 = tpu.vector_load %arg9[%get3A_463, %get3A_464] {strides = array<i32>} : memref<40x640xf32, #tpu.memory_space<vmem>>, vector<1x16xf32>,
          %get3A_466 = vector.shape_cast %get3A_465 : vector<1x16xf32> to vector<16xf32>
          %get3A_467 = arith.index_cast %scan3A_114 : i32 to index
          %get3A_468 = arith.constant 400 : index
          %get3A_469 = tpu.vector_load %arg10[%get3A_467, %get3A_468] {strides = array<i32>} : memref<40x512xf32, #tpu.memory_space<vmem>>, vector<1x16xf32>,
          %get3A_470 = vector.shape_cast %get3A_469 : vector<1x16xf32> to vector<16xf32>
          %add3A_471 = arith.addf %get3A_466, %get3A_470 : vector<16xf32>
          %swap3A_472 = arith.index_cast %scan3A_114 : i32 to index
          %swap3A_473 = arith.constant 400 : index
          %swap3A_474 = tpu.vector_load %arg9[%swap3A_472, %swap3A_473] {strides = array<i32>} : memref<40x640xf32, #tpu.memory_space<vmem>>, vector<1x16xf32>,
          %swap3A_475 = vector.shape_cast %swap3A_474 : vector<1x16xf32> to vector<16xf32>
          %swap3A_476 = vector.shape_cast %add3A_471 : vector<16xf32> to vector<1x16xf32>
          tpu.vector_store %arg9[%swap3A_472, %swap3A_473], %swap3A_476 {strides = array<i32>} : memref<40x640xf32, #tpu.memory_space<vmem>>, vector<1x16xf32>,
          %get3A_477 = arith.index_cast %scan3A_114 : i32 to index
          %get3A_478 = arith.constant 416 : index
          %get3A_479 = tpu.vector_load %arg9[%get3A_477, %get3A_478] {strides = array<i32>} : memref<40x640xf32, #tpu.memory_space<vmem>>, vector<1x16xf32>,
          %get3A_480 = vector.shape_cast %get3A_479 : vector<1x16xf32> to vector<16xf32>
          %get3A_481 = arith.index_cast %scan3A_114 : i32 to index
          %get3A_482 = arith.constant 416 : index
          %get3A_483 = tpu.vector_load %arg10[%get3A_481, %get3A_482] {strides = array<i32>} : memref<40x512xf32, #tpu.memory_space<vmem>>, vector<1x16xf32>,
          %get3A_484 = vector.shape_cast %get3A_483 : vector<1x16xf32> to vector<16xf32>
          %add3A_485 = arith.addf %get3A_480, %get3A_484 : vector<16xf32>
          %swap3A_486 = arith.index_cast %scan3A_114 : i32 to index
          %swap3A_487 = arith.constant 416 : index
          %swap3A_488 = tpu.vector_load %arg9[%swap3A_486, %swap3A_487] {strides = array<i32>} : memref<40x640xf32, #tpu.memory_space<vmem>>, vector<1x16xf32>,
          %swap3A_489 = vector.shape_cast %swap3A_488 : vector<1x16xf32> to vector<16xf32>
          %swap3A_490 = vector.shape_cast %add3A_485 : vector<16xf32> to vector<1x16xf32>
          tpu.vector_store %arg9[%swap3A_486, %swap3A_487], %swap3A_490 {strides = array<i32>} : memref<40x640xf32, #tpu.memory_space<vmem>>, vector<1x16xf32>,
          %get3A_491 = arith.index_cast %scan3A_114 : i32 to index
          %get3A_492 = arith.constant 432 : index
          %get3A_493 = tpu.vector_load %arg9[%get3A_491, %get3A_492] {strides = array<i32>} : memref<40x640xf32, #tpu.memory_space<vmem>>, vector<1x16xf32>,
          %get3A_494 = vector.shape_cast %get3A_493 : vector<1x16xf32> to vector<16xf32>
          %get3A_495 = arith.index_cast %scan3A_114 : i32 to index
          %get3A_496 = arith.constant 432 : index
          %get3A_497 = tpu.vector_load %arg10[%get3A_495, %get3A_496] {strides = array<i32>} : memref<40x512xf32, #tpu.memory_space<vmem>>, vector<1x16xf32>,
          %get3A_498 = vector.shape_cast %get3A_497 : vector<1x16xf32> to vector<16xf32>
          %add3A_499 = arith.addf %get3A_494, %get3A_498 : vector<16xf32>
          %swap3A_500 = arith.index_cast %scan3A_114 : i32 to index
          %swap3A_501 = arith.constant 432 : index
          %swap3A_502 = tpu.vector_load %arg9[%swap3A_500, %swap3A_501] {strides = array<i32>} : memref<40x640xf32, #tpu.memory_space<vmem>>, vector<1x16xf32>,
          %swap3A_503 = vector.shape_cast %swap3A_502 : vector<1x16xf32> to vector<16xf32>
          %swap3A_504 = vector.shape_cast %add3A_499 : vector<16xf32> to vector<1x16xf32>
          tpu.vector_store %arg9[%swap3A_500, %swap3A_501], %swap3A_504 {strides = array<i32>} : memref<40x640xf32, #tpu.memory_space<vmem>>, vector<1x16xf32>,
          %get3A_505 = arith.index_cast %scan3A_114 : i32 to index
          %get3A_506 = arith.constant 448 : index
          %get3A_507 = tpu.vector_load %arg9[%get3A_505, %get3A_506] {strides = array<i32>} : memref<40x640xf32, #tpu.memory_space<vmem>>, vector<1x16xf32>,
          %get3A_508 = vector.shape_cast %get3A_507 : vector<1x16xf32> to vector<16xf32>
          %get3A_509 = arith.index_cast %scan3A_114 : i32 to index
          %get3A_510 = arith.constant 448 : index
          %get3A_511 = tpu.vector_load %arg10[%get3A_509, %get3A_510] {strides = array<i32>} : memref<40x512xf32, #tpu.memory_space<vmem>>, vector<1x16xf32>,
          %get3A_512 = vector.shape_cast %get3A_511 : vector<1x16xf32> to vector<16xf32>
          %add3A_513 = arith.addf %get3A_508, %get3A_512 : vector<16xf32>
          %swap3A_514 = arith.index_cast %scan3A_114 : i32 to index
          %swap3A_515 = arith.constant 448 : index
          %swap3A_516 = tpu.vector_load %arg9[%swap3A_514, %swap3A_515] {strides = array<i32>} : memref<40x640xf32, #tpu.memory_space<vmem>>, vector<1x16xf32>,
          %swap3A_517 = vector.shape_cast %swap3A_516 : vector<1x16xf32> to vector<16xf32>
          %swap3A_518 = vector.shape_cast %add3A_513 : vector<16xf32> to vector<1x16xf32>
          tpu.vector_store %arg9[%swap3A_514, %swap3A_515], %swap3A_518 {strides = array<i32>} : memref<40x640xf32, #tpu.memory_space<vmem>>, vector<1x16xf32>,
          %get3A_519 = arith.index_cast %scan3A_114 : i32 to index
          %get3A_520 = arith.constant 464 : index
          %get3A_521 = tpu.vector_load %arg9[%get3A_519, %get3A_520] {strides = array<i32>} : memref<40x640xf32, #tpu.memory_space<vmem>>, vector<1x16xf32>,
          %get3A_522 = vector.shape_cast %get3A_521 : vector<1x16xf32> to vector<16xf32>
          %get3A_523 = arith.index_cast %scan3A_114 : i32 to index
          %get3A_524 = arith.constant 464 : index
          %get3A_525 = tpu.vector_load %arg10[%get3A_523, %get3A_524] {strides = array<i32>} : memref<40x512xf32, #tpu.memory_space<vmem>>, vector<1x16xf32>,
          %get3A_526 = vector.shape_cast %get3A_525 : vector<1x16xf32> to vector<16xf32>
          %add3A_527 = arith.addf %get3A_522, %get3A_526 : vector<16xf32>
          %swap3A_528 = arith.index_cast %scan3A_114 : i32 to index
          %swap3A_529 = arith.constant 464 : index
          %swap3A_530 = tpu.vector_load %arg9[%swap3A_528, %swap3A_529] {strides = array<i32>} : memref<40x640xf32, #tpu.memory_space<vmem>>, vector<1x16xf32>,
          %swap3A_531 = vector.shape_cast %swap3A_530 : vector<1x16xf32> to vector<16xf32>
          %swap3A_532 = vector.shape_cast %add3A_527 : vector<16xf32> to vector<1x16xf32>
          tpu.vector_store %arg9[%swap3A_528, %swap3A_529], %swap3A_532 {strides = array<i32>} : memref<40x640xf32, #tpu.memory_space<vmem>>, vector<1x16xf32>,
          %get3A_533 = arith.index_cast %scan3A_114 : i32 to index
          %get3A_534 = arith.constant 480 : index
          %get3A_535 = tpu.vector_load %arg9[%get3A_533, %get3A_534] {strides = array<i32>} : memref<40x640xf32, #tpu.memory_space<vmem>>, vector<1x16xf32>,
          %get3A_536 = vector.shape_cast %get3A_535 : vector<1x16xf32> to vector<16xf32>
          %get3A_537 = arith.index_cast %scan3A_114 : i32 to index
          %get3A_538 = arith.constant 480 : index
          %get3A_539 = tpu.vector_load %arg10[%get3A_537, %get3A_538] {strides = array<i32>} : memref<40x512xf32, #tpu.memory_space<vmem>>, vector<1x16xf32>,
          %get3A_540 = vector.shape_cast %get3A_539 : vector<1x16xf32> to vector<16xf32>
          %add3A_541 = arith.addf %get3A_536, %get3A_540 : vector<16xf32>
          %swap3A_542 = arith.index_cast %scan3A_114 : i32 to index
          %swap3A_543 = arith.constant 480 : index
          %swap3A_544 = tpu.vector_load %arg9[%swap3A_542, %swap3A_543] {strides = array<i32>} : memref<40x640xf32, #tpu.memory_space<vmem>>, vector<1x16xf32>,
          %swap3A_545 = vector.shape_cast %swap3A_544 : vector<1x16xf32> to vector<16xf32>
          %swap3A_546 = vector.shape_cast %add3A_541 : vector<16xf32> to vector<1x16xf32>
          tpu.vector_store %arg9[%swap3A_542, %swap3A_543], %swap3A_546 {strides = array<i32>} : memref<40x640xf32, #tpu.memory_space<vmem>>, vector<1x16xf32>,
          %get3A_547 = arith.index_cast %scan3A_114 : i32 to index
          %get3A_548 = arith.constant 496 : index
          %get3A_549 = tpu.vector_load %arg9[%get3A_547, %get3A_548] {strides = array<i32>} : memref<40x640xf32, #tpu.memory_space<vmem>>, vector<1x16xf32>,
          %get3A_550 = vector.shape_cast %get3A_549 : vector<1x16xf32> to vector<16xf32>
          %get3A_551 = arith.index_cast %scan3A_114 : i32 to index
          %get3A_552 = arith.constant 496 : index
          %get3A_553 = tpu.vector_load %arg10[%get3A_551, %get3A_552] {strides = array<i32>} : memref<40x512xf32, #tpu.memory_space<vmem>>, vector<1x16xf32>,
          %get3A_554 = vector.shape_cast %get3A_553 : vector<1x16xf32> to vector<16xf32>
          %add3A_555 = arith.addf %get3A_550, %get3A_554 : vector<16xf32>
          %swap3A_556 = arith.index_cast %scan3A_114 : i32 to index
          %swap3A_557 = arith.constant 496 : index
          %swap3A_558 = tpu.vector_load %arg9[%swap3A_556, %swap3A_557] {strides = array<i32>} : memref<40x640xf32, #tpu.memory_space<vmem>>, vector<1x16xf32>,
          %swap3A_559 = vector.shape_cast %swap3A_558 : vector<1x16xf32> to vector<16xf32>
          %swap3A_560 = vector.shape_cast %add3A_555 : vector<16xf32> to vector<1x16xf32>
          tpu.vector_store %arg9[%swap3A_556, %swap3A_557], %swap3A_560 {strides = array<i32>} : memref<40x640xf32, #tpu.memory_space<vmem>>, vector<1x16xf32>,
        }
        %scan3A_107 = arith.constant 40 : i32
        %mul3A_108 = arith.constant 5000 : i32
        %mul3A_109 = arith.muli %add3A, %mul3A_108 : i32
        %mul3A_110 = arith.constant 40 : i32
        %mul3A_111 = arith.muli %scan3A_42, %mul3A_110 : i32
        %add3A_112 = arith.addi %mul3A_109, %mul3A_111 : i32
        %multiple_of3A_113 = tpu.assume_multiple %add3A_112, 8 : i32
        "tpu.region"() ({
          %run_scoped3A = tpu.sem_alloc : memref<!tpu.dma_semaphore, #tpu.memory_space<semaphore_mem>>
          %dma_start3A_114 = arith.constant 0 : i32
          %dma_start3A_115 = tpu.memref_slice %arg6[%multiple_of3A_113, %dma_start3A_114] : memref<160000x640xf32, #tpu.memory_space<hbm>> -> memref<40x640xf32, #tpu.memory_space<hbm>>
          %dma_start3A_116 = arith.constant 0 : i32
          %dma_start3A_117 = tpu.memref_slice %arg6[%multiple_of3A_113, %dma_start3A_116] : memref<160000x640xf32, #tpu.memory_space<hbm>> -> memref<40x640xf32, #tpu.memory_space<hbm>>
          tpu.enqueue_dma source(%arg9 : memref<40x640xf32, #tpu.memory_space<vmem>>) target(%dma_start3A_117 : memref<40x640xf32, #tpu.memory_space<hbm>>) target_semaphore(%run_scoped3A : memref<!tpu.dma_semaphore, #tpu.memory_space<semaphore_mem>>)
          %dma_wait3A_118 = arith.constant 0 : i32
          %dma_wait3A_119 = tpu.memref_slice %arg6[%multiple_of3A_113, %dma_wait3A_118] : memref<160000x640xf32, #tpu.memory_space<hbm>> -> memref<40x640xf32, #tpu.memory_space<hbm>>
          %dma_wait3A_120 = arith.constant 0 : i32
          %dma_wait3A_121 = tpu.memref_slice %arg6[%multiple_of3A_113, %dma_wait3A_120] : memref<160000x640xf32, #tpu.memory_space<hbm>> -> memref<40x640xf32, #tpu.memory_space<hbm>>
          tpu.wait_dma2 semaphore(%run_scoped3A : memref<!tpu.dma_semaphore, #tpu.memory_space<semaphore_mem>>) src(%arg9 : memref<40x640xf32, #tpu.memory_space<vmem>>) dst(%dma_wait3A_121 : memref<40x640xf32, #tpu.memory_space<hbm>>)
          tpu.yield
        }) : () -> ()
      } else {
      }
      %jit3A_55 = arith.constant 2 : i32
      %eq3A_56 = arith.constant 0 : i32
      %eq3A_57 = arith.cmpi eq, %jit3A_55, %eq3A_56 : i32
      %jit3A_58 = arith.constant 1 : i32
      %select_n3A_59 = arith.select %eq3A_57, %jit3A_58, %jit3A_55 : i32
      %rem3A_60 = arith.remsi %scan3A_42, %select_n3A_59 : i32
      %ne3A_61 = arith.constant 0 : i32
      %ne3A_62 = arith.cmpi ne, %rem3A_60, %ne3A_61 : i32
      %lt3A_63 = arith.constant 0 : i32
      %lt3A_64 = arith.cmpi slt, %rem3A_60, %lt3A_63 : i32
      %lt3A_65 = arith.constant 0 : i32
      %lt3A_66 = arith.cmpi slt, %select_n3A_59, %lt3A_65 : i32
      %ne3A_67 = arith.xori %lt3A_64, %lt3A_66 : i1
      %and3A_68 = arith.andi %ne3A_67, %ne3A_62 : i1
      %add3A_69 = arith.addi %rem3A_60, %select_n3A_59 : i32
      %select_n3A_70 = arith.select %and3A_68, %add3A_69, %rem3A_60 : i32
      %eq3A_71 = arith.constant 1 : i32
      %eq3A_72 = arith.cmpi eq, %select_n3A_70, %eq3A_71 : i32
      %convert_element_type3A_73 = arith.extui %eq3A_72 : i1 to i32
      %cond3A_74 = arith.constant 0 : i32
      %cond3A_75 = arith.cmpi ne, %convert_element_type3A_73, %cond3A_74 : i32
      scf.if %cond3A_75 {
        %add3A_76 = arith.constant 1 : i32
        %add3A_77 = arith.addi %scan3A_42, %add3A_76 : i32
        %dma_start3A_78 = arith.constant 0 : i32
        %dma_start3A_79 = tpu.memref_slice %arg7[%add3A_77, %dma_start3A_78] : memref<125x40xi32, #tpu.memory_space<vmem>> -> memref<1x40xi32, #tpu.memory_space<vmem>>
        %dma_start3A_80 = tpu.memref_squeeze %dma_start3A_79 : memref<1x40xi32, #tpu.memory_space<vmem>> -> memref<40xi32, #tpu.memory_space<vmem>>
        %dma_start3A_81 = arith.constant 0 : i32
        %dma_start3A_82 = arith.constant 0 : i32
        %dma_start3A_83 = tpu.memref_slice %arg2[%dma_start3A_81, %dma_start3A_82] : memref<10000x640xf32, #tpu.memory_space<hbm>> -> memref<10000x640xf32, #tpu.memory_space<hbm>>
        tpu.enqueue_indirect_dma source(%dma_start3A_83 : memref<10000x640xf32, #tpu.memory_space<hbm>>) target(%arg9 : memref<40x640xf32, #tpu.memory_space<vmem>>) offsets(%dma_start3A_80 : memref<40xi32, #tpu.memory_space<vmem>>) semaphore(%arg13 : memref<!tpu.dma_semaphore, #tpu.memory_space<semaphore_mem>>)
        %dma_start3A_84 = arith.constant 0 : i32
        %dma_start3A_85 = tpu.memref_slice %arg8[%add3A_77, %dma_start3A_84] : memref<125x40xi32, #tpu.memory_space<vmem>> -> memref<1x40xi32, #tpu.memory_space<vmem>>
        %dma_start3A_86 = tpu.memref_squeeze %dma_start3A_85 : memref<1x40xi32, #tpu.memory_space<vmem>> -> memref<40xi32, #tpu.memory_space<vmem>>
        %dma_start3A_87 = arith.constant 0 : i32
        %dma_start3A_88 = arith.constant 0 : i32
        %dma_start3A_89 = tpu.memref_slice %arg3[%dma_start3A_87, %dma_start3A_88] : memref<10000x512xf32, #tpu.memory_space<hbm>> -> memref<10000x512xf32, #tpu.memory_space<hbm>>
        tpu.enqueue_indirect_dma source(%dma_start3A_89 : memref<10000x512xf32, #tpu.memory_space<hbm>>) target(%arg10 : memref<40x512xf32, #tpu.memory_space<vmem>>) offsets(%dma_start3A_86 : memref<40xi32, #tpu.memory_space<vmem>>) semaphore(%arg14 : memref<!tpu.dma_semaphore, #tpu.memory_space<semaphore_mem>>)
        %dma_wait3A_90 = arith.constant 0 : i32
        %dma_wait3A_91 = tpu.memref_slice %arg7[%scan3A_42, %dma_wait3A_90] : memref<125x40xi32, #tpu.memory_space<vmem>> -> memref<1x40xi32, #tpu.memory_space<vmem>>
        %dma_wait3A_92 = tpu.memref_squeeze %dma_wait3A_91 : memref<1x40xi32, #tpu.memory_space<vmem>> -> memref<40xi32, #tpu.memory_space<vmem>>
        %dma_wait3A_93 = arith.constant 0 : i32
        %dma_wait3A_94 = arith.constant 0 : i32
        %dma_wait3A_95 = tpu.memref_slice %arg2[%dma_wait3A_93, %dma_wait3A_94] : memref<10000x640xf32, #tpu.memory_space<hbm>> -> memref<10000x640xf32, #tpu.memory_space<hbm>>
        tpu.wait_indirect_dma semaphore(%arg15 : memref<!tpu.dma_semaphore, #tpu.memory_space<semaphore_mem>>) src(%dma_wait3A_95 : memref<10000x640xf32, #tpu.memory_space<hbm>>) dst(%arg11 : memref<40x640xf32, #tpu.memory_space<vmem>>)
        %dma_wait3A_96 = arith.constant 0 : i32
        %dma_wait3A_97 = tpu.memref_slice %arg8[%scan3A_42, %dma_wait3A_96] : memref<125x40xi32, #tpu.memory_space<vmem>> -> memref<1x40xi32, #tpu.memory_space<vmem>>
        %dma_wait3A_98 = tpu.memref_squeeze %dma_wait3A_97 : memref<1x40xi32, #tpu.memory_space<vmem>> -> memref<40xi32, #tpu.memory_space<vmem>>
        %dma_wait3A_99 = arith.constant 0 : i32
        %dma_wait3A_100 = arith.constant 0 : i32
        %dma_wait3A_101 = tpu.memref_slice %arg3[%dma_wait3A_99, %dma_wait3A_100] : memref<10000x512xf32, #tpu.memory_space<hbm>> -> memref<10000x512xf32, #tpu.memory_space<hbm>>
        tpu.wait_indirect_dma semaphore(%arg16 : memref<!tpu.dma_semaphore, #tpu.memory_space<semaphore_mem>>) src(%dma_wait3A_101 : memref<10000x512xf32, #tpu.memory_space<hbm>>) dst(%arg12 : memref<40x512xf32, #tpu.memory_space<vmem>>)
        %scan3A_102 = arith.constant 0 : i32
        %scan3A_103 = arith.constant 0 : i32
        %scan3A_104 = arith.constant 40 : i32
        %scan3A_105 = arith.addi %scan3A_103, %scan3A_104 : i32
        %scan3A_106 = arith.constant 1 : i32
        scf.for %scan3A_114 = %scan3A_103 to %scan3A_105 step %scan3A_106  : i32 {
          %get3A = arith.index_cast %scan3A_114 : i32 to index
          %get3A_115 = arith.constant 0 : index
          %get3A_116 = tpu.vector_load %arg11[%get3A, %get3A_115] {strides = array<i32>} : memref<40x640xf32, #tpu.memory_space<vmem>>, vector<1x16xf32>,
          %get3A_117 = vector.shape_cast %get3A_116 : vector<1x16xf32> to vector<16xf32>
          %get3A_118 = arith.index_cast %scan3A_114 : i32 to index
          %get3A_119 = arith.constant 0 : index
          %get3A_120 = tpu.vector_load %arg12[%get3A_118, %get3A_119] {strides = array<i32>} : memref<40x512xf32, #tpu.memory_space<vmem>>, vector<1x16xf32>,
          %get3A_121 = vector.shape_cast %get3A_120 : vector<1x16xf32> to vector<16xf32>
          %add3A_122 = arith.addf %get3A_117, %get3A_121 : vector<16xf32>
          %swap3A = arith.index_cast %scan3A_114 : i32 to index
          %swap3A_123 = arith.constant 0 : index
          %swap3A_124 = tpu.vector_load %arg11[%swap3A, %swap3A_123] {strides = array<i32>} : memref<40x640xf32, #tpu.memory_space<vmem>>, vector<1x16xf32>,
          %swap3A_125 = vector.shape_cast %swap3A_124 : vector<1x16xf32> to vector<16xf32>
          %swap3A_126 = vector.shape_cast %add3A_122 : vector<16xf32> to vector<1x16xf32>
          tpu.vector_store %arg11[%swap3A, %swap3A_123], %swap3A_126 {strides = array<i32>} : memref<40x640xf32, #tpu.memory_space<vmem>>, vector<1x16xf32>,
          %get3A_127 = arith.index_cast %scan3A_114 : i32 to index
          %get3A_128 = arith.constant 16 : index
          %get3A_129 = tpu.vector_load %arg11[%get3A_127, %get3A_128] {strides = array<i32>} : memref<40x640xf32, #tpu.memory_space<vmem>>, vector<1x16xf32>,
          %get3A_130 = vector.shape_cast %get3A_129 : vector<1x16xf32> to vector<16xf32>
          %get3A_131 = arith.index_cast %scan3A_114 : i32 to index
          %get3A_132 = arith.constant 16 : index
          %get3A_133 = tpu.vector_load %arg12[%get3A_131, %get3A_132] {strides = array<i32>} : memref<40x512xf32, #tpu.memory_space<vmem>>, vector<1x16xf32>,
          %get3A_134 = vector.shape_cast %get3A_133 : vector<1x16xf32> to vector<16xf32>
          %add3A_135 = arith.addf %get3A_130, %get3A_134 : vector<16xf32>
          %swap3A_136 = arith.index_cast %scan3A_114 : i32 to index
          %swap3A_137 = arith.constant 16 : index
          %swap3A_138 = tpu.vector_load %arg11[%swap3A_136, %swap3A_137] {strides = array<i32>} : memref<40x640xf32, #tpu.memory_space<vmem>>, vector<1x16xf32>,
          %swap3A_139 = vector.shape_cast %swap3A_138 : vector<1x16xf32> to vector<16xf32>
          %swap3A_140 = vector.shape_cast %add3A_135 : vector<16xf32> to vector<1x16xf32>
          tpu.vector_store %arg11[%swap3A_136, %swap3A_137], %swap3A_140 {strides = array<i32>} : memref<40x640xf32, #tpu.memory_space<vmem>>, vector<1x16xf32>,
          %get3A_141 = arith.index_cast %scan3A_114 : i32 to index
          %get3A_142 = arith.constant 32 : index
          %get3A_143 = tpu.vector_load %arg11[%get3A_141, %get3A_142] {strides = array<i32>} : memref<40x640xf32, #tpu.memory_space<vmem>>, vector<1x16xf32>,
          %get3A_144 = vector.shape_cast %get3A_143 : vector<1x16xf32> to vector<16xf32>
          %get3A_145 = arith.index_cast %scan3A_114 : i32 to index
          %get3A_146 = arith.constant 32 : index
          %get3A_147 = tpu.vector_load %arg12[%get3A_145, %get3A_146] {strides = array<i32>} : memref<40x512xf32, #tpu.memory_space<vmem>>, vector<1x16xf32>,
          %get3A_148 = vector.shape_cast %get3A_147 : vector<1x16xf32> to vector<16xf32>
          %add3A_149 = arith.addf %get3A_144, %get3A_148 : vector<16xf32>
          %swap3A_150 = arith.index_cast %scan3A_114 : i32 to index
          %swap3A_151 = arith.constant 32 : index
          %swap3A_152 = tpu.vector_load %arg11[%swap3A_150, %swap3A_151] {strides = array<i32>} : memref<40x640xf32, #tpu.memory_space<vmem>>, vector<1x16xf32>,
          %swap3A_153 = vector.shape_cast %swap3A_152 : vector<1x16xf32> to vector<16xf32>
          %swap3A_154 = vector.shape_cast %add3A_149 : vector<16xf32> to vector<1x16xf32>
          tpu.vector_store %arg11[%swap3A_150, %swap3A_151], %swap3A_154 {strides = array<i32>} : memref<40x640xf32, #tpu.memory_space<vmem>>, vector<1x16xf32>,
          %get3A_155 = arith.index_cast %scan3A_114 : i32 to index
          %get3A_156 = arith.constant 48 : index
          %get3A_157 = tpu.vector_load %arg11[%get3A_155, %get3A_156] {strides = array<i32>} : memref<40x640xf32, #tpu.memory_space<vmem>>, vector<1x16xf32>,
          %get3A_158 = vector.shape_cast %get3A_157 : vector<1x16xf32> to vector<16xf32>
          %get3A_159 = arith.index_cast %scan3A_114 : i32 to index
          %get3A_160 = arith.constant 48 : index
          %get3A_161 = tpu.vector_load %arg12[%get3A_159, %get3A_160] {strides = array<i32>} : memref<40x512xf32, #tpu.memory_space<vmem>>, vector<1x16xf32>,
          %get3A_162 = vector.shape_cast %get3A_161 : vector<1x16xf32> to vector<16xf32>
          %add3A_163 = arith.addf %get3A_158, %get3A_162 : vector<16xf32>
          %swap3A_164 = arith.index_cast %scan3A_114 : i32 to index
          %swap3A_165 = arith.constant 48 : index
          %swap3A_166 = tpu.vector_load %arg11[%swap3A_164, %swap3A_165] {strides = array<i32>} : memref<40x640xf32, #tpu.memory_space<vmem>>, vector<1x16xf32>,
          %swap3A_167 = vector.shape_cast %swap3A_166 : vector<1x16xf32> to vector<16xf32>
          %swap3A_168 = vector.shape_cast %add3A_163 : vector<16xf32> to vector<1x16xf32>
          tpu.vector_store %arg11[%swap3A_164, %swap3A_165], %swap3A_168 {strides = array<i32>} : memref<40x640xf32, #tpu.memory_space<vmem>>, vector<1x16xf32>,
          %get3A_169 = arith.index_cast %scan3A_114 : i32 to index
          %get3A_170 = arith.constant 64 : index
          %get3A_171 = tpu.vector_load %arg11[%get3A_169, %get3A_170] {strides = array<i32>} : memref<40x640xf32, #tpu.memory_space<vmem>>, vector<1x16xf32>,
          %get3A_172 = vector.shape_cast %get3A_171 : vector<1x16xf32> to vector<16xf32>
          %get3A_173 = arith.index_cast %scan3A_114 : i32 to index
          %get3A_174 = arith.constant 64 : index
          %get3A_175 = tpu.vector_load %arg12[%get3A_173, %get3A_174] {strides = array<i32>} : memref<40x512xf32, #tpu.memory_space<vmem>>, vector<1x16xf32>,
          %get3A_176 = vector.shape_cast %get3A_175 : vector<1x16xf32> to vector<16xf32>
          %add3A_177 = arith.addf %get3A_172, %get3A_176 : vector<16xf32>
          %swap3A_178 = arith.index_cast %scan3A_114 : i32 to index
          %swap3A_179 = arith.constant 64 : index
          %swap3A_180 = tpu.vector_load %arg11[%swap3A_178, %swap3A_179] {strides = array<i32>} : memref<40x640xf32, #tpu.memory_space<vmem>>, vector<1x16xf32>,
          %swap3A_181 = vector.shape_cast %swap3A_180 : vector<1x16xf32> to vector<16xf32>
          %swap3A_182 = vector.shape_cast %add3A_177 : vector<16xf32> to vector<1x16xf32>
          tpu.vector_store %arg11[%swap3A_178, %swap3A_179], %swap3A_182 {strides = array<i32>} : memref<40x640xf32, #tpu.memory_space<vmem>>, vector<1x16xf32>,
          %get3A_183 = arith.index_cast %scan3A_114 : i32 to index
          %get3A_184 = arith.constant 80 : index
          %get3A_185 = tpu.vector_load %arg11[%get3A_183, %get3A_184] {strides = array<i32>} : memref<40x640xf32, #tpu.memory_space<vmem>>, vector<1x16xf32>,
          %get3A_186 = vector.shape_cast %get3A_185 : vector<1x16xf32> to vector<16xf32>
          %get3A_187 = arith.index_cast %scan3A_114 : i32 to index
          %get3A_188 = arith.constant 80 : index
          %get3A_189 = tpu.vector_load %arg12[%get3A_187, %get3A_188] {strides = array<i32>} : memref<40x512xf32, #tpu.memory_space<vmem>>, vector<1x16xf32>,
          %get3A_190 = vector.shape_cast %get3A_189 : vector<1x16xf32> to vector<16xf32>
          %add3A_191 = arith.addf %get3A_186, %get3A_190 : vector<16xf32>
          %swap3A_192 = arith.index_cast %scan3A_114 : i32 to index
          %swap3A_193 = arith.constant 80 : index
          %swap3A_194 = tpu.vector_load %arg11[%swap3A_192, %swap3A_193] {strides = array<i32>} : memref<40x640xf32, #tpu.memory_space<vmem>>, vector<1x16xf32>,
          %swap3A_195 = vector.shape_cast %swap3A_194 : vector<1x16xf32> to vector<16xf32>
          %swap3A_196 = vector.shape_cast %add3A_191 : vector<16xf32> to vector<1x16xf32>
          tpu.vector_store %arg11[%swap3A_192, %swap3A_193], %swap3A_196 {strides = array<i32>} : memref<40x640xf32, #tpu.memory_space<vmem>>, vector<1x16xf32>,
          %get3A_197 = arith.index_cast %scan3A_114 : i32 to index
          %get3A_198 = arith.constant 96 : index
          %get3A_199 = tpu.vector_load %arg11[%get3A_197, %get3A_198] {strides = array<i32>} : memref<40x640xf32, #tpu.memory_space<vmem>>, vector<1x16xf32>,
          %get3A_200 = vector.shape_cast %get3A_199 : vector<1x16xf32> to vector<16xf32>
          %get3A_201 = arith.index_cast %scan3A_114 : i32 to index
          %get3A_202 = arith.constant 96 : index
          %get3A_203 = tpu.vector_load %arg12[%get3A_201, %get3A_202] {strides = array<i32>} : memref<40x512xf32, #tpu.memory_space<vmem>>, vector<1x16xf32>,
          %get3A_204 = vector.shape_cast %get3A_203 : vector<1x16xf32> to vector<16xf32>
          %add3A_205 = arith.addf %get3A_200, %get3A_204 : vector<16xf32>
          %swap3A_206 = arith.index_cast %scan3A_114 : i32 to index
          %swap3A_207 = arith.constant 96 : index
          %swap3A_208 = tpu.vector_load %arg11[%swap3A_206, %swap3A_207] {strides = array<i32>} : memref<40x640xf32, #tpu.memory_space<vmem>>, vector<1x16xf32>,
          %swap3A_209 = vector.shape_cast %swap3A_208 : vector<1x16xf32> to vector<16xf32>
          %swap3A_210 = vector.shape_cast %add3A_205 : vector<16xf32> to vector<1x16xf32>
          tpu.vector_store %arg11[%swap3A_206, %swap3A_207], %swap3A_210 {strides = array<i32>} : memref<40x640xf32, #tpu.memory_space<vmem>>, vector<1x16xf32>,
          %get3A_211 = arith.index_cast %scan3A_114 : i32 to index
          %get3A_212 = arith.constant 112 : index
          %get3A_213 = tpu.vector_load %arg11[%get3A_211, %get3A_212] {strides = array<i32>} : memref<40x640xf32, #tpu.memory_space<vmem>>, vector<1x16xf32>,
          %get3A_214 = vector.shape_cast %get3A_213 : vector<1x16xf32> to vector<16xf32>
          %get3A_215 = arith.index_cast %scan3A_114 : i32 to index
          %get3A_216 = arith.constant 112 : index
          %get3A_217 = tpu.vector_load %arg12[%get3A_215, %get3A_216] {strides = array<i32>} : memref<40x512xf32, #tpu.memory_space<vmem>>, vector<1x16xf32>,
          %get3A_218 = vector.shape_cast %get3A_217 : vector<1x16xf32> to vector<16xf32>
          %add3A_219 = arith.addf %get3A_214, %get3A_218 : vector<16xf32>
          %swap3A_220 = arith.index_cast %scan3A_114 : i32 to index
          %swap3A_221 = arith.constant 112 : index
          %swap3A_222 = tpu.vector_load %arg11[%swap3A_220, %swap3A_221] {strides = array<i32>} : memref<40x640xf32, #tpu.memory_space<vmem>>, vector<1x16xf32>,
          %swap3A_223 = vector.shape_cast %swap3A_222 : vector<1x16xf32> to vector<16xf32>
          %swap3A_224 = vector.shape_cast %add3A_219 : vector<16xf32> to vector<1x16xf32>
          tpu.vector_store %arg11[%swap3A_220, %swap3A_221], %swap3A_224 {strides = array<i32>} : memref<40x640xf32, #tpu.memory_space<vmem>>, vector<1x16xf32>,
          %get3A_225 = arith.index_cast %scan3A_114 : i32 to index
          %get3A_226 = arith.constant 128 : index
          %get3A_227 = tpu.vector_load %arg11[%get3A_225, %get3A_226] {strides = array<i32>} : memref<40x640xf32, #tpu.memory_space<vmem>>, vector<1x16xf32>,
          %get3A_228 = vector.shape_cast %get3A_227 : vector<1x16xf32> to vector<16xf32>
          %get3A_229 = arith.index_cast %scan3A_114 : i32 to index
          %get3A_230 = arith.constant 128 : index
          %get3A_231 = tpu.vector_load %arg12[%get3A_229, %get3A_230] {strides = array<i32>} : memref<40x512xf32, #tpu.memory_space<vmem>>, vector<1x16xf32>,
          %get3A_232 = vector.shape_cast %get3A_231 : vector<1x16xf32> to vector<16xf32>
          %add3A_233 = arith.addf %get3A_228, %get3A_232 : vector<16xf32>
          %swap3A_234 = arith.index_cast %scan3A_114 : i32 to index
          %swap3A_235 = arith.constant 128 : index
          %swap3A_236 = tpu.vector_load %arg11[%swap3A_234, %swap3A_235] {strides = array<i32>} : memref<40x640xf32, #tpu.memory_space<vmem>>, vector<1x16xf32>,
          %swap3A_237 = vector.shape_cast %swap3A_236 : vector<1x16xf32> to vector<16xf32>
          %swap3A_238 = vector.shape_cast %add3A_233 : vector<16xf32> to vector<1x16xf32>
          tpu.vector_store %arg11[%swap3A_234, %swap3A_235], %swap3A_238 {strides = array<i32>} : memref<40x640xf32, #tpu.memory_space<vmem>>, vector<1x16xf32>,
          %get3A_239 = arith.index_cast %scan3A_114 : i32 to index
          %get3A_240 = arith.constant 144 : index
          %get3A_241 = tpu.vector_load %arg11[%get3A_239, %get3A_240] {strides = array<i32>} : memref<40x640xf32, #tpu.memory_space<vmem>>, vector<1x16xf32>,
          %get3A_242 = vector.shape_cast %get3A_241 : vector<1x16xf32> to vector<16xf32>
          %get3A_243 = arith.index_cast %scan3A_114 : i32 to index
          %get3A_244 = arith.constant 144 : index
          %get3A_245 = tpu.vector_load %arg12[%get3A_243, %get3A_244] {strides = array<i32>} : memref<40x512xf32, #tpu.memory_space<vmem>>, vector<1x16xf32>,
          %get3A_246 = vector.shape_cast %get3A_245 : vector<1x16xf32> to vector<16xf32>
          %add3A_247 = arith.addf %get3A_242, %get3A_246 : vector<16xf32>
          %swap3A_248 = arith.index_cast %scan3A_114 : i32 to index
          %swap3A_249 = arith.constant 144 : index
          %swap3A_250 = tpu.vector_load %arg11[%swap3A_248, %swap3A_249] {strides = array<i32>} : memref<40x640xf32, #tpu.memory_space<vmem>>, vector<1x16xf32>,
          %swap3A_251 = vector.shape_cast %swap3A_250 : vector<1x16xf32> to vector<16xf32>
          %swap3A_252 = vector.shape_cast %add3A_247 : vector<16xf32> to vector<1x16xf32>
          tpu.vector_store %arg11[%swap3A_248, %swap3A_249], %swap3A_252 {strides = array<i32>} : memref<40x640xf32, #tpu.memory_space<vmem>>, vector<1x16xf32>,
          %get3A_253 = arith.index_cast %scan3A_114 : i32 to index
          %get3A_254 = arith.constant 160 : index
          %get3A_255 = tpu.vector_load %arg11[%get3A_253, %get3A_254] {strides = array<i32>} : memref<40x640xf32, #tpu.memory_space<vmem>>, vector<1x16xf32>,
          %get3A_256 = vector.shape_cast %get3A_255 : vector<1x16xf32> to vector<16xf32>
          %get3A_257 = arith.index_cast %scan3A_114 : i32 to index
          %get3A_258 = arith.constant 160 : index
          %get3A_259 = tpu.vector_load %arg12[%get3A_257, %get3A_258] {strides = array<i32>} : memref<40x512xf32, #tpu.memory_space<vmem>>, vector<1x16xf32>,
          %get3A_260 = vector.shape_cast %get3A_259 : vector<1x16xf32> to vector<16xf32>
          %add3A_261 = arith.addf %get3A_256, %get3A_260 : vector<16xf32>
          %swap3A_262 = arith.index_cast %scan3A_114 : i32 to index
          %swap3A_263 = arith.constant 160 : index
          %swap3A_264 = tpu.vector_load %arg11[%swap3A_262, %swap3A_263] {strides = array<i32>} : memref<40x640xf32, #tpu.memory_space<vmem>>, vector<1x16xf32>,
          %swap3A_265 = vector.shape_cast %swap3A_264 : vector<1x16xf32> to vector<16xf32>
          %swap3A_266 = vector.shape_cast %add3A_261 : vector<16xf32> to vector<1x16xf32>
          tpu.vector_store %arg11[%swap3A_262, %swap3A_263], %swap3A_266 {strides = array<i32>} : memref<40x640xf32, #tpu.memory_space<vmem>>, vector<1x16xf32>,
          %get3A_267 = arith.index_cast %scan3A_114 : i32 to index
          %get3A_268 = arith.constant 176 : index
          %get3A_269 = tpu.vector_load %arg11[%get3A_267, %get3A_268] {strides = array<i32>} : memref<40x640xf32, #tpu.memory_space<vmem>>, vector<1x16xf32>,
          %get3A_270 = vector.shape_cast %get3A_269 : vector<1x16xf32> to vector<16xf32>
          %get3A_271 = arith.index_cast %scan3A_114 : i32 to index
          %get3A_272 = arith.constant 176 : index
          %get3A_273 = tpu.vector_load %arg12[%get3A_271, %get3A_272] {strides = array<i32>} : memref<40x512xf32, #tpu.memory_space<vmem>>, vector<1x16xf32>,
          %get3A_274 = vector.shape_cast %get3A_273 : vector<1x16xf32> to vector<16xf32>
          %add3A_275 = arith.addf %get3A_270, %get3A_274 : vector<16xf32>
          %swap3A_276 = arith.index_cast %scan3A_114 : i32 to index
          %swap3A_277 = arith.constant 176 : index
          %swap3A_278 = tpu.vector_load %arg11[%swap3A_276, %swap3A_277] {strides = array<i32>} : memref<40x640xf32, #tpu.memory_space<vmem>>, vector<1x16xf32>,
          %swap3A_279 = vector.shape_cast %swap3A_278 : vector<1x16xf32> to vector<16xf32>
          %swap3A_280 = vector.shape_cast %add3A_275 : vector<16xf32> to vector<1x16xf32>
          tpu.vector_store %arg11[%swap3A_276, %swap3A_277], %swap3A_280 {strides = array<i32>} : memref<40x640xf32, #tpu.memory_space<vmem>>, vector<1x16xf32>,
          %get3A_281 = arith.index_cast %scan3A_114 : i32 to index
          %get3A_282 = arith.constant 192 : index
          %get3A_283 = tpu.vector_load %arg11[%get3A_281, %get3A_282] {strides = array<i32>} : memref<40x640xf32, #tpu.memory_space<vmem>>, vector<1x16xf32>,
          %get3A_284 = vector.shape_cast %get3A_283 : vector<1x16xf32> to vector<16xf32>
          %get3A_285 = arith.index_cast %scan3A_114 : i32 to index
          %get3A_286 = arith.constant 192 : index
          %get3A_287 = tpu.vector_load %arg12[%get3A_285, %get3A_286] {strides = array<i32>} : memref<40x512xf32, #tpu.memory_space<vmem>>, vector<1x16xf32>,
          %get3A_288 = vector.shape_cast %get3A_287 : vector<1x16xf32> to vector<16xf32>
          %add3A_289 = arith.addf %get3A_284, %get3A_288 : vector<16xf32>
          %swap3A_290 = arith.index_cast %scan3A_114 : i32 to index
          %swap3A_291 = arith.constant 192 : index
          %swap3A_292 = tpu.vector_load %arg11[%swap3A_290, %swap3A_291] {strides = array<i32>} : memref<40x640xf32, #tpu.memory_space<vmem>>, vector<1x16xf32>,
          %swap3A_293 = vector.shape_cast %swap3A_292 : vector<1x16xf32> to vector<16xf32>
          %swap3A_294 = vector.shape_cast %add3A_289 : vector<16xf32> to vector<1x16xf32>
          tpu.vector_store %arg11[%swap3A_290, %swap3A_291], %swap3A_294 {strides = array<i32>} : memref<40x640xf32, #tpu.memory_space<vmem>>, vector<1x16xf32>,
          %get3A_295 = arith.index_cast %scan3A_114 : i32 to index
          %get3A_296 = arith.constant 208 : index
          %get3A_297 = tpu.vector_load %arg11[%get3A_295, %get3A_296] {strides = array<i32>} : memref<40x640xf32, #tpu.memory_space<vmem>>, vector<1x16xf32>,
          %get3A_298 = vector.shape_cast %get3A_297 : vector<1x16xf32> to vector<16xf32>
          %get3A_299 = arith.index_cast %scan3A_114 : i32 to index
          %get3A_300 = arith.constant 208 : index
          %get3A_301 = tpu.vector_load %arg12[%get3A_299, %get3A_300] {strides = array<i32>} : memref<40x512xf32, #tpu.memory_space<vmem>>, vector<1x16xf32>,
          %get3A_302 = vector.shape_cast %get3A_301 : vector<1x16xf32> to vector<16xf32>
          %add3A_303 = arith.addf %get3A_298, %get3A_302 : vector<16xf32>
          %swap3A_304 = arith.index_cast %scan3A_114 : i32 to index
          %swap3A_305 = arith.constant 208 : index
          %swap3A_306 = tpu.vector_load %arg11[%swap3A_304, %swap3A_305] {strides = array<i32>} : memref<40x640xf32, #tpu.memory_space<vmem>>, vector<1x16xf32>,
          %swap3A_307 = vector.shape_cast %swap3A_306 : vector<1x16xf32> to vector<16xf32>
          %swap3A_308 = vector.shape_cast %add3A_303 : vector<16xf32> to vector<1x16xf32>
          tpu.vector_store %arg11[%swap3A_304, %swap3A_305], %swap3A_308 {strides = array<i32>} : memref<40x640xf32, #tpu.memory_space<vmem>>, vector<1x16xf32>,
          %get3A_309 = arith.index_cast %scan3A_114 : i32 to index
          %get3A_310 = arith.constant 224 : index
          %get3A_311 = tpu.vector_load %arg11[%get3A_309, %get3A_310] {strides = array<i32>} : memref<40x640xf32, #tpu.memory_space<vmem>>, vector<1x16xf32>,
          %get3A_312 = vector.shape_cast %get3A_311 : vector<1x16xf32> to vector<16xf32>
          %get3A_313 = arith.index_cast %scan3A_114 : i32 to index
          %get3A_314 = arith.constant 224 : index
          %get3A_315 = tpu.vector_load %arg12[%get3A_313, %get3A_314] {strides = array<i32>} : memref<40x512xf32, #tpu.memory_space<vmem>>, vector<1x16xf32>,
          %get3A_316 = vector.shape_cast %get3A_315 : vector<1x16xf32> to vector<16xf32>
          %add3A_317 = arith.addf %get3A_312, %get3A_316 : vector<16xf32>
          %swap3A_318 = arith.index_cast %scan3A_114 : i32 to index
          %swap3A_319 = arith.constant 224 : index
          %swap3A_320 = tpu.vector_load %arg11[%swap3A_318, %swap3A_319] {strides = array<i32>} : memref<40x640xf32, #tpu.memory_space<vmem>>, vector<1x16xf32>,
          %swap3A_321 = vector.shape_cast %swap3A_320 : vector<1x16xf32> to vector<16xf32>
          %swap3A_322 = vector.shape_cast %add3A_317 : vector<16xf32> to vector<1x16xf32>
          tpu.vector_store %arg11[%swap3A_318, %swap3A_319], %swap3A_322 {strides = array<i32>} : memref<40x640xf32, #tpu.memory_space<vmem>>, vector<1x16xf32>,
          %get3A_323 = arith.index_cast %scan3A_114 : i32 to index
          %get3A_324 = arith.constant 240 : index
          %get3A_325 = tpu.vector_load %arg11[%get3A_323, %get3A_324] {strides = array<i32>} : memref<40x640xf32, #tpu.memory_space<vmem>>, vector<1x16xf32>,
          %get3A_326 = vector.shape_cast %get3A_325 : vector<1x16xf32> to vector<16xf32>
          %get3A_327 = arith.index_cast %scan3A_114 : i32 to index
          %get3A_328 = arith.constant 240 : index
          %get3A_329 = tpu.vector_load %arg12[%get3A_327, %get3A_328] {strides = array<i32>} : memref<40x512xf32, #tpu.memory_space<vmem>>, vector<1x16xf32>,
          %get3A_330 = vector.shape_cast %get3A_329 : vector<1x16xf32> to vector<16xf32>
          %add3A_331 = arith.addf %get3A_326, %get3A_330 : vector<16xf32>
          %swap3A_332 = arith.index_cast %scan3A_114 : i32 to index
          %swap3A_333 = arith.constant 240 : index
          %swap3A_334 = tpu.vector_load %arg11[%swap3A_332, %swap3A_333] {strides = array<i32>} : memref<40x640xf32, #tpu.memory_space<vmem>>, vector<1x16xf32>,
          %swap3A_335 = vector.shape_cast %swap3A_334 : vector<1x16xf32> to vector<16xf32>
          %swap3A_336 = vector.shape_cast %add3A_331 : vector<16xf32> to vector<1x16xf32>
          tpu.vector_store %arg11[%swap3A_332, %swap3A_333], %swap3A_336 {strides = array<i32>} : memref<40x640xf32, #tpu.memory_space<vmem>>, vector<1x16xf32>,
          %get3A_337 = arith.index_cast %scan3A_114 : i32 to index
          %get3A_338 = arith.constant 256 : index
          %get3A_339 = tpu.vector_load %arg11[%get3A_337, %get3A_338] {strides = array<i32>} : memref<40x640xf32, #tpu.memory_space<vmem>>, vector<1x16xf32>,
          %get3A_340 = vector.shape_cast %get3A_339 : vector<1x16xf32> to vector<16xf32>
          %get3A_341 = arith.index_cast %scan3A_114 : i32 to index
          %get3A_342 = arith.constant 256 : index
          %get3A_343 = tpu.vector_load %arg12[%get3A_341, %get3A_342] {strides = array<i32>} : memref<40x512xf32, #tpu.memory_space<vmem>>, vector<1x16xf32>,
          %get3A_344 = vector.shape_cast %get3A_343 : vector<1x16xf32> to vector<16xf32>
          %add3A_345 = arith.addf %get3A_340, %get3A_344 : vector<16xf32>
          %swap3A_346 = arith.index_cast %scan3A_114 : i32 to index
          %swap3A_347 = arith.constant 256 : index
          %swap3A_348 = tpu.vector_load %arg11[%swap3A_346, %swap3A_347] {strides = array<i32>} : memref<40x640xf32, #tpu.memory_space<vmem>>, vector<1x16xf32>,
          %swap3A_349 = vector.shape_cast %swap3A_348 : vector<1x16xf32> to vector<16xf32>
          %swap3A_350 = vector.shape_cast %add3A_345 : vector<16xf32> to vector<1x16xf32>
          tpu.vector_store %arg11[%swap3A_346, %swap3A_347], %swap3A_350 {strides = array<i32>} : memref<40x640xf32, #tpu.memory_space<vmem>>, vector<1x16xf32>,
          %get3A_351 = arith.index_cast %scan3A_114 : i32 to index
          %get3A_352 = arith.constant 272 : index
          %get3A_353 = tpu.vector_load %arg11[%get3A_351, %get3A_352] {strides = array<i32>} : memref<40x640xf32, #tpu.memory_space<vmem>>, vector<1x16xf32>,
          %get3A_354 = vector.shape_cast %get3A_353 : vector<1x16xf32> to vector<16xf32>
          %get3A_355 = arith.index_cast %scan3A_114 : i32 to index
          %get3A_356 = arith.constant 272 : index
          %get3A_357 = tpu.vector_load %arg12[%get3A_355, %get3A_356] {strides = array<i32>} : memref<40x512xf32, #tpu.memory_space<vmem>>, vector<1x16xf32>,
          %get3A_358 = vector.shape_cast %get3A_357 : vector<1x16xf32> to vector<16xf32>
          %add3A_359 = arith.addf %get3A_354, %get3A_358 : vector<16xf32>
          %swap3A_360 = arith.index_cast %scan3A_114 : i32 to index
          %swap3A_361 = arith.constant 272 : index
          %swap3A_362 = tpu.vector_load %arg11[%swap3A_360, %swap3A_361] {strides = array<i32>} : memref<40x640xf32, #tpu.memory_space<vmem>>, vector<1x16xf32>,
          %swap3A_363 = vector.shape_cast %swap3A_362 : vector<1x16xf32> to vector<16xf32>
          %swap3A_364 = vector.shape_cast %add3A_359 : vector<16xf32> to vector<1x16xf32>
          tpu.vector_store %arg11[%swap3A_360, %swap3A_361], %swap3A_364 {strides = array<i32>} : memref<40x640xf32, #tpu.memory_space<vmem>>, vector<1x16xf32>,
          %get3A_365 = arith.index_cast %scan3A_114 : i32 to index
          %get3A_366 = arith.constant 288 : index
          %get3A_367 = tpu.vector_load %arg11[%get3A_365, %get3A_366] {strides = array<i32>} : memref<40x640xf32, #tpu.memory_space<vmem>>, vector<1x16xf32>,
          %get3A_368 = vector.shape_cast %get3A_367 : vector<1x16xf32> to vector<16xf32>
          %get3A_369 = arith.index_cast %scan3A_114 : i32 to index
          %get3A_370 = arith.constant 288 : index
          %get3A_371 = tpu.vector_load %arg12[%get3A_369, %get3A_370] {strides = array<i32>} : memref<40x512xf32, #tpu.memory_space<vmem>>, vector<1x16xf32>,
          %get3A_372 = vector.shape_cast %get3A_371 : vector<1x16xf32> to vector<16xf32>
          %add3A_373 = arith.addf %get3A_368, %get3A_372 : vector<16xf32>
          %swap3A_374 = arith.index_cast %scan3A_114 : i32 to index
          %swap3A_375 = arith.constant 288 : index
          %swap3A_376 = tpu.vector_load %arg11[%swap3A_374, %swap3A_375] {strides = array<i32>} : memref<40x640xf32, #tpu.memory_space<vmem>>, vector<1x16xf32>,
          %swap3A_377 = vector.shape_cast %swap3A_376 : vector<1x16xf32> to vector<16xf32>
          %swap3A_378 = vector.shape_cast %add3A_373 : vector<16xf32> to vector<1x16xf32>
          tpu.vector_store %arg11[%swap3A_374, %swap3A_375], %swap3A_378 {strides = array<i32>} : memref<40x640xf32, #tpu.memory_space<vmem>>, vector<1x16xf32>,
          %get3A_379 = arith.index_cast %scan3A_114 : i32 to index
          %get3A_380 = arith.constant 304 : index
          %get3A_381 = tpu.vector_load %arg11[%get3A_379, %get3A_380] {strides = array<i32>} : memref<40x640xf32, #tpu.memory_space<vmem>>, vector<1x16xf32>,
          %get3A_382 = vector.shape_cast %get3A_381 : vector<1x16xf32> to vector<16xf32>
          %get3A_383 = arith.index_cast %scan3A_114 : i32 to index
          %get3A_384 = arith.constant 304 : index
          %get3A_385 = tpu.vector_load %arg12[%get3A_383, %get3A_384] {strides = array<i32>} : memref<40x512xf32, #tpu.memory_space<vmem>>, vector<1x16xf32>,
          %get3A_386 = vector.shape_cast %get3A_385 : vector<1x16xf32> to vector<16xf32>
          %add3A_387 = arith.addf %get3A_382, %get3A_386 : vector<16xf32>
          %swap3A_388 = arith.index_cast %scan3A_114 : i32 to index
          %swap3A_389 = arith.constant 304 : index
          %swap3A_390 = tpu.vector_load %arg11[%swap3A_388, %swap3A_389] {strides = array<i32>} : memref<40x640xf32, #tpu.memory_space<vmem>>, vector<1x16xf32>,
          %swap3A_391 = vector.shape_cast %swap3A_390 : vector<1x16xf32> to vector<16xf32>
          %swap3A_392 = vector.shape_cast %add3A_387 : vector<16xf32> to vector<1x16xf32>
          tpu.vector_store %arg11[%swap3A_388, %swap3A_389], %swap3A_392 {strides = array<i32>} : memref<40x640xf32, #tpu.memory_space<vmem>>, vector<1x16xf32>,
          %get3A_393 = arith.index_cast %scan3A_114 : i32 to index
          %get3A_394 = arith.constant 320 : index
          %get3A_395 = tpu.vector_load %arg11[%get3A_393, %get3A_394] {strides = array<i32>} : memref<40x640xf32, #tpu.memory_space<vmem>>, vector<1x16xf32>,
          %get3A_396 = vector.shape_cast %get3A_395 : vector<1x16xf32> to vector<16xf32>
          %get3A_397 = arith.index_cast %scan3A_114 : i32 to index
          %get3A_398 = arith.constant 320 : index
          %get3A_399 = tpu.vector_load %arg12[%get3A_397, %get3A_398] {strides = array<i32>} : memref<40x512xf32, #tpu.memory_space<vmem>>, vector<1x16xf32>,
          %get3A_400 = vector.shape_cast %get3A_399 : vector<1x16xf32> to vector<16xf32>
          %add3A_401 = arith.addf %get3A_396, %get3A_400 : vector<16xf32>
          %swap3A_402 = arith.index_cast %scan3A_114 : i32 to index
          %swap3A_403 = arith.constant 320 : index
          %swap3A_404 = tpu.vector_load %arg11[%swap3A_402, %swap3A_403] {strides = array<i32>} : memref<40x640xf32, #tpu.memory_space<vmem>>, vector<1x16xf32>,
          %swap3A_405 = vector.shape_cast %swap3A_404 : vector<1x16xf32> to vector<16xf32>
          %swap3A_406 = vector.shape_cast %add3A_401 : vector<16xf32> to vector<1x16xf32>
          tpu.vector_store %arg11[%swap3A_402, %swap3A_403], %swap3A_406 {strides = array<i32>} : memref<40x640xf32, #tpu.memory_space<vmem>>, vector<1x16xf32>,
          %get3A_407 = arith.index_cast %scan3A_114 : i32 to index
          %get3A_408 = arith.constant 336 : index
          %get3A_409 = tpu.vector_load %arg11[%get3A_407, %get3A_408] {strides = array<i32>} : memref<40x640xf32, #tpu.memory_space<vmem>>, vector<1x16xf32>,
          %get3A_410 = vector.shape_cast %get3A_409 : vector<1x16xf32> to vector<16xf32>
          %get3A_411 = arith.index_cast %scan3A_114 : i32 to index
          %get3A_412 = arith.constant 336 : index
          %get3A_413 = tpu.vector_load %arg12[%get3A_411, %get3A_412] {strides = array<i32>} : memref<40x512xf32, #tpu.memory_space<vmem>>, vector<1x16xf32>,
          %get3A_414 = vector.shape_cast %get3A_413 : vector<1x16xf32> to vector<16xf32>
          %add3A_415 = arith.addf %get3A_410, %get3A_414 : vector<16xf32>
          %swap3A_416 = arith.index_cast %scan3A_114 : i32 to index
          %swap3A_417 = arith.constant 336 : index
          %swap3A_418 = tpu.vector_load %arg11[%swap3A_416, %swap3A_417] {strides = array<i32>} : memref<40x640xf32, #tpu.memory_space<vmem>>, vector<1x16xf32>,
          %swap3A_419 = vector.shape_cast %swap3A_418 : vector<1x16xf32> to vector<16xf32>
          %swap3A_420 = vector.shape_cast %add3A_415 : vector<16xf32> to vector<1x16xf32>
          tpu.vector_store %arg11[%swap3A_416, %swap3A_417], %swap3A_420 {strides = array<i32>} : memref<40x640xf32, #tpu.memory_space<vmem>>, vector<1x16xf32>,
          %get3A_421 = arith.index_cast %scan3A_114 : i32 to index
          %get3A_422 = arith.constant 352 : index
          %get3A_423 = tpu.vector_load %arg11[%get3A_421, %get3A_422] {strides = array<i32>} : memref<40x640xf32, #tpu.memory_space<vmem>>, vector<1x16xf32>,
          %get3A_424 = vector.shape_cast %get3A_423 : vector<1x16xf32> to vector<16xf32>
          %get3A_425 = arith.index_cast %scan3A_114 : i32 to index
          %get3A_426 = arith.constant 352 : index
          %get3A_427 = tpu.vector_load %arg12[%get3A_425, %get3A_426] {strides = array<i32>} : memref<40x512xf32, #tpu.memory_space<vmem>>, vector<1x16xf32>,
          %get3A_428 = vector.shape_cast %get3A_427 : vector<1x16xf32> to vector<16xf32>
          %add3A_429 = arith.addf %get3A_424, %get3A_428 : vector<16xf32>
          %swap3A_430 = arith.index_cast %scan3A_114 : i32 to index
          %swap3A_431 = arith.constant 352 : index
          %swap3A_432 = tpu.vector_load %arg11[%swap3A_430, %swap3A_431] {strides = array<i32>} : memref<40x640xf32, #tpu.memory_space<vmem>>, vector<1x16xf32>,
          %swap3A_433 = vector.shape_cast %swap3A_432 : vector<1x16xf32> to vector<16xf32>
          %swap3A_434 = vector.shape_cast %add3A_429 : vector<16xf32> to vector<1x16xf32>
          tpu.vector_store %arg11[%swap3A_430, %swap3A_431], %swap3A_434 {strides = array<i32>} : memref<40x640xf32, #tpu.memory_space<vmem>>, vector<1x16xf32>,
          %get3A_435 = arith.index_cast %scan3A_114 : i32 to index
          %get3A_436 = arith.constant 368 : index
          %get3A_437 = tpu.vector_load %arg11[%get3A_435, %get3A_436] {strides = array<i32>} : memref<40x640xf32, #tpu.memory_space<vmem>>, vector<1x16xf32>,
          %get3A_438 = vector.shape_cast %get3A_437 : vector<1x16xf32> to vector<16xf32>
          %get3A_439 = arith.index_cast %scan3A_114 : i32 to index
          %get3A_440 = arith.constant 368 : index
          %get3A_441 = tpu.vector_load %arg12[%get3A_439, %get3A_440] {strides = array<i32>} : memref<40x512xf32, #tpu.memory_space<vmem>>, vector<1x16xf32>,
          %get3A_442 = vector.shape_cast %get3A_441 : vector<1x16xf32> to vector<16xf32>
          %add3A_443 = arith.addf %get3A_438, %get3A_442 : vector<16xf32>
          %swap3A_444 = arith.index_cast %scan3A_114 : i32 to index
          %swap3A_445 = arith.constant 368 : index
          %swap3A_446 = tpu.vector_load %arg11[%swap3A_444, %swap3A_445] {strides = array<i32>} : memref<40x640xf32, #tpu.memory_space<vmem>>, vector<1x16xf32>,
          %swap3A_447 = vector.shape_cast %swap3A_446 : vector<1x16xf32> to vector<16xf32>
          %swap3A_448 = vector.shape_cast %add3A_443 : vector<16xf32> to vector<1x16xf32>
          tpu.vector_store %arg11[%swap3A_444, %swap3A_445], %swap3A_448 {strides = array<i32>} : memref<40x640xf32, #tpu.memory_space<vmem>>, vector<1x16xf32>,
          %get3A_449 = arith.index_cast %scan3A_114 : i32 to index
          %get3A_450 = arith.constant 384 : index
          %get3A_451 = tpu.vector_load %arg11[%get3A_449, %get3A_450] {strides = array<i32>} : memref<40x640xf32, #tpu.memory_space<vmem>>, vector<1x16xf32>,
          %get3A_452 = vector.shape_cast %get3A_451 : vector<1x16xf32> to vector<16xf32>
          %get3A_453 = arith.index_cast %scan3A_114 : i32 to index
          %get3A_454 = arith.constant 384 : index
          %get3A_455 = tpu.vector_load %arg12[%get3A_453, %get3A_454] {strides = array<i32>} : memref<40x512xf32, #tpu.memory_space<vmem>>, vector<1x16xf32>,
          %get3A_456 = vector.shape_cast %get3A_455 : vector<1x16xf32> to vector<16xf32>
          %add3A_457 = arith.addf %get3A_452, %get3A_456 : vector<16xf32>
          %swap3A_458 = arith.index_cast %scan3A_114 : i32 to index
          %swap3A_459 = arith.constant 384 : index
          %swap3A_460 = tpu.vector_load %arg11[%swap3A_458, %swap3A_459] {strides = array<i32>} : memref<40x640xf32, #tpu.memory_space<vmem>>, vector<1x16xf32>,
          %swap3A_461 = vector.shape_cast %swap3A_460 : vector<1x16xf32> to vector<16xf32>
          %swap3A_462 = vector.shape_cast %add3A_457 : vector<16xf32> to vector<1x16xf32>
          tpu.vector_store %arg11[%swap3A_458, %swap3A_459], %swap3A_462 {strides = array<i32>} : memref<40x640xf32, #tpu.memory_space<vmem>>, vector<1x16xf32>,
          %get3A_463 = arith.index_cast %scan3A_114 : i32 to index
          %get3A_464 = arith.constant 400 : index
          %get3A_465 = tpu.vector_load %arg11[%get3A_463, %get3A_464] {strides = array<i32>} : memref<40x640xf32, #tpu.memory_space<vmem>>, vector<1x16xf32>,
          %get3A_466 = vector.shape_cast %get3A_465 : vector<1x16xf32> to vector<16xf32>
          %get3A_467 = arith.index_cast %scan3A_114 : i32 to index
          %get3A_468 = arith.constant 400 : index
          %get3A_469 = tpu.vector_load %arg12[%get3A_467, %get3A_468] {strides = array<i32>} : memref<40x512xf32, #tpu.memory_space<vmem>>, vector<1x16xf32>,
          %get3A_470 = vector.shape_cast %get3A_469 : vector<1x16xf32> to vector<16xf32>
          %add3A_471 = arith.addf %get3A_466, %get3A_470 : vector<16xf32>
          %swap3A_472 = arith.index_cast %scan3A_114 : i32 to index
          %swap3A_473 = arith.constant 400 : index
          %swap3A_474 = tpu.vector_load %arg11[%swap3A_472, %swap3A_473] {strides = array<i32>} : memref<40x640xf32, #tpu.memory_space<vmem>>, vector<1x16xf32>,
          %swap3A_475 = vector.shape_cast %swap3A_474 : vector<1x16xf32> to vector<16xf32>
          %swap3A_476 = vector.shape_cast %add3A_471 : vector<16xf32> to vector<1x16xf32>
          tpu.vector_store %arg11[%swap3A_472, %swap3A_473], %swap3A_476 {strides = array<i32>} : memref<40x640xf32, #tpu.memory_space<vmem>>, vector<1x16xf32>,
          %get3A_477 = arith.index_cast %scan3A_114 : i32 to index
          %get3A_478 = arith.constant 416 : index
          %get3A_479 = tpu.vector_load %arg11[%get3A_477, %get3A_478] {strides = array<i32>} : memref<40x640xf32, #tpu.memory_space<vmem>>, vector<1x16xf32>,
          %get3A_480 = vector.shape_cast %get3A_479 : vector<1x16xf32> to vector<16xf32>
          %get3A_481 = arith.index_cast %scan3A_114 : i32 to index
          %get3A_482 = arith.constant 416 : index
          %get3A_483 = tpu.vector_load %arg12[%get3A_481, %get3A_482] {strides = array<i32>} : memref<40x512xf32, #tpu.memory_space<vmem>>, vector<1x16xf32>,
          %get3A_484 = vector.shape_cast %get3A_483 : vector<1x16xf32> to vector<16xf32>
          %add3A_485 = arith.addf %get3A_480, %get3A_484 : vector<16xf32>
          %swap3A_486 = arith.index_cast %scan3A_114 : i32 to index
          %swap3A_487 = arith.constant 416 : index
          %swap3A_488 = tpu.vector_load %arg11[%swap3A_486, %swap3A_487] {strides = array<i32>} : memref<40x640xf32, #tpu.memory_space<vmem>>, vector<1x16xf32>,
          %swap3A_489 = vector.shape_cast %swap3A_488 : vector<1x16xf32> to vector<16xf32>
          %swap3A_490 = vector.shape_cast %add3A_485 : vector<16xf32> to vector<1x16xf32>
          tpu.vector_store %arg11[%swap3A_486, %swap3A_487], %swap3A_490 {strides = array<i32>} : memref<40x640xf32, #tpu.memory_space<vmem>>, vector<1x16xf32>,
          %get3A_491 = arith.index_cast %scan3A_114 : i32 to index
          %get3A_492 = arith.constant 432 : index
          %get3A_493 = tpu.vector_load %arg11[%get3A_491, %get3A_492] {strides = array<i32>} : memref<40x640xf32, #tpu.memory_space<vmem>>, vector<1x16xf32>,
          %get3A_494 = vector.shape_cast %get3A_493 : vector<1x16xf32> to vector<16xf32>
          %get3A_495 = arith.index_cast %scan3A_114 : i32 to index
          %get3A_496 = arith.constant 432 : index
          %get3A_497 = tpu.vector_load %arg12[%get3A_495, %get3A_496] {strides = array<i32>} : memref<40x512xf32, #tpu.memory_space<vmem>>, vector<1x16xf32>,
          %get3A_498 = vector.shape_cast %get3A_497 : vector<1x16xf32> to vector<16xf32>
          %add3A_499 = arith.addf %get3A_494, %get3A_498 : vector<16xf32>
          %swap3A_500 = arith.index_cast %scan3A_114 : i32 to index
          %swap3A_501 = arith.constant 432 : index
          %swap3A_502 = tpu.vector_load %arg11[%swap3A_500, %swap3A_501] {strides = array<i32>} : memref<40x640xf32, #tpu.memory_space<vmem>>, vector<1x16xf32>,
          %swap3A_503 = vector.shape_cast %swap3A_502 : vector<1x16xf32> to vector<16xf32>
          %swap3A_504 = vector.shape_cast %add3A_499 : vector<16xf32> to vector<1x16xf32>
          tpu.vector_store %arg11[%swap3A_500, %swap3A_501], %swap3A_504 {strides = array<i32>} : memref<40x640xf32, #tpu.memory_space<vmem>>, vector<1x16xf32>,
          %get3A_505 = arith.index_cast %scan3A_114 : i32 to index
          %get3A_506 = arith.constant 448 : index
          %get3A_507 = tpu.vector_load %arg11[%get3A_505, %get3A_506] {strides = array<i32>} : memref<40x640xf32, #tpu.memory_space<vmem>>, vector<1x16xf32>,
          %get3A_508 = vector.shape_cast %get3A_507 : vector<1x16xf32> to vector<16xf32>
          %get3A_509 = arith.index_cast %scan3A_114 : i32 to index
          %get3A_510 = arith.constant 448 : index
          %get3A_511 = tpu.vector_load %arg12[%get3A_509, %get3A_510] {strides = array<i32>} : memref<40x512xf32, #tpu.memory_space<vmem>>, vector<1x16xf32>,
          %get3A_512 = vector.shape_cast %get3A_511 : vector<1x16xf32> to vector<16xf32>
          %add3A_513 = arith.addf %get3A_508, %get3A_512 : vector<16xf32>
          %swap3A_514 = arith.index_cast %scan3A_114 : i32 to index
          %swap3A_515 = arith.constant 448 : index
          %swap3A_516 = tpu.vector_load %arg11[%swap3A_514, %swap3A_515] {strides = array<i32>} : memref<40x640xf32, #tpu.memory_space<vmem>>, vector<1x16xf32>,
          %swap3A_517 = vector.shape_cast %swap3A_516 : vector<1x16xf32> to vector<16xf32>
          %swap3A_518 = vector.shape_cast %add3A_513 : vector<16xf32> to vector<1x16xf32>
          tpu.vector_store %arg11[%swap3A_514, %swap3A_515], %swap3A_518 {strides = array<i32>} : memref<40x640xf32, #tpu.memory_space<vmem>>, vector<1x16xf32>,
          %get3A_519 = arith.index_cast %scan3A_114 : i32 to index
          %get3A_520 = arith.constant 464 : index
          %get3A_521 = tpu.vector_load %arg11[%get3A_519, %get3A_520] {strides = array<i32>} : memref<40x640xf32, #tpu.memory_space<vmem>>, vector<1x16xf32>,
          %get3A_522 = vector.shape_cast %get3A_521 : vector<1x16xf32> to vector<16xf32>
          %get3A_523 = arith.index_cast %scan3A_114 : i32 to index
          %get3A_524 = arith.constant 464 : index
          %get3A_525 = tpu.vector_load %arg12[%get3A_523, %get3A_524] {strides = array<i32>} : memref<40x512xf32, #tpu.memory_space<vmem>>, vector<1x16xf32>,
          %get3A_526 = vector.shape_cast %get3A_525 : vector<1x16xf32> to vector<16xf32>
          %add3A_527 = arith.addf %get3A_522, %get3A_526 : vector<16xf32>
          %swap3A_528 = arith.index_cast %scan3A_114 : i32 to index
          %swap3A_529 = arith.constant 464 : index
          %swap3A_530 = tpu.vector_load %arg11[%swap3A_528, %swap3A_529] {strides = array<i32>} : memref<40x640xf32, #tpu.memory_space<vmem>>, vector<1x16xf32>,
          %swap3A_531 = vector.shape_cast %swap3A_530 : vector<1x16xf32> to vector<16xf32>
          %swap3A_532 = vector.shape_cast %add3A_527 : vector<16xf32> to vector<1x16xf32>
          tpu.vector_store %arg11[%swap3A_528, %swap3A_529], %swap3A_532 {strides = array<i32>} : memref<40x640xf32, #tpu.memory_space<vmem>>, vector<1x16xf32>,
          %get3A_533 = arith.index_cast %scan3A_114 : i32 to index
          %get3A_534 = arith.constant 480 : index
          %get3A_535 = tpu.vector_load %arg11[%get3A_533, %get3A_534] {strides = array<i32>} : memref<40x640xf32, #tpu.memory_space<vmem>>, vector<1x16xf32>,
          %get3A_536 = vector.shape_cast %get3A_535 : vector<1x16xf32> to vector<16xf32>
          %get3A_537 = arith.index_cast %scan3A_114 : i32 to index
          %get3A_538 = arith.constant 480 : index
          %get3A_539 = tpu.vector_load %arg12[%get3A_537, %get3A_538] {strides = array<i32>} : memref<40x512xf32, #tpu.memory_space<vmem>>, vector<1x16xf32>,
          %get3A_540 = vector.shape_cast %get3A_539 : vector<1x16xf32> to vector<16xf32>
          %add3A_541 = arith.addf %get3A_536, %get3A_540 : vector<16xf32>
          %swap3A_542 = arith.index_cast %scan3A_114 : i32 to index
          %swap3A_543 = arith.constant 480 : index
          %swap3A_544 = tpu.vector_load %arg11[%swap3A_542, %swap3A_543] {strides = array<i32>} : memref<40x640xf32, #tpu.memory_space<vmem>>, vector<1x16xf32>,
          %swap3A_545 = vector.shape_cast %swap3A_544 : vector<1x16xf32> to vector<16xf32>
          %swap3A_546 = vector.shape_cast %add3A_541 : vector<16xf32> to vector<1x16xf32>
          tpu.vector_store %arg11[%swap3A_542, %swap3A_543], %swap3A_546 {strides = array<i32>} : memref<40x640xf32, #tpu.memory_space<vmem>>, vector<1x16xf32>,
          %get3A_547 = arith.index_cast %scan3A_114 : i32 to index
          %get3A_548 = arith.constant 496 : index
          %get3A_549 = tpu.vector_load %arg11[%get3A_547, %get3A_548] {strides = array<i32>} : memref<40x640xf32, #tpu.memory_space<vmem>>, vector<1x16xf32>,
          %get3A_550 = vector.shape_cast %get3A_549 : vector<1x16xf32> to vector<16xf32>
          %get3A_551 = arith.index_cast %scan3A_114 : i32 to index
          %get3A_552 = arith.constant 496 : index
          %get3A_553 = tpu.vector_load %arg12[%get3A_551, %get3A_552] {strides = array<i32>} : memref<40x512xf32, #tpu.memory_space<vmem>>, vector<1x16xf32>,
          %get3A_554 = vector.shape_cast %get3A_553 : vector<1x16xf32> to vector<16xf32>
          %add3A_555 = arith.addf %get3A_550, %get3A_554 : vector<16xf32>
          %swap3A_556 = arith.index_cast %scan3A_114 : i32 to index
          %swap3A_557 = arith.constant 496 : index
          %swap3A_558 = tpu.vector_load %arg11[%swap3A_556, %swap3A_557] {strides = array<i32>} : memref<40x640xf32, #tpu.memory_space<vmem>>, vector<1x16xf32>,
          %swap3A_559 = vector.shape_cast %swap3A_558 : vector<1x16xf32> to vector<16xf32>
          %swap3A_560 = vector.shape_cast %add3A_555 : vector<16xf32> to vector<1x16xf32>
          tpu.vector_store %arg11[%swap3A_556, %swap3A_557], %swap3A_560 {strides = array<i32>} : memref<40x640xf32, #tpu.memory_space<vmem>>, vector<1x16xf32>,
        }
        %scan3A_107 = arith.constant 40 : i32
        %mul3A_108 = arith.constant 5000 : i32
        %mul3A_109 = arith.muli %add3A, %mul3A_108 : i32
        %mul3A_110 = arith.constant 40 : i32
        %mul3A_111 = arith.muli %scan3A_42, %mul3A_110 : i32
        %add3A_112 = arith.addi %mul3A_109, %mul3A_111 : i32
        %multiple_of3A_113 = tpu.assume_multiple %add3A_112, 8 : i32
        "tpu.region"() ({
          %run_scoped3A = tpu.sem_alloc : memref<!tpu.dma_semaphore, #tpu.memory_space<semaphore_mem>>
          %dma_start3A_114 = arith.constant 0 : i32
          %dma_start3A_115 = tpu.memref_slice %arg6[%multiple_of3A_113, %dma_start3A_114] : memref<160000x640xf32, #tpu.memory_space<hbm>> -> memref<40x640xf32, #tpu.memory_space<hbm>>
          %dma_start3A_116 = arith.constant 0 : i32
          %dma_start3A_117 = tpu.memref_slice %arg6[%multiple_of3A_113, %dma_start3A_116] : memref<160000x640xf32, #tpu.memory_space<hbm>> -> memref<40x640xf32, #tpu.memory_space<hbm>>
          tpu.enqueue_dma source(%arg11 : memref<40x640xf32, #tpu.memory_space<vmem>>) target(%dma_start3A_117 : memref<40x640xf32, #tpu.memory_space<hbm>>) target_semaphore(%run_scoped3A : memref<!tpu.dma_semaphore, #tpu.memory_space<semaphore_mem>>)
          %dma_wait3A_118 = arith.constant 0 : i32
          %dma_wait3A_119 = tpu.memref_slice %arg6[%multiple_of3A_113, %dma_wait3A_118] : memref<160000x640xf32, #tpu.memory_space<hbm>> -> memref<40x640xf32, #tpu.memory_space<hbm>>
          %dma_wait3A_120 = arith.constant 0 : i32
          %dma_wait3A_121 = tpu.memref_slice %arg6[%multiple_of3A_113, %dma_wait3A_120] : memref<160000x640xf32, #tpu.memory_space<hbm>> -> memref<40x640xf32, #tpu.memory_space<hbm>>
          tpu.wait_dma2 semaphore(%run_scoped3A : memref<!tpu.dma_semaphore, #tpu.memory_space<semaphore_mem>>) src(%arg11 : memref<40x640xf32, #tpu.memory_space<vmem>>) dst(%dma_wait3A_121 : memref<40x640xf32, #tpu.memory_space<hbm>>)
          tpu.yield
        }) : () -> ()
      } else {
      }
    }
    %scan3A_18 = arith.constant 124 : i32
    %dma_wait3A = arith.constant 124 : i32
    %dma_wait3A_19 = arith.constant 0 : i32
    %dma_wait3A_20 = tpu.memref_slice %arg7[%dma_wait3A, %dma_wait3A_19] : memref<125x40xi32, #tpu.memory_space<vmem>> -> memref<1x40xi32, #tpu.memory_space<vmem>>
    %dma_wait3A_21 = tpu.memref_squeeze %dma_wait3A_20 : memref<1x40xi32, #tpu.memory_space<vmem>> -> memref<40xi32, #tpu.memory_space<vmem>>
    %dma_wait3A_22 = arith.constant 0 : i32
    %dma_wait3A_23 = arith.constant 0 : i32
    %dma_wait3A_24 = tpu.memref_slice %arg2[%dma_wait3A_22, %dma_wait3A_23] : memref<10000x640xf32, #tpu.memory_space<hbm>> -> memref<10000x640xf32, #tpu.memory_space<hbm>>
    tpu.wait_indirect_dma semaphore(%arg13 : memref<!tpu.dma_semaphore, #tpu.memory_space<semaphore_mem>>) src(%dma_wait3A_24 : memref<10000x640xf32, #tpu.memory_space<hbm>>) dst(%arg9 : memref<40x640xf32, #tpu.memory_space<vmem>>)
    %dma_wait3A_25 = arith.constant 124 : i32
    %dma_wait3A_26 = arith.constant 0 : i32
    %dma_wait3A_27 = tpu.memref_slice %arg8[%dma_wait3A_25, %dma_wait3A_26] : memref<125x40xi32, #tpu.memory_space<vmem>> -> memref<1x40xi32, #tpu.memory_space<vmem>>
    %dma_wait3A_28 = tpu.memref_squeeze %dma_wait3A_27 : memref<1x40xi32, #tpu.memory_space<vmem>> -> memref<40xi32, #tpu.memory_space<vmem>>
    %dma_wait3A_29 = arith.constant 0 : i32
    %dma_wait3A_30 = arith.constant 0 : i32
    %dma_wait3A_31 = tpu.memref_slice %arg3[%dma_wait3A_29, %dma_wait3A_30] : memref<10000x512xf32, #tpu.memory_space<hbm>> -> memref<10000x512xf32, #tpu.memory_space<hbm>>
    tpu.wait_indirect_dma semaphore(%arg14 : memref<!tpu.dma_semaphore, #tpu.memory_space<semaphore_mem>>) src(%dma_wait3A_31 : memref<10000x512xf32, #tpu.memory_space<hbm>>) dst(%arg10 : memref<40x512xf32, #tpu.memory_space<vmem>>)
    %scan3A_32 = arith.constant 0 : i32
    %scan3A_33 = arith.constant 0 : i32
    %scan3A_34 = arith.constant 40 : i32
    %scan3A_35 = arith.addi %scan3A_33, %scan3A_34 : i32
    %scan3A_36 = arith.constant 1 : i32
    scf.for %scan3A_42 = %scan3A_33 to %scan3A_35 step %scan3A_36  : i32 {
      %get3A = arith.index_cast %scan3A_42 : i32 to index
      %get3A_43 = arith.constant 0 : index
      %get3A_44 = tpu.vector_load %arg9[%get3A, %get3A_43] {strides = array<i32>} : memref<40x640xf32, #tpu.memory_space<vmem>>, vector<1x16xf32>,
      %get3A_45 = vector.shape_cast %get3A_44 : vector<1x16xf32> to vector<16xf32>
      %get3A_46 = arith.index_cast %scan3A_42 : i32 to index
      %get3A_47 = arith.constant 0 : index
      %get3A_48 = tpu.vector_load %arg10[%get3A_46, %get3A_47] {strides = array<i32>} : memref<40x512xf32, #tpu.memory_space<vmem>>, vector<1x16xf32>,
      %get3A_49 = vector.shape_cast %get3A_48 : vector<1x16xf32> to vector<16xf32>
      %add3A_50 = arith.addf %get3A_45, %get3A_49 : vector<16xf32>
      %swap3A = arith.index_cast %scan3A_42 : i32 to index
      %swap3A_51 = arith.constant 0 : index
      %swap3A_52 = tpu.vector_load %arg9[%swap3A, %swap3A_51] {strides = array<i32>} : memref<40x640xf32, #tpu.memory_space<vmem>>, vector<1x16xf32>,
      %swap3A_53 = vector.shape_cast %swap3A_52 : vector<1x16xf32> to vector<16xf32>
      %swap3A_54 = vector.shape_cast %add3A_50 : vector<16xf32> to vector<1x16xf32>
      tpu.vector_store %arg9[%swap3A, %swap3A_51], %swap3A_54 {strides = array<i32>} : memref<40x640xf32, #tpu.memory_space<vmem>>, vector<1x16xf32>,
      %get3A_55 = arith.index_cast %scan3A_42 : i32 to index
      %get3A_56 = arith.constant 16 : index
      %get3A_57 = tpu.vector_load %arg9[%get3A_55, %get3A_56] {strides = array<i32>} : memref<40x640xf32, #tpu.memory_space<vmem>>, vector<1x16xf32>,
      %get3A_58 = vector.shape_cast %get3A_57 : vector<1x16xf32> to vector<16xf32>
      %get3A_59 = arith.index_cast %scan3A_42 : i32 to index
      %get3A_60 = arith.constant 16 : index
      %get3A_61 = tpu.vector_load %arg10[%get3A_59, %get3A_60] {strides = array<i32>} : memref<40x512xf32, #tpu.memory_space<vmem>>, vector<1x16xf32>,
      %get3A_62 = vector.shape_cast %get3A_61 : vector<1x16xf32> to vector<16xf32>
      %add3A_63 = arith.addf %get3A_58, %get3A_62 : vector<16xf32>
      %swap3A_64 = arith.index_cast %scan3A_42 : i32 to index
      %swap3A_65 = arith.constant 16 : index
      %swap3A_66 = tpu.vector_load %arg9[%swap3A_64, %swap3A_65] {strides = array<i32>} : memref<40x640xf32, #tpu.memory_space<vmem>>, vector<1x16xf32>,
      %swap3A_67 = vector.shape_cast %swap3A_66 : vector<1x16xf32> to vector<16xf32>
      %swap3A_68 = vector.shape_cast %add3A_63 : vector<16xf32> to vector<1x16xf32>
      tpu.vector_store %arg9[%swap3A_64, %swap3A_65], %swap3A_68 {strides = array<i32>} : memref<40x640xf32, #tpu.memory_space<vmem>>, vector<1x16xf32>,
      %get3A_69 = arith.index_cast %scan3A_42 : i32 to index
      %get3A_70 = arith.constant 32 : index
      %get3A_71 = tpu.vector_load %arg9[%get3A_69, %get3A_70] {strides = array<i32>} : memref<40x640xf32, #tpu.memory_space<vmem>>, vector<1x16xf32>,
      %get3A_72 = vector.shape_cast %get3A_71 : vector<1x16xf32> to vector<16xf32>
      %get3A_73 = arith.index_cast %scan3A_42 : i32 to index
      %get3A_74 = arith.constant 32 : index
      %get3A_75 = tpu.vector_load %arg10[%get3A_73, %get3A_74] {strides = array<i32>} : memref<40x512xf32, #tpu.memory_space<vmem>>, vector<1x16xf32>,
      %get3A_76 = vector.shape_cast %get3A_75 : vector<1x16xf32> to vector<16xf32>
      %add3A_77 = arith.addf %get3A_72, %get3A_76 : vector<16xf32>
      %swap3A_78 = arith.index_cast %scan3A_42 : i32 to index
      %swap3A_79 = arith.constant 32 : index
      %swap3A_80 = tpu.vector_load %arg9[%swap3A_78, %swap3A_79] {strides = array<i32>} : memref<40x640xf32, #tpu.memory_space<vmem>>, vector<1x16xf32>,
      %swap3A_81 = vector.shape_cast %swap3A_80 : vector<1x16xf32> to vector<16xf32>
      %swap3A_82 = vector.shape_cast %add3A_77 : vector<16xf32> to vector<1x16xf32>
      tpu.vector_store %arg9[%swap3A_78, %swap3A_79], %swap3A_82 {strides = array<i32>} : memref<40x640xf32, #tpu.memory_space<vmem>>, vector<1x16xf32>,
      %get3A_83 = arith.index_cast %scan3A_42 : i32 to index
      %get3A_84 = arith.constant 48 : index
      %get3A_85 = tpu.vector_load %arg9[%get3A_83, %get3A_84] {strides = array<i32>} : memref<40x640xf32, #tpu.memory_space<vmem>>, vector<1x16xf32>,
      %get3A_86 = vector.shape_cast %get3A_85 : vector<1x16xf32> to vector<16xf32>
      %get3A_87 = arith.index_cast %scan3A_42 : i32 to index
      %get3A_88 = arith.constant 48 : index
      %get3A_89 = tpu.vector_load %arg10[%get3A_87, %get3A_88] {strides = array<i32>} : memref<40x512xf32, #tpu.memory_space<vmem>>, vector<1x16xf32>,
      %get3A_90 = vector.shape_cast %get3A_89 : vector<1x16xf32> to vector<16xf32>
      %add3A_91 = arith.addf %get3A_86, %get3A_90 : vector<16xf32>
      %swap3A_92 = arith.index_cast %scan3A_42 : i32 to index
      %swap3A_93 = arith.constant 48 : index
      %swap3A_94 = tpu.vector_load %arg9[%swap3A_92, %swap3A_93] {strides = array<i32>} : memref<40x640xf32, #tpu.memory_space<vmem>>, vector<1x16xf32>,
      %swap3A_95 = vector.shape_cast %swap3A_94 : vector<1x16xf32> to vector<16xf32>
      %swap3A_96 = vector.shape_cast %add3A_91 : vector<16xf32> to vector<1x16xf32>
      tpu.vector_store %arg9[%swap3A_92, %swap3A_93], %swap3A_96 {strides = array<i32>} : memref<40x640xf32, #tpu.memory_space<vmem>>, vector<1x16xf32>,
      %get3A_97 = arith.index_cast %scan3A_42 : i32 to index
      %get3A_98 = arith.constant 64 : index
      %get3A_99 = tpu.vector_load %arg9[%get3A_97, %get3A_98] {strides = array<i32>} : memref<40x640xf32, #tpu.memory_space<vmem>>, vector<1x16xf32>,
      %get3A_100 = vector.shape_cast %get3A_99 : vector<1x16xf32> to vector<16xf32>
      %get3A_101 = arith.index_cast %scan3A_42 : i32 to index
      %get3A_102 = arith.constant 64 : index
      %get3A_103 = tpu.vector_load %arg10[%get3A_101, %get3A_102] {strides = array<i32>} : memref<40x512xf32, #tpu.memory_space<vmem>>, vector<1x16xf32>,
      %get3A_104 = vector.shape_cast %get3A_103 : vector<1x16xf32> to vector<16xf32>
      %add3A_105 = arith.addf %get3A_100, %get3A_104 : vector<16xf32>
      %swap3A_106 = arith.index_cast %scan3A_42 : i32 to index
      %swap3A_107 = arith.constant 64 : index
      %swap3A_108 = tpu.vector_load %arg9[%swap3A_106, %swap3A_107] {strides = array<i32>} : memref<40x640xf32, #tpu.memory_space<vmem>>, vector<1x16xf32>,
      %swap3A_109 = vector.shape_cast %swap3A_108 : vector<1x16xf32> to vector<16xf32>
      %swap3A_110 = vector.shape_cast %add3A_105 : vector<16xf32> to vector<1x16xf32>
      tpu.vector_store %arg9[%swap3A_106, %swap3A_107], %swap3A_110 {strides = array<i32>} : memref<40x640xf32, #tpu.memory_space<vmem>>, vector<1x16xf32>,
      %get3A_111 = arith.index_cast %scan3A_42 : i32 to index
      %get3A_112 = arith.constant 80 : index
      %get3A_113 = tpu.vector_load %arg9[%get3A_111, %get3A_112] {strides = array<i32>} : memref<40x640xf32, #tpu.memory_space<vmem>>, vector<1x16xf32>,
      %get3A_114 = vector.shape_cast %get3A_113 : vector<1x16xf32> to vector<16xf32>
      %get3A_115 = arith.index_cast %scan3A_42 : i32 to index
      %get3A_116 = arith.constant 80 : index
      %get3A_117 = tpu.vector_load %arg10[%get3A_115, %get3A_116] {strides = array<i32>} : memref<40x512xf32, #tpu.memory_space<vmem>>, vector<1x16xf32>,
      %get3A_118 = vector.shape_cast %get3A_117 : vector<1x16xf32> to vector<16xf32>
      %add3A_119 = arith.addf %get3A_114, %get3A_118 : vector<16xf32>
      %swap3A_120 = arith.index_cast %scan3A_42 : i32 to index
      %swap3A_121 = arith.constant 80 : index
      %swap3A_122 = tpu.vector_load %arg9[%swap3A_120, %swap3A_121] {strides = array<i32>} : memref<40x640xf32, #tpu.memory_space<vmem>>, vector<1x16xf32>,
      %swap3A_123 = vector.shape_cast %swap3A_122 : vector<1x16xf32> to vector<16xf32>
      %swap3A_124 = vector.shape_cast %add3A_119 : vector<16xf32> to vector<1x16xf32>
      tpu.vector_store %arg9[%swap3A_120, %swap3A_121], %swap3A_124 {strides = array<i32>} : memref<40x640xf32, #tpu.memory_space<vmem>>, vector<1x16xf32>,
      %get3A_125 = arith.index_cast %scan3A_42 : i32 to index
      %get3A_126 = arith.constant 96 : index
      %get3A_127 = tpu.vector_load %arg9[%get3A_125, %get3A_126] {strides = array<i32>} : memref<40x640xf32, #tpu.memory_space<vmem>>, vector<1x16xf32>,
      %get3A_128 = vector.shape_cast %get3A_127 : vector<1x16xf32> to vector<16xf32>
      %get3A_129 = arith.index_cast %scan3A_42 : i32 to index
      %get3A_130 = arith.constant 96 : index
      %get3A_131 = tpu.vector_load %arg10[%get3A_129, %get3A_130] {strides = array<i32>} : memref<40x512xf32, #tpu.memory_space<vmem>>, vector<1x16xf32>,
      %get3A_132 = vector.shape_cast %get3A_131 : vector<1x16xf32> to vector<16xf32>
      %add3A_133 = arith.addf %get3A_128, %get3A_132 : vector<16xf32>
      %swap3A_134 = arith.index_cast %scan3A_42 : i32 to index
      %swap3A_135 = arith.constant 96 : index
      %swap3A_136 = tpu.vector_load %arg9[%swap3A_134, %swap3A_135] {strides = array<i32>} : memref<40x640xf32, #tpu.memory_space<vmem>>, vector<1x16xf32>,
      %swap3A_137 = vector.shape_cast %swap3A_136 : vector<1x16xf32> to vector<16xf32>
      %swap3A_138 = vector.shape_cast %add3A_133 : vector<16xf32> to vector<1x16xf32>
      tpu.vector_store %arg9[%swap3A_134, %swap3A_135], %swap3A_138 {strides = array<i32>} : memref<40x640xf32, #tpu.memory_space<vmem>>, vector<1x16xf32>,
      %get3A_139 = arith.index_cast %scan3A_42 : i32 to index
      %get3A_140 = arith.constant 112 : index
      %get3A_141 = tpu.vector_load %arg9[%get3A_139, %get3A_140] {strides = array<i32>} : memref<40x640xf32, #tpu.memory_space<vmem>>, vector<1x16xf32>,
      %get3A_142 = vector.shape_cast %get3A_141 : vector<1x16xf32> to vector<16xf32>
      %get3A_143 = arith.index_cast %scan3A_42 : i32 to index
      %get3A_144 = arith.constant 112 : index
      %get3A_145 = tpu.vector_load %arg10[%get3A_143, %get3A_144] {strides = array<i32>} : memref<40x512xf32, #tpu.memory_space<vmem>>, vector<1x16xf32>,
      %get3A_146 = vector.shape_cast %get3A_145 : vector<1x16xf32> to vector<16xf32>
      %add3A_147 = arith.addf %get3A_142, %get3A_146 : vector<16xf32>
      %swap3A_148 = arith.index_cast %scan3A_42 : i32 to index
      %swap3A_149 = arith.constant 112 : index
      %swap3A_150 = tpu.vector_load %arg9[%swap3A_148, %swap3A_149] {strides = array<i32>} : memref<40x640xf32, #tpu.memory_space<vmem>>, vector<1x16xf32>,
      %swap3A_151 = vector.shape_cast %swap3A_150 : vector<1x16xf32> to vector<16xf32>
      %swap3A_152 = vector.shape_cast %add3A_147 : vector<16xf32> to vector<1x16xf32>
      tpu.vector_store %arg9[%swap3A_148, %swap3A_149], %swap3A_152 {strides = array<i32>} : memref<40x640xf32, #tpu.memory_space<vmem>>, vector<1x16xf32>,
      %get3A_153 = arith.index_cast %scan3A_42 : i32 to index
      %get3A_154 = arith.constant 128 : index
      %get3A_155 = tpu.vector_load %arg9[%get3A_153, %get3A_154] {strides = array<i32>} : memref<40x640xf32, #tpu.memory_space<vmem>>, vector<1x16xf32>,
      %get3A_156 = vector.shape_cast %get3A_155 : vector<1x16xf32> to vector<16xf32>
      %get3A_157 = arith.index_cast %scan3A_42 : i32 to index
      %get3A_158 = arith.constant 128 : index
      %get3A_159 = tpu.vector_load %arg10[%get3A_157, %get3A_158] {strides = array<i32>} : memref<40x512xf32, #tpu.memory_space<vmem>>, vector<1x16xf32>,
      %get3A_160 = vector.shape_cast %get3A_159 : vector<1x16xf32> to vector<16xf32>
      %add3A_161 = arith.addf %get3A_156, %get3A_160 : vector<16xf32>
      %swap3A_162 = arith.index_cast %scan3A_42 : i32 to index
      %swap3A_163 = arith.constant 128 : index
      %swap3A_164 = tpu.vector_load %arg9[%swap3A_162, %swap3A_163] {strides = array<i32>} : memref<40x640xf32, #tpu.memory_space<vmem>>, vector<1x16xf32>,
      %swap3A_165 = vector.shape_cast %swap3A_164 : vector<1x16xf32> to vector<16xf32>
      %swap3A_166 = vector.shape_cast %add3A_161 : vector<16xf32> to vector<1x16xf32>
      tpu.vector_store %arg9[%swap3A_162, %swap3A_163], %swap3A_166 {strides = array<i32>} : memref<40x640xf32, #tpu.memory_space<vmem>>, vector<1x16xf32>,
      %get3A_167 = arith.index_cast %scan3A_42 : i32 to index
      %get3A_168 = arith.constant 144 : index
      %get3A_169 = tpu.vector_load %arg9[%get3A_167, %get3A_168] {strides = array<i32>} : memref<40x640xf32, #tpu.memory_space<vmem>>, vector<1x16xf32>,
      %get3A_170 = vector.shape_cast %get3A_169 : vector<1x16xf32> to vector<16xf32>
      %get3A_171 = arith.index_cast %scan3A_42 : i32 to index
      %get3A_172 = arith.constant 144 : index
      %get3A_173 = tpu.vector_load %arg10[%get3A_171, %get3A_172] {strides = array<i32>} : memref<40x512xf32, #tpu.memory_space<vmem>>, vector<1x16xf32>,
      %get3A_174 = vector.shape_cast %get3A_173 : vector<1x16xf32> to vector<16xf32>
      %add3A_175 = arith.addf %get3A_170, %get3A_174 : vector<16xf32>
      %swap3A_176 = arith.index_cast %scan3A_42 : i32 to index
      %swap3A_177 = arith.constant 144 : index
      %swap3A_178 = tpu.vector_load %arg9[%swap3A_176, %swap3A_177] {strides = array<i32>} : memref<40x640xf32, #tpu.memory_space<vmem>>, vector<1x16xf32>,
      %swap3A_179 = vector.shape_cast %swap3A_178 : vector<1x16xf32> to vector<16xf32>
      %swap3A_180 = vector.shape_cast %add3A_175 : vector<16xf32> to vector<1x16xf32>
      tpu.vector_store %arg9[%swap3A_176, %swap3A_177], %swap3A_180 {strides = array<i32>} : memref<40x640xf32, #tpu.memory_space<vmem>>, vector<1x16xf32>,
      %get3A_181 = arith.index_cast %scan3A_42 : i32 to index
      %get3A_182 = arith.constant 160 : index
      %get3A_183 = tpu.vector_load %arg9[%get3A_181, %get3A_182] {strides = array<i32>} : memref<40x640xf32, #tpu.memory_space<vmem>>, vector<1x16xf32>,
      %get3A_184 = vector.shape_cast %get3A_183 : vector<1x16xf32> to vector<16xf32>
      %get3A_185 = arith.index_cast %scan3A_42 : i32 to index
      %get3A_186 = arith.constant 160 : index
      %get3A_187 = tpu.vector_load %arg10[%get3A_185, %get3A_186] {strides = array<i32>} : memref<40x512xf32, #tpu.memory_space<vmem>>, vector<1x16xf32>,
      %get3A_188 = vector.shape_cast %get3A_187 : vector<1x16xf32> to vector<16xf32>
      %add3A_189 = arith.addf %get3A_184, %get3A_188 : vector<16xf32>
      %swap3A_190 = arith.index_cast %scan3A_42 : i32 to index
      %swap3A_191 = arith.constant 160 : index
      %swap3A_192 = tpu.vector_load %arg9[%swap3A_190, %swap3A_191] {strides = array<i32>} : memref<40x640xf32, #tpu.memory_space<vmem>>, vector<1x16xf32>,
      %swap3A_193 = vector.shape_cast %swap3A_192 : vector<1x16xf32> to vector<16xf32>
      %swap3A_194 = vector.shape_cast %add3A_189 : vector<16xf32> to vector<1x16xf32>
      tpu.vector_store %arg9[%swap3A_190, %swap3A_191], %swap3A_194 {strides = array<i32>} : memref<40x640xf32, #tpu.memory_space<vmem>>, vector<1x16xf32>,
      %get3A_195 = arith.index_cast %scan3A_42 : i32 to index
      %get3A_196 = arith.constant 176 : index
      %get3A_197 = tpu.vector_load %arg9[%get3A_195, %get3A_196] {strides = array<i32>} : memref<40x640xf32, #tpu.memory_space<vmem>>, vector<1x16xf32>,
      %get3A_198 = vector.shape_cast %get3A_197 : vector<1x16xf32> to vector<16xf32>
      %get3A_199 = arith.index_cast %scan3A_42 : i32 to index
      %get3A_200 = arith.constant 176 : index
      %get3A_201 = tpu.vector_load %arg10[%get3A_199, %get3A_200] {strides = array<i32>} : memref<40x512xf32, #tpu.memory_space<vmem>>, vector<1x16xf32>,
      %get3A_202 = vector.shape_cast %get3A_201 : vector<1x16xf32> to vector<16xf32>
      %add3A_203 = arith.addf %get3A_198, %get3A_202 : vector<16xf32>
      %swap3A_204 = arith.index_cast %scan3A_42 : i32 to index
      %swap3A_205 = arith.constant 176 : index
      %swap3A_206 = tpu.vector_load %arg9[%swap3A_204, %swap3A_205] {strides = array<i32>} : memref<40x640xf32, #tpu.memory_space<vmem>>, vector<1x16xf32>,
      %swap3A_207 = vector.shape_cast %swap3A_206 : vector<1x16xf32> to vector<16xf32>
      %swap3A_208 = vector.shape_cast %add3A_203 : vector<16xf32> to vector<1x16xf32>
      tpu.vector_store %arg9[%swap3A_204, %swap3A_205], %swap3A_208 {strides = array<i32>} : memref<40x640xf32, #tpu.memory_space<vmem>>, vector<1x16xf32>,
      %get3A_209 = arith.index_cast %scan3A_42 : i32 to index
      %get3A_210 = arith.constant 192 : index
      %get3A_211 = tpu.vector_load %arg9[%get3A_209, %get3A_210] {strides = array<i32>} : memref<40x640xf32, #tpu.memory_space<vmem>>, vector<1x16xf32>,
      %get3A_212 = vector.shape_cast %get3A_211 : vector<1x16xf32> to vector<16xf32>
      %get3A_213 = arith.index_cast %scan3A_42 : i32 to index
      %get3A_214 = arith.constant 192 : index
      %get3A_215 = tpu.vector_load %arg10[%get3A_213, %get3A_214] {strides = array<i32>} : memref<40x512xf32, #tpu.memory_space<vmem>>, vector<1x16xf32>,
      %get3A_216 = vector.shape_cast %get3A_215 : vector<1x16xf32> to vector<16xf32>
      %add3A_217 = arith.addf %get3A_212, %get3A_216 : vector<16xf32>
      %swap3A_218 = arith.index_cast %scan3A_42 : i32 to index
      %swap3A_219 = arith.constant 192 : index
      %swap3A_220 = tpu.vector_load %arg9[%swap3A_218, %swap3A_219] {strides = array<i32>} : memref<40x640xf32, #tpu.memory_space<vmem>>, vector<1x16xf32>,
      %swap3A_221 = vector.shape_cast %swap3A_220 : vector<1x16xf32> to vector<16xf32>
      %swap3A_222 = vector.shape_cast %add3A_217 : vector<16xf32> to vector<1x16xf32>
      tpu.vector_store %arg9[%swap3A_218, %swap3A_219], %swap3A_222 {strides = array<i32>} : memref<40x640xf32, #tpu.memory_space<vmem>>, vector<1x16xf32>,
      %get3A_223 = arith.index_cast %scan3A_42 : i32 to index
      %get3A_224 = arith.constant 208 : index
      %get3A_225 = tpu.vector_load %arg9[%get3A_223, %get3A_224] {strides = array<i32>} : memref<40x640xf32, #tpu.memory_space<vmem>>, vector<1x16xf32>,
      %get3A_226 = vector.shape_cast %get3A_225 : vector<1x16xf32> to vector<16xf32>
      %get3A_227 = arith.index_cast %scan3A_42 : i32 to index
      %get3A_228 = arith.constant 208 : index
      %get3A_229 = tpu.vector_load %arg10[%get3A_227, %get3A_228] {strides = array<i32>} : memref<40x512xf32, #tpu.memory_space<vmem>>, vector<1x16xf32>,
      %get3A_230 = vector.shape_cast %get3A_229 : vector<1x16xf32> to vector<16xf32>
      %add3A_231 = arith.addf %get3A_226, %get3A_230 : vector<16xf32>
      %swap3A_232 = arith.index_cast %scan3A_42 : i32 to index
      %swap3A_233 = arith.constant 208 : index
      %swap3A_234 = tpu.vector_load %arg9[%swap3A_232, %swap3A_233] {strides = array<i32>} : memref<40x640xf32, #tpu.memory_space<vmem>>, vector<1x16xf32>,
      %swap3A_235 = vector.shape_cast %swap3A_234 : vector<1x16xf32> to vector<16xf32>
      %swap3A_236 = vector.shape_cast %add3A_231 : vector<16xf32> to vector<1x16xf32>
      tpu.vector_store %arg9[%swap3A_232, %swap3A_233], %swap3A_236 {strides = array<i32>} : memref<40x640xf32, #tpu.memory_space<vmem>>, vector<1x16xf32>,
      %get3A_237 = arith.index_cast %scan3A_42 : i32 to index
      %get3A_238 = arith.constant 224 : index
      %get3A_239 = tpu.vector_load %arg9[%get3A_237, %get3A_238] {strides = array<i32>} : memref<40x640xf32, #tpu.memory_space<vmem>>, vector<1x16xf32>,
      %get3A_240 = vector.shape_cast %get3A_239 : vector<1x16xf32> to vector<16xf32>
      %get3A_241 = arith.index_cast %scan3A_42 : i32 to index
      %get3A_242 = arith.constant 224 : index
      %get3A_243 = tpu.vector_load %arg10[%get3A_241, %get3A_242] {strides = array<i32>} : memref<40x512xf32, #tpu.memory_space<vmem>>, vector<1x16xf32>,
      %get3A_244 = vector.shape_cast %get3A_243 : vector<1x16xf32> to vector<16xf32>
      %add3A_245 = arith.addf %get3A_240, %get3A_244 : vector<16xf32>
      %swap3A_246 = arith.index_cast %scan3A_42 : i32 to index
      %swap3A_247 = arith.constant 224 : index
      %swap3A_248 = tpu.vector_load %arg9[%swap3A_246, %swap3A_247] {strides = array<i32>} : memref<40x640xf32, #tpu.memory_space<vmem>>, vector<1x16xf32>,
      %swap3A_249 = vector.shape_cast %swap3A_248 : vector<1x16xf32> to vector<16xf32>
      %swap3A_250 = vector.shape_cast %add3A_245 : vector<16xf32> to vector<1x16xf32>
      tpu.vector_store %arg9[%swap3A_246, %swap3A_247], %swap3A_250 {strides = array<i32>} : memref<40x640xf32, #tpu.memory_space<vmem>>, vector<1x16xf32>,
      %get3A_251 = arith.index_cast %scan3A_42 : i32 to index
      %get3A_252 = arith.constant 240 : index
      %get3A_253 = tpu.vector_load %arg9[%get3A_251, %get3A_252] {strides = array<i32>} : memref<40x640xf32, #tpu.memory_space<vmem>>, vector<1x16xf32>,
      %get3A_254 = vector.shape_cast %get3A_253 : vector<1x16xf32> to vector<16xf32>
      %get3A_255 = arith.index_cast %scan3A_42 : i32 to index
      %get3A_256 = arith.constant 240 : index
      %get3A_257 = tpu.vector_load %arg10[%get3A_255, %get3A_256] {strides = array<i32>} : memref<40x512xf32, #tpu.memory_space<vmem>>, vector<1x16xf32>,
      %get3A_258 = vector.shape_cast %get3A_257 : vector<1x16xf32> to vector<16xf32>
      %add3A_259 = arith.addf %get3A_254, %get3A_258 : vector<16xf32>
      %swap3A_260 = arith.index_cast %scan3A_42 : i32 to index
      %swap3A_261 = arith.constant 240 : index
      %swap3A_262 = tpu.vector_load %arg9[%swap3A_260, %swap3A_261] {strides = array<i32>} : memref<40x640xf32, #tpu.memory_space<vmem>>, vector<1x16xf32>,
      %swap3A_263 = vector.shape_cast %swap3A_262 : vector<1x16xf32> to vector<16xf32>
      %swap3A_264 = vector.shape_cast %add3A_259 : vector<16xf32> to vector<1x16xf32>
      tpu.vector_store %arg9[%swap3A_260, %swap3A_261], %swap3A_264 {strides = array<i32>} : memref<40x640xf32, #tpu.memory_space<vmem>>, vector<1x16xf32>,
      %get3A_265 = arith.index_cast %scan3A_42 : i32 to index
      %get3A_266 = arith.constant 256 : index
      %get3A_267 = tpu.vector_load %arg9[%get3A_265, %get3A_266] {strides = array<i32>} : memref<40x640xf32, #tpu.memory_space<vmem>>, vector<1x16xf32>,
      %get3A_268 = vector.shape_cast %get3A_267 : vector<1x16xf32> to vector<16xf32>
      %get3A_269 = arith.index_cast %scan3A_42 : i32 to index
      %get3A_270 = arith.constant 256 : index
      %get3A_271 = tpu.vector_load %arg10[%get3A_269, %get3A_270] {strides = array<i32>} : memref<40x512xf32, #tpu.memory_space<vmem>>, vector<1x16xf32>,
      %get3A_272 = vector.shape_cast %get3A_271 : vector<1x16xf32> to vector<16xf32>
      %add3A_273 = arith.addf %get3A_268, %get3A_272 : vector<16xf32>
      %swap3A_274 = arith.index_cast %scan3A_42 : i32 to index
      %swap3A_275 = arith.constant 256 : index
      %swap3A_276 = tpu.vector_load %arg9[%swap3A_274, %swap3A_275] {strides = array<i32>} : memref<40x640xf32, #tpu.memory_space<vmem>>, vector<1x16xf32>,
      %swap3A_277 = vector.shape_cast %swap3A_276 : vector<1x16xf32> to vector<16xf32>
      %swap3A_278 = vector.shape_cast %add3A_273 : vector<16xf32> to vector<1x16xf32>
      tpu.vector_store %arg9[%swap3A_274, %swap3A_275], %swap3A_278 {strides = array<i32>} : memref<40x640xf32, #tpu.memory_space<vmem>>, vector<1x16xf32>,
      %get3A_279 = arith.index_cast %scan3A_42 : i32 to index
      %get3A_280 = arith.constant 272 : index
      %get3A_281 = tpu.vector_load %arg9[%get3A_279, %get3A_280] {strides = array<i32>} : memref<40x640xf32, #tpu.memory_space<vmem>>, vector<1x16xf32>,
      %get3A_282 = vector.shape_cast %get3A_281 : vector<1x16xf32> to vector<16xf32>
      %get3A_283 = arith.index_cast %scan3A_42 : i32 to index
      %get3A_284 = arith.constant 272 : index
      %get3A_285 = tpu.vector_load %arg10[%get3A_283, %get3A_284] {strides = array<i32>} : memref<40x512xf32, #tpu.memory_space<vmem>>, vector<1x16xf32>,
      %get3A_286 = vector.shape_cast %get3A_285 : vector<1x16xf32> to vector<16xf32>
      %add3A_287 = arith.addf %get3A_282, %get3A_286 : vector<16xf32>
      %swap3A_288 = arith.index_cast %scan3A_42 : i32 to index
      %swap3A_289 = arith.constant 272 : index
      %swap3A_290 = tpu.vector_load %arg9[%swap3A_288, %swap3A_289] {strides = array<i32>} : memref<40x640xf32, #tpu.memory_space<vmem>>, vector<1x16xf32>,
      %swap3A_291 = vector.shape_cast %swap3A_290 : vector<1x16xf32> to vector<16xf32>
      %swap3A_292 = vector.shape_cast %add3A_287 : vector<16xf32> to vector<1x16xf32>
      tpu.vector_store %arg9[%swap3A_288, %swap3A_289], %swap3A_292 {strides = array<i32>} : memref<40x640xf32, #tpu.memory_space<vmem>>, vector<1x16xf32>,
      %get3A_293 = arith.index_cast %scan3A_42 : i32 to index
      %get3A_294 = arith.constant 288 : index
      %get3A_295 = tpu.vector_load %arg9[%get3A_293, %get3A_294] {strides = array<i32>} : memref<40x640xf32, #tpu.memory_space<vmem>>, vector<1x16xf32>,
      %get3A_296 = vector.shape_cast %get3A_295 : vector<1x16xf32> to vector<16xf32>
      %get3A_297 = arith.index_cast %scan3A_42 : i32 to index
      %get3A_298 = arith.constant 288 : index
      %get3A_299 = tpu.vector_load %arg10[%get3A_297, %get3A_298] {strides = array<i32>} : memref<40x512xf32, #tpu.memory_space<vmem>>, vector<1x16xf32>,
      %get3A_300 = vector.shape_cast %get3A_299 : vector<1x16xf32> to vector<16xf32>
      %add3A_301 = arith.addf %get3A_296, %get3A_300 : vector<16xf32>
      %swap3A_302 = arith.index_cast %scan3A_42 : i32 to index
      %swap3A_303 = arith.constant 288 : index
      %swap3A_304 = tpu.vector_load %arg9[%swap3A_302, %swap3A_303] {strides = array<i32>} : memref<40x640xf32, #tpu.memory_space<vmem>>, vector<1x16xf32>,
      %swap3A_305 = vector.shape_cast %swap3A_304 : vector<1x16xf32> to vector<16xf32>
      %swap3A_306 = vector.shape_cast %add3A_301 : vector<16xf32> to vector<1x16xf32>
      tpu.vector_store %arg9[%swap3A_302, %swap3A_303], %swap3A_306 {strides = array<i32>} : memref<40x640xf32, #tpu.memory_space<vmem>>, vector<1x16xf32>,
      %get3A_307 = arith.index_cast %scan3A_42 : i32 to index
      %get3A_308 = arith.constant 304 : index
      %get3A_309 = tpu.vector_load %arg9[%get3A_307, %get3A_308] {strides = array<i32>} : memref<40x640xf32, #tpu.memory_space<vmem>>, vector<1x16xf32>,
      %get3A_310 = vector.shape_cast %get3A_309 : vector<1x16xf32> to vector<16xf32>
      %get3A_311 = arith.index_cast %scan3A_42 : i32 to index
      %get3A_312 = arith.constant 304 : index
      %get3A_313 = tpu.vector_load %arg10[%get3A_311, %get3A_312] {strides = array<i32>} : memref<40x512xf32, #tpu.memory_space<vmem>>, vector<1x16xf32>,
      %get3A_314 = vector.shape_cast %get3A_313 : vector<1x16xf32> to vector<16xf32>
      %add3A_315 = arith.addf %get3A_310, %get3A_314 : vector<16xf32>
      %swap3A_316 = arith.index_cast %scan3A_42 : i32 to index
      %swap3A_317 = arith.constant 304 : index
      %swap3A_318 = tpu.vector_load %arg9[%swap3A_316, %swap3A_317] {strides = array<i32>} : memref<40x640xf32, #tpu.memory_space<vmem>>, vector<1x16xf32>,
      %swap3A_319 = vector.shape_cast %swap3A_318 : vector<1x16xf32> to vector<16xf32>
      %swap3A_320 = vector.shape_cast %add3A_315 : vector<16xf32> to vector<1x16xf32>
      tpu.vector_store %arg9[%swap3A_316, %swap3A_317], %swap3A_320 {strides = array<i32>} : memref<40x640xf32, #tpu.memory_space<vmem>>, vector<1x16xf32>,
      %get3A_321 = arith.index_cast %scan3A_42 : i32 to index
      %get3A_322 = arith.constant 320 : index
      %get3A_323 = tpu.vector_load %arg9[%get3A_321, %get3A_322] {strides = array<i32>} : memref<40x640xf32, #tpu.memory_space<vmem>>, vector<1x16xf32>,
      %get3A_324 = vector.shape_cast %get3A_323 : vector<1x16xf32> to vector<16xf32>
      %get3A_325 = arith.index_cast %scan3A_42 : i32 to index
      %get3A_326 = arith.constant 320 : index
      %get3A_327 = tpu.vector_load %arg10[%get3A_325, %get3A_326] {strides = array<i32>} : memref<40x512xf32, #tpu.memory_space<vmem>>, vector<1x16xf32>,
      %get3A_328 = vector.shape_cast %get3A_327 : vector<1x16xf32> to vector<16xf32>
      %add3A_329 = arith.addf %get3A_324, %get3A_328 : vector<16xf32>
      %swap3A_330 = arith.index_cast %scan3A_42 : i32 to index
      %swap3A_331 = arith.constant 320 : index
      %swap3A_332 = tpu.vector_load %arg9[%swap3A_330, %swap3A_331] {strides = array<i32>} : memref<40x640xf32, #tpu.memory_space<vmem>>, vector<1x16xf32>,
      %swap3A_333 = vector.shape_cast %swap3A_332 : vector<1x16xf32> to vector<16xf32>
      %swap3A_334 = vector.shape_cast %add3A_329 : vector<16xf32> to vector<1x16xf32>
      tpu.vector_store %arg9[%swap3A_330, %swap3A_331], %swap3A_334 {strides = array<i32>} : memref<40x640xf32, #tpu.memory_space<vmem>>, vector<1x16xf32>,
      %get3A_335 = arith.index_cast %scan3A_42 : i32 to index
      %get3A_336 = arith.constant 336 : index
      %get3A_337 = tpu.vector_load %arg9[%get3A_335, %get3A_336] {strides = array<i32>} : memref<40x640xf32, #tpu.memory_space<vmem>>, vector<1x16xf32>,
      %get3A_338 = vector.shape_cast %get3A_337 : vector<1x16xf32> to vector<16xf32>
      %get3A_339 = arith.index_cast %scan3A_42 : i32 to index
      %get3A_340 = arith.constant 336 : index
      %get3A_341 = tpu.vector_load %arg10[%get3A_339, %get3A_340] {strides = array<i32>} : memref<40x512xf32, #tpu.memory_space<vmem>>, vector<1x16xf32>,
      %get3A_342 = vector.shape_cast %get3A_341 : vector<1x16xf32> to vector<16xf32>
      %add3A_343 = arith.addf %get3A_338, %get3A_342 : vector<16xf32>
      %swap3A_344 = arith.index_cast %scan3A_42 : i32 to index
      %swap3A_345 = arith.constant 336 : index
      %swap3A_346 = tpu.vector_load %arg9[%swap3A_344, %swap3A_345] {strides = array<i32>} : memref<40x640xf32, #tpu.memory_space<vmem>>, vector<1x16xf32>,
      %swap3A_347 = vector.shape_cast %swap3A_346 : vector<1x16xf32> to vector<16xf32>
      %swap3A_348 = vector.shape_cast %add3A_343 : vector<16xf32> to vector<1x16xf32>
      tpu.vector_store %arg9[%swap3A_344, %swap3A_345], %swap3A_348 {strides = array<i32>} : memref<40x640xf32, #tpu.memory_space<vmem>>, vector<1x16xf32>,
      %get3A_349 = arith.index_cast %scan3A_42 : i32 to index
      %get3A_350 = arith.constant 352 : index
      %get3A_351 = tpu.vector_load %arg9[%get3A_349, %get3A_350] {strides = array<i32>} : memref<40x640xf32, #tpu.memory_space<vmem>>, vector<1x16xf32>,
      %get3A_352 = vector.shape_cast %get3A_351 : vector<1x16xf32> to vector<16xf32>
      %get3A_353 = arith.index_cast %scan3A_42 : i32 to index
      %get3A_354 = arith.constant 352 : index
      %get3A_355 = tpu.vector_load %arg10[%get3A_353, %get3A_354] {strides = array<i32>} : memref<40x512xf32, #tpu.memory_space<vmem>>, vector<1x16xf32>,
      %get3A_356 = vector.shape_cast %get3A_355 : vector<1x16xf32> to vector<16xf32>
      %add3A_357 = arith.addf %get3A_352, %get3A_356 : vector<16xf32>
      %swap3A_358 = arith.index_cast %scan3A_42 : i32 to index
      %swap3A_359 = arith.constant 352 : index
      %swap3A_360 = tpu.vector_load %arg9[%swap3A_358, %swap3A_359] {strides = array<i32>} : memref<40x640xf32, #tpu.memory_space<vmem>>, vector<1x16xf32>,
      %swap3A_361 = vector.shape_cast %swap3A_360 : vector<1x16xf32> to vector<16xf32>
      %swap3A_362 = vector.shape_cast %add3A_357 : vector<16xf32> to vector<1x16xf32>
      tpu.vector_store %arg9[%swap3A_358, %swap3A_359], %swap3A_362 {strides = array<i32>} : memref<40x640xf32, #tpu.memory_space<vmem>>, vector<1x16xf32>,
      %get3A_363 = arith.index_cast %scan3A_42 : i32 to index
      %get3A_364 = arith.constant 368 : index
      %get3A_365 = tpu.vector_load %arg9[%get3A_363, %get3A_364] {strides = array<i32>} : memref<40x640xf32, #tpu.memory_space<vmem>>, vector<1x16xf32>,
      %get3A_366 = vector.shape_cast %get3A_365 : vector<1x16xf32> to vector<16xf32>
      %get3A_367 = arith.index_cast %scan3A_42 : i32 to index
      %get3A_368 = arith.constant 368 : index
      %get3A_369 = tpu.vector_load %arg10[%get3A_367, %get3A_368] {strides = array<i32>} : memref<40x512xf32, #tpu.memory_space<vmem>>, vector<1x16xf32>,
      %get3A_370 = vector.shape_cast %get3A_369 : vector<1x16xf32> to vector<16xf32>
      %add3A_371 = arith.addf %get3A_366, %get3A_370 : vector<16xf32>
      %swap3A_372 = arith.index_cast %scan3A_42 : i32 to index
      %swap3A_373 = arith.constant 368 : index
      %swap3A_374 = tpu.vector_load %arg9[%swap3A_372, %swap3A_373] {strides = array<i32>} : memref<40x640xf32, #tpu.memory_space<vmem>>, vector<1x16xf32>,
      %swap3A_375 = vector.shape_cast %swap3A_374 : vector<1x16xf32> to vector<16xf32>
      %swap3A_376 = vector.shape_cast %add3A_371 : vector<16xf32> to vector<1x16xf32>
      tpu.vector_store %arg9[%swap3A_372, %swap3A_373], %swap3A_376 {strides = array<i32>} : memref<40x640xf32, #tpu.memory_space<vmem>>, vector<1x16xf32>,
      %get3A_377 = arith.index_cast %scan3A_42 : i32 to index
      %get3A_378 = arith.constant 384 : index
      %get3A_379 = tpu.vector_load %arg9[%get3A_377, %get3A_378] {strides = array<i32>} : memref<40x640xf32, #tpu.memory_space<vmem>>, vector<1x16xf32>,
      %get3A_380 = vector.shape_cast %get3A_379 : vector<1x16xf32> to vector<16xf32>
      %get3A_381 = arith.index_cast %scan3A_42 : i32 to index
      %get3A_382 = arith.constant 384 : index
      %get3A_383 = tpu.vector_load %arg10[%get3A_381, %get3A_382] {strides = array<i32>} : memref<40x512xf32, #tpu.memory_space<vmem>>, vector<1x16xf32>,
      %get3A_384 = vector.shape_cast %get3A_383 : vector<1x16xf32> to vector<16xf32>
      %add3A_385 = arith.addf %get3A_380, %get3A_384 : vector<16xf32>
      %swap3A_386 = arith.index_cast %scan3A_42 : i32 to index
      %swap3A_387 = arith.constant 384 : index
      %swap3A_388 = tpu.vector_load %arg9[%swap3A_386, %swap3A_387] {strides = array<i32>} : memref<40x640xf32, #tpu.memory_space<vmem>>, vector<1x16xf32>,
      %swap3A_389 = vector.shape_cast %swap3A_388 : vector<1x16xf32> to vector<16xf32>
      %swap3A_390 = vector.shape_cast %add3A_385 : vector<16xf32> to vector<1x16xf32>
      tpu.vector_store %arg9[%swap3A_386, %swap3A_387], %swap3A_390 {strides = array<i32>} : memref<40x640xf32, #tpu.memory_space<vmem>>, vector<1x16xf32>,
      %get3A_391 = arith.index_cast %scan3A_42 : i32 to index
      %get3A_392 = arith.constant 400 : index
      %get3A_393 = tpu.vector_load %arg9[%get3A_391, %get3A_392] {strides = array<i32>} : memref<40x640xf32, #tpu.memory_space<vmem>>, vector<1x16xf32>,
      %get3A_394 = vector.shape_cast %get3A_393 : vector<1x16xf32> to vector<16xf32>
      %get3A_395 = arith.index_cast %scan3A_42 : i32 to index
      %get3A_396 = arith.constant 400 : index
      %get3A_397 = tpu.vector_load %arg10[%get3A_395, %get3A_396] {strides = array<i32>} : memref<40x512xf32, #tpu.memory_space<vmem>>, vector<1x16xf32>,
      %get3A_398 = vector.shape_cast %get3A_397 : vector<1x16xf32> to vector<16xf32>
      %add3A_399 = arith.addf %get3A_394, %get3A_398 : vector<16xf32>
      %swap3A_400 = arith.index_cast %scan3A_42 : i32 to index
      %swap3A_401 = arith.constant 400 : index
      %swap3A_402 = tpu.vector_load %arg9[%swap3A_400, %swap3A_401] {strides = array<i32>} : memref<40x640xf32, #tpu.memory_space<vmem>>, vector<1x16xf32>,
      %swap3A_403 = vector.shape_cast %swap3A_402 : vector<1x16xf32> to vector<16xf32>
      %swap3A_404 = vector.shape_cast %add3A_399 : vector<16xf32> to vector<1x16xf32>
      tpu.vector_store %arg9[%swap3A_400, %swap3A_401], %swap3A_404 {strides = array<i32>} : memref<40x640xf32, #tpu.memory_space<vmem>>, vector<1x16xf32>,
      %get3A_405 = arith.index_cast %scan3A_42 : i32 to index
      %get3A_406 = arith.constant 416 : index
      %get3A_407 = tpu.vector_load %arg9[%get3A_405, %get3A_406] {strides = array<i32>} : memref<40x640xf32, #tpu.memory_space<vmem>>, vector<1x16xf32>,
      %get3A_408 = vector.shape_cast %get3A_407 : vector<1x16xf32> to vector<16xf32>
      %get3A_409 = arith.index_cast %scan3A_42 : i32 to index
      %get3A_410 = arith.constant 416 : index
      %get3A_411 = tpu.vector_load %arg10[%get3A_409, %get3A_410] {strides = array<i32>} : memref<40x512xf32, #tpu.memory_space<vmem>>, vector<1x16xf32>,
      %get3A_412 = vector.shape_cast %get3A_411 : vector<1x16xf32> to vector<16xf32>
      %add3A_413 = arith.addf %get3A_408, %get3A_412 : vector<16xf32>
      %swap3A_414 = arith.index_cast %scan3A_42 : i32 to index
      %swap3A_415 = arith.constant 416 : index
      %swap3A_416 = tpu.vector_load %arg9[%swap3A_414, %swap3A_415] {strides = array<i32>} : memref<40x640xf32, #tpu.memory_space<vmem>>, vector<1x16xf32>,
      %swap3A_417 = vector.shape_cast %swap3A_416 : vector<1x16xf32> to vector<16xf32>
      %swap3A_418 = vector.shape_cast %add3A_413 : vector<16xf32> to vector<1x16xf32>
      tpu.vector_store %arg9[%swap3A_414, %swap3A_415], %swap3A_418 {strides = array<i32>} : memref<40x640xf32, #tpu.memory_space<vmem>>, vector<1x16xf32>,
      %get3A_419 = arith.index_cast %scan3A_42 : i32 to index
      %get3A_420 = arith.constant 432 : index
      %get3A_421 = tpu.vector_load %arg9[%get3A_419, %get3A_420] {strides = array<i32>} : memref<40x640xf32, #tpu.memory_space<vmem>>, vector<1x16xf32>,
      %get3A_422 = vector.shape_cast %get3A_421 : vector<1x16xf32> to vector<16xf32>
      %get3A_423 = arith.index_cast %scan3A_42 : i32 to index
      %get3A_424 = arith.constant 432 : index
      %get3A_425 = tpu.vector_load %arg10[%get3A_423, %get3A_424] {strides = array<i32>} : memref<40x512xf32, #tpu.memory_space<vmem>>, vector<1x16xf32>,
      %get3A_426 = vector.shape_cast %get3A_425 : vector<1x16xf32> to vector<16xf32>
      %add3A_427 = arith.addf %get3A_422, %get3A_426 : vector<16xf32>
      %swap3A_428 = arith.index_cast %scan3A_42 : i32 to index
      %swap3A_429 = arith.constant 432 : index
      %swap3A_430 = tpu.vector_load %arg9[%swap3A_428, %swap3A_429] {strides = array<i32>} : memref<40x640xf32, #tpu.memory_space<vmem>>, vector<1x16xf32>,
      %swap3A_431 = vector.shape_cast %swap3A_430 : vector<1x16xf32> to vector<16xf32>
      %swap3A_432 = vector.shape_cast %add3A_427 : vector<16xf32> to vector<1x16xf32>
      tpu.vector_store %arg9[%swap3A_428, %swap3A_429], %swap3A_432 {strides = array<i32>} : memref<40x640xf32, #tpu.memory_space<vmem>>, vector<1x16xf32>,
      %get3A_433 = arith.index_cast %scan3A_42 : i32 to index
      %get3A_434 = arith.constant 448 : index
      %get3A_435 = tpu.vector_load %arg9[%get3A_433, %get3A_434] {strides = array<i32>} : memref<40x640xf32, #tpu.memory_space<vmem>>, vector<1x16xf32>,
      %get3A_436 = vector.shape_cast %get3A_435 : vector<1x16xf32> to vector<16xf32>
      %get3A_437 = arith.index_cast %scan3A_42 : i32 to index
      %get3A_438 = arith.constant 448 : index
      %get3A_439 = tpu.vector_load %arg10[%get3A_437, %get3A_438] {strides = array<i32>} : memref<40x512xf32, #tpu.memory_space<vmem>>, vector<1x16xf32>,
      %get3A_440 = vector.shape_cast %get3A_439 : vector<1x16xf32> to vector<16xf32>
      %add3A_441 = arith.addf %get3A_436, %get3A_440 : vector<16xf32>
      %swap3A_442 = arith.index_cast %scan3A_42 : i32 to index
      %swap3A_443 = arith.constant 448 : index
      %swap3A_444 = tpu.vector_load %arg9[%swap3A_442, %swap3A_443] {strides = array<i32>} : memref<40x640xf32, #tpu.memory_space<vmem>>, vector<1x16xf32>,
      %swap3A_445 = vector.shape_cast %swap3A_444 : vector<1x16xf32> to vector<16xf32>
      %swap3A_446 = vector.shape_cast %add3A_441 : vector<16xf32> to vector<1x16xf32>
      tpu.vector_store %arg9[%swap3A_442, %swap3A_443], %swap3A_446 {strides = array<i32>} : memref<40x640xf32, #tpu.memory_space<vmem>>, vector<1x16xf32>,
      %get3A_447 = arith.index_cast %scan3A_42 : i32 to index
      %get3A_448 = arith.constant 464 : index
      %get3A_449 = tpu.vector_load %arg9[%get3A_447, %get3A_448] {strides = array<i32>} : memref<40x640xf32, #tpu.memory_space<vmem>>, vector<1x16xf32>,
      %get3A_450 = vector.shape_cast %get3A_449 : vector<1x16xf32> to vector<16xf32>
      %get3A_451 = arith.index_cast %scan3A_42 : i32 to index
      %get3A_452 = arith.constant 464 : index
      %get3A_453 = tpu.vector_load %arg10[%get3A_451, %get3A_452] {strides = array<i32>} : memref<40x512xf32, #tpu.memory_space<vmem>>, vector<1x16xf32>,
      %get3A_454 = vector.shape_cast %get3A_453 : vector<1x16xf32> to vector<16xf32>
      %add3A_455 = arith.addf %get3A_450, %get3A_454 : vector<16xf32>
      %swap3A_456 = arith.index_cast %scan3A_42 : i32 to index
      %swap3A_457 = arith.constant 464 : index
      %swap3A_458 = tpu.vector_load %arg9[%swap3A_456, %swap3A_457] {strides = array<i32>} : memref<40x640xf32, #tpu.memory_space<vmem>>, vector<1x16xf32>,
      %swap3A_459 = vector.shape_cast %swap3A_458 : vector<1x16xf32> to vector<16xf32>
      %swap3A_460 = vector.shape_cast %add3A_455 : vector<16xf32> to vector<1x16xf32>
      tpu.vector_store %arg9[%swap3A_456, %swap3A_457], %swap3A_460 {strides = array<i32>} : memref<40x640xf32, #tpu.memory_space<vmem>>, vector<1x16xf32>,
      %get3A_461 = arith.index_cast %scan3A_42 : i32 to index
      %get3A_462 = arith.constant 480 : index
      %get3A_463 = tpu.vector_load %arg9[%get3A_461, %get3A_462] {strides = array<i32>} : memref<40x640xf32, #tpu.memory_space<vmem>>, vector<1x16xf32>,
      %get3A_464 = vector.shape_cast %get3A_463 : vector<1x16xf32> to vector<16xf32>
      %get3A_465 = arith.index_cast %scan3A_42 : i32 to index
      %get3A_466 = arith.constant 480 : index
      %get3A_467 = tpu.vector_load %arg10[%get3A_465, %get3A_466] {strides = array<i32>} : memref<40x512xf32, #tpu.memory_space<vmem>>, vector<1x16xf32>,
      %get3A_468 = vector.shape_cast %get3A_467 : vector<1x16xf32> to vector<16xf32>
      %add3A_469 = arith.addf %get3A_464, %get3A_468 : vector<16xf32>
      %swap3A_470 = arith.index_cast %scan3A_42 : i32 to index
      %swap3A_471 = arith.constant 480 : index
      %swap3A_472 = tpu.vector_load %arg9[%swap3A_470, %swap3A_471] {strides = array<i32>} : memref<40x640xf32, #tpu.memory_space<vmem>>, vector<1x16xf32>,
      %swap3A_473 = vector.shape_cast %swap3A_472 : vector<1x16xf32> to vector<16xf32>
      %swap3A_474 = vector.shape_cast %add3A_469 : vector<16xf32> to vector<1x16xf32>
      tpu.vector_store %arg9[%swap3A_470, %swap3A_471], %swap3A_474 {strides = array<i32>} : memref<40x640xf32, #tpu.memory_space<vmem>>, vector<1x16xf32>,
      %get3A_475 = arith.index_cast %scan3A_42 : i32 to index
      %get3A_476 = arith.constant 496 : index
      %get3A_477 = tpu.vector_load %arg9[%get3A_475, %get3A_476] {strides = array<i32>} : memref<40x640xf32, #tpu.memory_space<vmem>>, vector<1x16xf32>,
      %get3A_478 = vector.shape_cast %get3A_477 : vector<1x16xf32> to vector<16xf32>
      %get3A_479 = arith.index_cast %scan3A_42 : i32 to index
      %get3A_480 = arith.constant 496 : index
      %get3A_481 = tpu.vector_load %arg10[%get3A_479, %get3A_480] {strides = array<i32>} : memref<40x512xf32, #tpu.memory_space<vmem>>, vector<1x16xf32>,
      %get3A_482 = vector.shape_cast %get3A_481 : vector<1x16xf32> to vector<16xf32>
      %add3A_483 = arith.addf %get3A_478, %get3A_482 : vector<16xf32>
      %swap3A_484 = arith.index_cast %scan3A_42 : i32 to index
      %swap3A_485 = arith.constant 496 : index
      %swap3A_486 = tpu.vector_load %arg9[%swap3A_484, %swap3A_485] {strides = array<i32>} : memref<40x640xf32, #tpu.memory_space<vmem>>, vector<1x16xf32>,
      %swap3A_487 = vector.shape_cast %swap3A_486 : vector<1x16xf32> to vector<16xf32>
      %swap3A_488 = vector.shape_cast %add3A_483 : vector<16xf32> to vector<1x16xf32>
      tpu.vector_store %arg9[%swap3A_484, %swap3A_485], %swap3A_488 {strides = array<i32>} : memref<40x640xf32, #tpu.memory_space<vmem>>, vector<1x16xf32>,
    }
    %scan3A_37 = arith.constant 40 : i32
    %mul3A_38 = arith.constant 5000 : i32
    %mul3A_39 = arith.muli %add3A, %mul3A_38 : i32
    %add3A_40 = arith.constant 4960 : i32
    %add3A_41 = arith.addi %mul3A_39, %add3A_40 : i32
    %multiple_of3A = tpu.assume_multiple %add3A_41, 8 : i32
    "tpu.region"() ({
      %run_scoped3A = tpu.sem_alloc : memref<!tpu.dma_semaphore, #tpu.memory_space<semaphore_mem>>
      %dma_start3A_42 = arith.constant 0 : i32
      %dma_start3A_43 = tpu.memref_slice %arg6[%multiple_of3A, %dma_start3A_42] : memref<160000x640xf32, #tpu.memory_space<hbm>> -> memref<40x640xf32, #tpu.memory_space<hbm>>
      %dma_start3A_44 = arith.constant 0 : i32
      %dma_start3A_45 = tpu.memref_slice %arg6[%multiple_of3A, %dma_start3A_44] : memref<160000x640xf32, #tpu.memory_space<hbm>> -> memref<40x640xf32, #tpu.memory_space<hbm>>
      tpu.enqueue_dma source(%arg9 : memref<40x640xf32, #tpu.memory_space<vmem>>) target(%dma_start3A_45 : memref<40x640xf32, #tpu.memory_space<hbm>>) target_semaphore(%run_scoped3A : memref<!tpu.dma_semaphore, #tpu.memory_space<semaphore_mem>>)
      %dma_wait3A_46 = arith.constant 0 : i32
      %dma_wait3A_47 = tpu.memref_slice %arg6[%multiple_of3A, %dma_wait3A_46] : memref<160000x640xf32, #tpu.memory_space<hbm>> -> memref<40x640xf32, #tpu.memory_space<hbm>>
      %dma_wait3A_48 = arith.constant 0 : i32
      %dma_wait3A_49 = tpu.memref_slice %arg6[%multiple_of3A, %dma_wait3A_48] : memref<160000x640xf32, #tpu.memory_space<hbm>> -> memref<40x640xf32, #tpu.memory_space<hbm>>
      tpu.wait_dma2 semaphore(%run_scoped3A : memref<!tpu.dma_semaphore, #tpu.memory_space<semaphore_mem>>) src(%arg9 : memref<40x640xf32, #tpu.memory_space<vmem>>) dst(%dma_wait3A_49 : memref<40x640xf32, #tpu.memory_space<hbm>>)
      tpu.yield
    }) : () -> ()
    return
  }
}

module attributes {stable_mosaic.version = 14 : i64} {
  func.func @_const_body(%arg0: memref<64x256xf32, #tpu.memory_space<vmem>>, %arg1: memref<256x512xf32, #tpu.memory_space<vmem>>, %arg2: memref<1x512xf32, #tpu.memory_space<vmem>>, %arg3: memref<256x256xf32, #tpu.memory_space<vmem>>, %arg4: memref<256x256xf32, #tpu.memory_space<vmem>>, %arg5: memref<1x256xf32, #tpu.memory_space<vmem>>, %arg6: memref<1x256xf32, #tpu.memory_space<vmem>>, %arg7: memref<256x512xf32, #tpu.memory_space<vmem>>, %arg8: memref<256x512xf32, #tpu.memory_space<vmem>>, %arg9: memref<256x512xf32, #tpu.memory_space<vmem>>, %arg10: memref<1x512xf32, #tpu.memory_space<vmem>>, %arg11: memref<64x512xf32, #tpu.memory_space<vmem>>, %arg12: memref<256x512xf32, #tpu.memory_space<vmem>>, %arg13: memref<64x512xf32, #tpu.memory_space<vmem>>) attributes {dimension_semantics = [], scalar_prefetch = 0 : i64, scratch_operands = 0 : i64, tpu.core_type = #tpu.core_type<tc>} {
    %get3A = arith.constant 0 : index
    %get3A_0 = arith.constant 0 : index
    %get3A_1 = vector.load %arg0[%get3A, %get3A_0] : memref<64x256xf32, #tpu.memory_space<vmem>>, vector<64x256xf32>
    %get3A_2 = arith.constant 0 : index
    %get3A_3 = arith.constant 0 : index
    %get3A_4 = vector.load %arg1[%get3A_2, %get3A_3] : memref<256x512xf32, #tpu.memory_space<vmem>>, vector<256x512xf32>
    %dot_general3A = arith.constant dense<0.000000e+00> : vector<64x512xf32>
    %dot_general3A_5 = tpu.matmul %get3A_1, %get3A_4, %dot_general3A {dimension_numbers = #tpu.dot_dimension_numbers<[1], [0], [0], [1], [0, 0, 1, 1], [], []>, transpose_lhs_hint = false} : vector<64x256xf32>, vector<256x512xf32>, vector<64x512xf32> -> vector<64x512xf32>
    %get3A_6 = arith.constant 0 : index
    %get3A_7 = arith.constant 0 : index
    %get3A_8 = vector.load %arg2[%get3A_6, %get3A_7] : memref<1x512xf32, #tpu.memory_space<vmem>>, vector<1x512xf32>
    %add3A = vector.broadcast %get3A_8 : vector<1x512xf32> to vector<64x512xf32>
    %add3A_9 = arith.addf %dot_general3A_5, %add3A : vector<64x512xf32>
    %swap3A = arith.constant 0 : index
    %swap3A_10 = arith.constant 0 : index
    %swap3A_11 = vector.load %arg11[%swap3A, %swap3A_10] : memref<64x512xf32, #tpu.memory_space<vmem>>, vector<64x512xf32>
    tpu.vector_store %arg11[%swap3A, %swap3A_10], %add3A_9 {strides = array<i32>} : memref<64x512xf32, #tpu.memory_space<vmem>>, vector<64x512xf32>,
    %get3A_12 = arith.constant 0 : index
    %get3A_13 = arith.constant 0 : index
    %get3A_14 = vector.load %arg3[%get3A_12, %get3A_13] : memref<256x256xf32, #tpu.memory_space<vmem>>, vector<256x256xf32>
    %get3A_15 = arith.constant 0 : index
    %get3A_16 = arith.constant 0 : index
    %get3A_17 = vector.load %arg4[%get3A_15, %get3A_16] : memref<256x256xf32, #tpu.memory_space<vmem>>, vector<256x256xf32>
    %dot_general3A_18 = arith.constant dense<0.000000e+00> : vector<256x256xf32>
    %dot_general3A_19 = tpu.matmul %get3A_14, %get3A_17, %dot_general3A_18 {dimension_numbers = #tpu.dot_dimension_numbers<[1], [0], [0], [1], [0, 0, 1, 1], [], []>, transpose_lhs_hint = false} : vector<256x256xf32>, vector<256x256xf32>, vector<256x256xf32> -> vector<256x256xf32>
    %get3A_20 = arith.constant 0 : index
    %get3A_21 = arith.constant 0 : index
    %get3A_22 = vector.load %arg7[%get3A_20, %get3A_21] : memref<256x512xf32, #tpu.memory_space<vmem>>, vector<256x512xf32>
    %dot_general3A_23 = arith.constant dense<0.000000e+00> : vector<256x512xf32>
    %dot_general3A_24 = tpu.matmul %dot_general3A_19, %get3A_22, %dot_general3A_23 {dimension_numbers = #tpu.dot_dimension_numbers<[1], [0], [0], [1], [0, 0, 1, 1], [], []>, transpose_lhs_hint = false} : vector<256x256xf32>, vector<256x512xf32>, vector<256x512xf32> -> vector<256x512xf32>
    %get3A_25 = arith.constant 0 : index
    %get3A_26 = arith.constant 0 : index
    %get3A_27 = vector.load %arg8[%get3A_25, %get3A_26] : memref<256x512xf32, #tpu.memory_space<vmem>>, vector<256x512xf32>
    %add3A_28 = arith.addf %dot_general3A_24, %get3A_27 : vector<256x512xf32>
    %swap3A_29 = arith.constant 0 : index
    %swap3A_30 = arith.constant 0 : index
    %swap3A_31 = vector.load %arg12[%swap3A_29, %swap3A_30] : memref<256x512xf32, #tpu.memory_space<vmem>>, vector<256x512xf32>
    tpu.vector_store %arg12[%swap3A_29, %swap3A_30], %add3A_28 {strides = array<i32>} : memref<256x512xf32, #tpu.memory_space<vmem>>, vector<256x512xf32>,
    %get3A_32 = arith.constant 0 : index
    %get3A_33 = arith.constant 0 : index
    %get3A_34 = vector.load %arg5[%get3A_32, %get3A_33] : memref<1x256xf32, #tpu.memory_space<vmem>>, vector<1x256xf32>
    %get3A_35 = arith.constant 0 : index
    %get3A_36 = arith.constant 0 : index
    %get3A_37 = vector.load %arg4[%get3A_35, %get3A_36] : memref<256x256xf32, #tpu.memory_space<vmem>>, vector<256x256xf32>
    %dot_general3A_38 = arith.constant dense<0.000000e+00> : vector<1x256xf32>
    %dot_general3A_39 = tpu.matmul %get3A_34, %get3A_37, %dot_general3A_38 {dimension_numbers = #tpu.dot_dimension_numbers<[1], [0], [0], [1], [0, 0, 1, 1], [], []>, transpose_lhs_hint = false} : vector<1x256xf32>, vector<256x256xf32>, vector<1x256xf32> -> vector<1x256xf32>
    %get3A_40 = arith.constant 0 : index
    %get3A_41 = arith.constant 0 : index
    %get3A_42 = vector.load %arg6[%get3A_40, %get3A_41] : memref<1x256xf32, #tpu.memory_space<vmem>>, vector<1x256xf32>
    %add3A_43 = arith.addf %dot_general3A_39, %get3A_42 : vector<1x256xf32>
    %get3A_44 = arith.constant 0 : index
    %get3A_45 = arith.constant 0 : index
    %get3A_46 = vector.load %arg9[%get3A_44, %get3A_45] : memref<256x512xf32, #tpu.memory_space<vmem>>, vector<256x512xf32>
    %dot_general3A_47 = arith.constant dense<0.000000e+00> : vector<64x512xf32>
    %dot_general3A_48 = tpu.matmul %get3A_1, %get3A_46, %dot_general3A_47 {dimension_numbers = #tpu.dot_dimension_numbers<[1], [0], [0], [1], [0, 0, 1, 1], [], []>, transpose_lhs_hint = false} : vector<64x256xf32>, vector<256x512xf32>, vector<64x512xf32> -> vector<64x512xf32>
    %get3A_49 = arith.constant 0 : index
    %get3A_50 = arith.constant 0 : index
    %get3A_51 = vector.load %arg10[%get3A_49, %get3A_50] : memref<1x512xf32, #tpu.memory_space<vmem>>, vector<1x512xf32>
    %add3A_52 = vector.broadcast %get3A_51 : vector<1x512xf32> to vector<64x512xf32>
    %add3A_53 = arith.addf %dot_general3A_48, %add3A_52 : vector<64x512xf32>
    %get3A_54 = arith.constant 0 : index
    %get3A_55 = arith.constant 0 : index
    %get3A_56 = vector.load %arg7[%get3A_54, %get3A_55] : memref<256x512xf32, #tpu.memory_space<vmem>>, vector<256x512xf32>
    %dot_general3A_57 = arith.constant dense<0.000000e+00> : vector<1x512xf32>
    %dot_general3A_58 = tpu.matmul %add3A_43, %get3A_56, %dot_general3A_57 {dimension_numbers = #tpu.dot_dimension_numbers<[1], [0], [0], [1], [0, 0, 1, 1], [], []>, transpose_lhs_hint = false} : vector<1x256xf32>, vector<256x512xf32>, vector<1x512xf32> -> vector<1x512xf32>
    %add3A_59 = vector.broadcast %dot_general3A_58 : vector<1x512xf32> to vector<64x512xf32>
    %add3A_60 = arith.addf %add3A_53, %add3A_59 : vector<64x512xf32>
    %swap3A_61 = arith.constant 0 : index
    %swap3A_62 = arith.constant 0 : index
    %swap3A_63 = vector.load %arg13[%swap3A_61, %swap3A_62] : memref<64x512xf32, #tpu.memory_space<vmem>>, vector<64x512xf32>
    tpu.vector_store %arg13[%swap3A_61, %swap3A_62], %add3A_60 {strides = array<i32>} : memref<64x512xf32, #tpu.memory_space<vmem>>, vector<64x512xf32>,
    return
  }
}

module attributes {stable_mosaic.version = 14 : i64} {
  func.func @_pq_body(%arg0: i32, %arg1: memref<2000x256xf32, #tpu.memory_space<vmem>>, %arg2: memref<2000x1xi32, #tpu.memory_space<vmem>>, %arg3: memref<64x512xf32, #tpu.memory_space<vmem>>, %arg4: memref<256x512xf32, #tpu.memory_space<vmem>>, %arg5: memref<256x512xf32, #tpu.memory_space<vmem>>, %arg6: memref<2000x640xf32, #tpu.memory_space<vmem>>, %arg7: memref<2000x512xf32, #tpu.memory_space<vmem>>) attributes {dimension_semantics = [#tpu.dimension_semantics<arbitrary>], iteration_bounds = array<i64: 5>, scalar_prefetch = 0 : i64, scratch_operands = 0 : i64, tpu.core_type = #tpu.core_type<tc>, window_params = [{transform_indices = @transform_0, window_bounds = array<i64: 2000, 256>}, {transform_indices = @transform_1, window_bounds = array<i64: 2000, 1>}, {pipeline_mode = #tpu.pipeline_mode<synchronous>, transform_indices = @transform_2, window_bounds = array<i64: 64, 512>}, {pipeline_mode = #tpu.pipeline_mode<synchronous>, transform_indices = @transform_3, window_bounds = array<i64: 256, 512>}, {pipeline_mode = #tpu.pipeline_mode<synchronous>, transform_indices = @transform_4, window_bounds = array<i64: 256, 512>}, {transform_indices = @transform_5, window_bounds = array<i64: 2000, 640>}, {transform_indices = @transform_6, window_bounds = array<i64: 2000, 512>}]} {
    %get3A = arith.constant 0 : index
    %get3A_0 = arith.constant 0 : index
    %get3A_1 = vector.load %arg1[%get3A, %get3A_0] : memref<2000x256xf32, #tpu.memory_space<vmem>>, vector<2000x256xf32>
    %get3A_2 = arith.constant 0 : index
    %get3A_3 = arith.constant 0 : index
    %get3A_4 = vector.load %arg2[%get3A_2, %get3A_3] : memref<2000x1xi32, #tpu.memory_space<vmem>>, vector<2000x1xi32>
    %iota3A = tpu.iota {dimensions = array<i32: 1>} : vector<1x64xi32>
    %eq3A = vector.broadcast %get3A_4 : vector<2000x1xi32> to vector<2000x64xi32>
    %eq3A_5 = vector.broadcast %iota3A : vector<1x64xi32> to vector<2000x64xi32>
    %eq3A_6 = arith.cmpi eq, %eq3A, %eq3A_5 : vector<2000x64xi32>
    %convert_element_type3A = arith.extui %eq3A_6 : vector<2000x64xi1> to vector<2000x64xi32>
    %convert_element_type3A_7 = arith.sitofp %convert_element_type3A : vector<2000x64xi32> to vector<2000x64xf32>
    %get3A_8 = arith.constant 0 : index
    %get3A_9 = arith.constant 0 : index
    %get3A_10 = vector.load %arg4[%get3A_8, %get3A_9] : memref<256x512xf32, #tpu.memory_space<vmem>>, vector<256x512xf32>
    %dot_general3A = arith.constant dense<0.000000e+00> : vector<2000x512xf32>
    %dot_general3A_11 = tpu.matmul %get3A_1, %get3A_10, %dot_general3A {dimension_numbers = #tpu.dot_dimension_numbers<[1], [0], [0], [1], [0, 0, 1, 1], [], []>, transpose_lhs_hint = false} : vector<2000x256xf32>, vector<256x512xf32>, vector<2000x512xf32> -> vector<2000x512xf32>
    %get3A_12 = arith.constant 0 : index
    %get3A_13 = arith.constant 0 : index
    %get3A_14 = vector.load %arg3[%get3A_12, %get3A_13] : memref<64x512xf32, #tpu.memory_space<vmem>>, vector<64x512xf32>
    %dot_general3A_15 = arith.constant dense<0.000000e+00> : vector<2000x512xf32>
    %dot_general3A_16 = tpu.matmul %convert_element_type3A_7, %get3A_14, %dot_general3A_15 {dimension_numbers = #tpu.dot_dimension_numbers<[1], [0], [0], [1], [0, 0, 1, 1], [], []>, transpose_lhs_hint = false} : vector<2000x64xf32>, vector<64x512xf32>, vector<2000x512xf32> -> vector<2000x512xf32>
    %add3A = arith.addf %dot_general3A_11, %dot_general3A_16 : vector<2000x512xf32>
    %swap3A = arith.constant 0 : index
    %swap3A_17 = arith.constant 0 : index
    %swap3A_18 = vector.load %arg6[%swap3A, %swap3A_17] : memref<2000x640xf32, #tpu.memory_space<vmem>>, vector<2000x512xf32>
    tpu.vector_store %arg6[%swap3A, %swap3A_17], %add3A {strides = array<i32>} : memref<2000x640xf32, #tpu.memory_space<vmem>>, vector<2000x512xf32>,
    %convert_element_type3A_19 = arith.sitofp %get3A_4 : vector<2000x1xi32> to vector<2000x1xf32>
    %broadcast_in_dim3A = vector.shape_cast %convert_element_type3A_19 : vector<2000x1xf32> to vector<2000x1xf32>
    %broadcast_in_dim3A_20 = vector.broadcast %broadcast_in_dim3A : vector<2000x1xf32> to vector<2000x128xf32>
    %swap3A_21 = arith.constant 0 : index
    %swap3A_22 = arith.constant 512 : index
    %swap3A_23 = vector.load %arg6[%swap3A_21, %swap3A_22] : memref<2000x640xf32, #tpu.memory_space<vmem>>, vector<2000x128xf32>
    tpu.vector_store %arg6[%swap3A_21, %swap3A_22], %broadcast_in_dim3A_20 {strides = array<i32>} : memref<2000x640xf32, #tpu.memory_space<vmem>>, vector<2000x128xf32>,
    %get3A_24 = arith.constant 0 : index
    %get3A_25 = arith.constant 0 : index
    %get3A_26 = vector.load %arg5[%get3A_24, %get3A_25] : memref<256x512xf32, #tpu.memory_space<vmem>>, vector<256x512xf32>
    %dot_general3A_27 = arith.constant dense<0.000000e+00> : vector<2000x512xf32>
    %dot_general3A_28 = tpu.matmul %get3A_1, %get3A_26, %dot_general3A_27 {dimension_numbers = #tpu.dot_dimension_numbers<[1], [0], [0], [1], [0, 0, 1, 1], [], []>, transpose_lhs_hint = false} : vector<2000x256xf32>, vector<256x512xf32>, vector<2000x512xf32> -> vector<2000x512xf32>
    %swap3A_29 = arith.constant 0 : index
    %swap3A_30 = arith.constant 0 : index
    %swap3A_31 = vector.load %arg7[%swap3A_29, %swap3A_30] : memref<2000x512xf32, #tpu.memory_space<vmem>>, vector<2000x512xf32>
    tpu.vector_store %arg7[%swap3A_29, %swap3A_30], %dot_general3A_28 {strides = array<i32>} : memref<2000x512xf32, #tpu.memory_space<vmem>>, vector<2000x512xf32>,
    return
  }
  func.func @transform_0(%arg0: i32) -> (i32, i32) {
    %c0_i32 = arith.constant 0 : i32
    %c0_i32_0 = arith.constant 0 : i32
    return %arg0, %c0_i32 : i32, i32
  }
  func.func @transform_1(%arg0: i32) -> (i32, i32) {
    %c0_i32 = arith.constant 0 : i32
    %c0_i32_0 = arith.constant 0 : i32
    return %arg0, %c0_i32 : i32, i32
  }
  func.func @transform_2(%arg0: i32) -> (i32, i32) {
    %c0_i32 = arith.constant 0 : i32
    %c0_i32_0 = arith.constant 0 : i32
    %c0_i32_1 = arith.constant 0 : i32
    return %c0_i32, %c0_i32_0 : i32, i32
  }
  func.func @transform_3(%arg0: i32) -> (i32, i32) {
    %c0_i32 = arith.constant 0 : i32
    %c0_i32_0 = arith.constant 0 : i32
    %c0_i32_1 = arith.constant 0 : i32
    return %c0_i32, %c0_i32_0 : i32, i32
  }
  func.func @transform_4(%arg0: i32) -> (i32, i32) {
    %c0_i32 = arith.constant 0 : i32
    %c0_i32_0 = arith.constant 0 : i32
    %c0_i32_1 = arith.constant 0 : i32
    return %c0_i32, %c0_i32_0 : i32, i32
  }
  func.func @transform_5(%arg0: i32) -> (i32, i32) {
    %c0_i32 = arith.constant 0 : i32
    %c0_i32_0 = arith.constant 0 : i32
    return %arg0, %c0_i32 : i32, i32
  }
  func.func @transform_6(%arg0: i32) -> (i32, i32) {
    %c0_i32 = arith.constant 0 : i32
    %c0_i32_0 = arith.constant 0 : i32
    return %arg0, %c0_i32 : i32, i32
  }
}

module attributes {stable_mosaic.version = 14 : i64} {
  func.func @_pass1e_body(%arg0: i32, %arg1: memref<2000x512xf32, #tpu.memory_space<vmem>>, %arg2: memref<2000x256xf32, #tpu.memory_space<vmem>>, %arg3: memref<256x512xbf16, #tpu.memory_space<vmem>>, %arg4: memref<2000x512xbf16, #tpu.memory_space<vmem>>, %arg5: memref<513x512xf32, #tpu.memory_space<vmem>>) attributes {dimension_semantics = [#tpu.dimension_semantics<arbitrary>], iteration_bounds = array<i64: 80>, scalar_prefetch = 0 : i64, scratch_operands = 0 : i64, tpu.core_type = #tpu.core_type<tc>, window_params = [{transform_indices = @transform_0, window_bounds = array<i64: 2000, 512>}, {transform_indices = @transform_1, window_bounds = array<i64: 2000, 256>}, {pipeline_mode = #tpu.pipeline_mode<synchronous>, transform_indices = @transform_2, window_bounds = array<i64: 256, 512>}, {transform_indices = @transform_3, window_bounds = array<i64: 2000, 512>}, {pipeline_mode = #tpu.pipeline_mode<synchronous>, transform_indices = @transform_4, window_bounds = array<i64: 513, 512>}]} {
    %get3A = arith.constant 0 : index
    %get3A_0 = arith.constant 0 : index
    %get3A_1 = vector.load %arg1[%get3A, %get3A_0] : memref<2000x512xf32, #tpu.memory_space<vmem>>, vector<2000x512xf32>
    %get3A_2 = arith.constant 0 : index
    %get3A_3 = arith.constant 0 : index
    %get3A_4 = vector.load %arg2[%get3A_2, %get3A_3] : memref<2000x256xf32, #tpu.memory_space<vmem>>, vector<2000x256xf32>
    %convert_element_type3A = arith.truncf %get3A_4 : vector<2000x256xf32> to vector<2000x256xbf16>
    %get3A_5 = arith.constant 0 : index
    %get3A_6 = arith.constant 0 : index
    %get3A_7 = vector.load %arg3[%get3A_5, %get3A_6] : memref<256x512xbf16, #tpu.memory_space<vmem>>, vector<256x512xbf16>
    %dot_general3A = arith.constant dense<0.000000e+00> : vector<2000x512xf32>
    %dot_general3A_8 = tpu.matmul %convert_element_type3A, %get3A_7, %dot_general3A {dimension_numbers = #tpu.dot_dimension_numbers<[1], [0], [0], [1], [0, 0, 1, 1], [], []>, transpose_lhs_hint = false} : vector<2000x256xbf16>, vector<256x512xbf16>, vector<2000x512xf32> -> vector<2000x512xf32>
    %add3A = arith.addf %get3A_1, %dot_general3A_8 : vector<2000x512xf32>
    %convert_element_type3A_9 = arith.truncf %add3A : vector<2000x512xf32> to vector<2000x512xbf16>
    %swap3A = arith.constant 0 : index
    %swap3A_10 = arith.constant 0 : index
    %swap3A_11 = vector.load %arg4[%swap3A, %swap3A_10] : memref<2000x512xbf16, #tpu.memory_space<vmem>>, vector<2000x512xbf16>
    tpu.vector_store %arg4[%swap3A, %swap3A_10], %convert_element_type3A_9 {strides = array<i32>} : memref<2000x512xbf16, #tpu.memory_space<vmem>>, vector<2000x512xbf16>,
    %eq3A = arith.constant 0 : i32
    %eq3A_12 = arith.cmpi eq, %arg0, %eq3A : i32
    %convert_element_type3A_13 = arith.extui %eq3A_12 : i1 to i32
    %cond3A = arith.constant 0 : i32
    %cond3A_14 = arith.cmpi ne, %convert_element_type3A_13, %cond3A : i32
    scf.if %cond3A_14 {
      %broadcast_in_dim3A_32 = arith.constant 0.000000e+00 : f32
      %broadcast_in_dim3A_33 = vector.broadcast %broadcast_in_dim3A_32 : f32 to vector<513x512xf32>
      %swap3A_34 = arith.constant 0 : index
      %swap3A_35 = arith.constant 0 : index
      %swap3A_36 = vector.load %arg5[%swap3A_34, %swap3A_35] : memref<513x512xf32, #tpu.memory_space<vmem>>, vector<513x512xf32>
      tpu.vector_store %arg5[%swap3A_34, %swap3A_35], %broadcast_in_dim3A_33 {strides = array<i32>} : memref<513x512xf32, #tpu.memory_space<vmem>>, vector<513x512xf32>,
    } else {
    }
    %get3A_15 = arith.constant 0 : index
    %get3A_16 = arith.constant 0 : index
    %get3A_17 = vector.load %arg5[%get3A_15, %get3A_16] : memref<513x512xf32, #tpu.memory_space<vmem>>, vector<512x512xf32>
    %dot_general3A_18 = arith.constant dense<0.000000e+00> : vector<512x512xf32>
    %dot_general3A_19 = tpu.matmul %convert_element_type3A_9, %convert_element_type3A_9, %dot_general3A_18 {dimension_numbers = #tpu.dot_dimension_numbers<[0], [0], [1], [1], [0, 1, 1, 1], [], []>, transpose_lhs_hint = false} : vector<2000x512xbf16>, vector<2000x512xbf16>, vector<512x512xf32> -> vector<512x512xf32>
    %add3A_20 = arith.addf %get3A_17, %dot_general3A_19 : vector<512x512xf32>
    %swap3A_21 = arith.constant 0 : index
    %swap3A_22 = arith.constant 0 : index
    %swap3A_23 = vector.load %arg5[%swap3A_21, %swap3A_22] : memref<513x512xf32, #tpu.memory_space<vmem>>, vector<512x512xf32>
    tpu.vector_store %arg5[%swap3A_21, %swap3A_22], %add3A_20 {strides = array<i32>} : memref<513x512xf32, #tpu.memory_space<vmem>>, vector<512x512xf32>,
    %get3A_24 = arith.constant 512 : index
    %get3A_25 = arith.constant 0 : index
    %get3A_26 = vector.load %arg5[%get3A_24, %get3A_25] : memref<513x512xf32, #tpu.memory_space<vmem>>, vector<1x512xf32>
    %reduce_sum3A = arith.constant dense<0.000000e+00> : vector<512xf32>
    %reduce_sum3A_27 = vector.multi_reduction <add>, %add3A, %reduce_sum3A [0] : vector<2000x512xf32> to vector<512xf32>
    %broadcast_in_dim3A = vector.shape_cast %reduce_sum3A_27 : vector<512xf32> to vector<1x512xf32>
    %add3A_28 = arith.addf %get3A_26, %broadcast_in_dim3A : vector<1x512xf32>
    %swap3A_29 = arith.constant 512 : index
    %swap3A_30 = arith.constant 0 : index
    %swap3A_31 = vector.load %arg5[%swap3A_29, %swap3A_30] : memref<513x512xf32, #tpu.memory_space<vmem>>, vector<1x512xf32>
    tpu.vector_store %arg5[%swap3A_29, %swap3A_30], %add3A_28 {strides = array<i32>} : memref<513x512xf32, #tpu.memory_space<vmem>>, vector<1x512xf32>,
    return
  }
  func.func @transform_0(%arg0: i32) -> (i32, i32) {
    %c0_i32 = arith.constant 0 : i32
    %c0_i32_0 = arith.constant 0 : i32
    return %arg0, %c0_i32 : i32, i32
  }
  func.func @transform_1(%arg0: i32) -> (i32, i32) {
    %c0_i32 = arith.constant 0 : i32
    %c0_i32_0 = arith.constant 0 : i32
    return %arg0, %c0_i32 : i32, i32
  }
  func.func @transform_2(%arg0: i32) -> (i32, i32) {
    %c0_i32 = arith.constant 0 : i32
    %c0_i32_0 = arith.constant 0 : i32
    %c0_i32_1 = arith.constant 0 : i32
    return %c0_i32, %c0_i32_0 : i32, i32
  }
  func.func @transform_3(%arg0: i32) -> (i32, i32) {
    %c0_i32 = arith.constant 0 : i32
    %c0_i32_0 = arith.constant 0 : i32
    return %arg0, %c0_i32 : i32, i32
  }
  func.func @transform_4(%arg0: i32) -> (i32, i32) {
    %c0_i32 = arith.constant 0 : i32
    %c0_i32_0 = arith.constant 0 : i32
    %c0_i32_1 = arith.constant 0 : i32
    return %c0_i32, %c0_i32_0 : i32, i32
  }
}

module attributes {stable_mosaic.version = 14 : i64} {
  func.func @_w_body(%arg0: memref<513x512xf32, #tpu.memory_space<vmem>>, %arg1: memref<1x512xf32, #tpu.memory_space<vmem>>, %arg2: memref<1x512xf32, #tpu.memory_space<vmem>>, %arg3: memref<1x512xf32, #tpu.memory_space<vmem>>, %arg4: memref<1x512xf32, #tpu.memory_space<vmem>>, %arg5: memref<2x512xf32, #tpu.memory_space<vmem>>) attributes {dimension_semantics = [], scalar_prefetch = 0 : i64, scratch_operands = 0 : i64, tpu.core_type = #tpu.core_type<tc>} {
    %get3A = arith.constant 0 : index
    %get3A_0 = arith.constant 0 : index
    %get3A_1 = vector.load %arg0[%get3A, %get3A_0] : memref<513x512xf32, #tpu.memory_space<vmem>>, vector<512x512xf32>
    %get3A_2 = arith.constant 512 : index
    %get3A_3 = arith.constant 0 : index
    %get3A_4 = vector.load %arg0[%get3A_2, %get3A_3] : memref<513x512xf32, #tpu.memory_space<vmem>>, vector<1x512xf32>
    %get3A_5 = arith.constant 0 : index
    %get3A_6 = arith.constant 0 : index
    %get3A_7 = vector.load %arg1[%get3A_5, %get3A_6] : memref<1x512xf32, #tpu.memory_space<vmem>>, vector<1x512xf32>
    %get3A_8 = arith.constant 0 : index
    %get3A_9 = arith.constant 0 : index
    %get3A_10 = vector.load %arg2[%get3A_8, %get3A_9] : memref<1x512xf32, #tpu.memory_space<vmem>>, vector<1x512xf32>
    %get3A_11 = arith.constant 0 : index
    %get3A_12 = arith.constant 0 : index
    %get3A_13 = vector.load %arg3[%get3A_11, %get3A_12] : memref<1x512xf32, #tpu.memory_space<vmem>>, vector<1x512xf32>
    %get3A_14 = arith.constant 0 : index
    %get3A_15 = arith.constant 0 : index
    %get3A_16 = vector.load %arg4[%get3A_14, %get3A_15] : memref<1x512xf32, #tpu.memory_space<vmem>>, vector<1x512xf32>
    %mul3A = arith.constant 6.250000e-06 : f32
    %mul3A_17 = vector.broadcast %mul3A : f32 to vector<1x512xf32>
    %mul3A_18 = arith.mulf %get3A_4, %mul3A_17 : vector<1x512xf32>
    %mul3A_19 = arith.constant 6.250000e-06 : f32
    %mul3A_20 = vector.broadcast %mul3A_19 : f32 to vector<512x512xf32>
    %mul3A_21 = arith.mulf %get3A_1, %mul3A_20 : vector<512x512xf32>
    %dot_general3A = arith.constant dense<0.000000e+00> : vector<512x512xf32>
    %dot_general3A_22 = tpu.matmul %mul3A_18, %mul3A_18, %dot_general3A {dimension_numbers = #tpu.dot_dimension_numbers<[0], [0], [1], [1], [0, 1, 1, 1], [], []>, transpose_lhs_hint = false} : vector<1x512xf32>, vector<1x512xf32>, vector<512x512xf32> -> vector<512x512xf32>
    %sub3A = arith.subf %mul3A_21, %dot_general3A_22 : vector<512x512xf32>
    %iota3A = tpu.iota {dimensions = array<i32: 0>} : vector<512x512xi32>
    %iota3A_23 = tpu.iota {dimensions = array<i32: 1>} : vector<512x512xi32>
    %eq3A = arith.cmpi eq, %iota3A, %iota3A_23 : vector<512x512xi32>
    %convert_element_type3A = arith.extui %eq3A : vector<512x512xi1> to vector<512x512xi32>
    %convert_element_type3A_24 = arith.sitofp %convert_element_type3A : vector<512x512xi32> to vector<512x512xf32>
    %mul3A_25 = arith.mulf %sub3A, %convert_element_type3A_24 : vector<512x512xf32>
    %reduce_sum3A = arith.constant dense<0.000000e+00> : vector<512xf32>
    %reduce_sum3A_26 = vector.multi_reduction <add>, %mul3A_25, %reduce_sum3A [1] : vector<512x512xf32> to vector<512xf32>
    %broadcast_in_dim3A = vector.shape_cast %reduce_sum3A_26 : vector<512xf32> to vector<512x1xf32>
    %reduce_sum3A_27 = arith.constant dense<0.000000e+00> : vector<512xf32>
    %reduce_sum3A_28 = vector.multi_reduction <add>, %mul3A_25, %reduce_sum3A_27 [0] : vector<512x512xf32> to vector<512xf32>
    %broadcast_in_dim3A_29 = vector.shape_cast %reduce_sum3A_28 : vector<512xf32> to vector<1x512xf32>
    %mul3A_30 = vector.broadcast %broadcast_in_dim3A : vector<512x1xf32> to vector<512x512xf32>
    %mul3A_31 = vector.broadcast %broadcast_in_dim3A_29 : vector<1x512xf32> to vector<512x512xf32>
    %mul3A_32 = arith.mulf %mul3A_30, %mul3A_31 : vector<512x512xf32>
    %rsqrt3A = math.rsqrt %mul3A_32 : vector<512x512xf32>
    %mul3A_33 = arith.mulf %sub3A, %rsqrt3A : vector<512x512xf32>
    %jit3A = arith.constant -1.000000e+00 : f32
    %jit3A_34 = arith.constant 1.000000e+00 : f32
    %max3A = vector.broadcast %jit3A : f32 to vector<512x512xf32>
    %max3A_35 = arith.maximumf %max3A, %mul3A_33 : vector<512x512xf32>
    %min3A = vector.broadcast %jit3A_34 : f32 to vector<512x512xf32>
    %min3A_36 = arith.minimumf %min3A, %max3A_35 : vector<512x512xf32>
    %abs3A = math.absf %min3A_36 : vector<512x512xf32>
    %reduce_sum3A_37 = arith.constant dense<0.000000e+00> : vector<512xf32>
    %reduce_sum3A_38 = vector.multi_reduction <add>, %abs3A, %reduce_sum3A_37 [0] : vector<512x512xf32> to vector<512xf32>
    %broadcast_in_dim3A_39 = vector.shape_cast %reduce_sum3A_38 : vector<512xf32> to vector<1x512xf32>
    %mul3A_40 = arith.constant 0.001953125 : f32
    %mul3A_41 = vector.broadcast %mul3A_40 : f32 to vector<1x512xf32>
    %mul3A_42 = arith.mulf %broadcast_in_dim3A_39, %mul3A_41 : vector<1x512xf32>
    %reduce_max3A = vector.shape_cast %mul3A_42 : vector<1x512xf32> to vector<1x1x512xf32>
    %reduce_max3A_43 = arith.constant dense<0xFF800000> : vector<1xf32>
    %reduce_max3A_44 = vector.multi_reduction <maximumf>, %reduce_max3A, %reduce_max3A_43 [1, 2] : vector<1x1x512xf32> to vector<1xf32>
    %reduce_max3A_45 = vector.shape_cast %reduce_max3A_44 : vector<1xf32> to vector<1x1x1xf32>
    %reduce_max3A_46 = vector.extract %reduce_max3A_45[0, 0, 0] : f32 from vector<1x1x1xf32>
    %sub3A_47 = vector.broadcast %reduce_max3A_46 : f32 to vector<1x512xf32>
    %sub3A_48 = arith.subf %mul3A_42, %sub3A_47 : vector<1x512xf32>
    %exp3A = math.exp %sub3A_48 : vector<1x512xf32>
    %reduce_sum3A_49 = vector.shape_cast %exp3A : vector<1x512xf32> to vector<1x1x512xf32>
    %reduce_sum3A_50 = arith.constant dense<0.000000e+00> : vector<1xf32>
    %reduce_sum3A_51 = vector.multi_reduction <add>, %reduce_sum3A_49, %reduce_sum3A_50 [1, 2] : vector<1x1x512xf32> to vector<1xf32>
    %reduce_sum3A_52 = vector.shape_cast %reduce_sum3A_51 : vector<1xf32> to vector<1x1x1xf32>
    %reduce_sum3A_53 = vector.extract %reduce_sum3A_52[0, 0, 0] : f32 from vector<1x1x1xf32>
    %div3A = arith.constant 1.000000e+00 : f32
    %div3A_54 = arith.divf %div3A, %reduce_sum3A_53 : f32
    %mul3A_55 = vector.broadcast %div3A_54 : f32 to vector<1x512xf32>
    %mul3A_56 = arith.mulf %exp3A, %mul3A_55 : vector<1x512xf32>
    %mul3A_57 = arith.mulf %mul3A_56, %get3A_7 : vector<1x512xf32>
    %add3A = arith.constant 9.99999974E-6 : f32
    %add3A_58 = vector.broadcast %add3A : f32 to vector<1x512xf32>
    %add3A_59 = arith.addf %get3A_16, %add3A_58 : vector<1x512xf32>
    %rsqrt3A_60 = math.rsqrt %add3A_59 : vector<1x512xf32>
    %mul3A_61 = arith.mulf %mul3A_57, %rsqrt3A_60 : vector<1x512xf32>
    %mul3A_62 = arith.mulf %get3A_13, %mul3A_61 : vector<1x512xf32>
    %sub3A_63 = arith.subf %get3A_10, %mul3A_62 : vector<1x512xf32>
    %swap3A = arith.constant 0 : index
    %swap3A_64 = arith.constant 0 : index
    %swap3A_65 = vector.load %arg5[%swap3A, %swap3A_64] : memref<2x512xf32, #tpu.memory_space<vmem>>, vector<1x512xf32>
    tpu.vector_store %arg5[%swap3A, %swap3A_64], %mul3A_61 {strides = array<i32>} : memref<2x512xf32, #tpu.memory_space<vmem>>, vector<1x512xf32>,
    %swap3A_66 = arith.constant 1 : index
    %swap3A_67 = arith.constant 0 : index
    %swap3A_68 = vector.load %arg5[%swap3A_66, %swap3A_67] : memref<2x512xf32, #tpu.memory_space<vmem>>, vector<1x512xf32>
    tpu.vector_store %arg5[%swap3A_66, %swap3A_67], %sub3A_63 {strides = array<i32>} : memref<2x512xf32, #tpu.memory_space<vmem>>, vector<1x512xf32>,
    return
  }
}

module attributes {stable_mosaic.version = 14 : i64} {
  func.func @_pass2e_body(%arg0: i32, %arg1: memref<2000x512xbf16, #tpu.memory_space<vmem>>, %arg2: memref<2000x128xf32, #tpu.memory_space<vmem>>, %arg3: memref<2x512xf32, #tpu.memory_space<vmem>>, %arg4: memref<512x256xbf16, #tpu.memory_space<vmem>>, %arg5: memref<1x256xf32, #tpu.memory_space<vmem>>, %arg6: memref<2000x256xf32, #tpu.memory_space<vmem>>, %arg7: memref<128x256xf32, #tpu.memory_space<vmem>>, %arg8: memref<8x128xf32, #tpu.memory_space<vmem>>) attributes {dimension_semantics = [#tpu.dimension_semantics<arbitrary>], iteration_bounds = array<i64: 80>, scalar_prefetch = 0 : i64, scratch_operands = 0 : i64, tpu.core_type = #tpu.core_type<tc>, window_params = [{transform_indices = @transform_0, window_bounds = array<i64: 2000, 512>}, {transform_indices = @transform_1, window_bounds = array<i64: 2000, 128>}, {pipeline_mode = #tpu.pipeline_mode<synchronous>, transform_indices = @transform_2, window_bounds = array<i64: 2, 512>}, {pipeline_mode = #tpu.pipeline_mode<synchronous>, transform_indices = @transform_3, window_bounds = array<i64: 512, 256>}, {pipeline_mode = #tpu.pipeline_mode<synchronous>, transform_indices = @transform_4, window_bounds = array<i64: 1, 256>}, {transform_indices = @transform_5, window_bounds = array<i64: 2000, 256>}, {pipeline_mode = #tpu.pipeline_mode<synchronous>, transform_indices = @transform_6, window_bounds = array<i64: 128, 256>}, {pipeline_mode = #tpu.pipeline_mode<synchronous>, transform_indices = @transform_7, window_bounds = array<i64: 8, 128>}]} {
    %get3A = arith.constant 0 : index
    %get3A_0 = arith.constant 0 : index
    %get3A_1 = vector.load %arg1[%get3A, %get3A_0] : memref<2000x512xbf16, #tpu.memory_space<vmem>>, vector<2000x512xbf16>
    %convert_element_type3A = arith.extf %get3A_1 : vector<2000x512xbf16> to vector<2000x512xf32>
    %get3A_2 = arith.constant 0 : index
    %get3A_3 = arith.constant 0 : index
    %get3A_4 = vector.load %arg3[%get3A_2, %get3A_3] : memref<2x512xf32, #tpu.memory_space<vmem>>, vector<1x512xf32>
    %mul3A = vector.broadcast %get3A_4 : vector<1x512xf32> to vector<2000x512xf32>
    %mul3A_5 = arith.mulf %convert_element_type3A, %mul3A : vector<2000x512xf32>
    %get3A_6 = arith.constant 1 : index
    %get3A_7 = arith.constant 0 : index
    %get3A_8 = vector.load %arg3[%get3A_6, %get3A_7] : memref<2x512xf32, #tpu.memory_space<vmem>>, vector<1x512xf32>
    %add3A = vector.broadcast %get3A_8 : vector<1x512xf32> to vector<2000x512xf32>
    %add3A_9 = arith.addf %mul3A_5, %add3A : vector<2000x512xf32>
    %neg3A = arith.constant 0.000000e+00 : f32
    %neg3A_10 = vector.broadcast %neg3A : f32 to vector<2000x512xf32>
    %neg3A_11 = arith.subf %neg3A_10, %add3A_9 : vector<2000x512xf32>
    %exp3A = math.exp %neg3A_11 : vector<2000x512xf32>
    %add3A_12 = arith.constant 1.000000e+00 : f32
    %add3A_13 = vector.broadcast %add3A_12 : f32 to vector<2000x512xf32>
    %add3A_14 = arith.addf %add3A_13, %exp3A : vector<2000x512xf32>
    %div3A = arith.constant 1.000000e+00 : f32
    %div3A_15 = vector.broadcast %div3A : f32 to vector<2000x512xf32>
    %div3A_16 = arith.divf %div3A_15, %add3A_14 : vector<2000x512xf32>
    %mul3A_17 = arith.mulf %add3A_9, %div3A_16 : vector<2000x512xf32>
    %convert_element_type3A_18 = arith.truncf %mul3A_17 : vector<2000x512xf32> to vector<2000x512xbf16>
    %get3A_19 = arith.constant 0 : index
    %get3A_20 = arith.constant 0 : index
    %get3A_21 = vector.load %arg4[%get3A_19, %get3A_20] : memref<512x256xbf16, #tpu.memory_space<vmem>>, vector<512x256xbf16>
    %dot_general3A = arith.constant dense<0.000000e+00> : vector<2000x256xf32>
    %dot_general3A_22 = tpu.matmul %convert_element_type3A_18, %get3A_21, %dot_general3A {dimension_numbers = #tpu.dot_dimension_numbers<[1], [0], [0], [1], [0, 0, 1, 1], [], []>, transpose_lhs_hint = false} : vector<2000x512xbf16>, vector<512x256xbf16>, vector<2000x256xf32> -> vector<2000x256xf32>
    %get3A_23 = arith.constant 0 : index
    %get3A_24 = arith.constant 0 : index
    %get3A_25 = vector.load %arg5[%get3A_23, %get3A_24] : memref<1x256xf32, #tpu.memory_space<vmem>>, vector<1x256xf32>
    %add3A_26 = vector.broadcast %get3A_25 : vector<1x256xf32> to vector<2000x256xf32>
    %add3A_27 = arith.addf %dot_general3A_22, %add3A_26 : vector<2000x256xf32>
    %swap3A = arith.constant 0 : index
    %swap3A_28 = arith.constant 0 : index
    %swap3A_29 = vector.load %arg6[%swap3A, %swap3A_28] : memref<2000x256xf32, #tpu.memory_space<vmem>>, vector<2000x256xf32>
    tpu.vector_store %arg6[%swap3A, %swap3A_28], %add3A_27 {strides = array<i32>} : memref<2000x256xf32, #tpu.memory_space<vmem>>, vector<2000x256xf32>,
    %get3A_30 = arith.constant 0 : index
    %get3A_31 = arith.constant 0 : index
    %get3A_32 = vector.load %arg2[%get3A_30, %get3A_31] : memref<2000x128xf32, #tpu.memory_space<vmem>>, vector<2000x1xf32>
    %iota3A = tpu.iota {dimensions = array<i32: 1>} : vector<1x128xi32>
    %convert_element_type3A_33 = arith.sitofp %iota3A : vector<1x128xi32> to vector<1x128xf32>
    %eq3A = vector.broadcast %get3A_32 : vector<2000x1xf32> to vector<2000x128xf32>
    %eq3A_34 = vector.broadcast %convert_element_type3A_33 : vector<1x128xf32> to vector<2000x128xf32>
    %eq3A_35 = arith.cmpf oeq, %eq3A, %eq3A_34 : vector<2000x128xf32>
    %convert_element_type3A_36 = arith.extui %eq3A_35 : vector<2000x128xi1> to vector<2000x128xi32>
    %convert_element_type3A_37 = arith.sitofp %convert_element_type3A_36 : vector<2000x128xi32> to vector<2000x128xf32>
    %eq3A_38 = arith.constant 0 : i32
    %eq3A_39 = arith.cmpi eq, %arg0, %eq3A_38 : i32
    %convert_element_type3A_40 = arith.extui %eq3A_39 : i1 to i32
    %cond3A = arith.constant 0 : i32
    %cond3A_41 = arith.cmpi ne, %convert_element_type3A_40, %cond3A : i32
    scf.if %cond3A_41 {
      %broadcast_in_dim3A_59 = arith.constant 0.000000e+00 : f32
      %broadcast_in_dim3A_60 = vector.broadcast %broadcast_in_dim3A_59 : f32 to vector<128x256xf32>
      %swap3A_61 = arith.constant 0 : index
      %swap3A_62 = arith.constant 0 : index
      %swap3A_63 = vector.load %arg7[%swap3A_61, %swap3A_62] : memref<128x256xf32, #tpu.memory_space<vmem>>, vector<128x256xf32>
      tpu.vector_store %arg7[%swap3A_61, %swap3A_62], %broadcast_in_dim3A_60 {strides = array<i32>} : memref<128x256xf32, #tpu.memory_space<vmem>>, vector<128x256xf32>,
      %broadcast_in_dim3A_64 = arith.constant 0.000000e+00 : f32
      %broadcast_in_dim3A_65 = vector.broadcast %broadcast_in_dim3A_64 : f32 to vector<8x128xf32>
      %swap3A_66 = arith.constant 0 : index
      %swap3A_67 = arith.constant 0 : index
      %swap3A_68 = vector.load %arg8[%swap3A_66, %swap3A_67] : memref<8x128xf32, #tpu.memory_space<vmem>>, vector<8x128xf32>
      tpu.vector_store %arg8[%swap3A_66, %swap3A_67], %broadcast_in_dim3A_65 {strides = array<i32>} : memref<8x128xf32, #tpu.memory_space<vmem>>, vector<8x128xf32>,
    } else {
    }
    %get3A_42 = arith.constant 0 : index
    %get3A_43 = arith.constant 0 : index
    %get3A_44 = vector.load %arg7[%get3A_42, %get3A_43] : memref<128x256xf32, #tpu.memory_space<vmem>>, vector<128x256xf32>
    %dot_general3A_45 = arith.constant dense<0.000000e+00> : vector<128x256xf32>
    %dot_general3A_46 = tpu.matmul %convert_element_type3A_37, %add3A_27, %dot_general3A_45 {dimension_numbers = #tpu.dot_dimension_numbers<[0], [0], [1], [1], [0, 1, 1, 1], [], []>, transpose_lhs_hint = false} : vector<2000x128xf32>, vector<2000x256xf32>, vector<128x256xf32> -> vector<128x256xf32>
    %add3A_47 = arith.addf %get3A_44, %dot_general3A_46 : vector<128x256xf32>
    %swap3A_48 = arith.constant 0 : index
    %swap3A_49 = arith.constant 0 : index
    %swap3A_50 = vector.load %arg7[%swap3A_48, %swap3A_49] : memref<128x256xf32, #tpu.memory_space<vmem>>, vector<128x256xf32>
    tpu.vector_store %arg7[%swap3A_48, %swap3A_49], %add3A_47 {strides = array<i32>} : memref<128x256xf32, #tpu.memory_space<vmem>>, vector<128x256xf32>,
    %get3A_51 = arith.constant 0 : index
    %get3A_52 = arith.constant 0 : index
    %get3A_53 = vector.load %arg8[%get3A_51, %get3A_52] : memref<8x128xf32, #tpu.memory_space<vmem>>, vector<1x128xf32>
    %reduce_sum3A = arith.constant dense<0.000000e+00> : vector<128xf32>
    %reduce_sum3A_54 = vector.multi_reduction <add>, %convert_element_type3A_37, %reduce_sum3A [0] : vector<2000x128xf32> to vector<128xf32>
    %broadcast_in_dim3A = vector.shape_cast %reduce_sum3A_54 : vector<128xf32> to vector<1x128xf32>
    %add3A_55 = arith.addf %get3A_53, %broadcast_in_dim3A : vector<1x128xf32>
    %swap3A_56 = arith.constant 0 : index
    %swap3A_57 = arith.constant 0 : index
    %swap3A_58 = vector.load %arg8[%swap3A_56, %swap3A_57] : memref<8x128xf32, #tpu.memory_space<vmem>>, vector<1x128xf32>
    tpu.vector_store %arg8[%swap3A_56, %swap3A_57], %add3A_55 {strides = array<i32>} : memref<8x128xf32, #tpu.memory_space<vmem>>, vector<1x128xf32>,
    return
  }
  func.func @transform_0(%arg0: i32) -> (i32, i32) {
    %c0_i32 = arith.constant 0 : i32
    %c0_i32_0 = arith.constant 0 : i32
    return %arg0, %c0_i32 : i32, i32
  }
  func.func @transform_1(%arg0: i32) -> (i32, i32) {
    %c4_i32 = arith.constant 4 : i32
    %c0_i32 = arith.constant 0 : i32
    return %arg0, %c4_i32 : i32, i32
  }
  func.func @transform_2(%arg0: i32) -> (i32, i32) {
    %c0_i32 = arith.constant 0 : i32
    %c0_i32_0 = arith.constant 0 : i32
    %c0_i32_1 = arith.constant 0 : i32
    return %c0_i32, %c0_i32_0 : i32, i32
  }
  func.func @transform_3(%arg0: i32) -> (i32, i32) {
    %c0_i32 = arith.constant 0 : i32
    %c0_i32_0 = arith.constant 0 : i32
    %c0_i32_1 = arith.constant 0 : i32
    return %c0_i32, %c0_i32_0 : i32, i32
  }
  func.func @transform_4(%arg0: i32) -> (i32, i32) {
    %c0_i32 = arith.constant 0 : i32
    %c0_i32_0 = arith.constant 0 : i32
    %c0_i32_1 = arith.constant 0 : i32
    return %c0_i32, %c0_i32_0 : i32, i32
  }
  func.func @transform_5(%arg0: i32) -> (i32, i32) {
    %c0_i32 = arith.constant 0 : i32
    %c0_i32_0 = arith.constant 0 : i32
    return %arg0, %c0_i32 : i32, i32
  }
  func.func @transform_6(%arg0: i32) -> (i32, i32) {
    %c0_i32 = arith.constant 0 : i32
    %c0_i32_0 = arith.constant 0 : i32
    %c0_i32_1 = arith.constant 0 : i32
    return %c0_i32, %c0_i32_0 : i32, i32
  }
  func.func @transform_7(%arg0: i32) -> (i32, i32) {
    %c0_i32 = arith.constant 0 : i32
    %c0_i32_0 = arith.constant 0 : i32
    %c0_i32_1 = arith.constant 0 : i32
    return %c0_i32, %c0_i32_0 : i32, i32
  }
}

module attributes {stable_mosaic.version = 14 : i64} {
  func.func @_pass1n_body(%arg0: i32, %arg1: memref<2000x256xf32, #tpu.memory_space<vmem>>, %arg2: memref<2000x256xf32, #tpu.memory_space<vmem>>, %arg3: memref<2000x1xi32, #tpu.memory_space<vmem>>, %arg4: memref<256x512xf32, #tpu.memory_space<vmem>>, %arg5: memref<256x512xf32, #tpu.memory_space<vmem>>, %arg6: memref<64x512xf32, #tpu.memory_space<vmem>>, %arg7: memref<2000x512xf32, #tpu.memory_space<vmem>>, %arg8: memref<513x512xf32, #tpu.memory_space<vmem>>) attributes {dimension_semantics = [#tpu.dimension_semantics<arbitrary>], iteration_bounds = array<i64: 5>, scalar_prefetch = 0 : i64, scratch_operands = 0 : i64, tpu.core_type = #tpu.core_type<tc>, window_params = [{transform_indices = @transform_0, window_bounds = array<i64: 2000, 256>}, {transform_indices = @transform_1, window_bounds = array<i64: 2000, 256>}, {transform_indices = @transform_2, window_bounds = array<i64: 2000, 1>}, {pipeline_mode = #tpu.pipeline_mode<synchronous>, transform_indices = @transform_3, window_bounds = array<i64: 256, 512>}, {pipeline_mode = #tpu.pipeline_mode<synchronous>, transform_indices = @transform_4, window_bounds = array<i64: 256, 512>}, {pipeline_mode = #tpu.pipeline_mode<synchronous>, transform_indices = @transform_5, window_bounds = array<i64: 64, 512>}, {transform_indices = @transform_6, window_bounds = array<i64: 2000, 512>}, {pipeline_mode = #tpu.pipeline_mode<synchronous>, transform_indices = @transform_7, window_bounds = array<i64: 513, 512>}]} {
    %get3A = arith.constant 0 : index
    %get3A_0 = arith.constant 0 : index
    %get3A_1 = vector.load %arg3[%get3A, %get3A_0] : memref<2000x1xi32, #tpu.memory_space<vmem>>, vector<2000x1xi32>
    %iota3A = tpu.iota {dimensions = array<i32: 1>} : vector<1x64xi32>
    %eq3A = vector.broadcast %get3A_1 : vector<2000x1xi32> to vector<2000x64xi32>
    %eq3A_2 = vector.broadcast %iota3A : vector<1x64xi32> to vector<2000x64xi32>
    %eq3A_3 = arith.cmpi eq, %eq3A, %eq3A_2 : vector<2000x64xi32>
    %convert_element_type3A = arith.extui %eq3A_3 : vector<2000x64xi1> to vector<2000x64xi32>
    %convert_element_type3A_4 = arith.sitofp %convert_element_type3A : vector<2000x64xi32> to vector<2000x64xf32>
    %get3A_5 = arith.constant 0 : index
    %get3A_6 = arith.constant 0 : index
    %get3A_7 = vector.load %arg1[%get3A_5, %get3A_6] : memref<2000x256xf32, #tpu.memory_space<vmem>>, vector<2000x256xf32>
    %get3A_8 = arith.constant 0 : index
    %get3A_9 = arith.constant 0 : index
    %get3A_10 = vector.load %arg4[%get3A_8, %get3A_9] : memref<256x512xf32, #tpu.memory_space<vmem>>, vector<256x512xf32>
    %dot_general3A = arith.constant dense<0.000000e+00> : vector<2000x512xf32>
    %dot_general3A_11 = tpu.matmul %get3A_7, %get3A_10, %dot_general3A {dimension_numbers = #tpu.dot_dimension_numbers<[1], [0], [0], [1], [0, 0, 1, 1], [], []>, transpose_lhs_hint = false} : vector<2000x256xf32>, vector<256x512xf32>, vector<2000x512xf32> -> vector<2000x512xf32>
    %get3A_12 = arith.constant 0 : index
    %get3A_13 = arith.constant 0 : index
    %get3A_14 = vector.load %arg2[%get3A_12, %get3A_13] : memref<2000x256xf32, #tpu.memory_space<vmem>>, vector<2000x256xf32>
    %get3A_15 = arith.constant 0 : index
    %get3A_16 = arith.constant 0 : index
    %get3A_17 = vector.load %arg5[%get3A_15, %get3A_16] : memref<256x512xf32, #tpu.memory_space<vmem>>, vector<256x512xf32>
    %dot_general3A_18 = arith.constant dense<0.000000e+00> : vector<2000x512xf32>
    %dot_general3A_19 = tpu.matmul %get3A_14, %get3A_17, %dot_general3A_18 {dimension_numbers = #tpu.dot_dimension_numbers<[1], [0], [0], [1], [0, 0, 1, 1], [], []>, transpose_lhs_hint = false} : vector<2000x256xf32>, vector<256x512xf32>, vector<2000x512xf32> -> vector<2000x512xf32>
    %add3A = arith.addf %dot_general3A_11, %dot_general3A_19 : vector<2000x512xf32>
    %get3A_20 = arith.constant 0 : index
    %get3A_21 = arith.constant 0 : index
    %get3A_22 = vector.load %arg6[%get3A_20, %get3A_21] : memref<64x512xf32, #tpu.memory_space<vmem>>, vector<64x512xf32>
    %dot_general3A_23 = arith.constant dense<0.000000e+00> : vector<2000x512xf32>
    %dot_general3A_24 = tpu.matmul %convert_element_type3A_4, %get3A_22, %dot_general3A_23 {dimension_numbers = #tpu.dot_dimension_numbers<[1], [0], [0], [1], [0, 0, 1, 1], [], []>, transpose_lhs_hint = false} : vector<2000x64xf32>, vector<64x512xf32>, vector<2000x512xf32> -> vector<2000x512xf32>
    %add3A_25 = arith.addf %add3A, %dot_general3A_24 : vector<2000x512xf32>
    %swap3A = arith.constant 0 : index
    %swap3A_26 = arith.constant 0 : index
    %swap3A_27 = vector.load %arg7[%swap3A, %swap3A_26] : memref<2000x512xf32, #tpu.memory_space<vmem>>, vector<2000x512xf32>
    tpu.vector_store %arg7[%swap3A, %swap3A_26], %add3A_25 {strides = array<i32>} : memref<2000x512xf32, #tpu.memory_space<vmem>>, vector<2000x512xf32>,
    %eq3A_28 = arith.constant 0 : i32
    %eq3A_29 = arith.cmpi eq, %arg0, %eq3A_28 : i32
    %convert_element_type3A_30 = arith.extui %eq3A_29 : i1 to i32
    %cond3A = arith.constant 0 : i32
    %cond3A_31 = arith.cmpi ne, %convert_element_type3A_30, %cond3A : i32
    scf.if %cond3A_31 {
      %broadcast_in_dim3A_49 = arith.constant 0.000000e+00 : f32
      %broadcast_in_dim3A_50 = vector.broadcast %broadcast_in_dim3A_49 : f32 to vector<513x512xf32>
      %swap3A_51 = arith.constant 0 : index
      %swap3A_52 = arith.constant 0 : index
      %swap3A_53 = vector.load %arg8[%swap3A_51, %swap3A_52] : memref<513x512xf32, #tpu.memory_space<vmem>>, vector<513x512xf32>
      tpu.vector_store %arg8[%swap3A_51, %swap3A_52], %broadcast_in_dim3A_50 {strides = array<i32>} : memref<513x512xf32, #tpu.memory_space<vmem>>, vector<513x512xf32>,
    } else {
    }
    %get3A_32 = arith.constant 0 : index
    %get3A_33 = arith.constant 0 : index
    %get3A_34 = vector.load %arg8[%get3A_32, %get3A_33] : memref<513x512xf32, #tpu.memory_space<vmem>>, vector<512x512xf32>
    %dot_general3A_35 = arith.constant dense<0.000000e+00> : vector<512x512xf32>
    %dot_general3A_36 = tpu.matmul %add3A_25, %add3A_25, %dot_general3A_35 {dimension_numbers = #tpu.dot_dimension_numbers<[0], [0], [1], [1], [0, 1, 1, 1], [], []>, transpose_lhs_hint = false} : vector<2000x512xf32>, vector<2000x512xf32>, vector<512x512xf32> -> vector<512x512xf32>
    %add3A_37 = arith.addf %get3A_34, %dot_general3A_36 : vector<512x512xf32>
    %swap3A_38 = arith.constant 0 : index
    %swap3A_39 = arith.constant 0 : index
    %swap3A_40 = vector.load %arg8[%swap3A_38, %swap3A_39] : memref<513x512xf32, #tpu.memory_space<vmem>>, vector<512x512xf32>
    tpu.vector_store %arg8[%swap3A_38, %swap3A_39], %add3A_37 {strides = array<i32>} : memref<513x512xf32, #tpu.memory_space<vmem>>, vector<512x512xf32>,
    %get3A_41 = arith.constant 512 : index
    %get3A_42 = arith.constant 0 : index
    %get3A_43 = vector.load %arg8[%get3A_41, %get3A_42] : memref<513x512xf32, #tpu.memory_space<vmem>>, vector<1x512xf32>
    %reduce_sum3A = arith.constant dense<0.000000e+00> : vector<512xf32>
    %reduce_sum3A_44 = vector.multi_reduction <add>, %add3A_25, %reduce_sum3A [0] : vector<2000x512xf32> to vector<512xf32>
    %broadcast_in_dim3A = vector.shape_cast %reduce_sum3A_44 : vector<512xf32> to vector<1x512xf32>
    %add3A_45 = arith.addf %get3A_43, %broadcast_in_dim3A : vector<1x512xf32>
    %swap3A_46 = arith.constant 512 : index
    %swap3A_47 = arith.constant 0 : index
    %swap3A_48 = vector.load %arg8[%swap3A_46, %swap3A_47] : memref<513x512xf32, #tpu.memory_space<vmem>>, vector<1x512xf32>
    tpu.vector_store %arg8[%swap3A_46, %swap3A_47], %add3A_45 {strides = array<i32>} : memref<513x512xf32, #tpu.memory_space<vmem>>, vector<1x512xf32>,
    return
  }
  func.func @transform_0(%arg0: i32) -> (i32, i32) {
    %c0_i32 = arith.constant 0 : i32
    %c0_i32_0 = arith.constant 0 : i32
    return %arg0, %c0_i32 : i32, i32
  }
  func.func @transform_1(%arg0: i32) -> (i32, i32) {
    %c0_i32 = arith.constant 0 : i32
    %c0_i32_0 = arith.constant 0 : i32
    return %arg0, %c0_i32 : i32, i32
  }
  func.func @transform_2(%arg0: i32) -> (i32, i32) {
    %c0_i32 = arith.constant 0 : i32
    %c0_i32_0 = arith.constant 0 : i32
    return %arg0, %c0_i32 : i32, i32
  }
  func.func @transform_3(%arg0: i32) -> (i32, i32) {
    %c0_i32 = arith.constant 0 : i32
    %c0_i32_0 = arith.constant 0 : i32
    %c0_i32_1 = arith.constant 0 : i32
    return %c0_i32, %c0_i32_0 : i32, i32
  }
  func.func @transform_4(%arg0: i32) -> (i32, i32) {
    %c0_i32 = arith.constant 0 : i32
    %c0_i32_0 = arith.constant 0 : i32
    %c0_i32_1 = arith.constant 0 : i32
    return %c0_i32, %c0_i32_0 : i32, i32
  }
  func.func @transform_5(%arg0: i32) -> (i32, i32) {
    %c0_i32 = arith.constant 0 : i32
    %c0_i32_0 = arith.constant 0 : i32
    %c0_i32_1 = arith.constant 0 : i32
    return %c0_i32, %c0_i32_0 : i32, i32
  }
  func.func @transform_6(%arg0: i32) -> (i32, i32) {
    %c0_i32 = arith.constant 0 : i32
    %c0_i32_0 = arith.constant 0 : i32
    return %arg0, %c0_i32 : i32, i32
  }
  func.func @transform_7(%arg0: i32) -> (i32, i32) {
    %c0_i32 = arith.constant 0 : i32
    %c0_i32_0 = arith.constant 0 : i32
    %c0_i32_1 = arith.constant 0 : i32
    return %c0_i32, %c0_i32_0 : i32, i32
  }
}

module attributes {stable_mosaic.version = 14 : i64} {
  func.func @_w_body(%arg0: memref<513x512xf32, #tpu.memory_space<vmem>>, %arg1: memref<1x512xf32, #tpu.memory_space<vmem>>, %arg2: memref<1x512xf32, #tpu.memory_space<vmem>>, %arg3: memref<1x512xf32, #tpu.memory_space<vmem>>, %arg4: memref<1x512xf32, #tpu.memory_space<vmem>>, %arg5: memref<2x512xf32, #tpu.memory_space<vmem>>) attributes {dimension_semantics = [], scalar_prefetch = 0 : i64, scratch_operands = 0 : i64, tpu.core_type = #tpu.core_type<tc>} {
    %get3A = arith.constant 0 : index
    %get3A_0 = arith.constant 0 : index
    %get3A_1 = vector.load %arg0[%get3A, %get3A_0] : memref<513x512xf32, #tpu.memory_space<vmem>>, vector<512x512xf32>
    %get3A_2 = arith.constant 512 : index
    %get3A_3 = arith.constant 0 : index
    %get3A_4 = vector.load %arg0[%get3A_2, %get3A_3] : memref<513x512xf32, #tpu.memory_space<vmem>>, vector<1x512xf32>
    %get3A_5 = arith.constant 0 : index
    %get3A_6 = arith.constant 0 : index
    %get3A_7 = vector.load %arg1[%get3A_5, %get3A_6] : memref<1x512xf32, #tpu.memory_space<vmem>>, vector<1x512xf32>
    %get3A_8 = arith.constant 0 : index
    %get3A_9 = arith.constant 0 : index
    %get3A_10 = vector.load %arg2[%get3A_8, %get3A_9] : memref<1x512xf32, #tpu.memory_space<vmem>>, vector<1x512xf32>
    %get3A_11 = arith.constant 0 : index
    %get3A_12 = arith.constant 0 : index
    %get3A_13 = vector.load %arg3[%get3A_11, %get3A_12] : memref<1x512xf32, #tpu.memory_space<vmem>>, vector<1x512xf32>
    %get3A_14 = arith.constant 0 : index
    %get3A_15 = arith.constant 0 : index
    %get3A_16 = vector.load %arg4[%get3A_14, %get3A_15] : memref<1x512xf32, #tpu.memory_space<vmem>>, vector<1x512xf32>
    %mul3A = arith.constant 9.99999974E-5 : f32
    %mul3A_17 = vector.broadcast %mul3A : f32 to vector<1x512xf32>
    %mul3A_18 = arith.mulf %get3A_4, %mul3A_17 : vector<1x512xf32>
    %mul3A_19 = arith.constant 9.99999974E-5 : f32
    %mul3A_20 = vector.broadcast %mul3A_19 : f32 to vector<512x512xf32>
    %mul3A_21 = arith.mulf %get3A_1, %mul3A_20 : vector<512x512xf32>
    %dot_general3A = arith.constant dense<0.000000e+00> : vector<512x512xf32>
    %dot_general3A_22 = tpu.matmul %mul3A_18, %mul3A_18, %dot_general3A {dimension_numbers = #tpu.dot_dimension_numbers<[0], [0], [1], [1], [0, 1, 1, 1], [], []>, transpose_lhs_hint = false} : vector<1x512xf32>, vector<1x512xf32>, vector<512x512xf32> -> vector<512x512xf32>
    %sub3A = arith.subf %mul3A_21, %dot_general3A_22 : vector<512x512xf32>
    %iota3A = tpu.iota {dimensions = array<i32: 0>} : vector<512x512xi32>
    %iota3A_23 = tpu.iota {dimensions = array<i32: 1>} : vector<512x512xi32>
    %eq3A = arith.cmpi eq, %iota3A, %iota3A_23 : vector<512x512xi32>
    %convert_element_type3A = arith.extui %eq3A : vector<512x512xi1> to vector<512x512xi32>
    %convert_element_type3A_24 = arith.sitofp %convert_element_type3A : vector<512x512xi32> to vector<512x512xf32>
    %mul3A_25 = arith.mulf %sub3A, %convert_element_type3A_24 : vector<512x512xf32>
    %reduce_sum3A = arith.constant dense<0.000000e+00> : vector<512xf32>
    %reduce_sum3A_26 = vector.multi_reduction <add>, %mul3A_25, %reduce_sum3A [1] : vector<512x512xf32> to vector<512xf32>
    %broadcast_in_dim3A = vector.shape_cast %reduce_sum3A_26 : vector<512xf32> to vector<512x1xf32>
    %reduce_sum3A_27 = arith.constant dense<0.000000e+00> : vector<512xf32>
    %reduce_sum3A_28 = vector.multi_reduction <add>, %mul3A_25, %reduce_sum3A_27 [0] : vector<512x512xf32> to vector<512xf32>
    %broadcast_in_dim3A_29 = vector.shape_cast %reduce_sum3A_28 : vector<512xf32> to vector<1x512xf32>
    %mul3A_30 = vector.broadcast %broadcast_in_dim3A : vector<512x1xf32> to vector<512x512xf32>
    %mul3A_31 = vector.broadcast %broadcast_in_dim3A_29 : vector<1x512xf32> to vector<512x512xf32>
    %mul3A_32 = arith.mulf %mul3A_30, %mul3A_31 : vector<512x512xf32>
    %rsqrt3A = math.rsqrt %mul3A_32 : vector<512x512xf32>
    %mul3A_33 = arith.mulf %sub3A, %rsqrt3A : vector<512x512xf32>
    %jit3A = arith.constant -1.000000e+00 : f32
    %jit3A_34 = arith.constant 1.000000e+00 : f32
    %max3A = vector.broadcast %jit3A : f32 to vector<512x512xf32>
    %max3A_35 = arith.maximumf %max3A, %mul3A_33 : vector<512x512xf32>
    %min3A = vector.broadcast %jit3A_34 : f32 to vector<512x512xf32>
    %min3A_36 = arith.minimumf %min3A, %max3A_35 : vector<512x512xf32>
    %abs3A = math.absf %min3A_36 : vector<512x512xf32>
    %reduce_sum3A_37 = arith.constant dense<0.000000e+00> : vector<512xf32>
    %reduce_sum3A_38 = vector.multi_reduction <add>, %abs3A, %reduce_sum3A_37 [0] : vector<512x512xf32> to vector<512xf32>
    %broadcast_in_dim3A_39 = vector.shape_cast %reduce_sum3A_38 : vector<512xf32> to vector<1x512xf32>
    %mul3A_40 = arith.constant 0.001953125 : f32
    %mul3A_41 = vector.broadcast %mul3A_40 : f32 to vector<1x512xf32>
    %mul3A_42 = arith.mulf %broadcast_in_dim3A_39, %mul3A_41 : vector<1x512xf32>
    %reduce_max3A = vector.shape_cast %mul3A_42 : vector<1x512xf32> to vector<1x1x512xf32>
    %reduce_max3A_43 = arith.constant dense<0xFF800000> : vector<1xf32>
    %reduce_max3A_44 = vector.multi_reduction <maximumf>, %reduce_max3A, %reduce_max3A_43 [1, 2] : vector<1x1x512xf32> to vector<1xf32>
    %reduce_max3A_45 = vector.shape_cast %reduce_max3A_44 : vector<1xf32> to vector<1x1x1xf32>
    %reduce_max3A_46 = vector.extract %reduce_max3A_45[0, 0, 0] : f32 from vector<1x1x1xf32>
    %sub3A_47 = vector.broadcast %reduce_max3A_46 : f32 to vector<1x512xf32>
    %sub3A_48 = arith.subf %mul3A_42, %sub3A_47 : vector<1x512xf32>
    %exp3A = math.exp %sub3A_48 : vector<1x512xf32>
    %reduce_sum3A_49 = vector.shape_cast %exp3A : vector<1x512xf32> to vector<1x1x512xf32>
    %reduce_sum3A_50 = arith.constant dense<0.000000e+00> : vector<1xf32>
    %reduce_sum3A_51 = vector.multi_reduction <add>, %reduce_sum3A_49, %reduce_sum3A_50 [1, 2] : vector<1x1x512xf32> to vector<1xf32>
    %reduce_sum3A_52 = vector.shape_cast %reduce_sum3A_51 : vector<1xf32> to vector<1x1x1xf32>
    %reduce_sum3A_53 = vector.extract %reduce_sum3A_52[0, 0, 0] : f32 from vector<1x1x1xf32>
    %div3A = arith.constant 1.000000e+00 : f32
    %div3A_54 = arith.divf %div3A, %reduce_sum3A_53 : f32
    %mul3A_55 = vector.broadcast %div3A_54 : f32 to vector<1x512xf32>
    %mul3A_56 = arith.mulf %exp3A, %mul3A_55 : vector<1x512xf32>
    %mul3A_57 = arith.mulf %mul3A_56, %get3A_7 : vector<1x512xf32>
    %add3A = arith.constant 9.99999974E-6 : f32
    %add3A_58 = vector.broadcast %add3A : f32 to vector<1x512xf32>
    %add3A_59 = arith.addf %get3A_16, %add3A_58 : vector<1x512xf32>
    %rsqrt3A_60 = math.rsqrt %add3A_59 : vector<1x512xf32>
    %mul3A_61 = arith.mulf %mul3A_57, %rsqrt3A_60 : vector<1x512xf32>
    %mul3A_62 = arith.mulf %get3A_13, %mul3A_61 : vector<1x512xf32>
    %sub3A_63 = arith.subf %get3A_10, %mul3A_62 : vector<1x512xf32>
    %swap3A = arith.constant 0 : index
    %swap3A_64 = arith.constant 0 : index
    %swap3A_65 = vector.load %arg5[%swap3A, %swap3A_64] : memref<2x512xf32, #tpu.memory_space<vmem>>, vector<1x512xf32>
    tpu.vector_store %arg5[%swap3A, %swap3A_64], %mul3A_61 {strides = array<i32>} : memref<2x512xf32, #tpu.memory_space<vmem>>, vector<1x512xf32>,
    %swap3A_66 = arith.constant 1 : index
    %swap3A_67 = arith.constant 0 : index
    %swap3A_68 = vector.load %arg5[%swap3A_66, %swap3A_67] : memref<2x512xf32, #tpu.memory_space<vmem>>, vector<1x512xf32>
    tpu.vector_store %arg5[%swap3A_66, %swap3A_67], %sub3A_63 {strides = array<i32>} : memref<2x512xf32, #tpu.memory_space<vmem>>, vector<1x512xf32>,
    return
  }
}

module attributes {stable_mosaic.version = 14 : i64} {
  func.func @_pass2n_body(%arg0: i32, %arg1: memref<2000x512xf32, #tpu.memory_space<vmem>>, %arg2: memref<2000x1xi32, #tpu.memory_space<vmem>>, %arg3: memref<2x512xf32, #tpu.memory_space<vmem>>, %arg4: memref<512x256xf32, #tpu.memory_space<vmem>>, %arg5: memref<1x256xf32, #tpu.memory_space<vmem>>, %arg6: memref<2000x256xf32, #tpu.memory_space<vmem>>, %arg7: memref<128x256xf32, #tpu.memory_space<vmem>>, %arg8: memref<8x128xf32, #tpu.memory_space<vmem>>) attributes {dimension_semantics = [#tpu.dimension_semantics<arbitrary>], iteration_bounds = array<i64: 5>, scalar_prefetch = 0 : i64, scratch_operands = 0 : i64, tpu.core_type = #tpu.core_type<tc>, window_params = [{transform_indices = @transform_0, window_bounds = array<i64: 2000, 512>}, {transform_indices = @transform_1, window_bounds = array<i64: 2000, 1>}, {pipeline_mode = #tpu.pipeline_mode<synchronous>, transform_indices = @transform_2, window_bounds = array<i64: 2, 512>}, {pipeline_mode = #tpu.pipeline_mode<synchronous>, transform_indices = @transform_3, window_bounds = array<i64: 512, 256>}, {pipeline_mode = #tpu.pipeline_mode<synchronous>, transform_indices = @transform_4, window_bounds = array<i64: 1, 256>}, {transform_indices = @transform_5, window_bounds = array<i64: 2000, 256>}, {pipeline_mode = #tpu.pipeline_mode<synchronous>, transform_indices = @transform_6, window_bounds = array<i64: 128, 256>}, {pipeline_mode = #tpu.pipeline_mode<synchronous>, transform_indices = @transform_7, window_bounds = array<i64: 8, 128>}]} {
    %get3A = arith.constant 0 : index
    %get3A_0 = arith.constant 0 : index
    %get3A_1 = vector.load %arg1[%get3A, %get3A_0] : memref<2000x512xf32, #tpu.memory_space<vmem>>, vector<2000x512xf32>
    %get3A_2 = arith.constant 0 : index
    %get3A_3 = arith.constant 0 : index
    %get3A_4 = vector.load %arg3[%get3A_2, %get3A_3] : memref<2x512xf32, #tpu.memory_space<vmem>>, vector<1x512xf32>
    %mul3A = vector.broadcast %get3A_4 : vector<1x512xf32> to vector<2000x512xf32>
    %mul3A_5 = arith.mulf %get3A_1, %mul3A : vector<2000x512xf32>
    %get3A_6 = arith.constant 1 : index
    %get3A_7 = arith.constant 0 : index
    %get3A_8 = vector.load %arg3[%get3A_6, %get3A_7] : memref<2x512xf32, #tpu.memory_space<vmem>>, vector<1x512xf32>
    %add3A = vector.broadcast %get3A_8 : vector<1x512xf32> to vector<2000x512xf32>
    %add3A_9 = arith.addf %mul3A_5, %add3A : vector<2000x512xf32>
    %neg3A = arith.constant 0.000000e+00 : f32
    %neg3A_10 = vector.broadcast %neg3A : f32 to vector<2000x512xf32>
    %neg3A_11 = arith.subf %neg3A_10, %add3A_9 : vector<2000x512xf32>
    %exp3A = math.exp %neg3A_11 : vector<2000x512xf32>
    %add3A_12 = arith.constant 1.000000e+00 : f32
    %add3A_13 = vector.broadcast %add3A_12 : f32 to vector<2000x512xf32>
    %add3A_14 = arith.addf %add3A_13, %exp3A : vector<2000x512xf32>
    %div3A = arith.constant 1.000000e+00 : f32
    %div3A_15 = vector.broadcast %div3A : f32 to vector<2000x512xf32>
    %div3A_16 = arith.divf %div3A_15, %add3A_14 : vector<2000x512xf32>
    %mul3A_17 = arith.mulf %add3A_9, %div3A_16 : vector<2000x512xf32>
    %get3A_18 = arith.constant 0 : index
    %get3A_19 = arith.constant 0 : index
    %get3A_20 = vector.load %arg4[%get3A_18, %get3A_19] : memref<512x256xf32, #tpu.memory_space<vmem>>, vector<512x256xf32>
    %dot_general3A = arith.constant dense<0.000000e+00> : vector<2000x256xf32>
    %dot_general3A_21 = tpu.matmul %mul3A_17, %get3A_20, %dot_general3A {dimension_numbers = #tpu.dot_dimension_numbers<[1], [0], [0], [1], [0, 0, 1, 1], [], []>, transpose_lhs_hint = false} : vector<2000x512xf32>, vector<512x256xf32>, vector<2000x256xf32> -> vector<2000x256xf32>
    %get3A_22 = arith.constant 0 : index
    %get3A_23 = arith.constant 0 : index
    %get3A_24 = vector.load %arg5[%get3A_22, %get3A_23] : memref<1x256xf32, #tpu.memory_space<vmem>>, vector<1x256xf32>
    %add3A_25 = vector.broadcast %get3A_24 : vector<1x256xf32> to vector<2000x256xf32>
    %add3A_26 = arith.addf %dot_general3A_21, %add3A_25 : vector<2000x256xf32>
    %swap3A = arith.constant 0 : index
    %swap3A_27 = arith.constant 0 : index
    %swap3A_28 = vector.load %arg6[%swap3A, %swap3A_27] : memref<2000x256xf32, #tpu.memory_space<vmem>>, vector<2000x256xf32>
    tpu.vector_store %arg6[%swap3A, %swap3A_27], %add3A_26 {strides = array<i32>} : memref<2000x256xf32, #tpu.memory_space<vmem>>, vector<2000x256xf32>,
    %get3A_29 = arith.constant 0 : index
    %get3A_30 = arith.constant 0 : index
    %get3A_31 = vector.load %arg2[%get3A_29, %get3A_30] : memref<2000x1xi32, #tpu.memory_space<vmem>>, vector<2000x1xi32>
    %iota3A = tpu.iota {dimensions = array<i32: 1>} : vector<1x128xi32>
    %eq3A = vector.broadcast %get3A_31 : vector<2000x1xi32> to vector<2000x128xi32>
    %eq3A_32 = vector.broadcast %iota3A : vector<1x128xi32> to vector<2000x128xi32>
    %eq3A_33 = arith.cmpi eq, %eq3A, %eq3A_32 : vector<2000x128xi32>
    %convert_element_type3A = arith.extui %eq3A_33 : vector<2000x128xi1> to vector<2000x128xi32>
    %convert_element_type3A_34 = arith.sitofp %convert_element_type3A : vector<2000x128xi32> to vector<2000x128xf32>
    %eq3A_35 = arith.constant 0 : i32
    %eq3A_36 = arith.cmpi eq, %arg0, %eq3A_35 : i32
    %convert_element_type3A_37 = arith.extui %eq3A_36 : i1 to i32
    %cond3A = arith.constant 0 : i32
    %cond3A_38 = arith.cmpi ne, %convert_element_type3A_37, %cond3A : i32
    scf.if %cond3A_38 {
      %broadcast_in_dim3A_56 = arith.constant 0.000000e+00 : f32
      %broadcast_in_dim3A_57 = vector.broadcast %broadcast_in_dim3A_56 : f32 to vector<128x256xf32>
      %swap3A_58 = arith.constant 0 : index
      %swap3A_59 = arith.constant 0 : index
      %swap3A_60 = vector.load %arg7[%swap3A_58, %swap3A_59] : memref<128x256xf32, #tpu.memory_space<vmem>>, vector<128x256xf32>
      tpu.vector_store %arg7[%swap3A_58, %swap3A_59], %broadcast_in_dim3A_57 {strides = array<i32>} : memref<128x256xf32, #tpu.memory_space<vmem>>, vector<128x256xf32>,
      %broadcast_in_dim3A_61 = arith.constant 0.000000e+00 : f32
      %broadcast_in_dim3A_62 = vector.broadcast %broadcast_in_dim3A_61 : f32 to vector<8x128xf32>
      %swap3A_63 = arith.constant 0 : index
      %swap3A_64 = arith.constant 0 : index
      %swap3A_65 = vector.load %arg8[%swap3A_63, %swap3A_64] : memref<8x128xf32, #tpu.memory_space<vmem>>, vector<8x128xf32>
      tpu.vector_store %arg8[%swap3A_63, %swap3A_64], %broadcast_in_dim3A_62 {strides = array<i32>} : memref<8x128xf32, #tpu.memory_space<vmem>>, vector<8x128xf32>,
    } else {
    }
    %get3A_39 = arith.constant 0 : index
    %get3A_40 = arith.constant 0 : index
    %get3A_41 = vector.load %arg7[%get3A_39, %get3A_40] : memref<128x256xf32, #tpu.memory_space<vmem>>, vector<128x256xf32>
    %dot_general3A_42 = arith.constant dense<0.000000e+00> : vector<128x256xf32>
    %dot_general3A_43 = tpu.matmul %convert_element_type3A_34, %add3A_26, %dot_general3A_42 {dimension_numbers = #tpu.dot_dimension_numbers<[0], [0], [1], [1], [0, 1, 1, 1], [], []>, transpose_lhs_hint = false} : vector<2000x128xf32>, vector<2000x256xf32>, vector<128x256xf32> -> vector<128x256xf32>
    %add3A_44 = arith.addf %get3A_41, %dot_general3A_43 : vector<128x256xf32>
    %swap3A_45 = arith.constant 0 : index
    %swap3A_46 = arith.constant 0 : index
    %swap3A_47 = vector.load %arg7[%swap3A_45, %swap3A_46] : memref<128x256xf32, #tpu.memory_space<vmem>>, vector<128x256xf32>
    tpu.vector_store %arg7[%swap3A_45, %swap3A_46], %add3A_44 {strides = array<i32>} : memref<128x256xf32, #tpu.memory_space<vmem>>, vector<128x256xf32>,
    %get3A_48 = arith.constant 0 : index
    %get3A_49 = arith.constant 0 : index
    %get3A_50 = vector.load %arg8[%get3A_48, %get3A_49] : memref<8x128xf32, #tpu.memory_space<vmem>>, vector<1x128xf32>
    %reduce_sum3A = arith.constant dense<0.000000e+00> : vector<128xf32>
    %reduce_sum3A_51 = vector.multi_reduction <add>, %convert_element_type3A_34, %reduce_sum3A [0] : vector<2000x128xf32> to vector<128xf32>
    %broadcast_in_dim3A = vector.shape_cast %reduce_sum3A_51 : vector<128xf32> to vector<1x128xf32>
    %add3A_52 = arith.addf %get3A_50, %broadcast_in_dim3A : vector<1x128xf32>
    %swap3A_53 = arith.constant 0 : index
    %swap3A_54 = arith.constant 0 : index
    %swap3A_55 = vector.load %arg8[%swap3A_53, %swap3A_54] : memref<8x128xf32, #tpu.memory_space<vmem>>, vector<1x128xf32>
    tpu.vector_store %arg8[%swap3A_53, %swap3A_54], %add3A_52 {strides = array<i32>} : memref<8x128xf32, #tpu.memory_space<vmem>>, vector<1x128xf32>,
    return
  }
  func.func @transform_0(%arg0: i32) -> (i32, i32) {
    %c0_i32 = arith.constant 0 : i32
    %c0_i32_0 = arith.constant 0 : i32
    return %arg0, %c0_i32 : i32, i32
  }
  func.func @transform_1(%arg0: i32) -> (i32, i32) {
    %c0_i32 = arith.constant 0 : i32
    %c0_i32_0 = arith.constant 0 : i32
    return %arg0, %c0_i32 : i32, i32
  }
  func.func @transform_2(%arg0: i32) -> (i32, i32) {
    %c0_i32 = arith.constant 0 : i32
    %c0_i32_0 = arith.constant 0 : i32
    %c0_i32_1 = arith.constant 0 : i32
    return %c0_i32, %c0_i32_0 : i32, i32
  }
  func.func @transform_3(%arg0: i32) -> (i32, i32) {
    %c0_i32 = arith.constant 0 : i32
    %c0_i32_0 = arith.constant 0 : i32
    %c0_i32_1 = arith.constant 0 : i32
    return %c0_i32, %c0_i32_0 : i32, i32
  }
  func.func @transform_4(%arg0: i32) -> (i32, i32) {
    %c0_i32 = arith.constant 0 : i32
    %c0_i32_0 = arith.constant 0 : i32
    %c0_i32_1 = arith.constant 0 : i32
    return %c0_i32, %c0_i32_0 : i32, i32
  }
  func.func @transform_5(%arg0: i32) -> (i32, i32) {
    %c0_i32 = arith.constant 0 : i32
    %c0_i32_0 = arith.constant 0 : i32
    return %arg0, %c0_i32 : i32, i32
  }
  func.func @transform_6(%arg0: i32) -> (i32, i32) {
    %c0_i32 = arith.constant 0 : i32
    %c0_i32_0 = arith.constant 0 : i32
    %c0_i32_1 = arith.constant 0 : i32
    return %c0_i32, %c0_i32_0 : i32, i32
  }
  func.func @transform_7(%arg0: i32) -> (i32, i32) {
    %c0_i32 = arith.constant 0 : i32
    %c0_i32_0 = arith.constant 0 : i32
    %c0_i32_1 = arith.constant 0 : i32
    return %c0_i32, %c0_i32_0 : i32, i32
  }
}

module attributes {stable_mosaic.version = 14 : i64} {
  func.func @_glob_body(%arg0: memref<64x256xf32, #tpu.memory_space<vmem>>, %arg1: memref<128x256xf32, #tpu.memory_space<vmem>>, %arg2: memref<8x128xf32, #tpu.memory_space<vmem>>, %arg3: memref<128x256xf32, #tpu.memory_space<vmem>>, %arg4: memref<8x128xf32, #tpu.memory_space<vmem>>, %arg5: memref<256x512xf32, #tpu.memory_space<vmem>>, %arg6: memref<256x512xf32, #tpu.memory_space<vmem>>, %arg7: memref<256x512xf32, #tpu.memory_space<vmem>>, %arg8: memref<1x512xf32, #tpu.memory_space<vmem>>, %arg9: memref<1x512xf32, #tpu.memory_space<vmem>>, %arg10: memref<1x512xf32, #tpu.memory_space<vmem>>, %arg11: memref<1x512xf32, #tpu.memory_space<vmem>>, %arg12: memref<1x512xf32, #tpu.memory_space<vmem>>, %arg13: memref<512x256xf32, #tpu.memory_space<vmem>>, %arg14: memref<1x256xf32, #tpu.memory_space<vmem>>, %arg15: memref<64x256xf32, #tpu.memory_space<vmem>>) attributes {dimension_semantics = [], scalar_prefetch = 0 : i64, scratch_operands = 0 : i64, tpu.core_type = #tpu.core_type<tc>} {
    %iota3A = tpu.iota {dimensions = array<i32: 0>} : vector<64x128xi32>
    %iota3A_0 = tpu.iota {dimensions = array<i32: 1>} : vector<64x128xi32>
    %eq3A = arith.cmpi eq, %iota3A, %iota3A_0 : vector<64x128xi32>
    %convert_element_type3A = arith.extui %eq3A : vector<64x128xi1> to vector<64x128xi32>
    %convert_element_type3A_1 = arith.sitofp %convert_element_type3A : vector<64x128xi32> to vector<64x128xf32>
    %get3A = arith.constant 0 : index
    %get3A_2 = arith.constant 0 : index
    %get3A_3 = vector.load %arg2[%get3A, %get3A_2] : memref<8x128xf32, #tpu.memory_space<vmem>>, vector<1x128xf32>
    %max3A = arith.constant 1.000000e+00 : f32
    %max3A_4 = vector.broadcast %max3A : f32 to vector<1x128xf32>
    %max3A_5 = arith.maximumf %get3A_3, %max3A_4 : vector<1x128xf32>
    %div3A = arith.constant 1.000000e+00 : f32
    %div3A_6 = vector.broadcast %div3A : f32 to vector<1x128xf32>
    %div3A_7 = arith.divf %div3A_6, %max3A_5 : vector<1x128xf32>
    %get3A_8 = arith.constant 0 : index
    %get3A_9 = arith.constant 0 : index
    %get3A_10 = vector.load %arg4[%get3A_8, %get3A_9] : memref<8x128xf32, #tpu.memory_space<vmem>>, vector<1x128xf32>
    %max3A_11 = arith.constant 1.000000e+00 : f32
    %max3A_12 = vector.broadcast %max3A_11 : f32 to vector<1x128xf32>
    %max3A_13 = arith.maximumf %get3A_10, %max3A_12 : vector<1x128xf32>
    %div3A_14 = arith.constant 1.000000e+00 : f32
    %div3A_15 = vector.broadcast %div3A_14 : f32 to vector<1x128xf32>
    %div3A_16 = arith.divf %div3A_15, %max3A_13 : vector<1x128xf32>
    %mul3A = vector.broadcast %div3A_7 : vector<1x128xf32> to vector<64x128xf32>
    %mul3A_17 = arith.mulf %convert_element_type3A_1, %mul3A : vector<64x128xf32>
    %get3A_18 = arith.constant 0 : index
    %get3A_19 = arith.constant 0 : index
    %get3A_20 = vector.load %arg1[%get3A_18, %get3A_19] : memref<128x256xf32, #tpu.memory_space<vmem>>, vector<128x256xf32>
    %dot_general3A = arith.constant dense<0.000000e+00> : vector<64x256xf32>
    %dot_general3A_21 = tpu.matmul %mul3A_17, %get3A_20, %dot_general3A {dimension_numbers = #tpu.dot_dimension_numbers<[1], [0], [0], [1], [0, 0, 1, 1], [], []>, transpose_lhs_hint = false} : vector<64x128xf32>, vector<128x256xf32>, vector<64x256xf32> -> vector<64x256xf32>
    %mul3A_22 = vector.broadcast %div3A_16 : vector<1x128xf32> to vector<64x128xf32>
    %mul3A_23 = arith.mulf %convert_element_type3A_1, %mul3A_22 : vector<64x128xf32>
    %get3A_24 = arith.constant 0 : index
    %get3A_25 = arith.constant 0 : index
    %get3A_26 = vector.load %arg3[%get3A_24, %get3A_25] : memref<128x256xf32, #tpu.memory_space<vmem>>, vector<128x256xf32>
    %dot_general3A_27 = arith.constant dense<0.000000e+00> : vector<64x256xf32>
    %dot_general3A_28 = tpu.matmul %mul3A_23, %get3A_26, %dot_general3A_27 {dimension_numbers = #tpu.dot_dimension_numbers<[1], [0], [0], [1], [0, 0, 1, 1], [], []>, transpose_lhs_hint = false} : vector<64x128xf32>, vector<128x256xf32>, vector<64x256xf32> -> vector<64x256xf32>
    %get3A_29 = arith.constant 0 : index
    %get3A_30 = arith.constant 0 : index
    %get3A_31 = vector.load %arg0[%get3A_29, %get3A_30] : memref<64x256xf32, #tpu.memory_space<vmem>>, vector<64x256xf32>
    %get3A_32 = arith.constant 0 : index
    %get3A_33 = arith.constant 0 : index
    %get3A_34 = vector.load %arg5[%get3A_32, %get3A_33] : memref<256x512xf32, #tpu.memory_space<vmem>>, vector<256x512xf32>
    %dot_general3A_35 = arith.constant dense<0.000000e+00> : vector<64x512xf32>
    %dot_general3A_36 = tpu.matmul %get3A_31, %get3A_34, %dot_general3A_35 {dimension_numbers = #tpu.dot_dimension_numbers<[1], [0], [0], [1], [0, 0, 1, 1], [], []>, transpose_lhs_hint = false} : vector<64x256xf32>, vector<256x512xf32>, vector<64x512xf32> -> vector<64x512xf32>
    %get3A_37 = arith.constant 0 : index
    %get3A_38 = arith.constant 0 : index
    %get3A_39 = vector.load %arg6[%get3A_37, %get3A_38] : memref<256x512xf32, #tpu.memory_space<vmem>>, vector<256x512xf32>
    %dot_general3A_40 = arith.constant dense<0.000000e+00> : vector<64x512xf32>
    %dot_general3A_41 = tpu.matmul %dot_general3A_21, %get3A_39, %dot_general3A_40 {dimension_numbers = #tpu.dot_dimension_numbers<[1], [0], [0], [1], [0, 0, 1, 1], [], []>, transpose_lhs_hint = false} : vector<64x256xf32>, vector<256x512xf32>, vector<64x512xf32> -> vector<64x512xf32>
    %add3A = arith.addf %dot_general3A_36, %dot_general3A_41 : vector<64x512xf32>
    %get3A_42 = arith.constant 0 : index
    %get3A_43 = arith.constant 0 : index
    %get3A_44 = vector.load %arg7[%get3A_42, %get3A_43] : memref<256x512xf32, #tpu.memory_space<vmem>>, vector<256x512xf32>
    %dot_general3A_45 = arith.constant dense<0.000000e+00> : vector<64x512xf32>
    %dot_general3A_46 = tpu.matmul %dot_general3A_28, %get3A_44, %dot_general3A_45 {dimension_numbers = #tpu.dot_dimension_numbers<[1], [0], [0], [1], [0, 0, 1, 1], [], []>, transpose_lhs_hint = false} : vector<64x256xf32>, vector<256x512xf32>, vector<64x512xf32> -> vector<64x512xf32>
    %add3A_47 = arith.addf %add3A, %dot_general3A_46 : vector<64x512xf32>
    %get3A_48 = arith.constant 0 : index
    %get3A_49 = arith.constant 0 : index
    %get3A_50 = vector.load %arg8[%get3A_48, %get3A_49] : memref<1x512xf32, #tpu.memory_space<vmem>>, vector<1x512xf32>
    %add3A_51 = vector.broadcast %get3A_50 : vector<1x512xf32> to vector<64x512xf32>
    %add3A_52 = arith.addf %add3A_47, %add3A_51 : vector<64x512xf32>
    %dot_general3A_53 = arith.constant dense<0.000000e+00> : vector<512x512xf32>
    %dot_general3A_54 = tpu.matmul %add3A_52, %add3A_52, %dot_general3A_53 {dimension_numbers = #tpu.dot_dimension_numbers<[0], [0], [1], [1], [0, 1, 1, 1], [], []>, transpose_lhs_hint = false} : vector<64x512xf32>, vector<64x512xf32>, vector<512x512xf32> -> vector<512x512xf32>
    %reduce_sum3A = arith.constant dense<0.000000e+00> : vector<512xf32>
    %reduce_sum3A_55 = vector.multi_reduction <add>, %add3A_52, %reduce_sum3A [0] : vector<64x512xf32> to vector<512xf32>
    %broadcast_in_dim3A = vector.shape_cast %reduce_sum3A_55 : vector<512xf32> to vector<1x512xf32>
    %get3A_56 = arith.constant 0 : index
    %get3A_57 = arith.constant 0 : index
    %get3A_58 = vector.load %arg9[%get3A_56, %get3A_57] : memref<1x512xf32, #tpu.memory_space<vmem>>, vector<1x512xf32>
    %get3A_59 = arith.constant 0 : index
    %get3A_60 = arith.constant 0 : index
    %get3A_61 = vector.load %arg10[%get3A_59, %get3A_60] : memref<1x512xf32, #tpu.memory_space<vmem>>, vector<1x512xf32>
    %get3A_62 = arith.constant 0 : index
    %get3A_63 = arith.constant 0 : index
    %get3A_64 = vector.load %arg11[%get3A_62, %get3A_63] : memref<1x512xf32, #tpu.memory_space<vmem>>, vector<1x512xf32>
    %get3A_65 = arith.constant 0 : index
    %get3A_66 = arith.constant 0 : index
    %get3A_67 = vector.load %arg12[%get3A_65, %get3A_66] : memref<1x512xf32, #tpu.memory_space<vmem>>, vector<1x512xf32>
    %mul3A_68 = arith.constant 1.562500e-02 : f32
    %mul3A_69 = vector.broadcast %mul3A_68 : f32 to vector<1x512xf32>
    %mul3A_70 = arith.mulf %broadcast_in_dim3A, %mul3A_69 : vector<1x512xf32>
    %mul3A_71 = arith.constant 1.562500e-02 : f32
    %mul3A_72 = vector.broadcast %mul3A_71 : f32 to vector<512x512xf32>
    %mul3A_73 = arith.mulf %dot_general3A_54, %mul3A_72 : vector<512x512xf32>
    %dot_general3A_74 = arith.constant dense<0.000000e+00> : vector<512x512xf32>
    %dot_general3A_75 = tpu.matmul %mul3A_70, %mul3A_70, %dot_general3A_74 {dimension_numbers = #tpu.dot_dimension_numbers<[0], [0], [1], [1], [0, 1, 1, 1], [], []>, transpose_lhs_hint = false} : vector<1x512xf32>, vector<1x512xf32>, vector<512x512xf32> -> vector<512x512xf32>
    %sub3A = arith.subf %mul3A_73, %dot_general3A_75 : vector<512x512xf32>
    %iota3A_76 = tpu.iota {dimensions = array<i32: 0>} : vector<512x512xi32>
    %iota3A_77 = tpu.iota {dimensions = array<i32: 1>} : vector<512x512xi32>
    %eq3A_78 = arith.cmpi eq, %iota3A_76, %iota3A_77 : vector<512x512xi32>
    %convert_element_type3A_79 = arith.extui %eq3A_78 : vector<512x512xi1> to vector<512x512xi32>
    %convert_element_type3A_80 = arith.sitofp %convert_element_type3A_79 : vector<512x512xi32> to vector<512x512xf32>
    %mul3A_81 = arith.mulf %sub3A, %convert_element_type3A_80 : vector<512x512xf32>
    %reduce_sum3A_82 = arith.constant dense<0.000000e+00> : vector<512xf32>
    %reduce_sum3A_83 = vector.multi_reduction <add>, %mul3A_81, %reduce_sum3A_82 [1] : vector<512x512xf32> to vector<512xf32>
    %broadcast_in_dim3A_84 = vector.shape_cast %reduce_sum3A_83 : vector<512xf32> to vector<512x1xf32>
    %reduce_sum3A_85 = arith.constant dense<0.000000e+00> : vector<512xf32>
    %reduce_sum3A_86 = vector.multi_reduction <add>, %mul3A_81, %reduce_sum3A_85 [0] : vector<512x512xf32> to vector<512xf32>
    %broadcast_in_dim3A_87 = vector.shape_cast %reduce_sum3A_86 : vector<512xf32> to vector<1x512xf32>
    %mul3A_88 = vector.broadcast %broadcast_in_dim3A_84 : vector<512x1xf32> to vector<512x512xf32>
    %mul3A_89 = vector.broadcast %broadcast_in_dim3A_87 : vector<1x512xf32> to vector<512x512xf32>
    %mul3A_90 = arith.mulf %mul3A_88, %mul3A_89 : vector<512x512xf32>
    %rsqrt3A = math.rsqrt %mul3A_90 : vector<512x512xf32>
    %mul3A_91 = arith.mulf %sub3A, %rsqrt3A : vector<512x512xf32>
    %jit3A = arith.constant -1.000000e+00 : f32
    %jit3A_92 = arith.constant 1.000000e+00 : f32
    %max3A_93 = vector.broadcast %jit3A : f32 to vector<512x512xf32>
    %max3A_94 = arith.maximumf %max3A_93, %mul3A_91 : vector<512x512xf32>
    %min3A = vector.broadcast %jit3A_92 : f32 to vector<512x512xf32>
    %min3A_95 = arith.minimumf %min3A, %max3A_94 : vector<512x512xf32>
    %abs3A = math.absf %min3A_95 : vector<512x512xf32>
    %reduce_sum3A_96 = arith.constant dense<0.000000e+00> : vector<512xf32>
    %reduce_sum3A_97 = vector.multi_reduction <add>, %abs3A, %reduce_sum3A_96 [0] : vector<512x512xf32> to vector<512xf32>
    %broadcast_in_dim3A_98 = vector.shape_cast %reduce_sum3A_97 : vector<512xf32> to vector<1x512xf32>
    %mul3A_99 = arith.constant 0.001953125 : f32
    %mul3A_100 = vector.broadcast %mul3A_99 : f32 to vector<1x512xf32>
    %mul3A_101 = arith.mulf %broadcast_in_dim3A_98, %mul3A_100 : vector<1x512xf32>
    %reduce_max3A = vector.shape_cast %mul3A_101 : vector<1x512xf32> to vector<1x1x512xf32>
    %reduce_max3A_102 = arith.constant dense<0xFF800000> : vector<1xf32>
    %reduce_max3A_103 = vector.multi_reduction <maximumf>, %reduce_max3A, %reduce_max3A_102 [1, 2] : vector<1x1x512xf32> to vector<1xf32>
    %reduce_max3A_104 = vector.shape_cast %reduce_max3A_103 : vector<1xf32> to vector<1x1x1xf32>
    %reduce_max3A_105 = vector.extract %reduce_max3A_104[0, 0, 0] : f32 from vector<1x1x1xf32>
    %sub3A_106 = vector.broadcast %reduce_max3A_105 : f32 to vector<1x512xf32>
    %sub3A_107 = arith.subf %mul3A_101, %sub3A_106 : vector<1x512xf32>
    %exp3A = math.exp %sub3A_107 : vector<1x512xf32>
    %reduce_sum3A_108 = vector.shape_cast %exp3A : vector<1x512xf32> to vector<1x1x512xf32>
    %reduce_sum3A_109 = arith.constant dense<0.000000e+00> : vector<1xf32>
    %reduce_sum3A_110 = vector.multi_reduction <add>, %reduce_sum3A_108, %reduce_sum3A_109 [1, 2] : vector<1x1x512xf32> to vector<1xf32>
    %reduce_sum3A_111 = vector.shape_cast %reduce_sum3A_110 : vector<1xf32> to vector<1x1x1xf32>
    %reduce_sum3A_112 = vector.extract %reduce_sum3A_111[0, 0, 0] : f32 from vector<1x1x1xf32>
    %div3A_113 = arith.constant 1.000000e+00 : f32
    %div3A_114 = arith.divf %div3A_113, %reduce_sum3A_112 : f32
    %mul3A_115 = vector.broadcast %div3A_114 : f32 to vector<1x512xf32>
    %mul3A_116 = arith.mulf %exp3A, %mul3A_115 : vector<1x512xf32>
    %mul3A_117 = arith.mulf %mul3A_116, %get3A_58 : vector<1x512xf32>
    %add3A_118 = arith.constant 9.99999974E-6 : f32
    %add3A_119 = vector.broadcast %add3A_118 : f32 to vector<1x512xf32>
    %add3A_120 = arith.addf %get3A_67, %add3A_119 : vector<1x512xf32>
    %rsqrt3A_121 = math.rsqrt %add3A_120 : vector<1x512xf32>
    %mul3A_122 = arith.mulf %mul3A_117, %rsqrt3A_121 : vector<1x512xf32>
    %mul3A_123 = arith.mulf %get3A_64, %mul3A_122 : vector<1x512xf32>
    %sub3A_124 = arith.subf %get3A_61, %mul3A_123 : vector<1x512xf32>
    %mul3A_125 = vector.broadcast %mul3A_122 : vector<1x512xf32> to vector<64x512xf32>
    %mul3A_126 = arith.mulf %add3A_52, %mul3A_125 : vector<64x512xf32>
    %add3A_127 = vector.broadcast %sub3A_124 : vector<1x512xf32> to vector<64x512xf32>
    %add3A_128 = arith.addf %mul3A_126, %add3A_127 : vector<64x512xf32>
    %neg3A = arith.constant 0.000000e+00 : f32
    %neg3A_129 = vector.broadcast %neg3A : f32 to vector<64x512xf32>
    %neg3A_130 = arith.subf %neg3A_129, %add3A_128 : vector<64x512xf32>
    %exp3A_131 = math.exp %neg3A_130 : vector<64x512xf32>
    %add3A_132 = arith.constant 1.000000e+00 : f32
    %add3A_133 = vector.broadcast %add3A_132 : f32 to vector<64x512xf32>
    %add3A_134 = arith.addf %add3A_133, %exp3A_131 : vector<64x512xf32>
    %div3A_135 = arith.constant 1.000000e+00 : f32
    %div3A_136 = vector.broadcast %div3A_135 : f32 to vector<64x512xf32>
    %div3A_137 = arith.divf %div3A_136, %add3A_134 : vector<64x512xf32>
    %mul3A_138 = arith.mulf %add3A_128, %div3A_137 : vector<64x512xf32>
    %get3A_139 = arith.constant 0 : index
    %get3A_140 = arith.constant 0 : index
    %get3A_141 = vector.load %arg13[%get3A_139, %get3A_140] : memref<512x256xf32, #tpu.memory_space<vmem>>, vector<512x256xf32>
    %dot_general3A_142 = arith.constant dense<0.000000e+00> : vector<64x256xf32>
    %dot_general3A_143 = tpu.matmul %mul3A_138, %get3A_141, %dot_general3A_142 {dimension_numbers = #tpu.dot_dimension_numbers<[1], [0], [0], [1], [0, 0, 1, 1], [], []>, transpose_lhs_hint = false} : vector<64x512xf32>, vector<512x256xf32>, vector<64x256xf32> -> vector<64x256xf32>
    %get3A_144 = arith.constant 0 : index
    %get3A_145 = arith.constant 0 : index
    %get3A_146 = vector.load %arg14[%get3A_144, %get3A_145] : memref<1x256xf32, #tpu.memory_space<vmem>>, vector<1x256xf32>
    %add3A_147 = vector.broadcast %get3A_146 : vector<1x256xf32> to vector<64x256xf32>
    %add3A_148 = arith.addf %dot_general3A_143, %add3A_147 : vector<64x256xf32>
    %swap3A = arith.constant 0 : index
    %swap3A_149 = arith.constant 0 : index
    %swap3A_150 = vector.load %arg15[%swap3A, %swap3A_149] : memref<64x256xf32, #tpu.memory_space<vmem>>, vector<64x256xf32>
    tpu.vector_store %arg15[%swap3A, %swap3A_149], %add3A_148 {strides = array<i32>} : memref<64x256xf32, #tpu.memory_space<vmem>>, vector<64x256xf32>,
    return
  }
}

</mosaic_0001>

<sc_bundles>
// kernel: kernel.13.cloned.1.call-start
scs
__scs_entry_jumppad:
0x0: {  	(pc) =	sbr.rel $0x88, $3  }
0x1: {  	(tag) =	ssettag $0x0;
	lr =	simm.s32 $0x1  }
0x2: {  	[smem:$0x3F80] =	sst lr;
	_ =	strace $0xD0000000  }
0x3: {  	_ = 	snop  }
0x4: {  	_ = 	snop  }
0x5: {  	_ = 	snop  }
0x6: {  	_ = 	snop  }
0x7: {  	_ = 	snop  }
__scs_overlays_trampoline_lowered:
0x8: {  	[smem:$0x3F8F] =	sst s0  }
0x9: {  	[smem:$0x3F90] =	sst s1  }
0xa: {  	[smem:$0x3F91] =	sst s2  }
0xb: {  	[smem:$0x3F92] =	sst s3  }
0xc: {  	[smem:$0x3F93] =	sst s4  }
0xd: {  	[smem:$0x3F94] =	sst s5  }
0xe: {  	[smem:$0x3F95] =	sst s6  }
0xf: {  	[smem:$0x3F96] =	sst s7  }
0x10: {  	[smem:$0x3F97] =	sst s8  }
0x11: {  	[smem:$0x3F98] =	sst s9;
	s0 =	simm.s32 @!p0 $0x0  }
0x12: {  	s1 =	sld [smem:$0x3F7E];
	s0 =	simm.s32 @p0 $0x1  }
0x13: {  	[smem:$0x3F99] =	sst s0;
	s0 =	simm.s32 @!p1 $0x0  }
0x14: {  	s2 =	sld [smem:$0x3F7D];
	s0 =	simm.s32 @p1 $0x1  }
0x15: {  	[smem:$0x3F9A] =	sst s0;
	s0 =	simm.s32 @!p2 $0x0  }
0x16: {  	s3 =	sld [smem:$0x3FDB];
	s0 =	simm.s32 @p2 $0x1  }
0x17: {  	s4 =	simm.s32 $0x1BF5;
	[smem:$0x3F9C] =	sst s0  }
0x18: {  	s0 =	sld [smem:$0x3F7F];
	_ =	swait.ge [sflag:s4], $0x0  }
0x19: {  	s7 =	sld [smem:$0x3F80]  }
0x1a: {  	s8 =	sadd.s32 $0xFFFFE003, lr  }
0x1b: {  	s9 =	sadd.s32 $0xFFFFFEF7, lr;
	s5 =	simm.s32 $0xFFFFFFFF;
	p2 =	slt.u32 s8, $0xFFFFF086  }
0x1c: {  	p1 =	slt.u32 s9, $0xF7A;
	s5 =	simm.s32 @!p2 $0x0  }
0x1d: {  	s5 =	simm.s32 @p1 $0x1;
	p0 =	seq.s32 s7, s2  }
0x1e: {  	s7 =	smul.u32 @!p0 $0xF7A, s2;
	p2 =	seq.s32 @!p0 s5, $0x0  }
0x1f: {  	s9 =	smul.u32 $0xF7A, s1;
	s8 =	simm.s32 @!p0 $0x1BF5;
	p2 =	por !p2, p0  }
0x20: {  	[sflag:s8] =	ssyncset.s32 @!p0 $0xFFFFF086;
	s6 =	sadd.s32 @!p0 s3, s7;
	s7 =	simm.s32 @!p0 $0x108  }
0x21: {  	s3 =	sadd.s32 s3, s9;
	s6 =	sadd.s32 @!p0 $0x88, s6;
	s7 =	simm.s32 @p2 $0x1082  }
0x22: {  	[simem:s7], [sflag:s8] =	dma.local @!p0 [hbm:s6], $0xF7A  }
0x23: {  	s9 =	sor.u32 $0xD0000000, s2;
	s6 =	simm.s32 $0x108;
	_ =	swait.ge @!p0 [sflag:s8], $0x0  }
0x24: {  	s3 =	sadd.s32 $0x88, s3;
	s6 =	simm.s32 @!p1 $0x1082;
	[sflag:s4] =	ssyncset.s32 $0xFFFFF086  }
0x25: {  	[simem:s6], [sflag:s4] =	dma.local [hbm:s3], $0xF7A  }
0x26: {  	[smem:$0x3F80] =	sst s1;
	(tag) =	ssettag s2;
	_ =	strace s9  }
0x27: {  	s1 =	sld [smem:$0x3F90]  }
0x28: {  	s2 =	sld [smem:$0x3F91]  }
0x29: {  	s4 =	sld [smem:$0x3F93]  }
0x2a: {  	p0 =	seq.s32 s5, $0x0;
	s5 =	sld [smem:$0x3F94]  }
0x2b: {  	s6 =	sld [smem:$0x3F95]  }
0x2c: {  	s7 =	sld [smem:$0x3F96]  }
0x2d: {  	s3 =	simm.s32 $0x108;
	s8 =	sld [smem:$0x3F97]  }
0x2e: {  	s3 =	simm.s32 @!p0 $0x1082;
	s9 =	sld [smem:$0x3F98]  }
0x2f: {  	lr =	sadd.s32 s0, s3;
	s0 =	sld [smem:$0x3F8F]  }
0x30: {  	s3 =	sld [smem:$0x3F92]  }
0x31: {  	[smem:$0x3F9B] =	sst s10  }
0x32: {  	s10 =	sld [smem:$0x3F99];
	_ =	sdelay $0x3  }
0x33: {  	p0 =	seq.s32 s10, $0x1;
	s10 =	sld [smem:$0x3F9B];
	_ =	sdelay $0x3  }
0x34: {  	[smem:$0x3F9B] =	sst s10  }
0x35: {  	s10 =	sld [smem:$0x3F9A];
	_ =	sdelay $0x3  }
0x36: {  	p1 =	seq.s32 s10, $0x1;
	s10 =	sld [smem:$0x3F9B];
	_ =	sdelay $0x3  }
0x37: {  	[smem:$0x3F9B] =	sst s10  }
0x38: {  	s10 =	sld [smem:$0x3F9C]  }
0x39: {  	_ = 	snop;
	(pc) =	sbr.ind lr, $3  }
0x3a: {  	_ = 	snop  }
0x3b: {  	_ = 	snop  }
0x3c: {  	p2 =	seq.s32 s10, $0x1;
	s10 =	sld [smem:$0x3F9B]  }
0x3d: {  	_ =	shalt  }
0x3e: {  	_ =	shalt  }
0x3f: {  	_ =	shalt  }
0x40: {  	_ =	shalt  }
0x41: {  	_ =	shalt  }
0x42: {  	_ =	shalt  }
0x43: {  	_ =	shalt  }
0x44: {  	_ =	shalt  }
0x45: {  	_ =	shalt  }
0x46: {  	_ =	shalt  }
0x47: {  	_ =	shalt  }
0x48: {  	_ =	shalt  }
0x49: {  	_ =	shalt  }
0x4a: {  	_ =	shalt  }
0x4b: {  	_ =	shalt  }
0x4c: {  	_ =	shalt  }
0x4d: {  	_ =	shalt  }
0x4e: {  	_ =	shalt  }
0x4f: {  	_ =	shalt  }
0x50: {  	_ =	shalt  }
0x51: {  	_ =	shalt  }
0x52: {  	_ =	shalt  }
0x53: {  	_ =	shalt  }
0x54: {  	_ =	shalt  }
0x55: {  	_ =	shalt  }
0x56: {  	_ =	shalt  }
0x57: {  	_ =	shalt  }
0x58: {  	_ =	shalt  }
0x59: {  	_ =	shalt  }
0x5a: {  	_ =	shalt  }
0x5b: {  	_ =	shalt  }
0x5c: {  	_ =	shalt  }
0x5d: {  	_ =	shalt  }
0x5e: {  	_ =	shalt  }
0x5f: {  	_ =	shalt  }
0x60: {  	_ =	shalt  }
0x61: {  	_ =	shalt  }
0x62: {  	_ =	shalt  }
0x63: {  	_ =	shalt  }
0x64: {  	_ =	shalt  }
0x65: {  	_ =	shalt  }
0x66: {  	_ =	shalt  }
0x67: {  	_ =	shalt  }
0x68: {  	_ =	shalt  }
0x69: {  	_ =	shalt  }
0x6a: {  	_ =	shalt  }
0x6b: {  	_ =	shalt  }
0x6c: {  	_ =	shalt  }
0x6d: {  	_ =	shalt  }
0x6e: {  	_ =	shalt  }
0x6f: {  	_ =	shalt  }
0x70: {  	_ =	shalt  }
0x71: {  	_ =	shalt  }
0x72: {  	_ =	shalt  }
0x73: {  	_ =	shalt  }
0x74: {  	_ =	shalt  }
0x75: {  	_ =	shalt  }
0x76: {  	_ =	shalt  }
0x77: {  	_ =	shalt  }
0x78: {  	_ =	shalt  }
0x79: {  	_ =	shalt  }
0x7a: {  	_ =	shalt  }
0x7b: {  	_ =	shalt  }
0x7c: {  	_ =	shalt  }
0x7d: {  	_ =	shalt  }
0x7e: {  	_ =	shalt  }
0x7f: {  	_ =	shalt  }
0x80: {  	_ =	shalt  }
0x81: {  	_ =	shalt  }
0x82: {  	_ =	shalt  }
0x83: {  	_ =	shalt  }
0x84: {  	_ =	shalt  }
0x85: {  	_ =	shalt  }
0x86: {  	_ =	shalt  }
0x87: {  	_ =	shalt  }
.Lfunc_end0:
.L_simem_size_0:
called_computation_lowered:
.L_overlay_start_0:
0x88: {  	s2 =	sld [smem:$0x3FD9]  }
0x89: {  	s3 =	sld [smem:$0x3FFE];
	_ =	sdelay $0x1  }
0x8a: {  	s1 =	srdreg.scid  }
0x8b: {  	s0 =	sand.u32 $0x1, s1  }
0x8c: {  	s14 =	sshll.u32 s0, $0xA;
	s2 =	sadd.s32 s3, s2  }
0x8d: {  	s2 =	sadd.s32 s2, s14  }
0x8e: {  	[smem:$0x3FA7] =	sst s2  }
0x8f: {  	_ = 	snop  }
0x90: {  	s2 =	sld [smem:$0x3FD0];
	_ =	sdelay $0x2  }
0x91: {  	s15 =	simm.s32 $0xA;
	s4 =	simm.s32 $0x10  }
0x92: {  	[smem:s4], [sflag:s15] =	dma.local [hbm:s2], $0x1  }
0x93: {  	_ =	swait.eq [sflag:s15], $0x1  }
0x94: {  	[sflag:s15] =	ssyncset.done $0x0  }
0x95: {  	s16 =	sld [smem:$0x10];
	[sflag:s15] =	ssyncadd.s32 $0xFFFFFFFF  }
0x96: {  	s17 =	sld [smem:$0x11];
	(tm) =	ssettm $0x1  }
0x97: {  	s18 =	sld [smem:$0x3FFB];
	_ =	sdelay $0x3  }
0x98: {  	_ =	strace s18  }
0x99: {  	s4 =	sld [smem:$0x3FFC];
	_ =	sdelay $0x3  }
0x9a: {  	_ =	strace s4  }
0x9b: {  	s4 =	sld [smem:$0x3FFD];
	_ =	sdelay $0x3  }
0x9c: {  	_ =	strace s4  }
0x9d: {  	_ =	strace $0x8FFFFFFF  }
0x9e: {  	s19 =	sld [smem:$0x3FDB];
	_ =	sdelay $0x1  }
0x9f: {  	s5 =	simm.s32 $_scs_section_size  }
0xa0: {  	s6 =	simm.s32 $_size__tile_overlayer_lowered;
	s7 =	simm.s32 $_tile_overlayer_lowered  }
0xa1: {  	s22 =	simm.s32 $0x1BFF;
	s21 =	sshll.u32 s7, $0x1;
	s4 =	sadd.s32 s5, s19  }
0xa2: {  	s8 =	simm.s32 $0x0;
	s20 =	sshll.u32 s6, $0x1;
	s6 =	sadd.s32 s21, s4  }
0xa3: {  	[timem:s8], [sflag:s22] =	dma.local [hbm:s6], s20  }
0xa4: {  	_ =	swait.ge [sflag:s22], s20  }
0xa5: {  	s5 =	ssub.s32 $0x0, s20;
	[sflag:s22] =	ssyncset.done $0x0  }
0xa6: {  	[sflag:s22] =	ssyncadd.s32 s5;
	_ =	sdelay $0x1  }
0xa7: {  	s23 =	simm.s32 $0x1B8B  }
0xa8: {  	_ =	swait.ge [sflag:s23], $0x1  }
0xa9: {  	[sflag:s23] =	ssyncset.done $0x0  }
0xaa: {  	s25 =	simm.s32 $0x1B8E;
	s24 =	sld [smem:$0x3FFE];
	[sflag:s23] =	ssyncadd.s32 $0xFFFFFFFF  }
0xab: {  	s26 =	simm.s32 $execute0_lowered;
	[smem:$0x3FD2] =	sst s25  }
0xac: {  	s6 =	sshll.u32 s26, $0x1;
	_ =	strace $0x80000046;
	[dreg:$0x1] =	wrdreg $0xFFFFFFFF  }
0xad: {  	s28 =	simm.s32 $_size_execute0_lowered;
	s4 =	sadd.s32 s4, s6;
	[dreg:$0x0] =	wrdreg $0x0  }
0xae: {  	s6 =	sshll.u32 s28, $0x1;
	[dreg:$0x2] =	wrdreg s4  }
0xaf: {  	[dreg:$0x3] =	wrdreg s6  }
0xb0: {  	[dreg:$0x4] =	wrdreg $0xC0  }
0xb1: {  	_ =	task [dreg:s8], $0x5FFFF  }
0xb2: {  	[dreg:$0x1] =	wrdreg $0xFFFFFFFF  }
0xb3: {  	[dreg:$0x0] =	wrdreg $0x60  }
0xb4: {  	[dreg:$0x2] =	wrdreg s17  }
0xb5: {  	[dreg:$0x3] =	wrdreg s24  }
0xb6: {  	[dreg:$0x4] =	wrdreg s16  }
0xb7: {  	[dreg:$0x5] =	wrdreg $0x9  }
0xb8: {  	_ =	task.clear_ibuf [dreg:s8], $0x6FFFF;
	_ =	strace $0x90000046  }
0xb9: {  	s29 =	simm.s32 $0x9;
	_ =	strace $0x80000048  }
0xba: {  	_ =	swait.ge [sflag:s29], $0x1  }
0xbb: {  	[sflag:s29] =	ssyncadd.s32 $0xFFFFFFFF  }
0xbc: {  	_ =	strace $0x90000048  }
0xbd: {  	_ =	sfence  }
0xbe: {  	s30 =	sld [smem:$0x0];
	_ =	sdelay $0x2  }
0xbf: {  	s31 =	sshll.u32 s1, $0xD;
	s1 =	sshrl.u32 s1, $0x2  }
0xc0: {  	s3 =	sand.u32 $0x4000, s31;
	s1 =	sadd.s32 s1, s30  }
0xc1: {  	s0 =	sor.u32 s3, s0;
	s1 =	sshll.u32 s1, $0x11  }
0xc2: {  	s0 =	sor.u32 s1, s0  }
0xc3: {  	s0 =	sadd.s32 $0x8F2B, s0  }
0xc4: {  	[sflag:s0] =	ssyncadd.remote.s32 $0x1  }
0xc5: {  	_ =	sfence.sel $0xFFFF  }
0xc6: {  	[dreg:$0x0] =	wrdreg $0xFFFFFFFF;
	(pc) =	sbr.abs _section_cstart, $3  }
0xc7: {  	[dreg:$0x1] =	wrdreg $0xFFFFFFFF  }
0xc8: {  	_ =	task.clear_ibuf [dreg:s8], $0x2FFFF;
	_ =	strace $0x9FFFFFFF  }
0xc9: {  	(tm) =	ssettm $0x7FFFFFFF  }
tec
execute0_lowered:
.L_overlay_start_1:
0x0: {  	(tag) =	ssettag $0x1  }
0x1: {  	s1 =	rddreg [dreg:$0x0]  }
0x2: {  	s0 =	rddreg [dreg:$0x1];
	s2 =	srdreg.scid  }
0x3: {  	s3 =	stileid.u32;
	s7 =	rddreg [dreg:$0x2]  }
0x4: {  	s24 =	simm.s32 $0x5;
	s16 =	simm.s32 $0x8000;
	s15 =	simm.s32 $0xF400  }
0x5: {  	s13 =	simm.s32 $0x11400;
	s14 =	simm.s32 $0x11C00;
	s17 =	simm.s32 $0x12400  }
0x6: {  	s18 =	simm.s32 $0x12C00;
	s19 =	simm.s32 $0x13400;
	s20 =	simm.s32 $0x1  }
0x7: {  	s21 =	simm.s32 $0x2;
	s22 =	simm.s32 $0x3;
	s23 =	simm.s32 $0x4  }
0x8: {  	s25 =	simm.s32 $0x0;
	s2 =	sand.u32 $0x1, s2;
	s4 =	sshll.u32 s3, $0x1  }
0x9: {  	s3 =	simm.s32 $0x0;
	s5 =	sadd.s32 $0x4C600, s0;
	s6 =	sor.u32 s2, s4  }
0xa: {  	[smem:$0x7FF] =	sst s3;
	s2 =	ssub.s32 $0x2, s2;
	s4 =	smul.u32 $0x1388, s6  }
0xb: {  	_ =	strace $0x80000047;
	s8 =	sshll.u32 s6, $0xB;
	s11 =	sshrl.u32 s2, $0x1  }
0xc: {  	s6 =	sadd.s32 $0xE8A00, s0;
	s9 =	sadd.s32 s8, s0;
	s2 =	ssub.s32 s2, s11  }
0xd: {  	s7 =	sadd.s32 s7, s8;
	s11 =	sadd.s32 $0x4C700, s0;
	s10 =	sshrl.u32 s4, $0x3  }
0xe: {  	s0 =	simm.s32 $0xEC00;
	s8 =	simm.s32 $0x10400;
	s12 =	smul.u32 $0x280, s10  }
0xf: {  	[dreg:$0x4] =	wrdreg s7;
	s28 =	sadd.s32 $0x33600, s9;
	s9 =	sadd.s32 $0x100, s1  }
0x10: {  	v2 =	vlaneseq.u32;
	s31 =	smax.u32 s2, $0x1;
	[dreg:$0x5] =	wrdreg s28;
	s29 =	sadd.s32 s6, s12  }
0x11: {  	vm0 =	vmmov $0xffff;
	vm1 =	vmmov $0xff;
	v1 =	vshrl.u32 v2, $0x3;
	s7 =	simm.s32 $0xFC00;
	[dreg:$0x7] =	wrdreg s31;
	s30 =	sadd.s32 $0x60E00, s29  }
0x12: {  	v0 =	vand.u32 $0x7, v2;
	v2 =	vor.u32 $0x8, v2;
	v1 =	vmul.u32 $0x8, v1;
	s10 =	sadd.s32 $0x200, s1;
	s12 =	simm.s32 $0x10C00;
	[dreg:$0x6] =	wrdreg s30  }
.LBB2_1:
0x13: {  	[dreg:$0x8] =	wrdreg s25  }
0x14: {  	s2 =	rddreg [dreg:$0x4]  }
0x15: {  	[tilespmem:s3], [sflag:$0x5] =	stream.linear.gather [hbm4b:s2+s3], $0x3E80, $0x38;
	[tilespmem:$0x1E800] =	vst v63  }
0x16: {  	_ =	swait.ge [sflag:s24], $0x3E80  }
0x17: {  	[sflag:s24] =	ssyncset.done $0x0  }
0x18: {  	s30 =	simm.s32 $0x4000;
	s29 =	rddreg [dreg:$0x5];
	[sflag:s24] =	ssyncadd.s32 $0xFFFFC180  }
0x19: {  	[tilespmem:s30], [sflag:$0x5] =	stream.linear.gather [hbm4b:s29+s3], $0x3E80, $0x38;
	[tilespmem:$0x1E800] =	vst v63  }
0x1a: {  	_ =	swait.ge [sflag:s24], $0x3E80  }
0x1b: {  	[sflag:s24] =	ssyncset.done $0x0  }
0x1c: {  	[sflag:s24] =	ssyncadd.s32 $0xFFFFC180  }
0x1d: {  	v3 =	vld [tilespmem:$0x0];
	_ =	sdelay $0x4  }
0x1e: {  	v4 =	vshrl.u32 v3, $0x3  }
0x1f: {  	v4 =	vmul.u32 $0x28, v4  }
0x20: {  	v3 =	vand.u32 $0x7, v3  }
0x21: {  	v3 =	vor.u32 v3, v4  }
0x22: {  	v4 =	vperm.xlane v3, v0;
	_ =	sdelay $0x1  }
0x23: {  	v4 =	vadd.s32 v1, v4;
	_ =	sdelay $0x3  }
0x24: {  	v3 =	vperm.xlane v3, v2  }
0x25: {  	[tilespmem:s16], [sflag:$0x1] =	stream.indirect_vreg.gather [hbm4b:s1+s3], $0x80, v4, vm0, $0xb8;
	[tilespmem:$0x1E800] =	vst v63  }
0x26: {  	s31 =	simm.s32 $0x8800;
	v3 =	vadd.s32 v1, v3  }
0x27: {  	[tilespmem:s31], [sflag:$0x1] =	stream.indirect_vreg.gather [hbm4b:s9+s3], $0x80, v4, vm0, $0xb8;
	[tilespmem:$0x1E800] =	vst v63  }
0x28: {  	s24 =	simm.s32 $0x9000  }
0x29: {  	[tilespmem:s24], [sflag:$0x1] =	stream.indirect_vreg.gather [hbm4b:s10+s3], $0x80, v4, vm1, $0xb8;
	[tilespmem:$0x1E800] =	vst v63  }
0x2a: {  	s25 =	simm.s32 $0x9400  }
0x2b: {  	[tilespmem:s25], [sflag:$0x1] =	stream.indirect_vreg.gather [hbm4b:s1+s3], $0x80, v3, vm0, $0xb8;
	[tilespmem:$0x1E800] =	vst v63  }
0x2c: {  	s26 =	simm.s32 $0x9C00  }
0x2d: {  	[tilespmem:s26], [sflag:$0x1] =	stream.indirect_vreg.gather [hbm4b:s9+s3], $0x80, v3, vm0, $0xb8;
	[tilespmem:$0x1E800] =	vst v63  }
0x2e: {  	s28 =	simm.s32 $0xA400  }
0x2f: {  	[tilespmem:s28], [sflag:$0x1] =	stream.indirect_vreg.gather [hbm4b:s10+s3], $0x80, v3, vm1, $0xb8;
	[tilespmem:$0x1E800] =	vst v63  }
0x30: {  	v3 =	vld [tilespmem:$0x10];
	_ =	sdelay $0x4  }
0x31: {  	v59 =	vshrl.u32 v3, $0x3  }
0x32: {  	v4 =	vmul.u32 $0x28, v59  }
0x33: {  	v3 =	vand.u32 $0x7, v3  }
0x34: {  	v3 =	vor.u32 v3, v4  }
0x35: {  	v4 =	vperm.xlane v3, v0;
	_ =	sdelay $0x1  }
0x36: {  	v4 =	vadd.s32 v1, v4;
	_ =	sdelay $0x3  }
0x37: {  	s29 =	simm.s32 $0xA800;
	v3 =	vperm.xlane v3, v2  }
0x38: {  	[tilespmem:s29], [sflag:$0x1] =	stream.indirect_vreg.gather [hbm4b:s1+s3], $0x80, v4, vm0, $0xb8;
	[tilespmem:$0x1E800] =	vst v63  }
0x39: {  	s30 =	simm.s32 $0xB000;
	v3 =	vadd.s32 v1, v3  }
0x3a: {  	[tilespmem:s30], [sflag:$0x1] =	stream.indirect_vreg.gather [hbm4b:s9+s3], $0x80, v4, vm0, $0xb8;
	[tilespmem:$0x1E800] =	vst v63  }
0x3b: {  	s31 =	simm.s32 $0xB800  }
0x3c: {  	[tilespmem:s31], [sflag:$0x1] =	stream.indirect_vreg.gather [hbm4b:s10+s3], $0x80, v4, vm1, $0xb8;
	[tilespmem:$0x1E800] =	vst v63  }
0x3d: {  	s24 =	simm.s32 $0xBC00  }
0x3e: {  	[tilespmem:s24], [sflag:$0x1] =	stream.indirect_vreg.gather [hbm4b:s1+s3], $0x80, v3, vm0, $0xb8;
	[tilespmem:$0x1E800] =	vst v63  }
0x3f: {  	s25 =	simm.s32 $0xC400  }
0x40: {  	[tilespmem:s25], [sflag:$0x1] =	stream.indirect_vreg.gather [hbm4b:s9+s3], $0x80, v3, vm0, $0xb8;
	[tilespmem:$0x1E800] =	vst v63  }
0x41: {  	s26 =	simm.s32 $0xCC00  }
0x42: {  	[tilespmem:s26], [sflag:$0x1] =	stream.indirect_vreg.gather [hbm4b:s10+s3], $0x80, v3, vm1, $0xb8;
	[tilespmem:$0x1E800] =	vst v63  }
0x43: {  	v3 =	vld.msk [tilespmem:$0x20], $0xff;
	_ =	sdelay $0x4  }
0x44: {  	v60 =	vshrl.u32 v3, $0x3  }
0x45: {  	v4 =	vmul.u32 $0x28, v60  }
0x46: {  	v3 =	vand.u32 $0x7, v3  }
0x47: {  	v3 =	vor.u32 v3, v4  }
0x48: {  	v3 =	vperm.xlane v3, v0;
	_ =	sdelay $0x1  }
0x49: {  	v3 =	vadd.s32 v1, v3;
	_ =	sdelay $0x3  }
0x4a: {  	s28 =	simm.s32 $0xD000  }
0x4b: {  	[tilespmem:s28], [sflag:$0x1] =	stream.indirect_vreg.gather [hbm4b:s1+s3], $0x80, v3, vm0, $0xb8;
	[tilespmem:$0x1E800] =	vst v63  }
0x4c: {  	s29 =	simm.s32 $0xD800  }
0x4d: {  	[tilespmem:s29], [sflag:$0x1] =	stream.indirect_vreg.gather [hbm4b:s9+s3], $0x80, v3, vm0, $0xb8;
	[tilespmem:$0x1E800] =	vst v63  }
0x4e: {  	s30 =	simm.s32 $0xE000  }
0x4f: {  	[tilespmem:s30], [sflag:$0x1] =	stream.indirect_vreg.gather [hbm4b:s10+s3], $0x80, v3, vm1, $0xb8;
	[tilespmem:$0x1E800] =	vst v63  }
0x50: {  	v3 =	vld [tilespmem:$0x4000];
	_ =	sdelay $0x4  }
0x51: {  	v61 =	vshll.u32 v3, $0x2  }
0x52: {  	v3 =	vand.u32 $0x7, v3;
	v4 =	vand.u32 $0xFFFFFFE0, v61  }
0x53: {  	v3 =	vor.u32 v3, v4  }
0x54: {  	v4 =	vperm.xlane v3, v0;
	_ =	sdelay $0x1  }
0x55: {  	v4 =	vadd.s32 v1, v4;
	_ =	sdelay $0x1  }
0x56: {  	v3 =	vperm.xlane v3, v2;
	_ =	sdelay $0x1  }
0x57: {  	s31 =	simm.s32 $0xE400;
	v3 =	vadd.s32 v1, v3  }
0x58: {  	[tilespmem:s31], [sflag:$0x2] =	stream.indirect_vreg.gather [hbm4b:s5+s3], $0x80, v4, vm0, $0xb8;
	[tilespmem:$0x1E800] =	vst v63  }
0x59: {  	_ = 	snop  }
0x5a: {  	[tilespmem:s0], [sflag:$0x2] =	stream.indirect_vreg.gather [hbm4b:s11+s3], $0x80, v4, vm0, $0xb8;
	[tilespmem:$0x1E800] =	vst v63  }
0x5b: {  	_ = 	snop  }
0x5c: {  	[tilespmem:s15], [sflag:$0x2] =	stream.indirect_vreg.gather [hbm4b:s5+s3], $0x80, v3, vm0, $0xb8;
	[tilespmem:$0x1E800] =	vst v63  }
0x5d: {  	_ = 	snop  }
0x5e: {  	[tilespmem:s7], [sflag:$0x2] =	stream.indirect_vreg.gather [hbm4b:s11+s3], $0x80, v3, vm0, $0xb8;
	[tilespmem:$0x1E800] =	vst v63  }
0x5f: {  	v3 =	vld [tilespmem:$0x4010];
	_ =	sdelay $0x4  }
0x60: {  	v62 =	vshll.u32 v3, $0x2  }
0x61: {  	v3 =	vand.u32 $0x7, v3;
	v4 =	vand.u32 $0xFFFFFFE0, v62  }
0x62: {  	v3 =	vor.u32 v3, v4  }
0x63: {  	v4 =	vperm.xlane v3, v0;
	_ =	sdelay $0x1  }
0x64: {  	v4 =	vadd.s32 v1, v4;
	_ =	sdelay $0x1  }
0x65: {  	v3 =	vperm.xlane v3, v2;
	_ =	sdelay $0x1  }
0x66: {  	v3 =	vadd.s32 v1, v3  }
0x67: {  	[tilespmem:s8], [sflag:$0x2] =	stream.indirect_vreg.gather [hbm4b:s5+s3], $0x80, v4, vm0, $0xb8;
	[tilespmem:$0x1E800] =	vst v63  }
0x68: {  	_ = 	snop  }
0x69: {  	[tilespmem:s12], [sflag:$0x2] =	stream.indirect_vreg.gather [hbm4b:s11+s3], $0x80, v4, vm0, $0xb8;
	[tilespmem:$0x1E800] =	vst v63  }
0x6a: {  	_ = 	snop  }
0x6b: {  	[tilespmem:s13], [sflag:$0x2] =	stream.indirect_vreg.gather [hbm4b:s5+s3], $0x80, v3, vm0, $0xb8;
	[tilespmem:$0x1E800] =	vst v63  }
0x6c: {  	_ = 	snop  }
0x6d: {  	[tilespmem:s14], [sflag:$0x2] =	stream.indirect_vreg.gather [hbm4b:s11+s3], $0x80, v3, vm0, $0xb8;
	[tilespmem:$0x1E800] =	vst v63  }
0x6e: {  	v3 =	vld.msk [tilespmem:$0x4020], $0xff;
	_ =	sdelay $0x4  }
0x6f: {  	v63 =	vshll.u32 v3, $0x2  }
0x70: {  	v3 =	vand.u32 $0x7, v3;
	v4 =	vand.u32 $0xFFFFFFE0, v63  }
0x71: {  	v3 =	vor.u32 v3, v4  }
0x72: {  	v3 =	vperm.xlane v3, v0;
	_ =	sdelay $0x1  }
0x73: {  	v3 =	vadd.s32 v1, v3;
	_ =	sdelay $0x2  }
.Ltmp0:
0x74: {  	_ = 	snop;
	(pc) =	sbr.rel .LBB2_2-.Ltmp0, $4  }
0x75: {  	_ = 	snop  }
0x76: {  	[tilespmem:s17], [sflag:$0x2] =	stream.indirect_vreg.gather [hbm4b:s5+s3], $0x80, v3, vm0, $0xb8;
	[tilespmem:$0x1E800] =	vst v63  }
0x77: {  	s24 =	simm.s32 $0x0  }
0x78: {  	[tilespmem:s18], [sflag:$0x2] =	stream.indirect_vreg.gather [hbm4b:s11+s3], $0x80, v3, vm0, $0xb8;
	[tilespmem:$0x1E800] =	vst v63  }
.LBB2_8:
0x79: {  	v4 =	vld [tilespmem:s26+$0xC70]  }
0x7a: {  	s2 =	smul.u32 $0x28, s24;
	_ =	sdelay $0x1  }
0x7b: {  	s2 =	sadd.s32 s4, s2  }
0x7c: {  	s2 =	sshrl.u32 s2, $0x3  }
0x7d: {  	s2 =	smul.u32 $0x280, s2;
	v3 =	vadd.f32 v4, v3;
	_ =	sdelay $0x1  }
0x7e: {  	s25 =	simm.s32 $0x5;
	s2 =	sadd.s32 s6, s2;
	[tilespmem:s30+$0x70] =	vst v3  }
0x7f: {  	[hbm4b:s2+s3] =	stream.linear.scatter [tilespmem:s19], [sflag:$0x5], $0x6400, $0x38;
	[tilespmem:$0x1E800] =	vst v63  }
.LBB2_9:
0x80: {  	s24 =	sadd.s32 $0x1, s24  }
0x81: {  	p0 =	sne.s32 s24, $0x7C  }
.Ltmp1:
0x82: {  	_ = 	snop;
	(pc) =	sbr.rel @!p0 .LBB2_10-.Ltmp1, $4  }
0x83: {  	_ = 	snop  }
0x84: {  	_ =	swait.ge [sflag:s25], $0x6400  }
0x85: {  	[sflag:s25] =	ssyncset.done $0x0  }
0x86: {  	[sflag:s25] =	ssyncadd.s32 $0xFFFF9C00  }
.LBB2_2:
0x87: {  	s25 =	sand.u32 $0x1, s24  }
0x88: {  	p0 =	seq.s32 s25, $0x1  }
.Ltmp2:
0x89: {  	_ = 	snop;
	(pc) =	sbr.rel @p0 .LBB2_6-.Ltmp2, $2  }
0x8a: {  	_ =	sdelay $0x2  }
0x8b: {  	s26 =	sshll.u32 s24, $0x7  }
0x8c: {  	s25 =	sor.u32 $0x80, s26  }
0x8d: {  	v3 =	vld [tilespmem:s25+$0x0];
	_ =	sdelay $0x4  }
0x8e: {  	v4 =	vshrl.u32 v3, $0x3  }
0x8f: {  	v4 =	vmul.u32 $0x28, v4  }
0x90: {  	v3 =	vand.u32 $0x7, v3  }
0x91: {  	v3 =	vor.u32 v3, v4  }
0x92: {  	v4 =	vperm.xlane v3, v0;
	_ =	sdelay $0x1  }
0x93: {  	v4 =	vadd.s32 v1, v4;
	_ =	sdelay $0x3  }
0x94: {  	s25 =	simm.s32 $0x0;
	v3 =	vperm.xlane v3, v2  }
0x95: {  	[tilespmem:s19], [sflag:$0x3] =	stream.indirect_vreg.gather [hbm4b:s1+s25], $0x80, v4, vm0, $0xb8;
	[tilespmem:$0x1E800] =	vst v63  }
0x96: {  	s2 =	simm.s32 $0x13C00;
	v3 =	vadd.s32 v1, v3  }
0x97: {  	[tilespmem:s2], [sflag:$0x3] =	stream.indirect_vreg.gather [hbm4b:s9+s25], $0x80, v4, vm0, $0xb8;
	[tilespmem:$0x1E800] =	vst v63  }
0x98: {  	s31 =	simm.s32 $0x14400  }
0x99: {  	[tilespmem:s31], [sflag:$0x3] =	stream.indirect_vreg.gather [hbm4b:s10+s25], $0x80, v4, vm1, $0xb8;
	[tilespmem:$0x1E800] =	vst v63  }
0x9a: {  	s31 =	simm.s32 $0x14800  }
0x9b: {  	[tilespmem:s31], [sflag:$0x3] =	stream.indirect_vreg.gather [hbm4b:s1+s25], $0x80, v3, vm0, $0xb8;
	[tilespmem:$0x1E800] =	vst v63  }
0x9c: {  	s31 =	simm.s32 $0x15000  }
0x9d: {  	[tilespmem:s31], [sflag:$0x3] =	stream.indirect_vreg.gather [hbm4b:s9+s25], $0x80, v3, vm0, $0xb8;
	[tilespmem:$0x1E800] =	vst v63  }
0x9e: {  	s31 =	simm.s32 $0x15800  }
0x9f: {  	[tilespmem:s31], [sflag:$0x3] =	stream.indirect_vreg.gather [hbm4b:s10+s25], $0x80, v3, vm1, $0xb8;
	[tilespmem:$0x1E800] =	vst v63  }
0xa0: {  	v3 =	vld [tilespmem:s26+$0x90];
	_ =	sdelay $0x4  }
0xa1: {  	v4 =	vshrl.u32 v3, $0x3  }
0xa2: {  	v4 =	vmul.u32 $0x28, v4  }
0xa3: {  	v3 =	vand.u32 $0x7, v3  }
0xa4: {  	v3 =	vor.u32 v3, v4  }
0xa5: {  	v4 =	vperm.xlane v3, v0;
	_ =	sdelay $0x1  }
0xa6: {  	v4 =	vadd.s32 v1, v4;
	_ =	sdelay $0x3  }
0xa7: {  	s31 =	simm.s32 $0x15C00;
	v3 =	vperm.xlane v3, v2  }
0xa8: {  	[tilespmem:s31], [sflag:$0x3] =	stream.indirect_vreg.gather [hbm4b:s1+s25], $0x80, v4, vm0, $0xb8;
	[tilespmem:$0x1E800] =	vst v63  }
0xa9: {  	v3 =	vadd.s32 v1, v3;
	s31 =	simm.s32 $0x16400  }
0xaa: {  	[tilespmem:s31], [sflag:$0x3] =	stream.indirect_vreg.gather [hbm4b:s9+s25], $0x80, v4, vm0, $0xb8;
	[tilespmem:$0x1E800] =	vst v63  }
0xab: {  	s31 =	simm.s32 $0x16C00  }
0xac: {  	[tilespmem:s31], [sflag:$0x3] =	stream.indirect_vreg.gather [hbm4b:s10+s25], $0x80, v4, vm1, $0xb8;
	[tilespmem:$0x1E800] =	vst v63  }
0xad: {  	s31 =	simm.s32 $0x17000  }
0xae: {  	[tilespmem:s31], [sflag:$0x3] =	stream.indirect_vreg.gather [hbm4b:s1+s25], $0x80, v3, vm0, $0xb8;
	[tilespmem:$0x1E800] =	vst v63  }
0xaf: {  	s31 =	simm.s32 $0x17800  }
0xb0: {  	[tilespmem:s31], [sflag:$0x3] =	stream.indirect_vreg.gather [hbm4b:s9+s25], $0x80, v3, vm0, $0xb8;
	[tilespmem:$0x1E800] =	vst v63  }
0xb1: {  	s31 =	simm.s32 $0x18000  }
0xb2: {  	[tilespmem:s31], [sflag:$0x3] =	stream.indirect_vreg.gather [hbm4b:s10+s25], $0x80, v3, vm1, $0xb8;
	[tilespmem:$0x1E800] =	vst v63  }
0xb3: {  	v3 =	vld.msk [tilespmem:s26+$0xA0], $0xff;
	_ =	sdelay $0x4  }
0xb4: {  	v4 =	vshrl.u32 v3, $0x3  }
0xb5: {  	v4 =	vmul.u32 $0x28, v4  }
0xb6: {  	v3 =	vand.u32 $0x7, v3  }
0xb7: {  	v3 =	vor.u32 v3, v4  }
0xb8: {  	v3 =	vperm.xlane v3, v0;
	_ =	sdelay $0x1  }
0xb9: {  	v3 =	vadd.s32 v1, v3;
	_ =	sdelay $0x3  }
0xba: {  	s31 =	simm.s32 $0x18400  }
0xbb: {  	[tilespmem:s31], [sflag:$0x3] =	stream.indirect_vreg.gather [hbm4b:s1+s25], $0x80, v3, vm0, $0xb8;
	[tilespmem:$0x1E800] =	vst v63  }
0xbc: {  	s31 =	simm.s32 $0x18C00  }
0xbd: {  	[tilespmem:s31], [sflag:$0x3] =	stream.indirect_vreg.gather [hbm4b:s9+s25], $0x80, v3, vm0, $0xb8;
	[tilespmem:$0x1E800] =	vst v63  }
0xbe: {  	s31 =	simm.s32 $0x19400  }
0xbf: {  	[tilespmem:s31], [sflag:$0x3] =	stream.indirect_vreg.gather [hbm4b:s10+s25], $0x80, v3, vm1, $0xb8;
	[tilespmem:$0x1E800] =	vst v63  }
0xc0: {  	v3 =	vld [tilespmem:s26+$0x4080];
	_ =	sdelay $0x4  }
0xc1: {  	v4 =	vshll.u32 v3, $0x2  }
0xc2: {  	v3 =	vand.u32 $0x7, v3;
	v4 =	vand.u32 $0xFFFFFFE0, v4  }
0xc3: {  	v3 =	vor.u32 v3, v4  }
0xc4: {  	v4 =	vperm.xlane v3, v0;
	_ =	sdelay $0x1  }
0xc5: {  	v4 =	vadd.s32 v1, v4;
	_ =	sdelay $0x1  }
0xc6: {  	v3 =	vperm.xlane v3, v2;
	_ =	sdelay $0x1  }
0xc7: {  	s31 =	simm.s32 $0x19800;
	v3 =	vadd.s32 v1, v3  }
0xc8: {  	[tilespmem:s31], [sflag:$0x4] =	stream.indirect_vreg.gather [hbm4b:s5+s25], $0x80, v4, vm0, $0xb8;
	[tilespmem:$0x1E800] =	vst v63  }
0xc9: {  	s31 =	simm.s32 $0x1A000  }
0xca: {  	[tilespmem:s31], [sflag:$0x4] =	stream.indirect_vreg.gather [hbm4b:s11+s25], $0x80, v4, vm0, $0xb8;
	[tilespmem:$0x1E800] =	vst v63  }
0xcb: {  	s31 =	simm.s32 $0x1A800  }
0xcc: {  	[tilespmem:s31], [sflag:$0x4] =	stream.indirect_vreg.gather [hbm4b:s5+s25], $0x80, v3, vm0, $0xb8;
	[tilespmem:$0x1E800] =	vst v63  }
0xcd: {  	s31 =	simm.s32 $0x1B000  }
0xce: {  	[tilespmem:s31], [sflag:$0x4] =	stream.indirect_vreg.gather [hbm4b:s11+s25], $0x80, v3, vm0, $0xb8;
	[tilespmem:$0x1E800] =	vst v63  }
0xcf: {  	v3 =	vld [tilespmem:s26+$0x4090];
	_ =	sdelay $0x4  }
0xd0: {  	v4 =	vshll.u32 v3, $0x2  }
0xd1: {  	v3 =	vand.u32 $0x7, v3;
	v4 =	vand.u32 $0xFFFFFFE0, v4  }
0xd2: {  	v3 =	vor.u32 v3, v4  }
0xd3: {  	v4 =	vperm.xlane v3, v0;
	_ =	sdelay $0x1  }
0xd4: {  	v4 =	vadd.s32 v1, v4;
	_ =	sdelay $0x1  }
0xd5: {  	v3 =	vperm.xlane v3, v2;
	_ =	sdelay $0x1  }
0xd6: {  	s31 =	simm.s32 $0x1B800;
	v3 =	vadd.s32 v1, v3  }
0xd7: {  	[tilespmem:s31], [sflag:$0x4] =	stream.indirect_vreg.gather [hbm4b:s5+s25], $0x80, v4, vm0, $0xb8;
	[tilespmem:$0x1E800] =	vst v63  }
0xd8: {  	s31 =	simm.s32 $0x1C000  }
0xd9: {  	[tilespmem:s31], [sflag:$0x4] =	stream.indirect_vreg.gather [hbm4b:s11+s25], $0x80, v4, vm0, $0xb8;
	[tilespmem:$0x1E800] =	vst v63  }
0xda: {  	s31 =	simm.s32 $0x1C800  }
0xdb: {  	[tilespmem:s31], [sflag:$0x4] =	stream.indirect_vreg.gather [hbm4b:s5+s25], $0x80, v3, vm0, $0xb8;
	[tilespmem:$0x1E800] =	vst v63  }
0xdc: {  	s31 =	simm.s32 $0x1D000  }
0xdd: {  	[tilespmem:s31], [sflag:$0x4] =	stream.indirect_vreg.gather [hbm4b:s11+s25], $0x80, v3, vm0, $0xb8;
	[tilespmem:$0x1E800] =	vst v63  }
0xde: {  	v3 =	vld.msk [tilespmem:s26+$0x40A0], $0xff;
	_ =	sdelay $0x4  }
0xdf: {  	v4 =	vshll.u32 v3, $0x2  }
0xe0: {  	v3 =	vand.u32 $0x7, v3;
	v4 =	vand.u32 $0xFFFFFFE0, v4  }
0xe1: {  	v3 =	vor.u32 v3, v4  }
0xe2: {  	v3 =	vperm.xlane v3, v0;
	_ =	sdelay $0x1  }
0xe3: {  	v3 =	vadd.s32 v1, v3;
	_ =	sdelay $0x3  }
0xe4: {  	s31 =	simm.s32 $0x1D800  }
0xe5: {  	[tilespmem:s31], [sflag:$0x4] =	stream.indirect_vreg.gather [hbm4b:s5+s25], $0x80, v3, vm0, $0xb8;
	[tilespmem:$0x1E800] =	vst v63  }
0xe6: {  	s26 =	simm.s32 $0x1E000  }
0xe7: {  	[tilespmem:s26], [sflag:$0x4] =	stream.indirect_vreg.gather [hbm4b:s11+s25], $0x80, v3, vm0, $0xb8;
	[tilespmem:$0x1E800] =	vst v63  }
0xe8: {  	_ =	swait.ge [sflag:s20], $0x6400  }
0xe9: {  	s31 =	simm.s32 $0x0;
	[sflag:s20] =	ssyncset.done $0x0  }
0xea: {  	s26 =	smul.u32 $0x5000, s31;
	[sflag:s20] =	ssyncadd.s32 $0xFFFF9C00  }
0xeb: {  	s29 =	simm.s32 $0x0;
	_ =	swait.ge [sflag:s21], $0x5000  }
0xec: {  	s28 =	sand.u32 $0x380, s25;
	s26 =	sshra.s32 s26, $0x2;
	[sflag:s21] =	ssyncset.done $0x0  }
0xed: {  	s29 =	sand.u32 $0x3FFFF000, s29;
	s26 =	sor.u32 s28, s26;
	[sflag:s21] =	ssyncadd.s32 $0xFFFFB000  }
0xee: {  	s29 =	sor.u32 s28, s29;
	v3 =	vld [tilespmem:s26+$0x8000]  }
0xef: {  	v4 =	vld [tilespmem:s29+$0xE400];
	_ =	sdelay $0x4  }
0xf0: {  	v3 =	vadd.f32 v4, v3;
	_ =	sdelay $0x1  }
0xf1: {  	[tilespmem:s26+$0x8000] =	vst v3;
	v3 =	vld [tilespmem:s26+$0x8010]  }
0xf2: {  	v4 =	vld [tilespmem:s29+$0xE410];
	_ =	sdelay $0x4  }
0xf3: {  	v3 =	vadd.f32 v4, v3;
	_ =	sdelay $0x1  }
0xf4: {  	[tilespmem:s26+$0x8010] =	vst v3;
	v3 =	vld [tilespmem:s26+$0x8020]  }
0xf5: {  	v4 =	vld [tilespmem:s29+$0xE420];
	_ =	sdelay $0x4  }
0xf6: {  	v3 =	vadd.f32 v4, v3;
	_ =	sdelay $0x1  }
0xf7: {  	[tilespmem:s26+$0x8020] =	vst v3;
	v3 =	vld [tilespmem:s26+$0x8030]  }
0xf8: {  	v4 =	vld [tilespmem:s29+$0xE430];
	_ =	sdelay $0x4  }
0xf9: {  	v3 =	vadd.f32 v4, v3;
	_ =	sdelay $0x1  }
0xfa: {  	[tilespmem:s26+$0x8030] =	vst v3;
	v3 =	vld [tilespmem:s26+$0x8040]  }
0xfb: {  	v4 =	vld [tilespmem:s29+$0xE440];
	_ =	sdelay $0x4  }
0xfc: {  	v3 =	vadd.f32 v4, v3;
	_ =	sdelay $0x1  }
0xfd: {  	[tilespmem:s26+$0x8040] =	vst v3;
	v3 =	vld [tilespmem:s26+$0x8050]  }
0xfe: {  	v4 =	vld [tilespmem:s29+$0xE450];
	_ =	sdelay $0x4  }
0xff: {  	v3 =	vadd.f32 v4, v3;
	_ =	sdelay $0x1  }
0x100: {  	[tilespmem:s26+$0x8050] =	vst v3;
	v3 =	vld [tilespmem:s26+$0x8060]  }
0x101: {  	v4 =	vld [tilespmem:s29+$0xE460];
	_ =	sdelay $0x4  }
0x102: {  	v3 =	vadd.f32 v4, v3;
	_ =	sdelay $0x1  }
0x103: {  	[tilespmem:s26+$0x8060] =	vst v3;
	v3 =	vld [tilespmem:s26+$0x8070]  }
0x104: {  	v4 =	vld [tilespmem:s29+$0xE470];
	_ =	sdelay $0x4  }
0x105: {  	v3 =	vadd.f32 v4, v3;
	_ =	sdelay $0x1  }
0x106: {  	[tilespmem:s26+$0x8070] =	vst v3;
	v3 =	vld [tilespmem:s26+$0x8400]  }
0x107: {  	v4 =	vld [tilespmem:s29+$0xE800];
	_ =	sdelay $0x4  }
0x108: {  	v3 =	vadd.f32 v4, v3;
	_ =	sdelay $0x1  }
0x109: {  	[tilespmem:s26+$0x8400] =	vst v3;
	v3 =	vld [tilespmem:s26+$0x8410]  }
0x10a: {  	v4 =	vld [tilespmem:s29+$0xE810];
	_ =	sdelay $0x4  }
0x10b: {  	v3 =	vadd.f32 v4, v3;
	_ =	sdelay $0x1  }
0x10c: {  	[tilespmem:s26+$0x8410] =	vst v3;
	v3 =	vld [tilespmem:s26+$0x8420]  }
0x10d: {  	v4 =	vld [tilespmem:s29+$0xE820];
	_ =	sdelay $0x4  }
0x10e: {  	v3 =	vadd.f32 v4, v3;
	_ =	sdelay $0x1  }
0x10f: {  	[tilespmem:s26+$0x8420] =	vst v3;
	v3 =	vld [tilespmem:s26+$0x8430]  }
0x110: {  	v4 =	vld [tilespmem:s29+$0xE830];
	_ =	sdelay $0x4  }
0x111: {  	v3 =	vadd.f32 v4, v3;
	_ =	sdelay $0x1  }
0x112: {  	[tilespmem:s26+$0x8430] =	vst v3;
	v3 =	vld [tilespmem:s26+$0x8440]  }
0x113: {  	v4 =	vld [tilespmem:s29+$0xE840];
	_ =	sdelay $0x4  }
0x114: {  	v3 =	vadd.f32 v4, v3;
	_ =	sdelay $0x1  }
0x115: {  	[tilespmem:s26+$0x8440] =	vst v3;
	v3 =	vld [tilespmem:s26+$0x8450]  }
0x116: {  	v4 =	vld [tilespmem:s29+$0xE850];
	_ =	sdelay $0x4  }
0x117: {  	v3 =	vadd.f32 v4, v3;
	_ =	sdelay $0x1  }
0x118: {  	[tilespmem:s26+$0x8450] =	vst v3;
	v3 =	vld [tilespmem:s26+$0x8460]  }
0x119: {  	v4 =	vld [tilespmem:s29+$0xE860];
	_ =	sdelay $0x4  }
0x11a: {  	v3 =	vadd.f32 v4, v3;
	_ =	sdelay $0x1  }
0x11b: {  	[tilespmem:s26+$0x8460] =	vst v3;
	v3 =	vld [tilespmem:s26+$0x8470]  }
0x11c: {  	v4 =	vld [tilespmem:s29+$0xE870];
	_ =	sdelay $0x4  }
0x11d: {  	v3 =	vadd.f32 v4, v3;
	_ =	sdelay $0x1  }
0x11e: {  	[tilespmem:s26+$0x8470] =	vst v3;
	v3 =	vld [tilespmem:s26+$0x8800]  }
0x11f: {  	v4 =	vld [tilespmem:s29+$0xEC00];
	_ =	sdelay $0x4  }
0x120: {  	v3 =	vadd.f32 v4, v3;
	_ =	sdelay $0x1  }
0x121: {  	[tilespmem:s26+$0x8800] =	vst v3;
	v3 =	vld [tilespmem:s26+$0x8810]  }
0x122: {  	v4 =	vld [tilespmem:s29+$0xEC10];
	_ =	sdelay $0x4  }
0x123: {  	v3 =	vadd.f32 v4, v3;
	_ =	sdelay $0x1  }
0x124: {  	[tilespmem:s26+$0x8810] =	vst v3;
	v3 =	vld [tilespmem:s26+$0x8820]  }
0x125: {  	v4 =	vld [tilespmem:s29+$0xEC20];
	_ =	sdelay $0x4  }
0x126: {  	v3 =	vadd.f32 v4, v3;
	_ =	sdelay $0x1  }
0x127: {  	[tilespmem:s26+$0x8820] =	vst v3;
	v3 =	vld [tilespmem:s26+$0x8830]  }
0x128: {  	v4 =	vld [tilespmem:s29+$0xEC30];
	_ =	sdelay $0x4  }
0x129: {  	v3 =	vadd.f32 v4, v3;
	_ =	sdelay $0x1  }
0x12a: {  	[tilespmem:s26+$0x8830] =	vst v3;
	v3 =	vld [tilespmem:s26+$0x8840]  }
0x12b: {  	v4 =	vld [tilespmem:s29+$0xEC40];
	_ =	sdelay $0x4  }
0x12c: {  	v3 =	vadd.f32 v4, v3;
	_ =	sdelay $0x1  }
0x12d: {  	[tilespmem:s26+$0x8840] =	vst v3;
	v3 =	vld [tilespmem:s26+$0x8850]  }
0x12e: {  	v4 =	vld [tilespmem:s29+$0xEC50];
	_ =	sdelay $0x4  }
0x12f: {  	v3 =	vadd.f32 v4, v3;
	_ =	sdelay $0x1  }
0x130: {  	[tilespmem:s26+$0x8850] =	vst v3;
	v3 =	vld [tilespmem:s26+$0x8860]  }
0x131: {  	v4 =	vld [tilespmem:s29+$0xEC60];
	_ =	sdelay $0x4  }
0x132: {  	v3 =	vadd.f32 v4, v3;
	_ =	sdelay $0x1  }
0x133: {  	[tilespmem:s26+$0x8860] =	vst v3;
	v3 =	vld [tilespmem:s26+$0x8870]  }
0x134: {  	v4 =	vld [tilespmem:s29+$0xEC70];
	_ =	sdelay $0x4  }
0x135: {  	v3 =	vadd.f32 v4, v3;
	_ =	sdelay $0x1  }
0x136: {  	[tilespmem:s26+$0x8870] =	vst v3;
	v3 =	vld [tilespmem:s26+$0x8C00]  }
0x137: {  	v4 =	vld [tilespmem:s29+$0xF000];
	_ =	sdelay $0x4  }
0x138: {  	v3 =	vadd.f32 v4, v3;
	_ =	sdelay $0x1  }
0x139: {  	[tilespmem:s26+$0x8C00] =	vst v3;
	v3 =	vld [tilespmem:s26+$0x8C10]  }
0x13a: {  	v4 =	vld [tilespmem:s29+$0xF010];
	_ =	sdelay $0x4  }
0x13b: {  	v3 =	vadd.f32 v4, v3;
	_ =	sdelay $0x1  }
0x13c: {  	[tilespmem:s26+$0x8C10] =	vst v3;
	v3 =	vld [tilespmem:s26+$0x8C20]  }
0x13d: {  	v4 =	vld [tilespmem:s29+$0xF020];
	_ =	sdelay $0x4  }
0x13e: {  	v3 =	vadd.f32 v4, v3;
	_ =	sdelay $0x1  }
0x13f: {  	[tilespmem:s26+$0x8C20] =	vst v3;
	v3 =	vld [tilespmem:s26+$0x8C30]  }
0x140: {  	v4 =	vld [tilespmem:s29+$0xF030];
	_ =	sdelay $0x4  }
0x141: {  	v3 =	vadd.f32 v4, v3;
	_ =	sdelay $0x1  }
0x142: {  	[tilespmem:s26+$0x8C30] =	vst v3;
	v3 =	vld [tilespmem:s26+$0x8C40]  }
0x143: {  	v4 =	vld [tilespmem:s29+$0xF040];
	_ =	sdelay $0x4  }
0x144: {  	v3 =	vadd.f32 v4, v3;
	_ =	sdelay $0x1  }
0x145: {  	[tilespmem:s26+$0x8C40] =	vst v3;
	v3 =	vld [tilespmem:s26+$0x8C50]  }
0x146: {  	v4 =	vld [tilespmem:s29+$0xF050];
	_ =	sdelay $0x4  }
0x147: {  	v3 =	vadd.f32 v4, v3;
	_ =	sdelay $0x1  }
0x148: {  	[tilespmem:s26+$0x8C50] =	vst v3;
	v3 =	vld [tilespmem:s26+$0x8C60]  }
0x149: {  	v4 =	vld [tilespmem:s29+$0xF060];
	_ =	sdelay $0x4  }
0x14a: {  	v3 =	vadd.f32 v4, v3;
	_ =	sdelay $0x1  }
0x14b: {  	[tilespmem:s26+$0x8C60] =	vst v3;
	v3 =	vld [tilespmem:s26+$0x8C70]  }
0x14c: {  	v4 =	vld [tilespmem:s29+$0xF070];
	_ =	sdelay $0x1  }
0x14d: {  	s30 =	simm.s32 $0x0  }
0x14e: {  	s30 =	smul.u32 $0x5000, s30;
	s28 =	simm.s32 $0x1;
	s29 =	simm.s32 $0x2  }
.LBB2_4:
0x14f: {  	p0 =	sne.s32 s29, $0x27;
	s25 =	sadd.s32 $0x80, s25  }
0x150: {  	s28 =	sshll.u32 s28, $0x9;
	s31 =	sand.u32 $0x380, s25;
	s30 =	sshra.s32 s30, $0x2;
	v3 =	vadd.f32 v4, v3  }
0x151: {  	s2 =	sor.u32 s31, s30;
	s30 =	sand.u32 $0x3FFFF000, s28;
	s28 =	smov.u32 s29  }
0x152: {  	v4 =	vld [tilespmem:s2+$0x8000];
	s30 =	sor.u32 s31, s30;
	[tilespmem:s26+$0x8C70] =	vst v3;
	s26 =	smov.u32 s2  }
0x153: {  	v3 =	vld [tilespmem:s30+$0xE400];
	_ =	sdelay $0x4  }
0x154: {  	v3 =	vadd.f32 v3, v4;
	_ =	sdelay $0x1  }
0x155: {  	[tilespmem:s26+$0x8000] =	vst v3;
	v3 =	vld [tilespmem:s26+$0x8010]  }
0x156: {  	v4 =	vld [tilespmem:s30+$0xE410];
	_ =	sdelay $0x4  }
0x157: {  	v3 =	vadd.f32 v4, v3;
	_ =	sdelay $0x1  }
0x158: {  	[tilespmem:s26+$0x8010] =	vst v3;
	v3 =	vld [tilespmem:s26+$0x8020]  }
0x159: {  	v4 =	vld [tilespmem:s30+$0xE420];
	_ =	sdelay $0x4  }
0x15a: {  	v3 =	vadd.f32 v4, v3;
	_ =	sdelay $0x1  }
0x15b: {  	[tilespmem:s26+$0x8020] =	vst v3;
	v3 =	vld [tilespmem:s26+$0x8030]  }
0x15c: {  	v4 =	vld [tilespmem:s30+$0xE430];
	_ =	sdelay $0x4  }
0x15d: {  	v3 =	vadd.f32 v4, v3;
	_ =	sdelay $0x1  }
0x15e: {  	[tilespmem:s26+$0x8030] =	vst v3;
	v3 =	vld [tilespmem:s26+$0x8040]  }
0x15f: {  	v4 =	vld [tilespmem:s30+$0xE440];
	_ =	sdelay $0x4  }
0x160: {  	v3 =	vadd.f32 v4, v3;
	_ =	sdelay $0x1  }
0x161: {  	[tilespmem:s26+$0x8040] =	vst v3;
	v3 =	vld [tilespmem:s26+$0x8050]  }
0x162: {  	v4 =	vld [tilespmem:s30+$0xE450];
	_ =	sdelay $0x4  }
0x163: {  	v3 =	vadd.f32 v4, v3;
	_ =	sdelay $0x1  }
0x164: {  	[tilespmem:s26+$0x8050] =	vst v3;
	v3 =	vld [tilespmem:s26+$0x8060]  }
0x165: {  	v4 =	vld [tilespmem:s30+$0xE460];
	_ =	sdelay $0x4  }
0x166: {  	v3 =	vadd.f32 v4, v3;
	_ =	sdelay $0x1  }
0x167: {  	[tilespmem:s26+$0x8060] =	vst v3;
	v3 =	vld [tilespmem:s26+$0x8070]  }
0x168: {  	v4 =	vld [tilespmem:s30+$0xE470];
	_ =	sdelay $0x4  }
0x169: {  	v3 =	vadd.f32 v4, v3;
	_ =	sdelay $0x1  }
0x16a: {  	[tilespmem:s26+$0x8070] =	vst v3;
	v3 =	vld [tilespmem:s26+$0x8400]  }
0x16b: {  	v4 =	vld [tilespmem:s30+$0xE800];
	_ =	sdelay $0x4  }
0x16c: {  	v3 =	vadd.f32 v4, v3;
	_ =	sdelay $0x1  }
0x16d: {  	[tilespmem:s26+$0x8400] =	vst v3;
	v3 =	vld [tilespmem:s26+$0x8410]  }
0x16e: {  	v4 =	vld [tilespmem:s30+$0xE810];
	_ =	sdelay $0x4  }
0x16f: {  	v3 =	vadd.f32 v4, v3;
	_ =	sdelay $0x1  }
0x170: {  	[tilespmem:s26+$0x8410] =	vst v3;
	v3 =	vld [tilespmem:s26+$0x8420]  }
0x171: {  	v4 =	vld [tilespmem:s30+$0xE820];
	_ =	sdelay $0x4  }
0x172: {  	v3 =	vadd.f32 v4, v3;
	_ =	sdelay $0x1  }
0x173: {  	[tilespmem:s26+$0x8420] =	vst v3;
	v3 =	vld [tilespmem:s26+$0x8430]  }
0x174: {  	v4 =	vld [tilespmem:s30+$0xE830];
	_ =	sdelay $0x4  }
0x175: {  	v3 =	vadd.f32 v4, v3;
	_ =	sdelay $0x1  }
0x176: {  	[tilespmem:s26+$0x8430] =	vst v3;
	v3 =	vld [tilespmem:s26+$0x8440]  }
0x177: {  	v4 =	vld [tilespmem:s30+$0xE840];
	_ =	sdelay $0x4  }
0x178: {  	v3 =	vadd.f32 v4, v3;
	_ =	sdelay $0x1  }
0x179: {  	[tilespmem:s26+$0x8440] =	vst v3;
	v3 =	vld [tilespmem:s26+$0x8450]  }
0x17a: {  	v4 =	vld [tilespmem:s30+$0xE850];
	_ =	sdelay $0x4  }
0x17b: {  	v3 =	vadd.f32 v4, v3;
	_ =	sdelay $0x1  }
0x17c: {  	[tilespmem:s26+$0x8450] =	vst v3;
	v3 =	vld [tilespmem:s26+$0x8460]  }
0x17d: {  	v4 =	vld [tilespmem:s30+$0xE860];
	_ =	sdelay $0x4  }
0x17e: {  	v3 =	vadd.f32 v4, v3;
	_ =	sdelay $0x1  }
0x17f: {  	[tilespmem:s26+$0x8460] =	vst v3;
	v3 =	vld [tilespmem:s26+$0x8470]  }
0x180: {  	v4 =	vld [tilespmem:s30+$0xE870];
	_ =	sdelay $0x4  }
0x181: {  	v3 =	vadd.f32 v4, v3;
	_ =	sdelay $0x1  }
0x182: {  	[tilespmem:s26+$0x8470] =	vst v3;
	v3 =	vld [tilespmem:s26+$0x8800]  }
0x183: {  	v4 =	vld [tilespmem:s30+$0xEC00];
	_ =	sdelay $0x4  }
0x184: {  	v3 =	vadd.f32 v4, v3;
	_ =	sdelay $0x1  }
0x185: {  	[tilespmem:s26+$0x8800] =	vst v3;
	v3 =	vld [tilespmem:s26+$0x8810]  }
0x186: {  	v4 =	vld [tilespmem:s30+$0xEC10];
	_ =	sdelay $0x4  }
0x187: {  	v3 =	vadd.f32 v4, v3;
	_ =	sdelay $0x1  }
0x188: {  	[tilespmem:s26+$0x8810] =	vst v3;
	v3 =	vld [tilespmem:s26+$0x8820]  }
0x189: {  	v4 =	vld [tilespmem:s30+$0xEC20];
	_ =	sdelay $0x4  }
0x18a: {  	v3 =	vadd.f32 v4, v3;
	_ =	sdelay $0x1  }
0x18b: {  	[tilespmem:s26+$0x8820] =	vst v3;
	v3 =	vld [tilespmem:s26+$0x8830]  }
0x18c: {  	v4 =	vld [tilespmem:s30+$0xEC30];
	_ =	sdelay $0x4  }
0x18d: {  	v3 =	vadd.f32 v4, v3;
	_ =	sdelay $0x1  }
0x18e: {  	[tilespmem:s26+$0x8830] =	vst v3;
	v3 =	vld [tilespmem:s26+$0x8840]  }
0x18f: {  	v4 =	vld [tilespmem:s30+$0xEC40];
	_ =	sdelay $0x4  }
0x190: {  	v3 =	vadd.f32 v4, v3;
	_ =	sdelay $0x1  }
0x191: {  	[tilespmem:s26+$0x8840] =	vst v3;
	v3 =	vld [tilespmem:s26+$0x8850]  }
0x192: {  	v4 =	vld [tilespmem:s30+$0xEC50];
	_ =	sdelay $0x4  }
0x193: {  	v3 =	vadd.f32 v4, v3;
	_ =	sdelay $0x1  }
0x194: {  	[tilespmem:s26+$0x8850] =	vst v3;
	v3 =	vld [tilespmem:s26+$0x8860]  }
0x195: {  	v4 =	vld [tilespmem:s30+$0xEC60];
	_ =	sdelay $0x4  }
0x196: {  	v3 =	vadd.f32 v4, v3;
	_ =	sdelay $0x1  }
0x197: {  	[tilespmem:s26+$0x8860] =	vst v3;
	v3 =	vld [tilespmem:s26+$0x8870]  }
0x198: {  	v4 =	vld [tilespmem:s30+$0xEC70];
	_ =	sdelay $0x4  }
0x199: {  	v3 =	vadd.f32 v4, v3;
	_ =	sdelay $0x1  }
0x19a: {  	[tilespmem:s26+$0x8870] =	vst v3;
	v3 =	vld [tilespmem:s26+$0x8C00]  }
0x19b: {  	v4 =	vld [tilespmem:s30+$0xF000];
	_ =	sdelay $0x4  }
0x19c: {  	v3 =	vadd.f32 v4, v3;
	_ =	sdelay $0x1  }
0x19d: {  	[tilespmem:s26+$0x8C00] =	vst v3;
	v3 =	vld [tilespmem:s26+$0x8C10]  }
0x19e: {  	v4 =	vld [tilespmem:s30+$0xF010];
	_ =	sdelay $0x4  }
0x19f: {  	v3 =	vadd.f32 v4, v3;
	_ =	sdelay $0x1  }
0x1a0: {  	[tilespmem:s26+$0x8C10] =	vst v3;
	v3 =	vld [tilespmem:s26+$0x8C20]  }
0x1a1: {  	v4 =	vld [tilespmem:s30+$0xF020];
	_ =	sdelay $0x4  }
0x1a2: {  	v3 =	vadd.f32 v4, v3;
	_ =	sdelay $0x1  }
0x1a3: {  	[tilespmem:s26+$0x8C20] =	vst v3;
	v3 =	vld [tilespmem:s26+$0x8C30]  }
0x1a4: {  	v4 =	vld [tilespmem:s30+$0xF030];
	_ =	sdelay $0x4  }
0x1a5: {  	v3 =	vadd.f32 v4, v3;
	_ =	sdelay $0x1  }
0x1a6: {  	[tilespmem:s26+$0x8C30] =	vst v3;
	v3 =	vld [tilespmem:s26+$0x8C40]  }
0x1a7: {  	v4 =	vld [tilespmem:s30+$0xF040];
	_ =	sdelay $0x4  }
0x1a8: {  	v3 =	vadd.f32 v4, v3;
	_ =	sdelay $0x1  }
0x1a9: {  	[tilespmem:s26+$0x8C40] =	vst v3;
	v3 =	vld [tilespmem:s26+$0x8C50]  }
0x1aa: {  	v4 =	vld [tilespmem:s30+$0xF050];
	_ =	sdelay $0x4  }
0x1ab: {  	v3 =	vadd.f32 v4, v3;
	_ =	sdelay $0x1  }
0x1ac: {  	[tilespmem:s26+$0x8C50] =	vst v3;
	v3 =	vld [tilespmem:s26+$0x8C60]  }
0x1ad: {  	v4 =	vld [tilespmem:s30+$0xF060];
	_ =	sdelay $0x4  }
0x1ae: {  	v3 =	vadd.f32 v4, v3;
	_ =	sdelay $0x1  }
.Ltmp3:
0x1af: {  	[tilespmem:s26+$0x8C60] =	vst v3;
	v3 =	vld [tilespmem:s26+$0x8C70];
	(pc) =	sbr.rel @p0 .LBB2_4-.Ltmp3, $3  }
0x1b0: {  	v4 =	vld [tilespmem:s30+$0xF070];
	_ =	sdelay $0x1  }
0x1b1: {  	s2 =	sshrl.u32 s29, $0x3  }
0x1b2: {  	s29 =	sadd.s32 $0x1, s29;
	s30 =	smul.u32 $0x5000, s2  }
0x1b3: {  	s2 =	sadd.s32 $0x80, s25  }
0x1b4: {  	s28 =	sshll.u32 s28, $0x9;
	s2 =	sand.u32 $0x380, s2;
	s30 =	sshra.s32 s30, $0x2;
	v3 =	vadd.f32 v4, v3  }
0x1b5: {  	s28 =	sand.u32 $0x3FFFF000, s28;
	s25 =	sor.u32 s2, s30  }
0x1b6: {  	s28 =	sor.u32 s2, s28;
	v32 =	vld [tilespmem:s25+$0x8000];
	[tilespmem:s26+$0x8C70] =	vst v3  }
0x1b7: {  	v3 =	vld [tilespmem:s28+$0xE400];
	_ =	sdelay $0x4  }
0x1b8: {  	v3 =	vadd.f32 v3, v32;
	_ =	sdelay $0x1  }
0x1b9: {  	[tilespmem:s25+$0x8000] =	vst v3;
	v3 =	vld [tilespmem:s25+$0x8010]  }
0x1ba: {  	v33 =	vld [tilespmem:s28+$0xE410];
	_ =	sdelay $0x4  }
0x1bb: {  	v3 =	vadd.f32 v33, v3;
	_ =	sdelay $0x1  }
0x1bc: {  	[tilespmem:s25+$0x8010] =	vst v3;
	v3 =	vld [tilespmem:s25+$0x8020]  }
0x1bd: {  	v34 =	vld [tilespmem:s28+$0xE420];
	_ =	sdelay $0x4  }
0x1be: {  	v3 =	vadd.f32 v34, v3;
	_ =	sdelay $0x1  }
0x1bf: {  	[tilespmem:s25+$0x8020] =	vst v3;
	v3 =	vld [tilespmem:s25+$0x8030]  }
0x1c0: {  	v35 =	vld [tilespmem:s28+$0xE430];
	_ =	sdelay $0x4  }
0x1c1: {  	v3 =	vadd.f32 v35, v3;
	_ =	sdelay $0x1  }
0x1c2: {  	[tilespmem:s25+$0x8030] =	vst v3;
	v3 =	vld [tilespmem:s25+$0x8040]  }
0x1c3: {  	v36 =	vld [tilespmem:s28+$0xE440];
	_ =	sdelay $0x4  }
0x1c4: {  	v3 =	vadd.f32 v36, v3;
	_ =	sdelay $0x1  }
0x1c5: {  	[tilespmem:s25+$0x8040] =	vst v3;
	v3 =	vld [tilespmem:s25+$0x8050]  }
0x1c6: {  	v37 =	vld [tilespmem:s28+$0xE450];
	_ =	sdelay $0x4  }
0x1c7: {  	v3 =	vadd.f32 v37, v3;
	_ =	sdelay $0x1  }
0x1c8: {  	[tilespmem:s25+$0x8050] =	vst v3;
	v3 =	vld [tilespmem:s25+$0x8060]  }
0x1c9: {  	v38 =	vld [tilespmem:s28+$0xE460];
	_ =	sdelay $0x4  }
0x1ca: {  	v3 =	vadd.f32 v38, v3;
	_ =	sdelay $0x1  }
0x1cb: {  	[tilespmem:s25+$0x8060] =	vst v3;
	v3 =	vld [tilespmem:s25+$0x8070]  }
0x1cc: {  	v39 =	vld [tilespmem:s28+$0xE470];
	_ =	sdelay $0x4  }
0x1cd: {  	v3 =	vadd.f32 v39, v3;
	_ =	sdelay $0x1  }
0x1ce: {  	[tilespmem:s25+$0x8070] =	vst v3;
	v3 =	vld [tilespmem:s25+$0x8400]  }
0x1cf: {  	v40 =	vld [tilespmem:s28+$0xE800];
	_ =	sdelay $0x4  }
0x1d0: {  	v3 =	vadd.f32 v40, v3;
	_ =	sdelay $0x1  }
0x1d1: {  	[tilespmem:s25+$0x8400] =	vst v3;
	v3 =	vld [tilespmem:s25+$0x8410]  }
0x1d2: {  	v41 =	vld [tilespmem:s28+$0xE810];
	_ =	sdelay $0x4  }
0x1d3: {  	v3 =	vadd.f32 v41, v3;
	_ =	sdelay $0x1  }
0x1d4: {  	[tilespmem:s25+$0x8410] =	vst v3;
	v3 =	vld [tilespmem:s25+$0x8420]  }
0x1d5: {  	v42 =	vld [tilespmem:s28+$0xE820];
	_ =	sdelay $0x4  }
0x1d6: {  	v3 =	vadd.f32 v42, v3;
	_ =	sdelay $0x1  }
0x1d7: {  	[tilespmem:s25+$0x8420] =	vst v3;
	v3 =	vld [tilespmem:s25+$0x8430]  }
0x1d8: {  	v43 =	vld [tilespmem:s28+$0xE830];
	_ =	sdelay $0x4  }
0x1d9: {  	v3 =	vadd.f32 v43, v3;
	_ =	sdelay $0x1  }
0x1da: {  	[tilespmem:s25+$0x8430] =	vst v3;
	v3 =	vld [tilespmem:s25+$0x8440]  }
0x1db: {  	v44 =	vld [tilespmem:s28+$0xE840];
	_ =	sdelay $0x4  }
0x1dc: {  	v3 =	vadd.f32 v44, v3;
	_ =	sdelay $0x1  }
0x1dd: {  	[tilespmem:s25+$0x8440] =	vst v3;
	v3 =	vld [tilespmem:s25+$0x8450]  }
0x1de: {  	v45 =	vld [tilespmem:s28+$0xE850];
	_ =	sdelay $0x4  }
0x1df: {  	v3 =	vadd.f32 v45, v3;
	_ =	sdelay $0x1  }
0x1e0: {  	[tilespmem:s25+$0x8450] =	vst v3;
	v3 =	vld [tilespmem:s25+$0x8460]  }
0x1e1: {  	v46 =	vld [tilespmem:s28+$0xE860];
	_ =	sdelay $0x4  }
0x1e2: {  	v3 =	vadd.f32 v46, v3;
	_ =	sdelay $0x1  }
0x1e3: {  	[tilespmem:s25+$0x8460] =	vst v3;
	v3 =	vld [tilespmem:s25+$0x8470]  }
0x1e4: {  	v47 =	vld [tilespmem:s28+$0xE870];
	_ =	sdelay $0x4  }
0x1e5: {  	v3 =	vadd.f32 v47, v3;
	_ =	sdelay $0x1  }
0x1e6: {  	[tilespmem:s25+$0x8470] =	vst v3;
	v3 =	vld [tilespmem:s25+$0x8800]  }
0x1e7: {  	v48 =	vld [tilespmem:s28+$0xEC00];
	_ =	sdelay $0x4  }
0x1e8: {  	v3 =	vadd.f32 v48, v3;
	_ =	sdelay $0x1  }
0x1e9: {  	[tilespmem:s25+$0x8800] =	vst v3;
	v3 =	vld [tilespmem:s25+$0x8810]  }
0x1ea: {  	v49 =	vld [tilespmem:s28+$0xEC10];
	_ =	sdelay $0x4  }
0x1eb: {  	v3 =	vadd.f32 v49, v3;
	_ =	sdelay $0x1  }
0x1ec: {  	[tilespmem:s25+$0x8810] =	vst v3;
	v3 =	vld [tilespmem:s25+$0x8820]  }
0x1ed: {  	v50 =	vld [tilespmem:s28+$0xEC20];
	_ =	sdelay $0x4  }
0x1ee: {  	v3 =	vadd.f32 v50, v3;
	_ =	sdelay $0x1  }
0x1ef: {  	[tilespmem:s25+$0x8820] =	vst v3;
	v3 =	vld [tilespmem:s25+$0x8830]  }
0x1f0: {  	v51 =	vld [tilespmem:s28+$0xEC30];
	_ =	sdelay $0x4  }
0x1f1: {  	v3 =	vadd.f32 v51, v3;
	_ =	sdelay $0x1  }
0x1f2: {  	[tilespmem:s25+$0x8830] =	vst v3;
	v3 =	vld [tilespmem:s25+$0x8840]  }
0x1f3: {  	v52 =	vld [tilespmem:s28+$0xEC40];
	_ =	sdelay $0x4  }
0x1f4: {  	v3 =	vadd.f32 v52, v3;
	_ =	sdelay $0x1  }
0x1f5: {  	[tilespmem:s25+$0x8840] =	vst v3;
	v3 =	vld [tilespmem:s25+$0x8850]  }
0x1f6: {  	v53 =	vld [tilespmem:s28+$0xEC50];
	_ =	sdelay $0x4  }
0x1f7: {  	v3 =	vadd.f32 v53, v3;
	_ =	sdelay $0x1  }
0x1f8: {  	[tilespmem:s25+$0x8850] =	vst v3;
	v3 =	vld [tilespmem:s25+$0x8860]  }
0x1f9: {  	v54 =	vld [tilespmem:s28+$0xEC60];
	_ =	sdelay $0x4  }
0x1fa: {  	v3 =	vadd.f32 v54, v3;
	_ =	sdelay $0x1  }
0x1fb: {  	[tilespmem:s25+$0x8860] =	vst v3;
	v3 =	vld [tilespmem:s25+$0x8870]  }
0x1fc: {  	v55 =	vld [tilespmem:s28+$0xEC70];
	_ =	sdelay $0x4  }
0x1fd: {  	v3 =	vadd.f32 v55, v3;
	_ =	sdelay $0x1  }
0x1fe: {  	[tilespmem:s25+$0x8870] =	vst v3;
	v3 =	vld [tilespmem:s25+$0x8C00]  }
0x1ff: {  	v56 =	vld [tilespmem:s28+$0xF000];
	_ =	sdelay $0x4  }
0x200: {  	v3 =	vadd.f32 v56, v3;
	_ =	sdelay $0x1  }
0x201: {  	[tilespmem:s25+$0x8C00] =	vst v3;
	v3 =	vld [tilespmem:s25+$0x8C10]  }
0x202: {  	v57 =	vld [tilespmem:s28+$0xF010];
	_ =	sdelay $0x4  }
0x203: {  	v3 =	vadd.f32 v57, v3;
	_ =	sdelay $0x1  }
0x204: {  	[tilespmem:s25+$0x8C10] =	vst v3;
	v3 =	vld [tilespmem:s25+$0x8C20]  }
0x205: {  	v58 =	vld [tilespmem:s28+$0xF020];
	_ =	sdelay $0x4  }
0x206: {  	v3 =	vadd.f32 v58, v3;
	_ =	sdelay $0x1  }
0x207: {  	[tilespmem:s25+$0x8C20] =	vst v3;
	v3 =	vld [tilespmem:s25+$0x8C30]  }
0x208: {  	v59 =	vld [tilespmem:s28+$0xF030];
	_ =	sdelay $0x4  }
0x209: {  	v3 =	vadd.f32 v59, v3;
	_ =	sdelay $0x1  }
0x20a: {  	[tilespmem:s25+$0x8C30] =	vst v3;
	v3 =	vld [tilespmem:s25+$0x8C40]  }
0x20b: {  	v60 =	vld [tilespmem:s28+$0xF040];
	_ =	sdelay $0x4  }
0x20c: {  	v3 =	vadd.f32 v60, v3;
	_ =	sdelay $0x1  }
0x20d: {  	[tilespmem:s25+$0x8C40] =	vst v3;
	v3 =	vld [tilespmem:s25+$0x8C50]  }
0x20e: {  	v61 =	vld [tilespmem:s28+$0xF050];
	_ =	sdelay $0x4  }
0x20f: {  	v3 =	vadd.f32 v61, v3;
	_ =	sdelay $0x1  }
0x210: {  	[tilespmem:s25+$0x8C50] =	vst v3;
	v3 =	vld [tilespmem:s25+$0x8C60]  }
0x211: {  	v62 =	vld [tilespmem:s28+$0xF060];
	_ =	sdelay $0x4  }
0x212: {  	v3 =	vadd.f32 v62, v3;
	_ =	sdelay $0x1  }
0x213: {  	[tilespmem:s25+$0x8C60] =	vst v3;
	v3 =	vld [tilespmem:s25+$0x8C70]  }
0x214: {  	v63 =	vld [tilespmem:s28+$0xF070]  }
0x215: {  	s31 =	smul.u32 $0x28, s24;
	_ =	sdelay $0x1  }
0x216: {  	s2 =	sadd.s32 s4, s31  }
.Ltmp4:
0x217: {  	s2 =	sshrl.u32 s2, $0x3;
	(pc) =	sbr.rel .LBB2_9-.Ltmp4, $3  }
0x218: {  	s2 =	smul.u32 $0x280, s2;
	v3 =	vadd.f32 v63, v3;
	_ =	sdelay $0x1  }
0x219: {  	s2 =	sadd.s32 s6, s2;
	[tilespmem:s25+$0x8C70] =	vst v3;
	s25 =	simm.s32 $0x6  }
0x21a: {  	[hbm4b:s2+s3] =	stream.linear.scatter [tilespmem:s16], [sflag:$0x6], $0x6400, $0x38;
	[tilespmem:$0x1E800] =	vst v63  }
.LBB2_6:
0x21b: {  	v3 =	vld [tilespmem:s26+$0x80];
	_ =	sdelay $0x4  }
0x21c: {  	v4 =	vshrl.u32 v3, $0x3  }
0x21d: {  	v4 =	vmul.u32 $0x28, v4  }
0x21e: {  	v3 =	vand.u32 $0x7, v3  }
0x21f: {  	v3 =	vor.u32 v3, v4  }
0x220: {  	v4 =	vperm.xlane v3, v0;
	_ =	sdelay $0x1  }
0x221: {  	v4 =	vadd.s32 v1, v4;
	_ =	sdelay $0x3  }
0x222: {  	s25 =	simm.s32 $0x0;
	v3 =	vperm.xlane v3, v2  }
0x223: {  	[tilespmem:s16], [sflag:$0x1] =	stream.indirect_vreg.gather [hbm4b:s1+s25], $0x80, v4, vm0, $0xb8;
	[tilespmem:$0x1E800] =	vst v63  }
0x224: {  	s2 =	simm.s32 $0x8800;
	v3 =	vadd.s32 v1, v3  }
0x225: {  	[tilespmem:s2], [sflag:$0x1] =	stream.indirect_vreg.gather [hbm4b:s9+s25], $0x80, v4, vm0, $0xb8;
	[tilespmem:$0x1E800] =	vst v63  }
0x226: {  	s29 =	simm.s32 $0x9000  }
0x227: {  	[tilespmem:s29], [sflag:$0x1] =	stream.indirect_vreg.gather [hbm4b:s10+s25], $0x80, v4, vm1, $0xb8;
	[tilespmem:$0x1E800] =	vst v63  }
0x228: {  	s31 =	simm.s32 $0x9400  }
0x229: {  	[tilespmem:s31], [sflag:$0x1] =	stream.indirect_vreg.gather [hbm4b:s1+s25], $0x80, v3, vm0, $0xb8;
	[tilespmem:$0x1E800] =	vst v63  }
0x22a: {  	s29 =	simm.s32 $0x9C00  }
0x22b: {  	[tilespmem:s29], [sflag:$0x1] =	stream.indirect_vreg.gather [hbm4b:s9+s25], $0x80, v3, vm0, $0xb8;
	[tilespmem:$0x1E800] =	vst v63  }
0x22c: {  	s31 =	simm.s32 $0xA400  }
0x22d: {  	[tilespmem:s31], [sflag:$0x1] =	stream.indirect_vreg.gather [hbm4b:s10+s25], $0x80, v3, vm1, $0xb8;
	[tilespmem:$0x1E800] =	vst v63  }
0x22e: {  	v3 =	vld [tilespmem:s26+$0x90];
	_ =	sdelay $0x4  }
0x22f: {  	v4 =	vshrl.u32 v3, $0x3  }
0x230: {  	v4 =	vmul.u32 $0x28, v4  }
0x231: {  	v3 =	vand.u32 $0x7, v3  }
0x232: {  	v3 =	vor.u32 v3, v4  }
0x233: {  	v4 =	vperm.xlane v3, v0;
	_ =	sdelay $0x1  }
0x234: {  	v4 =	vadd.s32 v1, v4;
	_ =	sdelay $0x3  }
0x235: {  	s29 =	simm.s32 $0xA800;
	v3 =	vperm.xlane v3, v2  }
0x236: {  	[tilespmem:s29], [sflag:$0x1] =	stream.indirect_vreg.gather [hbm4b:s1+s25], $0x80, v4, vm0, $0xb8;
	[tilespmem:$0x1E800] =	vst v63  }
0x237: {  	s31 =	simm.s32 $0xB000;
	v3 =	vadd.s32 v1, v3  }
0x238: {  	[tilespmem:s31], [sflag:$0x1] =	stream.indirect_vreg.gather [hbm4b:s9+s25], $0x80, v4, vm0, $0xb8;
	[tilespmem:$0x1E800] =	vst v63  }
0x239: {  	s29 =	simm.s32 $0xB800  }
0x23a: {  	[tilespmem:s29], [sflag:$0x1] =	stream.indirect_vreg.gather [hbm4b:s10+s25], $0x80, v4, vm1, $0xb8;
	[tilespmem:$0x1E800] =	vst v63  }
0x23b: {  	s31 =	simm.s32 $0xBC00  }
0x23c: {  	[tilespmem:s31], [sflag:$0x1] =	stream.indirect_vreg.gather [hbm4b:s1+s25], $0x80, v3, vm0, $0xb8;
	[tilespmem:$0x1E800] =	vst v63  }
0x23d: {  	s29 =	simm.s32 $0xC400  }
0x23e: {  	[tilespmem:s29], [sflag:$0x1] =	stream.indirect_vreg.gather [hbm4b:s9+s25], $0x80, v3, vm0, $0xb8;
	[tilespmem:$0x1E800] =	vst v63  }
0x23f: {  	s31 =	simm.s32 $0xCC00  }
0x240: {  	[tilespmem:s31], [sflag:$0x1] =	stream.indirect_vreg.gather [hbm4b:s10+s25], $0x80, v3, vm1, $0xb8;
	[tilespmem:$0x1E800] =	vst v63  }
0x241: {  	v3 =	vld.msk [tilespmem:s26+$0xA0], $0xff;
	_ =	sdelay $0x4  }
0x242: {  	v4 =	vshrl.u32 v3, $0x3  }
0x243: {  	v4 =	vmul.u32 $0x28, v4  }
0x244: {  	v3 =	vand.u32 $0x7, v3  }
0x245: {  	v3 =	vor.u32 v3, v4  }
0x246: {  	v3 =	vperm.xlane v3, v0;
	_ =	sdelay $0x1  }
0x247: {  	v3 =	vadd.s32 v1, v3;
	_ =	sdelay $0x3  }
0x248: {  	s29 =	simm.s32 $0xD000  }
0x249: {  	[tilespmem:s29], [sflag:$0x1] =	stream.indirect_vreg.gather [hbm4b:s1+s25], $0x80, v3, vm0, $0xb8;
	[tilespmem:$0x1E800] =	vst v63  }
0x24a: {  	s31 =	simm.s32 $0xD800  }
0x24b: {  	[tilespmem:s31], [sflag:$0x1] =	stream.indirect_vreg.gather [hbm4b:s9+s25], $0x80, v3, vm0, $0xb8;
	[tilespmem:$0x1E800] =	vst v63  }
0x24c: {  	s29 =	simm.s32 $0xE000  }
0x24d: {  	[tilespmem:s29], [sflag:$0x1] =	stream.indirect_vreg.gather [hbm4b:s10+s25], $0x80, v3, vm1, $0xb8;
	[tilespmem:$0x1E800] =	vst v63  }
0x24e: {  	v3 =	vld [tilespmem:s26+$0x4080];
	_ =	sdelay $0x4  }
0x24f: {  	v4 =	vshll.u32 v3, $0x2  }
0x250: {  	v3 =	vand.u32 $0x7, v3;
	v4 =	vand.u32 $0xFFFFFFE0, v4  }
0x251: {  	v3 =	vor.u32 v3, v4  }
0x252: {  	v4 =	vperm.xlane v3, v0;
	_ =	sdelay $0x1  }
0x253: {  	v4 =	vadd.s32 v1, v4;
	_ =	sdelay $0x1  }
0x254: {  	v3 =	vperm.xlane v3, v2;
	_ =	sdelay $0x1  }
0x255: {  	s31 =	simm.s32 $0xE400;
	v3 =	vadd.s32 v1, v3  }
0x256: {  	[tilespmem:s31], [sflag:$0x2] =	stream.indirect_vreg.gather [hbm4b:s5+s25], $0x80, v4, vm0, $0xb8;
	[tilespmem:$0x1E800] =	vst v63  }
0x257: {  	_ = 	snop  }
0x258: {  	[tilespmem:s0], [sflag:$0x2] =	stream.indirect_vreg.gather [hbm4b:s11+s25], $0x80, v4, vm0, $0xb8;
	[tilespmem:$0x1E800] =	vst v63  }
0x259: {  	_ = 	snop  }
0x25a: {  	[tilespmem:s15], [sflag:$0x2] =	stream.indirect_vreg.gather [hbm4b:s5+s25], $0x80, v3, vm0, $0xb8;
	[tilespmem:$0x1E800] =	vst v63  }
0x25b: {  	_ = 	snop  }
0x25c: {  	[tilespmem:s7], [sflag:$0x2] =	stream.indirect_vreg.gather [hbm4b:s11+s25], $0x80, v3, vm0, $0xb8;
	[tilespmem:$0x1E800] =	vst v63  }
0x25d: {  	v3 =	vld [tilespmem:s26+$0x4090];
	_ =	sdelay $0x4  }
0x25e: {  	v4 =	vshll.u32 v3, $0x2  }
0x25f: {  	v3 =	vand.u32 $0x7, v3;
	v4 =	vand.u32 $0xFFFFFFE0, v4  }
0x260: {  	v3 =	vor.u32 v3, v4  }
0x261: {  	v4 =	vperm.xlane v3, v0;
	_ =	sdelay $0x1  }
0x262: {  	v4 =	vadd.s32 v1, v4;
	_ =	sdelay $0x1  }
0x263: {  	v3 =	vperm.xlane v3, v2;
	_ =	sdelay $0x1  }
0x264: {  	v3 =	vadd.s32 v1, v3  }
0x265: {  	[tilespmem:s8], [sflag:$0x2] =	stream.indirect_vreg.gather [hbm4b:s5+s25], $0x80, v4, vm0, $0xb8;
	[tilespmem:$0x1E800] =	vst v63  }
0x266: {  	_ = 	snop  }
0x267: {  	[tilespmem:s12], [sflag:$0x2] =	stream.indirect_vreg.gather [hbm4b:s11+s25], $0x80, v4, vm0, $0xb8;
	[tilespmem:$0x1E800] =	vst v63  }
0x268: {  	_ = 	snop  }
0x269: {  	[tilespmem:s13], [sflag:$0x2] =	stream.indirect_vreg.gather [hbm4b:s5+s25], $0x80, v3, vm0, $0xb8;
	[tilespmem:$0x1E800] =	vst v63  }
0x26a: {  	_ = 	snop  }
0x26b: {  	[tilespmem:s14], [sflag:$0x2] =	stream.indirect_vreg.gather [hbm4b:s11+s25], $0x80, v3, vm0, $0xb8;
	[tilespmem:$0x1E800] =	vst v63  }
0x26c: {  	v3 =	vld.msk [tilespmem:s26+$0x40A0], $0xff;
	_ =	sdelay $0x4  }
0x26d: {  	v4 =	vshll.u32 v3, $0x2  }
0x26e: {  	v3 =	vand.u32 $0x7, v3;
	v4 =	vand.u32 $0xFFFFFFE0, v4  }
0x26f: {  	v3 =	vor.u32 v3, v4  }
0x270: {  	v3 =	vperm.xlane v3, v0;
	_ =	sdelay $0x1  }
0x271: {  	v3 =	vadd.s32 v1, v3;
	_ =	sdelay $0x4  }
0x272: {  	[tilespmem:s17], [sflag:$0x2] =	stream.indirect_vreg.gather [hbm4b:s5+s25], $0x80, v3, vm0, $0xb8;
	[tilespmem:$0x1E800] =	vst v63  }
0x273: {  	_ = 	snop  }
0x274: {  	[tilespmem:s18], [sflag:$0x2] =	stream.indirect_vreg.gather [hbm4b:s11+s25], $0x80, v3, vm0, $0xb8;
	[tilespmem:$0x1E800] =	vst v63  }
0x275: {  	_ =	swait.ge [sflag:s22], $0x6400  }
0x276: {  	[sflag:s22] =	ssyncset.done $0x0  }
0x277: {  	s29 =	simm.s32 $0x0;
	[sflag:s22] =	ssyncadd.s32 $0xFFFF9C00  }
0x278: {  	s2 =	smul.u32 $0x5000, s29;
	s31 =	simm.s32 $0x0;
	_ =	swait.ge [sflag:s23], $0x5000  }
0x279: {  	s28 =	sand.u32 $0x380, s25;
	s26 =	sand.u32 $0x3FFFF000, s31;
	[sflag:s23] =	ssyncset.done $0x0  }
0x27a: {  	s2 =	sshra.s32 s2, $0x2;
	s26 =	sor.u32 s28, s26;
	[sflag:s23] =	ssyncadd.s32 $0xFFFFB000  }
0x27b: {  	s28 =	sor.u32 s28, s2;
	v3 =	vld [tilespmem:s26+$0x19800]  }
0x27c: {  	v4 =	vld [tilespmem:s28+$0x13400];
	_ =	sdelay $0x4  }
0x27d: {  	v3 =	vadd.f32 v3, v4;
	_ =	sdelay $0x1  }
0x27e: {  	s2 =	sadd.s32 $0x13400, s28;
	[tilespmem:s28+$0x13400] =	vst v3  }
0x27f: {  	s26 =	sadd.s32 $0x19800, s26;
	v3 =	vld [tilespmem:s2+$0x10]  }
0x280: {  	v4 =	vld [tilespmem:s26+$0x10];
	_ =	sdelay $0x4  }
0x281: {  	v3 =	vadd.f32 v4, v3;
	_ =	sdelay $0x1  }
0x282: {  	[tilespmem:s2+$0x10] =	vst v3;
	v3 =	vld [tilespmem:s2+$0x20]  }
0x283: {  	v4 =	vld [tilespmem:s26+$0x20];
	_ =	sdelay $0x4  }
0x284: {  	v3 =	vadd.f32 v4, v3;
	_ =	sdelay $0x1  }
0x285: {  	[tilespmem:s2+$0x20] =	vst v3;
	v3 =	vld [tilespmem:s2+$0x30]  }
0x286: {  	v4 =	vld [tilespmem:s26+$0x30];
	_ =	sdelay $0x4  }
0x287: {  	v3 =	vadd.f32 v4, v3;
	_ =	sdelay $0x1  }
0x288: {  	[tilespmem:s2+$0x30] =	vst v3;
	v3 =	vld [tilespmem:s2+$0x40]  }
0x289: {  	v4 =	vld [tilespmem:s26+$0x40];
	_ =	sdelay $0x4  }
0x28a: {  	v3 =	vadd.f32 v4, v3;
	_ =	sdelay $0x1  }
0x28b: {  	[tilespmem:s2+$0x40] =	vst v3;
	v3 =	vld [tilespmem:s2+$0x50]  }
0x28c: {  	v4 =	vld [tilespmem:s26+$0x50];
	_ =	sdelay $0x4  }
0x28d: {  	v3 =	vadd.f32 v4, v3;
	_ =	sdelay $0x1  }
0x28e: {  	[tilespmem:s2+$0x50] =	vst v3;
	v3 =	vld [tilespmem:s2+$0x60]  }
0x28f: {  	v4 =	vld [tilespmem:s26+$0x60];
	_ =	sdelay $0x4  }
0x290: {  	v3 =	vadd.f32 v4, v3;
	_ =	sdelay $0x1  }
0x291: {  	[tilespmem:s2+$0x60] =	vst v3;
	v3 =	vld [tilespmem:s2+$0x70]  }
0x292: {  	v4 =	vld [tilespmem:s26+$0x70];
	_ =	sdelay $0x4  }
0x293: {  	v3 =	vadd.f32 v4, v3;
	_ =	sdelay $0x1  }
0x294: {  	[tilespmem:s2+$0x70] =	vst v3  }
0x295: {  	v3 =	vld [tilespmem:s28+$0x13800]  }
0x296: {  	v4 =	vld [tilespmem:s26+$0x400];
	_ =	sdelay $0x4  }
0x297: {  	v3 =	vadd.f32 v4, v3;
	_ =	sdelay $0x1  }
0x298: {  	s29 =	sadd.s32 $0x13800, s28;
	[tilespmem:s28+$0x13800] =	vst v3  }
0x299: {  	v3 =	vld [tilespmem:s29+$0x10]  }
0x29a: {  	v4 =	vld [tilespmem:s26+$0x410];
	_ =	sdelay $0x4  }
0x29b: {  	v3 =	vadd.f32 v4, v3;
	_ =	sdelay $0x1  }
0x29c: {  	v4 =	vld [tilespmem:s29+$0x20];
	[tilespmem:s29+$0x10] =	vst v3  }
0x29d: {  	v3 =	vld [tilespmem:s26+$0x420];
	_ =	sdelay $0x4  }
0x29e: {  	v3 =	vadd.f32 v3, v4;
	_ =	sdelay $0x1  }
0x29f: {  	v4 =	vld [tilespmem:s29+$0x30];
	[tilespmem:s29+$0x20] =	vst v3  }
0x2a0: {  	v3 =	vld [tilespmem:s26+$0x430];
	_ =	sdelay $0x4  }
0x2a1: {  	v3 =	vadd.f32 v3, v4;
	_ =	sdelay $0x1  }
0x2a2: {  	v4 =	vld [tilespmem:s29+$0x40];
	[tilespmem:s29+$0x30] =	vst v3  }
0x2a3: {  	v3 =	vld [tilespmem:s26+$0x440];
	_ =	sdelay $0x4  }
0x2a4: {  	v3 =	vadd.f32 v3, v4;
	_ =	sdelay $0x1  }
0x2a5: {  	v4 =	vld [tilespmem:s29+$0x50];
	[tilespmem:s29+$0x40] =	vst v3  }
0x2a6: {  	v3 =	vld [tilespmem:s26+$0x450];
	_ =	sdelay $0x4  }
0x2a7: {  	v3 =	vadd.f32 v3, v4;
	_ =	sdelay $0x1  }
0x2a8: {  	v4 =	vld [tilespmem:s29+$0x60];
	[tilespmem:s29+$0x50] =	vst v3  }
0x2a9: {  	v3 =	vld [tilespmem:s26+$0x460];
	_ =	sdelay $0x4  }
0x2aa: {  	v3 =	vadd.f32 v3, v4;
	_ =	sdelay $0x1  }
0x2ab: {  	v4 =	vld [tilespmem:s29+$0x70];
	[tilespmem:s29+$0x60] =	vst v3  }
0x2ac: {  	v3 =	vld [tilespmem:s26+$0x470];
	_ =	sdelay $0x4  }
0x2ad: {  	v3 =	vadd.f32 v3, v4;
	_ =	sdelay $0x1  }
0x2ae: {  	[tilespmem:s29+$0x70] =	vst v3  }
0x2af: {  	v3 =	vld [tilespmem:s28+$0x13C00]  }
0x2b0: {  	v4 =	vld [tilespmem:s26+$0x800];
	_ =	sdelay $0x4  }
0x2b1: {  	v3 =	vadd.f32 v4, v3;
	_ =	sdelay $0x1  }
0x2b2: {  	s31 =	sadd.s32 $0x13C00, s28;
	[tilespmem:s28+$0x13C00] =	vst v3  }
0x2b3: {  	v3 =	vld [tilespmem:s31+$0x10]  }
0x2b4: {  	v4 =	vld [tilespmem:s26+$0x810];
	_ =	sdelay $0x4  }
0x2b5: {  	v3 =	vadd.f32 v4, v3;
	_ =	sdelay $0x1  }
0x2b6: {  	v4 =	vld [tilespmem:s31+$0x20];
	[tilespmem:s31+$0x10] =	vst v3  }
0x2b7: {  	v3 =	vld [tilespmem:s26+$0x820];
	_ =	sdelay $0x4  }
0x2b8: {  	v3 =	vadd.f32 v3, v4;
	_ =	sdelay $0x1  }
0x2b9: {  	v4 =	vld [tilespmem:s31+$0x30];
	[tilespmem:s31+$0x20] =	vst v3  }
0x2ba: {  	v3 =	vld [tilespmem:s26+$0x830];
	_ =	sdelay $0x4  }
0x2bb: {  	v3 =	vadd.f32 v3, v4;
	_ =	sdelay $0x1  }
0x2bc: {  	v4 =	vld [tilespmem:s31+$0x40];
	[tilespmem:s31+$0x30] =	vst v3  }
0x2bd: {  	v3 =	vld [tilespmem:s26+$0x840];
	_ =	sdelay $0x4  }
0x2be: {  	v3 =	vadd.f32 v3, v4;
	_ =	sdelay $0x1  }
0x2bf: {  	v4 =	vld [tilespmem:s31+$0x50];
	[tilespmem:s31+$0x40] =	vst v3  }
0x2c0: {  	v3 =	vld [tilespmem:s26+$0x850];
	_ =	sdelay $0x4  }
0x2c1: {  	v3 =	vadd.f32 v3, v4;
	_ =	sdelay $0x1  }
0x2c2: {  	v4 =	vld [tilespmem:s31+$0x60];
	[tilespmem:s31+$0x50] =	vst v3  }
0x2c3: {  	v3 =	vld [tilespmem:s26+$0x860];
	_ =	sdelay $0x4  }
0x2c4: {  	v3 =	vadd.f32 v3, v4;
	_ =	sdelay $0x1  }
0x2c5: {  	v4 =	vld [tilespmem:s31+$0x70];
	[tilespmem:s31+$0x60] =	vst v3  }
0x2c6: {  	v3 =	vld [tilespmem:s26+$0x870];
	_ =	sdelay $0x4  }
0x2c7: {  	v3 =	vadd.f32 v3, v4;
	_ =	sdelay $0x1  }
0x2c8: {  	[tilespmem:s31+$0x70] =	vst v3  }
0x2c9: {  	v3 =	vld [tilespmem:s28+$0x14000]  }
0x2ca: {  	v4 =	vld [tilespmem:s26+$0xC00];
	_ =	sdelay $0x4  }
0x2cb: {  	v3 =	vadd.f32 v4, v3;
	_ =	sdelay $0x1  }
0x2cc: {  	s30 =	sadd.s32 $0x14000, s28;
	[tilespmem:s28+$0x14000] =	vst v3  }
0x2cd: {  	v3 =	vld [tilespmem:s30+$0x10]  }
0x2ce: {  	v4 =	vld [tilespmem:s26+$0xC10];
	_ =	sdelay $0x4  }
0x2cf: {  	v3 =	vadd.f32 v4, v3;
	_ =	sdelay $0x1  }
0x2d0: {  	v6 =	vld [tilespmem:s30+$0x20];
	[tilespmem:s30+$0x10] =	vst v3  }
0x2d1: {  	v3 =	vld [tilespmem:s26+$0xC20];
	_ =	sdelay $0x4  }
0x2d2: {  	v3 =	vadd.f32 v3, v6;
	_ =	sdelay $0x1  }
0x2d3: {  	v4 =	vld [tilespmem:s30+$0x30];
	[tilespmem:s30+$0x20] =	vst v3  }
0x2d4: {  	v3 =	vld [tilespmem:s26+$0xC30];
	_ =	sdelay $0x4  }
0x2d5: {  	v3 =	vadd.f32 v3, v4;
	_ =	sdelay $0x1  }
0x2d6: {  	v5 =	vld [tilespmem:s30+$0x40];
	[tilespmem:s30+$0x30] =	vst v3  }
0x2d7: {  	v3 =	vld [tilespmem:s26+$0xC40];
	_ =	sdelay $0x4  }
0x2d8: {  	v5 =	vadd.f32 v3, v5;
	_ =	sdelay $0x1  }
0x2d9: {  	v63 =	vld [tilespmem:s30+$0x50];
	[tilespmem:s30+$0x40] =	vst v5  }
0x2da: {  	v5 =	vld [tilespmem:s26+$0xC50];
	_ =	sdelay $0x4  }
0x2db: {  	v5 =	vadd.f32 v5, v63;
	_ =	sdelay $0x1  }
0x2dc: {  	v4 =	vld [tilespmem:s30+$0x60];
	[tilespmem:s30+$0x50] =	vst v5  }
0x2dd: {  	v5 =	vld [tilespmem:s26+$0xC60];
	_ =	sdelay $0x4  }
0x2de: {  	v4 =	vadd.f32 v5, v4;
	_ =	sdelay $0x1  }
0x2df: {  	s28 =	simm.s32 $0x1;
	v3 =	vld [tilespmem:s30+$0x70];
	[tilespmem:s30+$0x60] =	vst v4  }
.LBB2_7:
0x2e0: {  	p0 =	sne.s32 s28, $0x27  }
0x2e1: {  	v4 =	vld [tilespmem:s26+$0xC70];
	s25 =	sadd.s32 $0x80, s25;
	s2 =	smov.u32 s28;
	s28 =	sadd.s32 $0x1, s28  }
0x2e2: {  	_ =	sdelay $0x2  }
0x2e3: {  	s26 =	sshrl.u32 s2, $0x3  }
0x2e4: {  	s2 =	sshll.u32 s2, $0x9;
	s26 =	smul.u32 $0x5000, s26;
	v3 =	vadd.f32 v4, v3  }
0x2e5: {  	s29 =	sand.u32 $0x380, s25;
	s2 =	sand.u32 $0x3FFFF000, s2  }
0x2e6: {  	s2 =	sor.u32 s29, s2;
	s26 =	sshra.s32 s26, $0x2;
	[tilespmem:s30+$0x70] =	vst v3  }
0x2e7: {  	s29 =	sor.u32 s29, s26;
	v3 =	vld [tilespmem:s2+$0x19800]  }
0x2e8: {  	v4 =	vld [tilespmem:s29+$0x13400];
	_ =	sdelay $0x4  }
0x2e9: {  	v3 =	vadd.f32 v3, v4;
	_ =	sdelay $0x1  }
0x2ea: {  	s30 =	sadd.s32 $0x13400, s29;
	[tilespmem:s29+$0x13400] =	vst v3  }
0x2eb: {  	s26 =	sadd.s32 $0x19800, s2;
	v3 =	vld [tilespmem:s30+$0x10]  }
0x2ec: {  	v4 =	vld [tilespmem:s26+$0x10];
	_ =	sdelay $0x4  }
0x2ed: {  	v3 =	vadd.f32 v4, v3;
	_ =	sdelay $0x1  }
0x2ee: {  	[tilespmem:s30+$0x10] =	vst v3;
	v3 =	vld [tilespmem:s30+$0x20]  }
0x2ef: {  	v4 =	vld [tilespmem:s26+$0x20];
	_ =	sdelay $0x4  }
0x2f0: {  	v3 =	vadd.f32 v4, v3;
	_ =	sdelay $0x1  }
0x2f1: {  	[tilespmem:s30+$0x20] =	vst v3;
	v3 =	vld [tilespmem:s30+$0x30]  }
0x2f2: {  	v4 =	vld [tilespmem:s26+$0x30];
	_ =	sdelay $0x4  }
0x2f3: {  	v3 =	vadd.f32 v4, v3;
	_ =	sdelay $0x1  }
0x2f4: {  	[tilespmem:s30+$0x30] =	vst v3;
	v3 =	vld [tilespmem:s30+$0x40]  }
0x2f5: {  	v4 =	vld [tilespmem:s26+$0x40];
	_ =	sdelay $0x4  }
0x2f6: {  	v3 =	vadd.f32 v4, v3;
	_ =	sdelay $0x1  }
0x2f7: {  	[tilespmem:s30+$0x40] =	vst v3;
	v3 =	vld [tilespmem:s30+$0x50]  }
0x2f8: {  	v4 =	vld [tilespmem:s26+$0x50];
	_ =	sdelay $0x4  }
0x2f9: {  	v3 =	vadd.f32 v4, v3;
	_ =	sdelay $0x1  }
0x2fa: {  	[tilespmem:s30+$0x50] =	vst v3;
	v3 =	vld [tilespmem:s30+$0x60]  }
0x2fb: {  	v4 =	vld [tilespmem:s26+$0x60];
	_ =	sdelay $0x4  }
0x2fc: {  	v3 =	vadd.f32 v4, v3;
	_ =	sdelay $0x1  }
0x2fd: {  	[tilespmem:s30+$0x60] =	vst v3;
	v3 =	vld [tilespmem:s30+$0x70]  }
0x2fe: {  	v4 =	vld [tilespmem:s26+$0x70];
	_ =	sdelay $0x4  }
0x2ff: {  	v3 =	vadd.f32 v4, v3;
	_ =	sdelay $0x1  }
0x300: {  	[tilespmem:s30+$0x70] =	vst v3  }
0x301: {  	v3 =	vld [tilespmem:s29+$0x13800]  }
0x302: {  	v4 =	vld [tilespmem:s26+$0x400];
	_ =	sdelay $0x4  }
0x303: {  	v3 =	vadd.f32 v4, v3;
	_ =	sdelay $0x1  }
0x304: {  	s30 =	sadd.s32 $0x13800, s29;
	[tilespmem:s29+$0x13800] =	vst v3  }
0x305: {  	v3 =	vld [tilespmem:s30+$0x10]  }
0x306: {  	v4 =	vld [tilespmem:s26+$0x410];
	_ =	sdelay $0x4  }
0x307: {  	v3 =	vadd.f32 v4, v3;
	v4 =	vld [tilespmem:s30+$0x20];
	_ =	sdelay $0x1  }
0x308: {  	[tilespmem:s30+$0x10] =	vst v3  }
0x309: {  	v3 =	vld [tilespmem:s26+$0x420];
	_ =	sdelay $0x4  }
0x30a: {  	v3 =	vadd.f32 v3, v4;
	v4 =	vld [tilespmem:s30+$0x30];
	_ =	sdelay $0x1  }
0x30b: {  	[tilespmem:s30+$0x20] =	vst v3  }
0x30c: {  	v3 =	vld [tilespmem:s26+$0x430];
	_ =	sdelay $0x4  }
0x30d: {  	v3 =	vadd.f32 v3, v4;
	v4 =	vld [tilespmem:s30+$0x40];
	_ =	sdelay $0x1  }
0x30e: {  	[tilespmem:s30+$0x30] =	vst v3  }
0x30f: {  	v3 =	vld [tilespmem:s26+$0x440];
	_ =	sdelay $0x4  }
0x310: {  	v3 =	vadd.f32 v3, v4;
	v4 =	vld [tilespmem:s30+$0x50];
	_ =	sdelay $0x1  }
0x311: {  	[tilespmem:s30+$0x40] =	vst v3  }
0x312: {  	v3 =	vld [tilespmem:s26+$0x450];
	_ =	sdelay $0x4  }
0x313: {  	v3 =	vadd.f32 v3, v4;
	v4 =	vld [tilespmem:s30+$0x60];
	_ =	sdelay $0x1  }
0x314: {  	[tilespmem:s30+$0x50] =	vst v3  }
0x315: {  	v3 =	vld [tilespmem:s26+$0x460];
	_ =	sdelay $0x4  }
0x316: {  	v3 =	vadd.f32 v3, v4;
	v4 =	vld [tilespmem:s30+$0x70];
	_ =	sdelay $0x1  }
0x317: {  	[tilespmem:s30+$0x60] =	vst v3  }
0x318: {  	v3 =	vld [tilespmem:s26+$0x470];
	_ =	sdelay $0x4  }
0x319: {  	v3 =	vadd.f32 v3, v4;
	_ =	sdelay $0x1  }
0x31a: {  	[tilespmem:s30+$0x70] =	vst v3  }
0x31b: {  	v3 =	vld [tilespmem:s29+$0x13C00]  }
0x31c: {  	s30 =	sadd.s32 $0x13C00, s29;
	v4 =	vld [tilespmem:s26+$0x800]  }
0x31d: {  	v5 =	vld [tilespmem:s30+$0x40]  }
0x31e: {  	v6 =	vld [tilespmem:s30+$0x50]  }
0x31f: {  	v7 =	vld [tilespmem:s30+$0x60]  }
0x320: {  	v8 =	vld [tilespmem:s30+$0x70]  }
0x321: {  	v3 =	vadd.f32 v4, v3;
	_ =	sdelay $0x1  }
0x322: {  	[tilespmem:s29+$0x13C00] =	vst v3  }
0x323: {  	v3 =	vld [tilespmem:s30+$0x10]  }
0x324: {  	v4 =	vld [tilespmem:s26+$0x810]  }
0x325: {  	v9 =	vld [tilespmem:s30+$0x20]  }
0x326: {  	v10 =	vld [tilespmem:s30+$0x30];
	_ =	sdelay $0x2  }
0x327: {  	v3 =	vadd.f32 v4, v3;
	_ =	sdelay $0x1  }
0x328: {  	[tilespmem:s30+$0x10] =	vst v3  }
0x329: {  	v3 =	vld [tilespmem:s26+$0x820];
	_ =	sdelay $0x4  }
0x32a: {  	v3 =	vadd.f32 v3, v9;
	_ =	sdelay $0x1  }
0x32b: {  	[tilespmem:s30+$0x20] =	vst v3  }
0x32c: {  	v3 =	vld [tilespmem:s26+$0x830];
	_ =	sdelay $0x4  }
0x32d: {  	v3 =	vadd.f32 v3, v10;
	_ =	sdelay $0x1  }
0x32e: {  	[tilespmem:s30+$0x30] =	vst v3  }
0x32f: {  	v3 =	vld [tilespmem:s26+$0x840];
	_ =	sdelay $0x4  }
0x330: {  	v3 =	vadd.f32 v3, v5;
	_ =	sdelay $0x1  }
0x331: {  	[tilespmem:s30+$0x40] =	vst v3  }
0x332: {  	v3 =	vld [tilespmem:s26+$0x850];
	_ =	sdelay $0x4  }
0x333: {  	v3 =	vadd.f32 v3, v6;
	_ =	sdelay $0x1  }
0x334: {  	[tilespmem:s30+$0x50] =	vst v3  }
0x335: {  	v3 =	vld [tilespmem:s26+$0x860];
	_ =	sdelay $0x4  }
0x336: {  	v3 =	vadd.f32 v3, v7;
	_ =	sdelay $0x1  }
0x337: {  	[tilespmem:s30+$0x60] =	vst v3  }
0x338: {  	v3 =	vld [tilespmem:s26+$0x870];
	_ =	sdelay $0x4  }
0x339: {  	v3 =	vadd.f32 v3, v8;
	_ =	sdelay $0x1  }
0x33a: {  	[tilespmem:s30+$0x70] =	vst v3  }
0x33b: {  	v4 =	vld [tilespmem:s29+$0x14000]  }
0x33c: {  	s30 =	sadd.s32 $0x14000, s29;
	v5 =	vld [tilespmem:s26+$0xC00]  }
0x33d: {  	v6 =	vld [tilespmem:s30+$0x40]  }
0x33e: {  	v7 =	vld [tilespmem:s30+$0x50]  }
0x33f: {  	v8 =	vld [tilespmem:s30+$0x60]  }
0x340: {  	v3 =	vld [tilespmem:s30+$0x70]  }
0x341: {  	v4 =	vadd.f32 v5, v4;
	_ =	sdelay $0x1  }
0x342: {  	[tilespmem:s29+$0x14000] =	vst v4  }
0x343: {  	v4 =	vld [tilespmem:s30+$0x10]  }
0x344: {  	v5 =	vld [tilespmem:s26+$0xC10]  }
0x345: {  	v9 =	vld [tilespmem:s30+$0x20]  }
0x346: {  	v10 =	vld [tilespmem:s30+$0x30];
	_ =	sdelay $0x2  }
0x347: {  	v4 =	vadd.f32 v5, v4;
	_ =	sdelay $0x1  }
0x348: {  	[tilespmem:s30+$0x10] =	vst v4  }
0x349: {  	v4 =	vld [tilespmem:s26+$0xC20];
	_ =	sdelay $0x4  }
0x34a: {  	v4 =	vadd.f32 v4, v9;
	_ =	sdelay $0x1  }
0x34b: {  	[tilespmem:s30+$0x20] =	vst v4  }
0x34c: {  	v4 =	vld [tilespmem:s26+$0xC30];
	_ =	sdelay $0x4  }
0x34d: {  	v4 =	vadd.f32 v4, v10;
	_ =	sdelay $0x1  }
0x34e: {  	[tilespmem:s30+$0x30] =	vst v4  }
0x34f: {  	v4 =	vld [tilespmem:s26+$0xC40];
	_ =	sdelay $0x4  }
0x350: {  	v4 =	vadd.f32 v4, v6;
	_ =	sdelay $0x1  }
0x351: {  	[tilespmem:s30+$0x40] =	vst v4  }
0x352: {  	v4 =	vld [tilespmem:s26+$0xC50];
	_ =	sdelay $0x4  }
0x353: {  	v4 =	vadd.f32 v4, v7;
	_ =	sdelay $0x1  }
0x354: {  	[tilespmem:s30+$0x50] =	vst v4  }
0x355: {  	v4 =	vld [tilespmem:s26+$0xC60];
	_ =	sdelay $0x2  }
.Ltmp5:
0x356: {  	(pc) =	sbr.rel @p0 .LBB2_7-.Ltmp5, $3  }
0x357: {  	_ = 	snop  }
0x358: {  	v4 =	vadd.f32 v4, v8;
	_ =	sdelay $0x1  }
0x359: {  	[tilespmem:s30+$0x60] =	vst v4  }
.Ltmp6:
0x35a: {  	_ = 	snop;
	(pc) =	sbr.rel .LBB2_8-.Ltmp6, $1  }
0x35b: {  	_ =	sdelay $0x3  }
.LBB2_10:
0x35c: {  	_ =	swait.ge [sflag:s20], $0x6400  }
0x35d: {  	s2 =	simm.s32 $0x0;
	[sflag:s20] =	ssyncset.done $0x0  }
0x35e: {  	s2 =	smul.u32 $0x5000, s2;
	[sflag:s20] =	ssyncadd.s32 $0xFFFF9C00  }
0x35f: {  	s25 =	simm.s32 $0x0;
	s28 =	simm.s32 $0x0;
	_ =	swait.ge [sflag:s21], $0x5000  }
0x360: {  	s26 =	sand.u32 $0x380, s25;
	s2 =	sshra.s32 s2, $0x2;
	[sflag:s21] =	ssyncset.done $0x0  }
0x361: {  	s30 =	sand.u32 $0x3FFFF000, s28;
	s24 =	sor.u32 s26, s2;
	[sflag:s21] =	ssyncadd.s32 $0xFFFFB000  }
0x362: {  	s28 =	sor.u32 s26, s30;
	v3 =	vld [tilespmem:s24+$0x8000]  }
0x363: {  	v4 =	vld [tilespmem:s28+$0xE400];
	_ =	sdelay $0x4  }
0x364: {  	v3 =	vadd.f32 v4, v3;
	_ =	sdelay $0x1  }
0x365: {  	[tilespmem:s24+$0x8000] =	vst v3;
	v3 =	vld [tilespmem:s24+$0x8010]  }
0x366: {  	v4 =	vld [tilespmem:s28+$0xE410];
	_ =	sdelay $0x4  }
0x367: {  	v3 =	vadd.f32 v4, v3;
	_ =	sdelay $0x1  }
0x368: {  	[tilespmem:s24+$0x8010] =	vst v3;
	v3 =	vld [tilespmem:s24+$0x8020]  }
0x369: {  	v4 =	vld [tilespmem:s28+$0xE420];
	_ =	sdelay $0x4  }
0x36a: {  	v3 =	vadd.f32 v4, v3;
	_ =	sdelay $0x1  }
0x36b: {  	[tilespmem:s24+$0x8020] =	vst v3;
	v3 =	vld [tilespmem:s24+$0x8030]  }
0x36c: {  	v4 =	vld [tilespmem:s28+$0xE430];
	_ =	sdelay $0x4  }
0x36d: {  	v3 =	vadd.f32 v4, v3;
	_ =	sdelay $0x1  }
0x36e: {  	[tilespmem:s24+$0x8030] =	vst v3;
	v3 =	vld [tilespmem:s24+$0x8040]  }
0x36f: {  	v4 =	vld [tilespmem:s28+$0xE440];
	_ =	sdelay $0x4  }
0x370: {  	v3 =	vadd.f32 v4, v3;
	_ =	sdelay $0x1  }
0x371: {  	[tilespmem:s24+$0x8040] =	vst v3;
	v3 =	vld [tilespmem:s24+$0x8050]  }
0x372: {  	v4 =	vld [tilespmem:s28+$0xE450];
	_ =	sdelay $0x4  }
0x373: {  	v3 =	vadd.f32 v4, v3;
	_ =	sdelay $0x1  }
0x374: {  	[tilespmem:s24+$0x8050] =	vst v3;
	v3 =	vld [tilespmem:s24+$0x8060]  }
0x375: {  	v4 =	vld [tilespmem:s28+$0xE460];
	_ =	sdelay $0x4  }
0x376: {  	v3 =	vadd.f32 v4, v3;
	_ =	sdelay $0x1  }
0x377: {  	[tilespmem:s24+$0x8060] =	vst v3;
	v3 =	vld [tilespmem:s24+$0x8070]  }
0x378: {  	v4 =	vld [tilespmem:s28+$0xE470];
	_ =	sdelay $0x4  }
0x379: {  	v3 =	vadd.f32 v4, v3;
	_ =	sdelay $0x1  }
0x37a: {  	[tilespmem:s24+$0x8070] =	vst v3;
	v3 =	vld [tilespmem:s24+$0x8400]  }
0x37b: {  	v4 =	vld [tilespmem:s28+$0xE800];
	_ =	sdelay $0x4  }
0x37c: {  	v3 =	vadd.f32 v4, v3;
	_ =	sdelay $0x1  }
0x37d: {  	[tilespmem:s24+$0x8400] =	vst v3;
	v3 =	vld [tilespmem:s24+$0x8410]  }
0x37e: {  	v4 =	vld [tilespmem:s28+$0xE810];
	_ =	sdelay $0x4  }
0x37f: {  	v3 =	vadd.f32 v4, v3;
	_ =	sdelay $0x1  }
0x380: {  	[tilespmem:s24+$0x8410] =	vst v3;
	v3 =	vld [tilespmem:s24+$0x8420]  }
0x381: {  	v4 =	vld [tilespmem:s28+$0xE820];
	_ =	sdelay $0x4  }
0x382: {  	v3 =	vadd.f32 v4, v3;
	_ =	sdelay $0x1  }
0x383: {  	[tilespmem:s24+$0x8420] =	vst v3;
	v3 =	vld [tilespmem:s24+$0x8430]  }
0x384: {  	v4 =	vld [tilespmem:s28+$0xE830];
	_ =	sdelay $0x4  }
0x385: {  	v3 =	vadd.f32 v4, v3;
	_ =	sdelay $0x1  }
0x386: {  	[tilespmem:s24+$0x8430] =	vst v3;
	v3 =	vld [tilespmem:s24+$0x8440]  }
0x387: {  	v4 =	vld [tilespmem:s28+$0xE840];
	_ =	sdelay $0x4  }
0x388: {  	v3 =	vadd.f32 v4, v3;
	_ =	sdelay $0x1  }
0x389: {  	[tilespmem:s24+$0x8440] =	vst v3;
	v3 =	vld [tilespmem:s24+$0x8450]  }
0x38a: {  	v4 =	vld [tilespmem:s28+$0xE850];
	_ =	sdelay $0x4  }
0x38b: {  	v3 =	vadd.f32 v4, v3;
	_ =	sdelay $0x1  }
0x38c: {  	[tilespmem:s24+$0x8450] =	vst v3;
	v3 =	vld [tilespmem:s24+$0x8460]  }
0x38d: {  	v4 =	vld [tilespmem:s28+$0xE860];
	_ =	sdelay $0x4  }
0x38e: {  	v3 =	vadd.f32 v4, v3;
	_ =	sdelay $0x1  }
0x38f: {  	[tilespmem:s24+$0x8460] =	vst v3;
	v3 =	vld [tilespmem:s24+$0x8470]  }
0x390: {  	v4 =	vld [tilespmem:s28+$0xE870];
	_ =	sdelay $0x4  }
0x391: {  	v3 =	vadd.f32 v4, v3;
	_ =	sdelay $0x1  }
0x392: {  	[tilespmem:s24+$0x8470] =	vst v3;
	v3 =	vld [tilespmem:s24+$0x8800]  }
0x393: {  	v4 =	vld [tilespmem:s28+$0xEC00];
	_ =	sdelay $0x4  }
0x394: {  	v3 =	vadd.f32 v4, v3;
	_ =	sdelay $0x1  }
0x395: {  	[tilespmem:s24+$0x8800] =	vst v3;
	v3 =	vld [tilespmem:s24+$0x8810]  }
0x396: {  	v4 =	vld [tilespmem:s28+$0xEC10];
	_ =	sdelay $0x4  }
0x397: {  	v3 =	vadd.f32 v4, v3;
	_ =	sdelay $0x1  }
0x398: {  	[tilespmem:s24+$0x8810] =	vst v3;
	v3 =	vld [tilespmem:s24+$0x8820]  }
0x399: {  	v4 =	vld [tilespmem:s28+$0xEC20];
	_ =	sdelay $0x4  }
0x39a: {  	v3 =	vadd.f32 v4, v3;
	_ =	sdelay $0x1  }
0x39b: {  	[tilespmem:s24+$0x8820] =	vst v3;
	v3 =	vld [tilespmem:s24+$0x8830]  }
0x39c: {  	v4 =	vld [tilespmem:s28+$0xEC30];
	_ =	sdelay $0x4  }
0x39d: {  	v3 =	vadd.f32 v4, v3;
	_ =	sdelay $0x1  }
0x39e: {  	[tilespmem:s24+$0x8830] =	vst v3;
	v3 =	vld [tilespmem:s24+$0x8840]  }
0x39f: {  	v4 =	vld [tilespmem:s28+$0xEC40];
	_ =	sdelay $0x4  }
0x3a0: {  	v3 =	vadd.f32 v4, v3;
	_ =	sdelay $0x1  }
0x3a1: {  	[tilespmem:s24+$0x8840] =	vst v3;
	v3 =	vld [tilespmem:s24+$0x8850]  }
0x3a2: {  	v4 =	vld [tilespmem:s28+$0xEC50];
	_ =	sdelay $0x4  }
0x3a3: {  	v3 =	vadd.f32 v4, v3;
	_ =	sdelay $0x1  }
0x3a4: {  	[tilespmem:s24+$0x8850] =	vst v3;
	v3 =	vld [tilespmem:s24+$0x8860]  }
0x3a5: {  	v4 =	vld [tilespmem:s28+$0xEC60];
	_ =	sdelay $0x4  }
0x3a6: {  	v3 =	vadd.f32 v4, v3;
	_ =	sdelay $0x1  }
0x3a7: {  	[tilespmem:s24+$0x8860] =	vst v3;
	v3 =	vld [tilespmem:s24+$0x8870]  }
0x3a8: {  	v4 =	vld [tilespmem:s28+$0xEC70];
	_ =	sdelay $0x4  }
0x3a9: {  	v3 =	vadd.f32 v4, v3;
	_ =	sdelay $0x1  }
0x3aa: {  	[tilespmem:s24+$0x8870] =	vst v3;
	v3 =	vld [tilespmem:s24+$0x8C00]  }
0x3ab: {  	v4 =	vld [tilespmem:s28+$0xF000];
	_ =	sdelay $0x4  }
0x3ac: {  	v3 =	vadd.f32 v4, v3;
	_ =	sdelay $0x1  }
0x3ad: {  	[tilespmem:s24+$0x8C00] =	vst v3;
	v3 =	vld [tilespmem:s24+$0x8C10]  }
0x3ae: {  	v4 =	vld [tilespmem:s28+$0xF010];
	_ =	sdelay $0x4  }
0x3af: {  	v3 =	vadd.f32 v4, v3;
	_ =	sdelay $0x1  }
0x3b0: {  	[tilespmem:s24+$0x8C10] =	vst v3;
	v3 =	vld [tilespmem:s24+$0x8C20]  }
0x3b1: {  	v4 =	vld [tilespmem:s28+$0xF020];
	_ =	sdelay $0x4  }
0x3b2: {  	v3 =	vadd.f32 v4, v3;
	_ =	sdelay $0x1  }
0x3b3: {  	[tilespmem:s24+$0x8C20] =	vst v3;
	v3 =	vld [tilespmem:s24+$0x8C30]  }
0x3b4: {  	v4 =	vld [tilespmem:s28+$0xF030];
	_ =	sdelay $0x4  }
0x3b5: {  	v3 =	vadd.f32 v4, v3;
	_ =	sdelay $0x1  }
0x3b6: {  	[tilespmem:s24+$0x8C30] =	vst v3;
	v3 =	vld [tilespmem:s24+$0x8C40]  }
0x3b7: {  	v4 =	vld [tilespmem:s28+$0xF040];
	_ =	sdelay $0x4  }
0x3b8: {  	v3 =	vadd.f32 v4, v3;
	_ =	sdelay $0x1  }
0x3b9: {  	[tilespmem:s24+$0x8C40] =	vst v3;
	v3 =	vld [tilespmem:s24+$0x8C50]  }
0x3ba: {  	v4 =	vld [tilespmem:s28+$0xF050];
	_ =	sdelay $0x4  }
0x3bb: {  	v3 =	vadd.f32 v4, v3;
	_ =	sdelay $0x1  }
0x3bc: {  	[tilespmem:s24+$0x8C50] =	vst v3;
	v3 =	vld [tilespmem:s24+$0x8C60]  }
0x3bd: {  	v4 =	vld [tilespmem:s28+$0xF060];
	_ =	sdelay $0x4  }
0x3be: {  	v3 =	vadd.f32 v4, v3;
	_ =	sdelay $0x1  }
0x3bf: {  	[tilespmem:s24+$0x8C60] =	vst v3;
	v3 =	vld [tilespmem:s24+$0x8C70]  }
0x3c0: {  	v4 =	vld [tilespmem:s28+$0xF070];
	_ =	sdelay $0x1  }
0x3c1: {  	s31 =	simm.s32 $0x0  }
0x3c2: {  	s29 =	smul.u32 $0x5000, s31;
	s26 =	simm.s32 $0x1;
	s28 =	simm.s32 $0x2  }
.LBB2_11:
0x3c3: {  	p0 =	sne.s32 s28, $0x27;
	s25 =	sadd.s32 $0x80, s25  }
0x3c4: {  	s26 =	sshll.u32 s26, $0x9;
	s2 =	sand.u32 $0x380, s25;
	s29 =	sshra.s32 s29, $0x2;
	v3 =	vadd.f32 v4, v3  }
0x3c5: {  	s30 =	sor.u32 s2, s29;
	s29 =	sand.u32 $0x3FFFF000, s26;
	s26 =	smov.u32 s28  }
0x3c6: {  	v4 =	vld [tilespmem:s30+$0x8000];
	s29 =	sor.u32 s2, s29;
	[tilespmem:s24+$0x8C70] =	vst v3;
	s24 =	smov.u32 s30  }
0x3c7: {  	v3 =	vld [tilespmem:s29+$0xE400];
	_ =	sdelay $0x4  }
0x3c8: {  	v3 =	vadd.f32 v3, v4;
	_ =	sdelay $0x1  }
0x3c9: {  	[tilespmem:s24+$0x8000] =	vst v3;
	v3 =	vld [tilespmem:s24+$0x8010]  }
0x3ca: {  	v4 =	vld [tilespmem:s29+$0xE410];
	_ =	sdelay $0x4  }
0x3cb: {  	v3 =	vadd.f32 v4, v3;
	_ =	sdelay $0x1  }
0x3cc: {  	[tilespmem:s24+$0x8010] =	vst v3;
	v3 =	vld [tilespmem:s24+$0x8020]  }
0x3cd: {  	v4 =	vld [tilespmem:s29+$0xE420];
	_ =	sdelay $0x4  }
0x3ce: {  	v3 =	vadd.f32 v4, v3;
	_ =	sdelay $0x1  }
0x3cf: {  	[tilespmem:s24+$0x8020] =	vst v3;
	v3 =	vld [tilespmem:s24+$0x8030]  }
0x3d0: {  	v4 =	vld [tilespmem:s29+$0xE430];
	_ =	sdelay $0x4  }
0x3d1: {  	v3 =	vadd.f32 v4, v3;
	_ =	sdelay $0x1  }
0x3d2: {  	[tilespmem:s24+$0x8030] =	vst v3;
	v3 =	vld [tilespmem:s24+$0x8040]  }
0x3d3: {  	v4 =	vld [tilespmem:s29+$0xE440];
	_ =	sdelay $0x4  }
0x3d4: {  	v3 =	vadd.f32 v4, v3;
	_ =	sdelay $0x1  }
0x3d5: {  	[tilespmem:s24+$0x8040] =	vst v3;
	v3 =	vld [tilespmem:s24+$0x8050]  }
0x3d6: {  	v4 =	vld [tilespmem:s29+$0xE450];
	_ =	sdelay $0x4  }
0x3d7: {  	v3 =	vadd.f32 v4, v3;
	_ =	sdelay $0x1  }
0x3d8: {  	[tilespmem:s24+$0x8050] =	vst v3;
	v3 =	vld [tilespmem:s24+$0x8060]  }
0x3d9: {  	v4 =	vld [tilespmem:s29+$0xE460];
	_ =	sdelay $0x4  }
0x3da: {  	v3 =	vadd.f32 v4, v3;
	_ =	sdelay $0x1  }
0x3db: {  	[tilespmem:s24+$0x8060] =	vst v3;
	v3 =	vld [tilespmem:s24+$0x8070]  }
0x3dc: {  	v4 =	vld [tilespmem:s29+$0xE470];
	_ =	sdelay $0x4  }
0x3dd: {  	v3 =	vadd.f32 v4, v3;
	_ =	sdelay $0x1  }
0x3de: {  	[tilespmem:s24+$0x8070] =	vst v3;
	v3 =	vld [tilespmem:s24+$0x8400]  }
0x3df: {  	v4 =	vld [tilespmem:s29+$0xE800];
	_ =	sdelay $0x4  }
0x3e0: {  	v3 =	vadd.f32 v4, v3;
	_ =	sdelay $0x1  }
0x3e1: {  	[tilespmem:s24+$0x8400] =	vst v3;
	v3 =	vld [tilespmem:s24+$0x8410]  }
0x3e2: {  	v4 =	vld [tilespmem:s29+$0xE810];
	_ =	sdelay $0x4  }
0x3e3: {  	v3 =	vadd.f32 v4, v3;
	_ =	sdelay $0x1  }
0x3e4: {  	[tilespmem:s24+$0x8410] =	vst v3;
	v3 =	vld [tilespmem:s24+$0x8420]  }
0x3e5: {  	v4 =	vld [tilespmem:s29+$0xE820];
	_ =	sdelay $0x4  }
0x3e6: {  	v3 =	vadd.f32 v4, v3;
	_ =	sdelay $0x1  }
0x3e7: {  	[tilespmem:s24+$0x8420] =	vst v3;
	v3 =	vld [tilespmem:s24+$0x8430]  }
0x3e8: {  	v4 =	vld [tilespmem:s29+$0xE830];
	_ =	sdelay $0x4  }
0x3e9: {  	v3 =	vadd.f32 v4, v3;
	_ =	sdelay $0x1  }
0x3ea: {  	[tilespmem:s24+$0x8430] =	vst v3;
	v3 =	vld [tilespmem:s24+$0x8440]  }
0x3eb: {  	v4 =	vld [tilespmem:s29+$0xE840];
	_ =	sdelay $0x4  }
0x3ec: {  	v3 =	vadd.f32 v4, v3;
	_ =	sdelay $0x1  }
0x3ed: {  	[tilespmem:s24+$0x8440] =	vst v3;
	v3 =	vld [tilespmem:s24+$0x8450]  }
0x3ee: {  	v4 =	vld [tilespmem:s29+$0xE850];
	_ =	sdelay $0x4  }
0x3ef: {  	v3 =	vadd.f32 v4, v3;
	_ =	sdelay $0x1  }
0x3f0: {  	[tilespmem:s24+$0x8450] =	vst v3;
	v3 =	vld [tilespmem:s24+$0x8460]  }
0x3f1: {  	v4 =	vld [tilespmem:s29+$0xE860];
	_ =	sdelay $0x4  }
0x3f2: {  	v3 =	vadd.f32 v4, v3;
	_ =	sdelay $0x1  }
0x3f3: {  	[tilespmem:s24+$0x8460] =	vst v3;
	v3 =	vld [tilespmem:s24+$0x8470]  }
0x3f4: {  	v4 =	vld [tilespmem:s29+$0xE870];
	_ =	sdelay $0x4  }
0x3f5: {  	v3 =	vadd.f32 v4, v3;
	_ =	sdelay $0x1  }
0x3f6: {  	[tilespmem:s24+$0x8470] =	vst v3;
	v3 =	vld [tilespmem:s24+$0x8800]  }
0x3f7: {  	v4 =	vld [tilespmem:s29+$0xEC00];
	_ =	sdelay $0x4  }
0x3f8: {  	v3 =	vadd.f32 v4, v3;
	_ =	sdelay $0x1  }
0x3f9: {  	[tilespmem:s24+$0x8800] =	vst v3;
	v3 =	vld [tilespmem:s24+$0x8810]  }
0x3fa: {  	v4 =	vld [tilespmem:s29+$0xEC10];
	_ =	sdelay $0x4  }
0x3fb: {  	v3 =	vadd.f32 v4, v3;
	_ =	sdelay $0x1  }
0x3fc: {  	[tilespmem:s24+$0x8810] =	vst v3;
	v3 =	vld [tilespmem:s24+$0x8820]  }
0x3fd: {  	v4 =	vld [tilespmem:s29+$0xEC20];
	_ =	sdelay $0x4  }
0x3fe: {  	v3 =	vadd.f32 v4, v3;
	_ =	sdelay $0x1  }
0x3ff: {  	[tilespmem:s24+$0x8820] =	vst v3;
	v3 =	vld [tilespmem:s24+$0x8830]  }
0x400: {  	v4 =	vld [tilespmem:s29+$0xEC30];
	_ =	sdelay $0x4  }
0x401: {  	v3 =	vadd.f32 v4, v3;
	_ =	sdelay $0x1  }
0x402: {  	[tilespmem:s24+$0x8830] =	vst v3;
	v3 =	vld [tilespmem:s24+$0x8840]  }
0x403: {  	v4 =	vld [tilespmem:s29+$0xEC40];
	_ =	sdelay $0x4  }
0x404: {  	v3 =	vadd.f32 v4, v3;
	_ =	sdelay $0x1  }
0x405: {  	[tilespmem:s24+$0x8840] =	vst v3;
	v3 =	vld [tilespmem:s24+$0x8850]  }
0x406: {  	v4 =	vld [tilespmem:s29+$0xEC50];
	_ =	sdelay $0x4  }
0x407: {  	v3 =	vadd.f32 v4, v3;
	_ =	sdelay $0x1  }
0x408: {  	[tilespmem:s24+$0x8850] =	vst v3;
	v3 =	vld [tilespmem:s24+$0x8860]  }
0x409: {  	v4 =	vld [tilespmem:s29+$0xEC60];
	_ =	sdelay $0x4  }
0x40a: {  	v3 =	vadd.f32 v4, v3;
	_ =	sdelay $0x1  }
0x40b: {  	[tilespmem:s24+$0x8860] =	vst v3;
	v3 =	vld [tilespmem:s24+$0x8870]  }
0x40c: {  	v4 =	vld [tilespmem:s29+$0xEC70];
	_ =	sdelay $0x4  }
0x40d: {  	v3 =	vadd.f32 v4, v3;
	_ =	sdelay $0x1  }
0x40e: {  	[tilespmem:s24+$0x8870] =	vst v3;
	v3 =	vld [tilespmem:s24+$0x8C00]  }
0x40f: {  	v4 =	vld [tilespmem:s29+$0xF000];
	_ =	sdelay $0x4  }
0x410: {  	v3 =	vadd.f32 v4, v3;
	_ =	sdelay $0x1  }
0x411: {  	[tilespmem:s24+$0x8C00] =	vst v3;
	v3 =	vld [tilespmem:s24+$0x8C10]  }
0x412: {  	v4 =	vld [tilespmem:s29+$0xF010];
	_ =	sdelay $0x4  }
0x413: {  	v3 =	vadd.f32 v4, v3;
	_ =	sdelay $0x1  }
0x414: {  	[tilespmem:s24+$0x8C10] =	vst v3;
	v3 =	vld [tilespmem:s24+$0x8C20]  }
0x415: {  	v4 =	vld [tilespmem:s29+$0xF020];
	_ =	sdelay $0x4  }
0x416: {  	v3 =	vadd.f32 v4, v3;
	_ =	sdelay $0x1  }
0x417: {  	[tilespmem:s24+$0x8C20] =	vst v3;
	v3 =	vld [tilespmem:s24+$0x8C30]  }
0x418: {  	v4 =	vld [tilespmem:s29+$0xF030];
	_ =	sdelay $0x4  }
0x419: {  	v3 =	vadd.f32 v4, v3;
	_ =	sdelay $0x1  }
0x41a: {  	[tilespmem:s24+$0x8C30] =	vst v3;
	v3 =	vld [tilespmem:s24+$0x8C40]  }
0x41b: {  	v4 =	vld [tilespmem:s29+$0xF040];
	_ =	sdelay $0x4  }
0x41c: {  	v3 =	vadd.f32 v4, v3;
	_ =	sdelay $0x1  }
0x41d: {  	[tilespmem:s24+$0x8C40] =	vst v3;
	v3 =	vld [tilespmem:s24+$0x8C50]  }
0x41e: {  	v4 =	vld [tilespmem:s29+$0xF050];
	_ =	sdelay $0x4  }
0x41f: {  	v3 =	vadd.f32 v4, v3;
	_ =	sdelay $0x1  }
0x420: {  	[tilespmem:s24+$0x8C50] =	vst v3;
	v3 =	vld [tilespmem:s24+$0x8C60]  }
0x421: {  	v4 =	vld [tilespmem:s29+$0xF060];
	_ =	sdelay $0x4  }
0x422: {  	v3 =	vadd.f32 v4, v3;
	_ =	sdelay $0x1  }
.Ltmp7:
0x423: {  	[tilespmem:s24+$0x8C60] =	vst v3;
	v3 =	vld [tilespmem:s24+$0x8C70];
	(pc) =	sbr.rel @p0 .LBB2_11-.Ltmp7, $3  }
0x424: {  	v4 =	vld [tilespmem:s29+$0xF070];
	_ =	sdelay $0x1  }
0x425: {  	s2 =	sshrl.u32 s28, $0x3  }
0x426: {  	s28 =	sadd.s32 $0x1, s28;
	s29 =	smul.u32 $0x5000, s2  }
0x427: {  	s2 =	sadd.s32 $0x80, s25  }
0x428: {  	s26 =	sshll.u32 s26, $0x9;
	s2 =	sand.u32 $0x380, s2;
	s28 =	sshra.s32 s29, $0x2;
	v3 =	vadd.f32 v4, v3  }
0x429: {  	s26 =	sand.u32 $0x3FFFF000, s26;
	s25 =	sor.u32 s2, s28  }
0x42a: {  	s26 =	sor.u32 s2, s26;
	v32 =	vld [tilespmem:s25+$0x8000];
	[tilespmem:s24+$0x8C70] =	vst v3  }
0x42b: {  	v3 =	vld [tilespmem:s26+$0xE400];
	_ =	sdelay $0x4  }
0x42c: {  	v3 =	vadd.f32 v3, v32;
	_ =	sdelay $0x1  }
0x42d: {  	[tilespmem:s25+$0x8000] =	vst v3;
	v3 =	vld [tilespmem:s25+$0x8010]  }
0x42e: {  	v33 =	vld [tilespmem:s26+$0xE410];
	_ =	sdelay $0x4  }
0x42f: {  	v3 =	vadd.f32 v33, v3;
	_ =	sdelay $0x1  }
0x430: {  	[tilespmem:s25+$0x8010] =	vst v3;
	v3 =	vld [tilespmem:s25+$0x8020]  }
0x431: {  	v34 =	vld [tilespmem:s26+$0xE420];
	_ =	sdelay $0x4  }
0x432: {  	v3 =	vadd.f32 v34, v3;
	_ =	sdelay $0x1  }
0x433: {  	[tilespmem:s25+$0x8020] =	vst v3;
	v3 =	vld [tilespmem:s25+$0x8030]  }
0x434: {  	v35 =	vld [tilespmem:s26+$0xE430];
	_ =	sdelay $0x4  }
0x435: {  	v3 =	vadd.f32 v35, v3;
	_ =	sdelay $0x1  }
0x436: {  	[tilespmem:s25+$0x8030] =	vst v3;
	v3 =	vld [tilespmem:s25+$0x8040]  }
0x437: {  	v36 =	vld [tilespmem:s26+$0xE440];
	_ =	sdelay $0x4  }
0x438: {  	v3 =	vadd.f32 v36, v3;
	_ =	sdelay $0x1  }
0x439: {  	[tilespmem:s25+$0x8040] =	vst v3;
	v3 =	vld [tilespmem:s25+$0x8050]  }
0x43a: {  	v37 =	vld [tilespmem:s26+$0xE450];
	_ =	sdelay $0x4  }
0x43b: {  	v3 =	vadd.f32 v37, v3;
	_ =	sdelay $0x1  }
0x43c: {  	[tilespmem:s25+$0x8050] =	vst v3;
	v3 =	vld [tilespmem:s25+$0x8060]  }
0x43d: {  	v38 =	vld [tilespmem:s26+$0xE460];
	_ =	sdelay $0x4  }
0x43e: {  	v3 =	vadd.f32 v38, v3;
	_ =	sdelay $0x1  }
0x43f: {  	[tilespmem:s25+$0x8060] =	vst v3;
	v3 =	vld [tilespmem:s25+$0x8070]  }
0x440: {  	v39 =	vld [tilespmem:s26+$0xE470];
	_ =	sdelay $0x4  }
0x441: {  	v3 =	vadd.f32 v39, v3;
	_ =	sdelay $0x1  }
0x442: {  	[tilespmem:s25+$0x8070] =	vst v3;
	v3 =	vld [tilespmem:s25+$0x8400]  }
0x443: {  	v40 =	vld [tilespmem:s26+$0xE800];
	_ =	sdelay $0x4  }
0x444: {  	v3 =	vadd.f32 v40, v3;
	_ =	sdelay $0x1  }
0x445: {  	[tilespmem:s25+$0x8400] =	vst v3;
	v3 =	vld [tilespmem:s25+$0x8410]  }
0x446: {  	v41 =	vld [tilespmem:s26+$0xE810];
	_ =	sdelay $0x4  }
0x447: {  	v3 =	vadd.f32 v41, v3;
	_ =	sdelay $0x1  }
0x448: {  	[tilespmem:s25+$0x8410] =	vst v3;
	v3 =	vld [tilespmem:s25+$0x8420]  }
0x449: {  	v42 =	vld [tilespmem:s26+$0xE820];
	_ =	sdelay $0x4  }
0x44a: {  	v3 =	vadd.f32 v42, v3;
	_ =	sdelay $0x1  }
0x44b: {  	[tilespmem:s25+$0x8420] =	vst v3;
	v3 =	vld [tilespmem:s25+$0x8430]  }
0x44c: {  	v43 =	vld [tilespmem:s26+$0xE830];
	_ =	sdelay $0x4  }
0x44d: {  	v3 =	vadd.f32 v43, v3;
	_ =	sdelay $0x1  }
0x44e: {  	[tilespmem:s25+$0x8430] =	vst v3;
	v3 =	vld [tilespmem:s25+$0x8440]  }
0x44f: {  	v44 =	vld [tilespmem:s26+$0xE840];
	_ =	sdelay $0x4  }
0x450: {  	v3 =	vadd.f32 v44, v3;
	_ =	sdelay $0x1  }
0x451: {  	[tilespmem:s25+$0x8440] =	vst v3;
	v3 =	vld [tilespmem:s25+$0x8450]  }
0x452: {  	v45 =	vld [tilespmem:s26+$0xE850];
	_ =	sdelay $0x4  }
0x453: {  	v3 =	vadd.f32 v45, v3;
	_ =	sdelay $0x1  }
0x454: {  	[tilespmem:s25+$0x8450] =	vst v3;
	v3 =	vld [tilespmem:s25+$0x8460]  }
0x455: {  	v46 =	vld [tilespmem:s26+$0xE860];
	_ =	sdelay $0x4  }
0x456: {  	v3 =	vadd.f32 v46, v3;
	_ =	sdelay $0x1  }
0x457: {  	[tilespmem:s25+$0x8460] =	vst v3;
	v3 =	vld [tilespmem:s25+$0x8470]  }
0x458: {  	v47 =	vld [tilespmem:s26+$0xE870];
	_ =	sdelay $0x4  }
0x459: {  	v3 =	vadd.f32 v47, v3;
	_ =	sdelay $0x1  }
0x45a: {  	[tilespmem:s25+$0x8470] =	vst v3;
	v3 =	vld [tilespmem:s25+$0x8800]  }
0x45b: {  	v48 =	vld [tilespmem:s26+$0xEC00];
	_ =	sdelay $0x4  }
0x45c: {  	v3 =	vadd.f32 v48, v3;
	_ =	sdelay $0x1  }
0x45d: {  	[tilespmem:s25+$0x8800] =	vst v3;
	v3 =	vld [tilespmem:s25+$0x8810]  }
0x45e: {  	v49 =	vld [tilespmem:s26+$0xEC10];
	_ =	sdelay $0x4  }
0x45f: {  	v3 =	vadd.f32 v49, v3;
	_ =	sdelay $0x1  }
0x460: {  	[tilespmem:s25+$0x8810] =	vst v3;
	v3 =	vld [tilespmem:s25+$0x8820]  }
0x461: {  	v50 =	vld [tilespmem:s26+$0xEC20];
	_ =	sdelay $0x4  }
0x462: {  	v3 =	vadd.f32 v50, v3;
	_ =	sdelay $0x1  }
0x463: {  	[tilespmem:s25+$0x8820] =	vst v3;
	v3 =	vld [tilespmem:s25+$0x8830]  }
0x464: {  	v51 =	vld [tilespmem:s26+$0xEC30];
	_ =	sdelay $0x4  }
0x465: {  	v3 =	vadd.f32 v51, v3;
	_ =	sdelay $0x1  }
0x466: {  	[tilespmem:s25+$0x8830] =	vst v3;
	v3 =	vld [tilespmem:s25+$0x8840]  }
0x467: {  	v52 =	vld [tilespmem:s26+$0xEC40];
	_ =	sdelay $0x4  }
0x468: {  	v3 =	vadd.f32 v52, v3;
	_ =	sdelay $0x1  }
0x469: {  	[tilespmem:s25+$0x8840] =	vst v3;
	v3 =	vld [tilespmem:s25+$0x8850]  }
0x46a: {  	v53 =	vld [tilespmem:s26+$0xEC50];
	_ =	sdelay $0x4  }
0x46b: {  	v3 =	vadd.f32 v53, v3;
	_ =	sdelay $0x1  }
0x46c: {  	[tilespmem:s25+$0x8850] =	vst v3;
	v3 =	vld [tilespmem:s25+$0x8860]  }
0x46d: {  	v54 =	vld [tilespmem:s26+$0xEC60];
	_ =	sdelay $0x4  }
0x46e: {  	v3 =	vadd.f32 v54, v3;
	_ =	sdelay $0x1  }
0x46f: {  	[tilespmem:s25+$0x8860] =	vst v3;
	v3 =	vld [tilespmem:s25+$0x8870]  }
0x470: {  	v55 =	vld [tilespmem:s26+$0xEC70];
	_ =	sdelay $0x4  }
0x471: {  	v3 =	vadd.f32 v55, v3;
	_ =	sdelay $0x1  }
0x472: {  	[tilespmem:s25+$0x8870] =	vst v3;
	v3 =	vld [tilespmem:s25+$0x8C00]  }
0x473: {  	v56 =	vld [tilespmem:s26+$0xF000];
	_ =	sdelay $0x4  }
0x474: {  	v3 =	vadd.f32 v56, v3;
	_ =	sdelay $0x1  }
0x475: {  	[tilespmem:s25+$0x8C00] =	vst v3;
	v3 =	vld [tilespmem:s25+$0x8C10]  }
0x476: {  	v57 =	vld [tilespmem:s26+$0xF010];
	_ =	sdelay $0x4  }
0x477: {  	v3 =	vadd.f32 v57, v3;
	_ =	sdelay $0x1  }
0x478: {  	[tilespmem:s25+$0x8C10] =	vst v3;
	v3 =	vld [tilespmem:s25+$0x8C20]  }
0x479: {  	v58 =	vld [tilespmem:s26+$0xF020];
	_ =	sdelay $0x4  }
0x47a: {  	v3 =	vadd.f32 v58, v3;
	_ =	sdelay $0x1  }
0x47b: {  	[tilespmem:s25+$0x8C20] =	vst v3;
	v3 =	vld [tilespmem:s25+$0x8C30]  }
0x47c: {  	v59 =	vld [tilespmem:s26+$0xF030];
	_ =	sdelay $0x4  }
0x47d: {  	v3 =	vadd.f32 v59, v3;
	_ =	sdelay $0x1  }
0x47e: {  	[tilespmem:s25+$0x8C30] =	vst v3;
	v3 =	vld [tilespmem:s25+$0x8C40]  }
0x47f: {  	v60 =	vld [tilespmem:s26+$0xF040];
	_ =	sdelay $0x4  }
0x480: {  	v3 =	vadd.f32 v60, v3;
	_ =	sdelay $0x1  }
0x481: {  	[tilespmem:s25+$0x8C40] =	vst v3;
	v3 =	vld [tilespmem:s25+$0x8C50]  }
0x482: {  	v61 =	vld [tilespmem:s26+$0xF050];
	_ =	sdelay $0x4  }
0x483: {  	v3 =	vadd.f32 v61, v3;
	_ =	sdelay $0x1  }
0x484: {  	[tilespmem:s25+$0x8C50] =	vst v3;
	v3 =	vld [tilespmem:s25+$0x8C60]  }
0x485: {  	v62 =	vld [tilespmem:s26+$0xF060];
	_ =	sdelay $0x4  }
0x486: {  	v3 =	vadd.f32 v62, v3;
	_ =	sdelay $0x1  }
0x487: {  	[tilespmem:s25+$0x8C60] =	vst v3;
	v3 =	vld [tilespmem:s25+$0x8C70]  }
0x488: {  	v63 =	vld [tilespmem:s26+$0xF070];
	_ =	sdelay $0x4  }
0x489: {  	v3 =	vadd.f32 v63, v3;
	_ =	sdelay $0x1  }
0x48a: {  	s29 =	rddreg [dreg:$0x6];
	s24 =	simm.s32 $0x5;
	[tilespmem:s25+$0x8C70] =	vst v3  }
0x48b: {  	[hbm4b:s29+s3] =	stream.linear.scatter [tilespmem:s16], [sflag:$0x5], $0x6400, $0x38;
	[tilespmem:$0x1E800] =	vst v63  }
0x48c: {  	_ =	swait.ge [sflag:s24], $0x6400  }
0x48d: {  	s30 =	rddreg [dreg:$0x8]  }
0x48e: {  	s31 =	rddreg [dreg:$0x7];
	s25 =	sadd.s32 $0x1, s30  }
0x48f: {  	p0 =	sne.s32 s25, s31  }
.Ltmp8:
0x490: {  	_ = 	snop;
	(pc) =	sbr.rel @p0 .LBB2_1-.Ltmp8, $3  }
0x491: {  	_ =	sdelay $0x1  }
0x492: {  	[sflag:s24] =	ssyncset.done $0x0  }
0x493: {  	[sflag:s24] =	ssyncadd.s32 $0xFFFF9C00  }
0x494: {  	_ =	sfence.sel $0x180000  }
0x495: {  	[bflag:$0x0] =	sbarrier.arrive $0xFFFF  }
0x496: {  	_ =	strace $0x90000047  }
0x497: {  	s0 =	stileid.u32;
	[bflag:$0x2] =	sbarrier.arrive $0xFFFF  }
0x498: {  	p0 =	sne.s32 s0, $0x0;
	s0 =	rddreg [dreg:$0x3]  }
0x499: {  	s0 =	sadd.s32 @!p0 $0x100000, s0  }
0x49a: {  	[sflag:s0] =	ssyncadd.tile.s32 @!p0 $0x1;
	_ =	shalt  }
.Lfunc_end2:
_tile_overlayer_lowered:
.L_overlay_start_2:
0x49b: {  	(tag) =	ssettag $0x2  }
0x49c: {  	s0 =	rddreg [dreg:$0x0];
	s2 =	stileid.u32  }
0x49d: {  	s1 =	rddreg [dreg:$0x1];
	p0 =	sne.s32 s2, $0x0  }
0x49e: {  	s3 =	rddreg [dreg:$0x2];
	[bflag:$0x3] =	sbarrier.arrive $0xFFFF;
	s2 =	simm.s32 @!p0 $0x1C05  }
0x49f: {  	[timem:s3], [sflag:s2] =	dma.local @!p0 [hbm:s0], s1  }
0x4a0: {  	s0 =	simm.s32 @!p0 $0x5  }
0x4a1: {  	_ =	swait.ge @!p0 [sflag:s0], s1  }
0x4a2: {  	s1 =	ssub.s32 @!p0 $0x0, s1;
	[sflag:s0] =	ssyncset.done @!p0 $0x0  }
0x4a3: {  	[sflag:s0] =	ssyncadd.s32 @!p0 s1  }
0x4a4: {  	[bflag:$0x3] =	sbarrier.arrive $0xFFFF  }
0x4a5: {  	_ =	shalt  }

// kernel: kernel.16.cloned.1.call-start
scs
__scs_entry_jumppad:
0x0: {  	(pc) =	sbr.rel $0x88, $3  }
0x1: {  	(tag) =	ssettag $0x0;
	lr =	simm.s32 $0x1  }
0x2: {  	[smem:$0x3F80] =	sst lr;
	_ =	strace $0xD0000000  }
0x3: {  	_ = 	snop  }
0x4: {  	_ = 	snop  }
0x5: {  	_ = 	snop  }
0x6: {  	_ = 	snop  }
0x7: {  	_ = 	snop  }
__scs_overlays_trampoline_lowered:
0x8: {  	[smem:$0x3F8F] =	sst s0  }
0x9: {  	[smem:$0x3F90] =	sst s1  }
0xa: {  	[smem:$0x3F91] =	sst s2  }
0xb: {  	[smem:$0x3F92] =	sst s3  }
0xc: {  	[smem:$0x3F93] =	sst s4  }
0xd: {  	[smem:$0x3F94] =	sst s5  }
0xe: {  	[smem:$0x3F95] =	sst s6  }
0xf: {  	[smem:$0x3F96] =	sst s7  }
0x10: {  	[smem:$0x3F97] =	sst s8  }
0x11: {  	[smem:$0x3F98] =	sst s9;
	s0 =	simm.s32 @!p0 $0x0  }
0x12: {  	s1 =	sld [smem:$0x3F7E];
	s0 =	simm.s32 @p0 $0x1  }
0x13: {  	[smem:$0x3F99] =	sst s0;
	s0 =	simm.s32 @!p1 $0x0  }
0x14: {  	s2 =	sld [smem:$0x3F7D];
	s0 =	simm.s32 @p1 $0x1  }
0x15: {  	[smem:$0x3F9A] =	sst s0;
	s0 =	simm.s32 @!p2 $0x0  }
0x16: {  	s3 =	sld [smem:$0x3FDB];
	s0 =	simm.s32 @p2 $0x1  }
0x17: {  	s4 =	simm.s32 $0x1BF5;
	[smem:$0x3F9C] =	sst s0  }
0x18: {  	s0 =	sld [smem:$0x3F7F];
	_ =	swait.ge [sflag:s4], $0x0  }
0x19: {  	s7 =	sld [smem:$0x3F80]  }
0x1a: {  	s8 =	sadd.s32 $0xFFFFE003, lr  }
0x1b: {  	s9 =	sadd.s32 $0xFFFFFEF7, lr;
	s5 =	simm.s32 $0xFFFFFFFF;
	p2 =	slt.u32 s8, $0xFFFFF086  }
0x1c: {  	p1 =	slt.u32 s9, $0xF7A;
	s5 =	simm.s32 @!p2 $0x0  }
0x1d: {  	s5 =	simm.s32 @p1 $0x1;
	p0 =	seq.s32 s7, s2  }
0x1e: {  	s7 =	smul.u32 @!p0 $0xF7A, s2;
	p2 =	seq.s32 @!p0 s5, $0x0  }
0x1f: {  	s9 =	smul.u32 $0xF7A, s1;
	s8 =	simm.s32 @!p0 $0x1BF5;
	p2 =	por !p2, p0  }
0x20: {  	[sflag:s8] =	ssyncset.s32 @!p0 $0xFFFFF086;
	s6 =	sadd.s32 @!p0 s3, s7;
	s7 =	simm.s32 @!p0 $0x108  }
0x21: {  	s3 =	sadd.s32 s3, s9;
	s6 =	sadd.s32 @!p0 $0x88, s6;
	s7 =	simm.s32 @p2 $0x1082  }
0x22: {  	[simem:s7], [sflag:s8] =	dma.local @!p0 [hbm:s6], $0xF7A  }
0x23: {  	s9 =	sor.u32 $0xD0000000, s2;
	s6 =	simm.s32 $0x108;
	_ =	swait.ge @!p0 [sflag:s8], $0x0  }
0x24: {  	s3 =	sadd.s32 $0x88, s3;
	s6 =	simm.s32 @!p1 $0x1082;
	[sflag:s4] =	ssyncset.s32 $0xFFFFF086  }
0x25: {  	[simem:s6], [sflag:s4] =	dma.local [hbm:s3], $0xF7A  }
0x26: {  	[smem:$0x3F80] =	sst s1;
	(tag) =	ssettag s2;
	_ =	strace s9  }
0x27: {  	s1 =	sld [smem:$0x3F90]  }
0x28: {  	s2 =	sld [smem:$0x3F91]  }
0x29: {  	s4 =	sld [smem:$0x3F93]  }
0x2a: {  	p0 =	seq.s32 s5, $0x0;
	s5 =	sld [smem:$0x3F94]  }
0x2b: {  	s6 =	sld [smem:$0x3F95]  }
0x2c: {  	s7 =	sld [smem:$0x3F96]  }
0x2d: {  	s3 =	simm.s32 $0x108;
	s8 =	sld [smem:$0x3F97]  }
0x2e: {  	s3 =	simm.s32 @!p0 $0x1082;
	s9 =	sld [smem:$0x3F98]  }
0x2f: {  	lr =	sadd.s32 s0, s3;
	s0 =	sld [smem:$0x3F8F]  }
0x30: {  	s3 =	sld [smem:$0x3F92]  }
0x31: {  	[smem:$0x3F9B] =	sst s10  }
0x32: {  	s10 =	sld [smem:$0x3F99];
	_ =	sdelay $0x3  }
0x33: {  	p0 =	seq.s32 s10, $0x1;
	s10 =	sld [smem:$0x3F9B];
	_ =	sdelay $0x3  }
0x34: {  	[smem:$0x3F9B] =	sst s10  }
0x35: {  	s10 =	sld [smem:$0x3F9A];
	_ =	sdelay $0x3  }
0x36: {  	p1 =	seq.s32 s10, $0x1;
	s10 =	sld [smem:$0x3F9B];
	_ =	sdelay $0x3  }
0x37: {  	[smem:$0x3F9B] =	sst s10  }
0x38: {  	s10 =	sld [smem:$0x3F9C]  }
0x39: {  	_ = 	snop;
	(pc) =	sbr.ind lr, $3  }
0x3a: {  	_ = 	snop  }
0x3b: {  	_ = 	snop  }
0x3c: {  	p2 =	seq.s32 s10, $0x1;
	s10 =	sld [smem:$0x3F9B]  }
0x3d: {  	_ =	shalt  }
0x3e: {  	_ =	shalt  }
0x3f: {  	_ =	shalt  }
0x40: {  	_ =	shalt  }
0x41: {  	_ =	shalt  }
0x42: {  	_ =	shalt  }
0x43: {  	_ =	shalt  }
0x44: {  	_ =	shalt  }
0x45: {  	_ =	shalt  }
0x46: {  	_ =	shalt  }
0x47: {  	_ =	shalt  }
0x48: {  	_ =	shalt  }
0x49: {  	_ =	shalt  }
0x4a: {  	_ =	shalt  }
0x4b: {  	_ =	shalt  }
0x4c: {  	_ =	shalt  }
0x4d: {  	_ =	shalt  }
0x4e: {  	_ =	shalt  }
0x4f: {  	_ =	shalt  }
0x50: {  	_ =	shalt  }
0x51: {  	_ =	shalt  }
0x52: {  	_ =	shalt  }
0x53: {  	_ =	shalt  }
0x54: {  	_ =	shalt  }
0x55: {  	_ =	shalt  }
0x56: {  	_ =	shalt  }
0x57: {  	_ =	shalt  }
0x58: {  	_ =	shalt  }
0x59: {  	_ =	shalt  }
0x5a: {  	_ =	shalt  }
0x5b: {  	_ =	shalt  }
0x5c: {  	_ =	shalt  }
0x5d: {  	_ =	shalt  }
0x5e: {  	_ =	shalt  }
0x5f: {  	_ =	shalt  }
0x60: {  	_ =	shalt  }
0x61: {  	_ =	shalt  }
0x62: {  	_ =	shalt  }
0x63: {  	_ =	shalt  }
0x64: {  	_ =	shalt  }
0x65: {  	_ =	shalt  }
0x66: {  	_ =	shalt  }
0x67: {  	_ =	shalt  }
0x68: {  	_ =	shalt  }
0x69: {  	_ =	shalt  }
0x6a: {  	_ =	shalt  }
0x6b: {  	_ =	shalt  }
0x6c: {  	_ =	shalt  }
0x6d: {  	_ =	shalt  }
0x6e: {  	_ =	shalt  }
0x6f: {  	_ =	shalt  }
0x70: {  	_ =	shalt  }
0x71: {  	_ =	shalt  }
0x72: {  	_ =	shalt  }
0x73: {  	_ =	shalt  }
0x74: {  	_ =	shalt  }
0x75: {  	_ =	shalt  }
0x76: {  	_ =	shalt  }
0x77: {  	_ =	shalt  }
0x78: {  	_ =	shalt  }
0x79: {  	_ =	shalt  }
0x7a: {  	_ =	shalt  }
0x7b: {  	_ =	shalt  }
0x7c: {  	_ =	shalt  }
0x7d: {  	_ =	shalt  }
0x7e: {  	_ =	shalt  }
0x7f: {  	_ =	shalt  }
0x80: {  	_ =	shalt  }
0x81: {  	_ =	shalt  }
0x82: {  	_ =	shalt  }
0x83: {  	_ =	shalt  }
0x84: {  	_ =	shalt  }
0x85: {  	_ =	shalt  }
0x86: {  	_ =	shalt  }
0x87: {  	_ =	shalt  }
.Lfunc_end0:
.L_simem_size_0:
called_computation.1_lowered:
.L_overlay_start_0:
0x88: {  	s2 =	sld [smem:$0x3FD9]  }
0x89: {  	s3 =	sld [smem:$0x3FFE];
	_ =	sdelay $0x1  }
0x8a: {  	s1 =	srdreg.scid  }
0x8b: {  	s0 =	sand.u32 $0x1, s1  }
0x8c: {  	s14 =	sshll.u32 s0, $0xA;
	s2 =	sadd.s32 s3, s2  }
0x8d: {  	s2 =	sadd.s32 s2, s14  }
0x8e: {  	[smem:$0x3FA7] =	sst s2  }
0x8f: {  	_ = 	snop  }
0x90: {  	s2 =	sld [smem:$0x3FD0];
	_ =	sdelay $0x2  }
0x91: {  	s15 =	simm.s32 $0xA;
	s4 =	simm.s32 $0x10  }
0x92: {  	[smem:s4], [sflag:s15] =	dma.local [hbm:s2], $0x1  }
0x93: {  	_ =	swait.eq [sflag:s15], $0x1  }
0x94: {  	[sflag:s15] =	ssyncset.done $0x0  }
0x95: {  	s16 =	sld [smem:$0x10];
	[sflag:s15] =	ssyncadd.s32 $0xFFFFFFFF  }
0x96: {  	s17 =	sld [smem:$0x11];
	(tm) =	ssettm $0x1  }
0x97: {  	s18 =	sld [smem:$0x3FFB];
	_ =	sdelay $0x3  }
0x98: {  	_ =	strace s18  }
0x99: {  	s4 =	sld [smem:$0x3FFC];
	_ =	sdelay $0x3  }
0x9a: {  	_ =	strace s4  }
0x9b: {  	s4 =	sld [smem:$0x3FFD];
	_ =	sdelay $0x3  }
0x9c: {  	_ =	strace s4  }
0x9d: {  	_ =	strace $0x8FFFFFFF  }
0x9e: {  	s19 =	sld [smem:$0x3FDB];
	_ =	sdelay $0x1  }
0x9f: {  	s5 =	simm.s32 $_scs_section_size  }
0xa0: {  	s6 =	simm.s32 $_size__tile_overlayer_lowered;
	s7 =	simm.s32 $_tile_overlayer_lowered  }
0xa1: {  	s22 =	simm.s32 $0x1BFF;
	s21 =	sshll.u32 s7, $0x1;
	s4 =	sadd.s32 s5, s19  }
0xa2: {  	s8 =	simm.s32 $0x0;
	s20 =	sshll.u32 s6, $0x1;
	s6 =	sadd.s32 s21, s4  }
0xa3: {  	[timem:s8], [sflag:s22] =	dma.local [hbm:s6], s20  }
0xa4: {  	_ =	swait.ge [sflag:s22], s20  }
0xa5: {  	s5 =	ssub.s32 $0x0, s20;
	[sflag:s22] =	ssyncset.done $0x0  }
0xa6: {  	[sflag:s22] =	ssyncadd.s32 s5;
	_ =	sdelay $0x1  }
0xa7: {  	s23 =	simm.s32 $0x1B8B  }
0xa8: {  	_ =	swait.ge [sflag:s23], $0x1  }
0xa9: {  	[sflag:s23] =	ssyncset.done $0x0  }
0xaa: {  	s25 =	simm.s32 $0x1B8E;
	s24 =	sld [smem:$0x3FFE];
	[sflag:s23] =	ssyncadd.s32 $0xFFFFFFFF  }
0xab: {  	s26 =	simm.s32 $execute0_lowered;
	[smem:$0x3FD2] =	sst s25  }
0xac: {  	s6 =	sshll.u32 s26, $0x1;
	_ =	strace $0x80000049;
	[dreg:$0x1] =	wrdreg $0xFFFFFFFF  }
0xad: {  	s28 =	simm.s32 $_size_execute0_lowered;
	s4 =	sadd.s32 s4, s6;
	[dreg:$0x0] =	wrdreg $0x0  }
0xae: {  	s6 =	sshll.u32 s28, $0x1;
	[dreg:$0x2] =	wrdreg s4  }
0xaf: {  	[dreg:$0x3] =	wrdreg s6  }
0xb0: {  	[dreg:$0x4] =	wrdreg $0xC0  }
0xb1: {  	_ =	task [dreg:s8], $0x5FFFF  }
0xb2: {  	[dreg:$0x1] =	wrdreg $0xFFFFFFFF  }
0xb3: {  	[dreg:$0x0] =	wrdreg $0x60  }
0xb4: {  	[dreg:$0x2] =	wrdreg s17  }
0xb5: {  	[dreg:$0x3] =	wrdreg s24  }
0xb6: {  	[dreg:$0x4] =	wrdreg s16  }
0xb7: {  	[dreg:$0x5] =	wrdreg $0x81000  }
0xb8: {  	[dreg:$0x6] =	wrdreg $0x9  }
0xb9: {  	_ =	task.clear_ibuf [dreg:s8], $0x7FFFF;
	_ =	strace $0x90000049  }
0xba: {  	s29 =	simm.s32 $0x9;
	_ =	strace $0x8000004B  }
0xbb: {  	_ =	swait.ge [sflag:s29], $0x1  }
0xbc: {  	[sflag:s29] =	ssyncadd.s32 $0xFFFFFFFF  }
0xbd: {  	_ =	strace $0x9000004B  }
0xbe: {  	_ =	sfence  }
0xbf: {  	s30 =	sld [smem:$0x0];
	_ =	sdelay $0x2  }
0xc0: {  	s31 =	sshll.u32 s1, $0xD;
	s1 =	sshrl.u32 s1, $0x2  }
0xc1: {  	s3 =	sand.u32 $0x4000, s31;
	s1 =	sadd.s32 s1, s30  }
0xc2: {  	s0 =	sor.u32 s3, s0;
	s1 =	sshll.u32 s1, $0x11  }
0xc3: {  	s0 =	sor.u32 s1, s0  }
0xc4: {  	s0 =	sadd.s32 $0x8F2B, s0  }
0xc5: {  	[sflag:s0] =	ssyncadd.remote.s32 $0x1  }
0xc6: {  	_ =	sfence.sel $0xFFFF  }
0xc7: {  	[dreg:$0x0] =	wrdreg $0xFFFFFFFF;
	(pc) =	sbr.abs _section_cstart, $3  }
0xc8: {  	[dreg:$0x1] =	wrdreg $0xFFFFFFFF  }
0xc9: {  	_ =	task.clear_ibuf [dreg:s8], $0x2FFFF;
	_ =	strace $0x9FFFFFFF  }
0xca: {  	(tm) =	ssettm $0x7FFFFFFF  }
0xcb: {  	_ =	shalt  }
tec
execute0_lowered:
.L_overlay_start_1:
0x0: {  	(tag) =	ssettag $0x1  }
0x1: {  	s1 =	rddreg [dreg:$0x0]  }
0x2: {  	s0 =	rddreg [dreg:$0x1]  }
0x3: {  	s10 =	rddreg [dreg:$0x2]  }
0x4: {  	s2 =	rddreg [dreg:$0x3]  }
0x5: {  	s3 =	simm.s32 $0x0;
	s4 =	srdreg.scid;
	s18 =	stileid.u32  }
0x6: {  	s20 =	simm.s32 $0x80;
	s21 =	simm.s32 $0x3;
	s22 =	simm.s32 $0x4  }
0x7: {  	s28 =	simm.s32 $0x0;
	[smem:$0x7FF] =	sst s3;
	s9 =	sand.u32 $0x1, s4  }
0x8: {  	s5 =	smul.u32 $0x4E000, s18;
	s8 =	sadd.s32 $0x2E600, s0;
	s4 =	sadd.s32 $0x34600, s0  }
0x9: {  	s29 =	sshll.u32 s18, $0x6;
	s17 =	sadd.s32 $0x138000, s2;
	s30 =	sshll.u32 s18, $0x4  }
0xa: {  	s7 =	sshll.u32 s18, $0xF;
	s12 =	sshll.u32 s18, $0x7;
	s16 =	smul.u32 $0x27000, s18  }
0xb: {  	p0 =	sne.s32 s18, $0x0;
	p1 =	sgt.u32 s18, $0x1;
	_ =	strace $0x8000004A  }
0xc: {  	s6 =	ssub.s32 $0x2, s9;
	s11 =	sshll.u32 s9, $0xA;
	s12 =	sor.u32 $0x27000, s12  }
0xd: {  	s9 =	sshll.u32 s9, $0x7;
	s17 =	sshrl.u32 @!p0 s17, $0x3;
	s26 =	sshrl.u32 s6, $0x1  }
0xe: {  	s5 =	sshrl.u32 s5, $0x2;
	s14 =	sor.u32 s11, s7;
	s13 =	sshrl.u32 s12, $0x3  }
0xf: {  	s12 =	sshll.u32 s12, $0x8;
	s31 =	sadd.s32 s9, s10;
	s0 =	ssub.s32 s6, s26  }
0x10: {  	s15 =	sadd.s32 s5, s2;
	s5 =	sor.u32 $0x1C05, s29;
	s6 =	sadd.s32 s8, s30  }
0x11: {  	s7 =	sshrl.u32 s14, $0x3;
	s8 =	sadd.s32 s8, s13;
	s12 =	sor.u32 s11, s12  }
0x12: {  	s11 =	sor.u32 s11, s16;
	s14 =	sor.u32 $0x80000, s14;
	s16 =	simm.s32 $0x5  }
0x13: {  	s7 =	sadd.s32 s1, s7;
	s12 =	sshrl.u32 s12, $0x3;
	s11 =	sshrl.u32 s11, $0x3  }
0x14: {  	s13 =	sadd.s32 $0x100, s6;
	s15 =	sshrl.u32 s15, $0x3;
	s9 =	sadd.s32 s1, s12  }
0x15: {  	s10 =	sadd.s32 s10, s11;
	s11 =	sadd.s32 $0x4E000, s31;
	s12 =	smax.u32 s0, $0x1  }
.LBB2_1:
0x16: {  	[spmem:s15], [sflag:s5] =	dma.local [hbm:s4], $0x2700  }
0x17: {  	_ =	swait.ge [sflag:s16], $0x2700  }
0x18: {  	[sflag:s16] =	ssyncset.done $0x0  }
0x19: {  	s0 =	simm.s32 @!p0 $0x5;
	[sflag:s16] =	ssyncadd.s32 $0xFFFFD900  }
0x1a: {  	[spmem:s17], [sflag:s5] =	dma.local @!p0 [hbm:s4], $0x100  }
0x1b: {  	_ =	swait.ge @!p0 [sflag:s0], $0x100  }
0x1c: {  	s25 =	sand.u32 $0x1, s3;
	[sflag:s0] =	ssyncset.done @!p0 $0x0  }
0x1d: {  	p3 =	seq.s32 s25, $0x1;
	[sflag:s0] =	ssyncadd.s32 @!p0 $0xFFFFFF00  }
0x1e: {  	p2 =	por p3, p3;
	[bflag:$0x0] =	sbarrier.arrive $0xFFFF  }
0x1f: {  	[tilespmem:s3], [sflag:$0x1] =	stream.linear.gather [hbm4b:s6+s3], $0x80, $0x38;
	[tilespmem:$0x1B980] =	vst v63  }
0x20: {  	s24 =	simm.s32 $0x400;
	s18 =	simm.s32 $0x800;
	s19 =	simm.s32 @p2 $0x3  }
0x21: {  	[tilespmem:s20], [sflag:$0x2] =	stream.strided.gather [hbm4b:s7+s24], $0x4000, s18, s24, $0x38;
	[tilespmem:$0x1B980] =	vst v63  }
0x22: {  	s23 =	simm.s32 @p2 $0x800;
	s0 =	sshrl.u32 @p3 s14, $0x3;
	s18 =	simm.s32 @p2 $0x0  }
0x23: {  	[tilespmem:s18], [sflag:$0x1] =	stream.linear.gather @p2 [hbm4b:s13+s18], $0x80, $0x38;
	[tilespmem:$0x1B980] =	vst v63  }
0x24: {  	s0 =	sadd.s32 @p3 s1, s0;
	s24 =	simm.s32 @p2 $0x80;
	s18 =	simm.s32 @p2 $0x400  }
0x25: {  	[tilespmem:s24], [sflag:$0x2] =	stream.strided.gather @p2 [hbm4b:s0+s18], $0x4000, s23, s18, $0x38;
	[tilespmem:$0x1B980] =	vst v63  }
0x26: {  	_ =	swait.ge @p2 [sflag:s19], $0x80  }
0x27: {  	[sflag:s19] =	ssyncset.done @p2 $0x0  }
0x28: {  	s0 =	simm.s32 @p2 $0x4;
	[sflag:s19] =	ssyncadd.s32 @p2 $0xFFFFFF80  }
0x29: {  	_ =	swait.ge @p2 [sflag:s0], $0x4000  }
0x2a: {  	s30 =	simm.s32 @!p2 $0x1;
	s18 =	simm.s32 @p2 $0x4080;
	[sflag:s0] =	ssyncset.done @p2 $0x0  }
0x2b: {  	s23 =	simm.s32 @p2 $0x4100;
	s19 =	simm.s32 @!p2 $0x4100;
	[sflag:s0] =	ssyncadd.s32 @p2 $0xFFFFC000  }
0x2c: {  	[spmem:s2] =	stream.indirect.scatter.add.f32 @p2 [tilespmem:s23], [sflag:$0x5], $0x80, s18, s24, $0xb8;
	[tilespmem:$0x1B980] =	vst v63  }
0x2d: {  	s0 =	simm.s32 @!p2 $0x4080;
	s18 =	simm.s32 @!p2 $0x0;
	s23 =	sshrl.u32 @!p2 s14, $0x3  }
0x2e: {  	[tilespmem:s0], [sflag:$0x3] =	stream.linear.gather @!p2 [hbm4b:s13+s18], $0x80, $0x38;
	[tilespmem:$0x1B980] =	vst v63  }
0x2f: {  	s24 =	simm.s32 @!p2 $0x800;
	s0 =	sadd.s32 @!p2 s1, s23;
	s23 =	simm.s32 @!p2 $0x400  }
0x30: {  	[tilespmem:s19], [sflag:$0x4] =	stream.strided.gather @!p2 [hbm4b:s0+s23], $0x4000, s24, s23, $0x38;
	[tilespmem:$0x1B980] =	vst v63  }
0x31: {  	s26 =	simm.s32 $0x1;
	s31 =	simm.s32 $0x2;
	_ =	swait.ge @!p2 [sflag:s30], $0x80  }
0x32: {  	s29 =	sadd.s32 $0x100, s13;
	s23 =	simm.s32 @!p2 $0x2;
	[sflag:s30] =	ssyncset.done @!p2 $0x0  }
0x33: {  	s24 =	simm.s32 @!p2 $0x80;
	s19 =	simm.s32 @!p2 $0x6;
	[sflag:s30] =	ssyncadd.s32 @!p2 $0xFFFFFF80  }
0x34: {  	s0 =	sand.u32 $0x1, s26;
	s19 =	simm.s32 @p2 $0x5;
	_ =	swait.ge @!p2 [sflag:s23], $0x4000  }
0x35: {  	p4 =	seq.s32 s0, $0x1;
	s30 =	sadd.s32 $0x80000, s14;
	[sflag:s23] =	ssyncset.done @!p2 $0x0  }
.LBB2_2:
0x36: {  	s25 =	sshrl.u32 @p4 s30, $0x3  }
0x37: {  	[sflag:s23] =	ssyncadd.s32 @!p2 $0xFFFFC000;
	s0 =	smov.u32 s31;
	s31 =	sadd.s32 $0x1, s31  }
0x38: {  	[spmem:s2] =	stream.indirect.scatter.add.f32 @!p2 [tilespmem:s24], [sflag:$0x6], $0x80, s18, s24, $0xb8;
	[tilespmem:$0x1B980] =	vst v63  }
0x39: {  	p3 =	sne.s32 s31, $0x4D;
	s18 =	sadd.s32 @p4 s1, s25;
	_ =	swait.ge [sflag:s19], $0x4000  }
0x3a: {  	p2 =	por p4, p4;
	[sflag:s19] =	ssyncset.done $0x0  }
0x3b: {  	s23 =	simm.s32 @p2 $0x0;
	s24 =	simm.s32 @p2 $0x3;
	[sflag:s19] =	ssyncadd.s32 $0xFFFFC000  }
0x3c: {  	[tilespmem:s23], [sflag:$0x1] =	stream.linear.gather @p2 [hbm4b:s29+s23], $0x80, $0x38;
	[tilespmem:$0x1B980] =	vst v63  }
0x3d: {  	s25 =	simm.s32 @p2 $0x80;
	s19 =	simm.s32 @p2 $0x400;
	s23 =	simm.s32 @p2 $0x800  }
0x3e: {  	[tilespmem:s25], [sflag:$0x2] =	stream.strided.gather @p2 [hbm4b:s18+s19], $0x4000, s23, s19, $0x38;
	[tilespmem:$0x1B980] =	vst v63  }
0x3f: {  	s18 =	simm.s32 @p2 $0x4;
	_ =	swait.ge @p2 [sflag:s24], $0x80  }
0x40: {  	s26 =	simm.s32 @!p2 $0x1;
	s19 =	simm.s32 @!p2 $0x4100;
	[sflag:s24] =	ssyncset.done @p2 $0x0  }
0x41: {  	s23 =	simm.s32 @p2 $0x4080;
	[sflag:s24] =	ssyncadd.s32 @p2 $0xFFFFFF80;
	s24 =	simm.s32 @p2 $0x4100  }
0x42: {  	_ =	swait.ge @p2 [sflag:s18], $0x4000  }
0x43: {  	[sflag:s18] =	ssyncset.done @p2 $0x0  }
0x44: {  	[sflag:s18] =	ssyncadd.s32 @p2 $0xFFFFC000  }
0x45: {  	[spmem:s2] =	stream.indirect.scatter.add.f32 @p2 [tilespmem:s24], [sflag:$0x5], $0x80, s23, s25, $0xb8;
	[tilespmem:$0x1B980] =	vst v63  }
0x46: {  	s18 =	simm.s32 @!p2 $0x0;
	s23 =	simm.s32 @!p2 $0x4080;
	s24 =	sshrl.u32 @!p2 s30, $0x3  }
0x47: {  	[tilespmem:s23], [sflag:$0x3] =	stream.linear.gather @!p2 [hbm4b:s29+s18], $0x80, $0x38;
	[tilespmem:$0x1B980] =	vst v63  }
0x48: {  	s25 =	simm.s32 @!p2 $0x800;
	s23 =	sadd.s32 @!p2 s1, s24;
	s24 =	simm.s32 @!p2 $0x400  }
0x49: {  	[tilespmem:s19], [sflag:$0x4] =	stream.strided.gather @!p2 [hbm4b:s23+s24], $0x4000, s25, s24, $0x38;
	[tilespmem:$0x1B980] =	vst v63  }
.Ltmp0:
0x4a: {  	_ =	swait.ge @!p2 [sflag:s26], $0x80;
	(pc) =	sbr.rel @p3 .LBB2_2-.Ltmp0, $4  }
0x4b: {  	s29 =	sadd.s32 $0x100, s29;
	s23 =	simm.s32 @!p2 $0x2;
	[sflag:s26] =	ssyncset.done @!p2 $0x0  }
0x4c: {  	s24 =	simm.s32 @!p2 $0x80;
	s19 =	simm.s32 @!p2 $0x6;
	[sflag:s26] =	ssyncadd.s32 @!p2 $0xFFFFFF80  }
0x4d: {  	s0 =	sand.u32 $0x1, s0;
	s19 =	simm.s32 @p2 $0x5;
	_ =	swait.ge @!p2 [sflag:s23], $0x4000  }
0x4e: {  	p4 =	seq.s32 s0, $0x1;
	s30 =	sadd.s32 $0x80000, s30;
	[sflag:s23] =	ssyncset.done @!p2 $0x0  }
0x4f: {  	[sflag:s23] =	ssyncadd.s32 @!p2 $0xFFFFC000  }
0x50: {  	[spmem:s2] =	stream.indirect.scatter.add.f32 @!p2 [tilespmem:s24], [sflag:$0x6], $0x80, s18, s24, $0xb8;
	[tilespmem:$0x1B980] =	vst v63  }
0x51: {  	_ =	swait.ge [sflag:s19], $0x4000  }
0x52: {  	s0 =	sshrl.u32 @p4 s30, $0x3;
	p2 =	por p4, p4;
	[sflag:s19] =	ssyncset.done $0x0  }
0x53: {  	s0 =	sadd.s32 @p4 s1, s0;
	s18 =	simm.s32 @p2 $0x0;
	[sflag:s19] =	ssyncadd.s32 $0xFFFFC000  }
0x54: {  	[tilespmem:s18], [sflag:$0x1] =	stream.linear.gather @p2 [hbm4b:s29+s18], $0x80, $0x38;
	[tilespmem:$0x1B980] =	vst v63  }
0x55: {  	s23 =	simm.s32 @p2 $0x80;
	s19 =	simm.s32 @p2 $0x800;
	s18 =	simm.s32 @p2 $0x400  }
0x56: {  	[tilespmem:s23], [sflag:$0x2] =	stream.strided.gather @p2 [hbm4b:s0+s18], $0x4000, s19, s18, $0x38;
	[tilespmem:$0x1B980] =	vst v63  }
0x57: {  	s0 =	simm.s32 @p2 $0x3  }
0x58: {  	_ =	swait.ge @p2 [sflag:s0], $0x80  }
0x59: {  	[sflag:s0] =	ssyncset.done @p2 $0x0  }
0x5a: {  	s18 =	simm.s32 @p2 $0x4;
	[sflag:s0] =	ssyncadd.s32 @p2 $0xFFFFFF80  }
0x5b: {  	_ =	swait.ge @p2 [sflag:s18], $0x4000  }
0x5c: {  	s24 =	simm.s32 @!p2 $0x800;
	[sflag:s18] =	ssyncset.done @p2 $0x0  }
0x5d: {  	s0 =	simm.s32 @p2 $0x4080;
	[sflag:s18] =	ssyncadd.s32 @p2 $0xFFFFC000;
	s18 =	simm.s32 @p2 $0x4100  }
0x5e: {  	[spmem:s2] =	stream.indirect.scatter.add.f32 @p2 [tilespmem:s18], [sflag:$0x5], $0x80, s0, s23, $0xb8;
	[tilespmem:$0x1B980] =	vst v63  }
0x5f: {  	s19 =	simm.s32 @!p2 $0x4080;
	s18 =	simm.s32 @!p2 $0x0;
	s23 =	sshrl.u32 @!p2 s30, $0x3  }
0x60: {  	[tilespmem:s19], [sflag:$0x3] =	stream.linear.gather @!p2 [hbm4b:s29+s18], $0x80, $0x38;
	[tilespmem:$0x1B980] =	vst v63  }
0x61: {  	s0 =	simm.s32 @!p2 $0x4100;
	s19 =	sadd.s32 @!p2 s1, s23;
	s23 =	simm.s32 @!p2 $0x400  }
0x62: {  	[tilespmem:s0], [sflag:$0x4] =	stream.strided.gather @!p2 [hbm4b:s19+s23], $0x4000, s24, s23, $0x38;
	[tilespmem:$0x1B980] =	vst v63  }
0x63: {  	s0 =	simm.s32 @!p2 $0x1  }
0x64: {  	_ =	swait.ge @!p2 [sflag:s0], $0x80  }
0x65: {  	[sflag:s0] =	ssyncset.done @!p2 $0x0  }
0x66: {  	s19 =	simm.s32 @!p2 $0x2;
	[sflag:s0] =	ssyncadd.s32 @!p2 $0xFFFFFF80  }
0x67: {  	_ =	swait.ge @!p2 [sflag:s19], $0x4000  }
0x68: {  	s0 =	simm.s32 @!p2 $0x6;
	[sflag:s19] =	ssyncset.done @!p2 $0x0  }
0x69: {  	s23 =	simm.s32 @!p2 $0x80;
	s0 =	simm.s32 @p2 $0x5;
	[sflag:s19] =	ssyncadd.s32 @!p2 $0xFFFFC000  }
0x6a: {  	[spmem:s2] =	stream.indirect.scatter.add.f32 @!p2 [tilespmem:s23], [sflag:$0x6], $0x80, s18, s23, $0xb8;
	[tilespmem:$0x1B980] =	vst v63  }
0x6b: {  	_ =	swait.ge [sflag:s0], $0x4000  }
0x6c: {  	[sflag:s0] =	ssyncset.done $0x0  }
0x6d: {  	[sflag:s0] =	ssyncadd.s32 $0xFFFFC000  }
0x6e: {  	_ =	swait.ge [sflag:s21], $0x80  }
0x6f: {  	[sflag:s21] =	ssyncset.done $0x0  }
0x70: {  	[sflag:s21] =	ssyncadd.s32 $0xFFFFFF80  }
0x71: {  	_ =	swait.ge [sflag:s22], $0x4000  }
0x72: {  	[sflag:s22] =	ssyncset.done $0x0  }
0x73: {  	s26 =	simm.s32 $0x4080;
	s29 =	simm.s32 $0x4100;
	[sflag:s22] =	ssyncadd.s32 $0xFFFFC000  }
0x74: {  	[spmem:s2] =	stream.indirect.scatter.add.f32 [tilespmem:s29], [sflag:$0x5], $0x80, s26, s20, $0xb8;
	[tilespmem:$0x1B980] =	vst v63  }
0x75: {  	_ =	swait.ge [sflag:s16], $0x4000  }
0x76: {  	[sflag:s16] =	ssyncset.done $0x0  }
0x77: {  	s0 =	simm.s32 @!p1 $0x0;
	[sflag:s16] =	ssyncadd.s32 $0xFFFFC000  }
0x78: {  	[tilespmem:s0], [sflag:$0x1] =	stream.linear.gather @!p1 [hbm4b:s8+s0], $0x80, $0x38;
	[tilespmem:$0x1B980] =	vst v63  }
0x79: {  	s19 =	simm.s32 @!p1 $0x800;
	s18 =	simm.s32 @!p1 $0x400;
	s23 =	simm.s32 @!p1 $0x80  }
0x7a: {  	[tilespmem:s23], [sflag:$0x2] =	stream.strided.gather @!p1 [hbm4b:s9+s18], $0x4000, s19, s18, $0x38;
	[tilespmem:$0x1B980] =	vst v63  }
0x7b: {  	s18 =	simm.s32 @!p1 $0x1  }
0x7c: {  	_ =	swait.ge @!p1 [sflag:s18], $0x80  }
0x7d: {  	[sflag:s18] =	ssyncset.done @!p1 $0x0  }
0x7e: {  	[sflag:s18] =	ssyncadd.s32 @!p1 $0xFFFFFF80;
	s18 =	simm.s32 @!p1 $0x2  }
0x7f: {  	_ =	swait.ge @!p1 [sflag:s18], $0x4000  }
0x80: {  	[sflag:s18] =	ssyncset.done @!p1 $0x0  }
0x81: {  	[sflag:s18] =	ssyncadd.s32 @!p1 $0xFFFFC000  }
0x82: {  	[spmem:s2] =	stream.indirect.scatter.add.f32 @!p1 [tilespmem:s23], [sflag:$0x5], $0x80, s0, s23, $0xb8;
	[tilespmem:$0x1B980] =	vst v63  }
0x83: {  	s0 =	simm.s32 @!p1 $0x5  }
0x84: {  	_ =	swait.ge @!p1 [sflag:s0], $0x4000  }
0x85: {  	[sflag:s0] =	ssyncset.done @!p1 $0x0  }
0x86: {  	[sflag:s0] =	ssyncadd.s32 @!p1 $0xFFFFC000  }
0x87: {  	s31 =	simm.s32 $0x100;
	s30 =	simm.s32 $0x8;
	[bflag:$0x0] =	sbarrier.arrive $0xFFFF  }
0x88: {  	[hbm:s10@s31], [sflag:s5] =	dma.strided [spmem:s15@s20], $0x2700, s30, $0x10   }
0x89: {  	s28 =	sadd.s32 $0x1, s28;
	_ =	swait.ge [sflag:s16], $0x2700  }
0x8a: {  	p2 =	sne.s32 s28, s12;
	s19 =	simm.s32 @!p0 $0x80;
	[sflag:s16] =	ssyncset.done $0x0  }
0x8b: {  	s18 =	simm.s32 @!p0 $0x100;
	s0 =	simm.s32 @!p0 $0x8;
	[sflag:s16] =	ssyncadd.s32 $0xFFFFD900  }
0x8c: {  	[hbm:s11@s18], [sflag:s5] =	dma.strided @!p0 [spmem:s17@s19], $0x100, s0, $0x10   }
.Ltmp1:
0x8d: {  	_ = 	snop;
	(pc) =	sbr.rel @p2 .LBB2_1-.Ltmp1, $4  }
0x8e: {  	s0 =	simm.s32 @!p0 $0x5  }
0x8f: {  	_ =	swait.ge @!p0 [sflag:s0], $0x100  }
0x90: {  	[sflag:s0] =	ssyncset.done @!p0 $0x0  }
0x91: {  	[sflag:s0] =	ssyncadd.s32 @!p0 $0xFFFFFF00  }
0x92: {  	_ =	sfence.sel $0x180000  }
0x93: {  	[bflag:$0x0] =	sbarrier.arrive $0xFFFF  }
0x94: {  	_ =	strace $0x9000004A  }
0x95: {  	[bflag:$0x2] =	sbarrier.arrive $0xFFFF  }
0x96: {  	s0 =	rddreg [dreg:$0x4]  }
0x97: {  	s0 =	sadd.s32 @!p0 $0x100000, s0  }
0x98: {  	[sflag:s0] =	ssyncadd.tile.s32 @!p0 $0x1;
	_ =	shalt  }
.Lfunc_end2:
_tile_overlayer_lowered:
.L_overlay_start_2:
0x99: {  	(tag) =	ssettag $0x2  }
0x9a: {  	s0 =	rddreg [dreg:$0x0];
	s2 =	stileid.u32  }
0x9b: {  	s1 =	rddreg [dreg:$0x1];
	p0 =	sne.s32 s2, $0x0  }
0x9c: {  	s3 =	rddreg [dreg:$0x2];
	[bflag:$0x3] =	sbarrier.arrive $0xFFFF;
	s2 =	simm.s32 @!p0 $0x1C05  }
0x9d: {  	[timem:s3], [sflag:s2] =	dma.local @!p0 [hbm:s0], s1  }
0x9e: {  	s0 =	simm.s32 @!p0 $0x5  }
0x9f: {  	_ =	swait.ge @!p0 [sflag:s0], s1  }
0xa0: {  	s1 =	ssub.s32 @!p0 $0x0, s1;
	[sflag:s0] =	ssyncset.done @!p0 $0x0  }
0xa1: {  	[sflag:s0] =	ssyncadd.s32 @!p0 s1  }
0xa2: {  	[bflag:$0x3] =	sbarrier.arrive $0xFFFF  }
0xa3: {  	_ =	shalt  }

</sc_bundles>
